<compile_context>
chip_gen: v7x
topology: tpu7x:2x2x1
jax: 0.10.2.dev20260603
libtpu: 0.0.44.dev20260713+nightly
codegen_flags: <defaults>
</compile_context>

<pallas_src>
import functools

import jax
import jax.numpy as jnp
from jax import lax
from jax.experimental import pallas as pl
from jax.experimental.pallas import tpu as pltpu
from jax.experimental.pallas import tpu_sc as plsc

EMB = 64
NLANE = 16
NVEC = EMB // NLANE
NW = 32
GATHER = 128
RU = 4


def _make_sc_kernel(batch: int, seq_len: int):
    chunk = seq_len
    per_w_seq = batch // NW
    per_w = per_w_seq * seq_len
    n_chunk = per_w_seq
    assert batch % NW == 0 and n_chunk % 2 == 0 and seq_len % 8 == 0
    mesh = plsc.VectorSubcoreMesh(core_axis_name="c", subcore_axis_name="s")

    @functools.partial(
        pl.kernel,
        mesh=mesh,
        compiler_params=pltpu.CompilerParams(needs_layout_passes=False,
                                             use_tc_tiling_on_sc=False),
        out_type=jax.ShapeDtypeStruct((batch, seq_len, EMB), jnp.float32),
        scratch_types=[
            pltpu.VMEM((per_w,), jnp.int32),
            pltpu.VMEM((chunk, EMB), jnp.float32),
            pltpu.VMEM((chunk, EMB), jnp.float32),
            pltpu.VMEM((chunk, EMB), jnp.float32),
            pltpu.VMEM((chunk, EMB), jnp.float32),
            pltpu.VMEM((seq_len, EMB), jnp.float32),
            pltpu.VMEM((EMB,), jnp.float32),
            pltpu.VMEM((EMB,), jnp.float32),
            pltpu.SemaphoreType.DMA,
            pltpu.SemaphoreType.DMA,
            pltpu.SemaphoreType.DMA,
            pltpu.SemaphoreType.DMA,
        ],
    )
    def sc_kernel(idx_hbm, tok_hbm, pos_hbm, gam_hbm, bet_hbm, out_hbm,
                  idxall_v, ib0, ib1, ob0, ob1, pos_v, gam_v, bet_v,
                  gsem0, gsem1, osem0, osem1):
        wid = lax.axis_index("s") * 2 + lax.axis_index("c")
        base_w = wid * per_w
        seq_w = wid * per_w_seq

        pltpu.sync_copy(idx_hbm.at[pl.ds(base_w, per_w)], idxall_v)
        pltpu.sync_copy(pos_hbm, pos_v)
        pltpu.sync_copy(gam_hbm, gam_v)
        pltpu.sync_copy(bet_hbm, bet_v)
        gv = [gam_v[pl.ds(16 * k, 16)] for k in range(NVEC)]
        bv = [bet_v[pl.ds(16 * k, 16)] for k in range(NVEC)]

        def vrsqrt(v):
            i = lax.bitcast_convert_type(v, jnp.int32)
            i = jnp.int32(0x5F3759DF) - lax.shift_right_arithmetic(i, 1)
            y = lax.bitcast_convert_type(i, jnp.float32)
            vh = 0.5 * v
            for _ in range(2):
                y = y * (1.5 - vh * y * y)
            return y

        ibufs, obufs = (ib0, ib1), (ob0, ob1)
        gsems, osems = (gsem0, gsem1), (osem0, osem1)

        def issue_gather(c, b):
            off = c * chunk
            done = 0
            while done < chunk:
                g = min(GATHER, chunk - done)
                pltpu.async_copy(
                    tok_hbm.at[idxall_v.at[pl.ds(off + done, g)]],
                    ibufs[b].at[pl.ds(done, g)], gsems[b])
                done += g

        def wait_gather(b):
            pltpu.make_async_copy(tok_hbm.at[pl.ds(0, chunk)],
                                  ibufs[b], gsems[b]).wait()

        def issue_out(c, b):
            pltpu.async_copy(obufs[b], out_hbm.at[seq_w + c], osems[b])

        def wait_out(b):
            pltpu.make_async_copy(obufs[b], out_hbm.at[0], osems[b]).wait()

        def compute(b):
            ib, ob = ibufs[b], obufs[b]

            @plsc.parallel_loop(0, chunk, step=1, unroll=RU)
            def row_body(r):
                xs = [ib[r, pl.ds(16 * k, 16)] + pos_v[r, pl.ds(16 * k, 16)]
                      for k in range(NVEC)]
                s = (xs[0] + xs[1]) + (xs[2] + xs[3])
                q = (xs[0] * xs[0] + xs[1] * xs[1]) + \
                    (xs[2] * xs[2] + xs[3] * xs[3])
                mean = jnp.sum(s) * (1.0 / EMB)
                var = jnp.sum(q) * (1.0 / EMB) - mean * mean
                rstd = vrsqrt(var + 1e-5)
                m2 = mean * rstd
                for k in range(NVEC):
                    y = xs[k] * rstd - m2
                    ob[r, pl.ds(16 * k, 16)] = y * gv[k] + bv[k]

        issue_gather(0, 0)
        issue_gather(1, 1)
        for b in (0, 1):
            wait_gather(b)
            compute(b)
            issue_out(jnp.int32(b), b)
            issue_gather(jnp.int32(b + 2), b)

        def loop_body(i, carry):
            c0 = 2 * i
            for b in (0, 1):
                c = c0 + b
                wait_gather(b)
                wait_out(b)
                compute(b)
                issue_out(c, b)
                issue_gather(jnp.minimum(c + 2, n_chunk - 1), b)
            return carry

        lax.fori_loop(1, n_chunk // 2, loop_body, 0)

        for b in (0, 1):
            wait_gather(b)
            wait_out(b)

    return sc_kernel


def kernel(input_tensor, res_mask, token_table, position_table, gamma, beta):
    batch, seq_len = input_tensor.shape
    idx_flat = input_tensor.reshape(batch * seq_len).astype(jnp.int32)
    pos_used = position_table[:seq_len]
    return _make_sc_kernel(batch, seq_len)(
        idx_flat, token_table, pos_used, gamma, beta)

# --- scband reference (transcript-rebuilt; emitter-appended) ---
"""Pipeline reference for scband-pheno-embedding-23871428231315 (READ-ONLY COPY).

The authoritative reference and input builder live on the scoring server;
editing this copy changes nothing except your own understanding.
"""

import jax, jax.numpy as jnp
import numpy as np

VOCAB = 100000
EMB = 64
B = 4096
L = 200

def setup_inputs(seed: int = 0) -> dict:
    key = jax.random.key(seed)
    k1, k2, k3, k4 = jax.random.split(key, 4)
    input_tensor = jax.random.randint(k1, (B, L), 0, VOCAB, dtype=jnp.int64 if jax.config.jax_enable_x64 else jnp.int32)
    res_mask = jax.random.randint(k2, (B, L), 0, 2, dtype=jnp.int64 if jax.config.jax_enable_x64 else jnp.int32)
    token_table = jax.random.normal(k3, (VOCAB, EMB), dtype=jnp.float32) * 0.02
    position_table = jax.random.normal(k4, (VOCAB, EMB), dtype=jnp.float32) * 0.02
    gamma = jnp.ones((EMB,), dtype=jnp.float32)
    beta = jnp.zeros((EMB,), dtype=jnp.float32)
    return {"input_tensor": input_tensor, "res_mask": res_mask,
            "token_table": token_table, "position_table": position_table,
            "gamma": gamma, "beta": beta}

def _layer_norm(x, gamma, beta, eps=1e-5):
    mean = jnp.mean(x, axis=-1, keepdims=True)
    var = jnp.mean((x - mean) ** 2, axis=-1, keepdims=True)
    return (x - mean) / jnp.sqrt(var + eps) * gamma + beta

def reference(input_tensor, res_mask, token_table, position_table, gamma, beta):
    seq_len = input_tensor.shape[-1]
    # numeric_position: arange(seq_len) expanded to input_tensor shape
    position_ids = jnp.arange(seq_len, dtype=input_tensor.dtype)
    pos_tensor = jnp.broadcast_to(position_ids, input_tensor.shape)
    token_emb = jnp.take(token_table, input_tensor, axis=0)
    position_emb = jnp.take(position_table, pos_tensor, axis=0)
    emb = token_emb + position_emb
    # dropout is identity in eval mode
    emb = _layer_norm(emb, gamma, beta)
    return emb

if __name__ == "__main__":
    import jax
    _d = setup_inputs()
    print(jax.jit(kernel)(*tuple(_d.values())))

</pallas_src>

<mosaic_0001>
#map = affine_map<(d0, d1) -> (0)>
#map1 = affine_map<(d0, d1) -> (0, 0)>
#map2 = affine_map<(d0, d1) -> (0, 0, 0)>
module attributes {stable_mosaic.version = 14 : i64} {
  func.func @sc_kernel(%arg0: i32, %arg1: i32, %arg2: memref<819200xi32, #tpu.memory_space<hbm>>, %arg3: memref<100000x64xf32, #tpu.memory_space<hbm>>, %arg4: memref<200x64xf32, #tpu.memory_space<hbm>>, %arg5: memref<64xf32, #tpu.memory_space<hbm>>, %arg6: memref<64xf32, #tpu.memory_space<hbm>>, %arg7: memref<4096x200x64xf32, #tpu.memory_space<hbm>>, %arg8: memref<25600xi32, #tpu.memory_space<vmem>>, %arg9: memref<200x64xf32, #tpu.memory_space<vmem>>, %arg10: memref<200x64xf32, #tpu.memory_space<vmem>>, %arg11: memref<200x64xf32, #tpu.memory_space<vmem>>, %arg12: memref<200x64xf32, #tpu.memory_space<vmem>>, %arg13: memref<200x64xf32, #tpu.memory_space<vmem>>, %arg14: memref<64xf32, #tpu.memory_space<vmem>>, %arg15: memref<64xf32, #tpu.memory_space<vmem>>, %arg16: memref<!tpu.dma_semaphore, #tpu.memory_space<semaphore_mem>>, %arg17: memref<!tpu.dma_semaphore, #tpu.memory_space<semaphore_mem>>, %arg18: memref<!tpu.dma_semaphore, #tpu.memory_space<semaphore_mem>>, %arg19: memref<!tpu.dma_semaphore, #tpu.memory_space<semaphore_mem>>) attributes {dimension_semantics = [#tpu.dimension_semantics<core_parallel>, #tpu.dimension_semantics<subcore_parallel>], iteration_bounds = array<i64: 2, 16>, scalar_prefetch = 0 : i64, scratch_operands = 12 : i64, tpu.core_type = #tpu.core_type<sc_vector_subcore>, window_params = [{transform_indices = #map}, {transform_indices = #map1}, {transform_indices = #map1}, {transform_indices = #map}, {transform_indices = #map}, {transform_indices = #map2}]} {
    %mul3A = arith.constant 2 : i32
    %mul3A_0 = arith.muli %arg1, %mul3A : i32
    %add3A = arith.addi %mul3A_0, %arg0 : i32
    %mul3A_1 = arith.constant 25600 : i32
    %mul3A_2 = arith.muli %add3A, %mul3A_1 : i32
    %mul3A_3 = arith.constant 128 : i32
    %mul3A_4 = arith.muli %add3A, %mul3A_3 : i32
    "tpu.region"() ({
      %run_scoped3A = tpu.sem_alloc : memref<!tpu.dma_semaphore, #tpu.memory_space<semaphore_mem>>
      %dma_start3A_164 = tpu.memref_slice %arg2[%mul3A_2] : memref<819200xi32, #tpu.memory_space<hbm>> -> memref<25600xi32, #tpu.memory_space<hbm>>
      %dma_start3A_165 = tpu.memref_slice %arg2[%mul3A_2] : memref<819200xi32, #tpu.memory_space<hbm>> -> memref<25600xi32, #tpu.memory_space<hbm>>
      tpu.enqueue_dma source(%dma_start3A_165 : memref<25600xi32, #tpu.memory_space<hbm>>) target(%arg8 : memref<25600xi32, #tpu.memory_space<vmem>>) target_semaphore(%run_scoped3A : memref<!tpu.dma_semaphore, #tpu.memory_space<semaphore_mem>>)
      %dma_wait3A_166 = tpu.memref_slice %arg2[%mul3A_2] : memref<819200xi32, #tpu.memory_space<hbm>> -> memref<25600xi32, #tpu.memory_space<hbm>>
      %dma_wait3A_167 = tpu.memref_slice %arg2[%mul3A_2] : memref<819200xi32, #tpu.memory_space<hbm>> -> memref<25600xi32, #tpu.memory_space<hbm>>
      tpu.wait_dma2 semaphore(%run_scoped3A : memref<!tpu.dma_semaphore, #tpu.memory_space<semaphore_mem>>) src(%dma_wait3A_167 : memref<25600xi32, #tpu.memory_space<hbm>>) dst(%arg8 : memref<25600xi32, #tpu.memory_space<vmem>>)
      tpu.yield
    }) : () -> ()
    "tpu.region"() ({
      %run_scoped3A = tpu.sem_alloc : memref<!tpu.dma_semaphore, #tpu.memory_space<semaphore_mem>>
      tpu.enqueue_dma source(%arg4 : memref<200x64xf32, #tpu.memory_space<hbm>>) target(%arg13 : memref<200x64xf32, #tpu.memory_space<vmem>>) target_semaphore(%run_scoped3A : memref<!tpu.dma_semaphore, #tpu.memory_space<semaphore_mem>>)
      tpu.wait_dma2 semaphore(%run_scoped3A : memref<!tpu.dma_semaphore, #tpu.memory_space<semaphore_mem>>) src(%arg4 : memref<200x64xf32, #tpu.memory_space<hbm>>) dst(%arg13 : memref<200x64xf32, #tpu.memory_space<vmem>>)
      tpu.yield
    }) : () -> ()
    "tpu.region"() ({
      %run_scoped3A = tpu.sem_alloc : memref<!tpu.dma_semaphore, #tpu.memory_space<semaphore_mem>>
      tpu.enqueue_dma source(%arg5 : memref<64xf32, #tpu.memory_space<hbm>>) target(%arg14 : memref<64xf32, #tpu.memory_space<vmem>>) target_semaphore(%run_scoped3A : memref<!tpu.dma_semaphore, #tpu.memory_space<semaphore_mem>>)
      tpu.wait_dma2 semaphore(%run_scoped3A : memref<!tpu.dma_semaphore, #tpu.memory_space<semaphore_mem>>) src(%arg5 : memref<64xf32, #tpu.memory_space<hbm>>) dst(%arg14 : memref<64xf32, #tpu.memory_space<vmem>>)
      tpu.yield
    }) : () -> ()
    "tpu.region"() ({
      %run_scoped3A = tpu.sem_alloc : memref<!tpu.dma_semaphore, #tpu.memory_space<semaphore_mem>>
      tpu.enqueue_dma source(%arg6 : memref<64xf32, #tpu.memory_space<hbm>>) target(%arg15 : memref<64xf32, #tpu.memory_space<vmem>>) target_semaphore(%run_scoped3A : memref<!tpu.dma_semaphore, #tpu.memory_space<semaphore_mem>>)
      tpu.wait_dma2 semaphore(%run_scoped3A : memref<!tpu.dma_semaphore, #tpu.memory_space<semaphore_mem>>) src(%arg6 : memref<64xf32, #tpu.memory_space<hbm>>) dst(%arg15 : memref<64xf32, #tpu.memory_space<vmem>>)
      tpu.yield
    }) : () -> ()
    %get3A = arith.constant 0 : index
    %get3A_5 = tpu.vector_load %arg14[%get3A] {strides = array<i32>} : memref<64xf32, #tpu.memory_space<vmem>>, vector<16xf32>,
    %get3A_6 = arith.constant 16 : index
    %get3A_7 = tpu.vector_load %arg14[%get3A_6] {strides = array<i32>} : memref<64xf32, #tpu.memory_space<vmem>>, vector<16xf32>,
    %get3A_8 = arith.constant 32 : index
    %get3A_9 = tpu.vector_load %arg14[%get3A_8] {strides = array<i32>} : memref<64xf32, #tpu.memory_space<vmem>>, vector<16xf32>,
    %get3A_10 = arith.constant 48 : index
    %get3A_11 = tpu.vector_load %arg14[%get3A_10] {strides = array<i32>} : memref<64xf32, #tpu.memory_space<vmem>>, vector<16xf32>,
    %get3A_12 = arith.constant 0 : index
    %get3A_13 = tpu.vector_load %arg15[%get3A_12] {strides = array<i32>} : memref<64xf32, #tpu.memory_space<vmem>>, vector<16xf32>,
    %get3A_14 = arith.constant 16 : index
    %get3A_15 = tpu.vector_load %arg15[%get3A_14] {strides = array<i32>} : memref<64xf32, #tpu.memory_space<vmem>>, vector<16xf32>,
    %get3A_16 = arith.constant 32 : index
    %get3A_17 = tpu.vector_load %arg15[%get3A_16] {strides = array<i32>} : memref<64xf32, #tpu.memory_space<vmem>>, vector<16xf32>,
    %get3A_18 = arith.constant 48 : index
    %get3A_19 = tpu.vector_load %arg15[%get3A_18] {strides = array<i32>} : memref<64xf32, #tpu.memory_space<vmem>>, vector<16xf32>,
    %dma_start3A = arith.constant 0 : i32
    %dma_start3A_20 = arith.constant 0 : i32
    %dma_start3A_21 = tpu.memref_slice %arg9[%dma_start3A, %dma_start3A_20] : memref<200x64xf32, #tpu.memory_space<vmem>> -> memref<128x64xf32, #tpu.memory_space<vmem>>
    %dma_start3A_22 = arith.constant 0 : i32
    %dma_start3A_23 = tpu.memref_slice %arg8[%dma_start3A_22] : memref<25600xi32, #tpu.memory_space<vmem>> -> memref<128xi32, #tpu.memory_space<vmem>>
    %dma_start3A_24 = arith.constant 0 : i32
    %dma_start3A_25 = arith.constant 0 : i32
    %dma_start3A_26 = tpu.memref_slice %arg3[%dma_start3A_24, %dma_start3A_25] : memref<100000x64xf32, #tpu.memory_space<hbm>> -> memref<100000x64xf32, #tpu.memory_space<hbm>>
    tpu.enqueue_indirect_dma source(%dma_start3A_26 : memref<100000x64xf32, #tpu.memory_space<hbm>>) target(%dma_start3A_21 : memref<128x64xf32, #tpu.memory_space<vmem>>) offsets(%dma_start3A_23 : memref<128xi32, #tpu.memory_space<vmem>>) semaphore(%arg16 : memref<!tpu.dma_semaphore, #tpu.memory_space<semaphore_mem>>)
    %dma_start3A_27 = arith.constant 128 : i32
    %dma_start3A_28 = arith.constant 0 : i32
    %dma_start3A_29 = tpu.memref_slice %arg9[%dma_start3A_27, %dma_start3A_28] : memref<200x64xf32, #tpu.memory_space<vmem>> -> memref<72x64xf32, #tpu.memory_space<vmem>>
    %dma_start3A_30 = arith.constant 128 : i32
    %dma_start3A_31 = tpu.memref_slice %arg8[%dma_start3A_30] : memref<25600xi32, #tpu.memory_space<vmem>> -> memref<72xi32, #tpu.memory_space<vmem>>
    %dma_start3A_32 = arith.constant 0 : i32
    %dma_start3A_33 = arith.constant 0 : i32
    %dma_start3A_34 = tpu.memref_slice %arg3[%dma_start3A_32, %dma_start3A_33] : memref<100000x64xf32, #tpu.memory_space<hbm>> -> memref<100000x64xf32, #tpu.memory_space<hbm>>
    tpu.enqueue_indirect_dma source(%dma_start3A_34 : memref<100000x64xf32, #tpu.memory_space<hbm>>) target(%dma_start3A_29 : memref<72x64xf32, #tpu.memory_space<vmem>>) offsets(%dma_start3A_31 : memref<72xi32, #tpu.memory_space<vmem>>) semaphore(%arg16 : memref<!tpu.dma_semaphore, #tpu.memory_space<semaphore_mem>>)
    %dma_start3A_35 = arith.constant 0 : i32
    %dma_start3A_36 = arith.constant 0 : i32
    %dma_start3A_37 = tpu.memref_slice %arg10[%dma_start3A_35, %dma_start3A_36] : memref<200x64xf32, #tpu.memory_space<vmem>> -> memref<128x64xf32, #tpu.memory_space<vmem>>
    %dma_start3A_38 = arith.constant 200 : i32
    %dma_start3A_39 = tpu.memref_slice %arg8[%dma_start3A_38] : memref<25600xi32, #tpu.memory_space<vmem>> -> memref<128xi32, #tpu.memory_space<vmem>>
    %dma_start3A_40 = arith.constant 0 : i32
    %dma_start3A_41 = arith.constant 0 : i32
    %dma_start3A_42 = tpu.memref_slice %arg3[%dma_start3A_40, %dma_start3A_41] : memref<100000x64xf32, #tpu.memory_space<hbm>> -> memref<100000x64xf32, #tpu.memory_space<hbm>>
    tpu.enqueue_indirect_dma source(%dma_start3A_42 : memref<100000x64xf32, #tpu.memory_space<hbm>>) target(%dma_start3A_37 : memref<128x64xf32, #tpu.memory_space<vmem>>) offsets(%dma_start3A_39 : memref<128xi32, #tpu.memory_space<vmem>>) semaphore(%arg17 : memref<!tpu.dma_semaphore, #tpu.memory_space<semaphore_mem>>)
    %dma_start3A_43 = arith.constant 128 : i32
    %dma_start3A_44 = arith.constant 0 : i32
    %dma_start3A_45 = tpu.memref_slice %arg10[%dma_start3A_43, %dma_start3A_44] : memref<200x64xf32, #tpu.memory_space<vmem>> -> memref<72x64xf32, #tpu.memory_space<vmem>>
    %dma_start3A_46 = arith.constant 328 : i32
    %dma_start3A_47 = tpu.memref_slice %arg8[%dma_start3A_46] : memref<25600xi32, #tpu.memory_space<vmem>> -> memref<72xi32, #tpu.memory_space<vmem>>
    %dma_start3A_48 = arith.constant 0 : i32
    %dma_start3A_49 = arith.constant 0 : i32
    %dma_start3A_50 = tpu.memref_slice %arg3[%dma_start3A_48, %dma_start3A_49] : memref<100000x64xf32, #tpu.memory_space<hbm>> -> memref<100000x64xf32, #tpu.memory_space<hbm>>
    tpu.enqueue_indirect_dma source(%dma_start3A_50 : memref<100000x64xf32, #tpu.memory_space<hbm>>) target(%dma_start3A_45 : memref<72x64xf32, #tpu.memory_space<vmem>>) offsets(%dma_start3A_47 : memref<72xi32, #tpu.memory_space<vmem>>) semaphore(%arg17 : memref<!tpu.dma_semaphore, #tpu.memory_space<semaphore_mem>>)
    %dma_wait3A = arith.constant 0 : i32
    %dma_wait3A_51 = arith.constant 0 : i32
    %dma_wait3A_52 = tpu.memref_slice %arg3[%dma_wait3A, %dma_wait3A_51] : memref<100000x64xf32, #tpu.memory_space<hbm>> -> memref<200x64xf32, #tpu.memory_space<hbm>>
    %dma_wait3A_53 = arith.constant 0 : i32
    %dma_wait3A_54 = arith.constant 0 : i32
    %dma_wait3A_55 = tpu.memref_slice %arg3[%dma_wait3A_53, %dma_wait3A_54] : memref<100000x64xf32, #tpu.memory_space<hbm>> -> memref<200x64xf32, #tpu.memory_space<hbm>>
    tpu.wait_dma2 semaphore(%arg16 : memref<!tpu.dma_semaphore, #tpu.memory_space<semaphore_mem>>) src(%dma_wait3A_55 : memref<200x64xf32, #tpu.memory_space<hbm>>) dst(%arg9 : memref<200x64xf32, #tpu.memory_space<vmem>>)
    %parallel_loop3A = arith.constant 0 : i32
    %parallel_loop3A_56 = arith.constant 200 : i32
    %parallel_loop3A_57 = arith.constant 1 : i32
    scf.for %parallel_loop3A_164 = %parallel_loop3A to %parallel_loop3A_56 step %parallel_loop3A_57  : i32 {
      %parallel_loop3A_165 = arith.index_cast %parallel_loop3A_164 : i32 to index
      %parallel_loop3A_166 = arith.constant 0 : index
      %parallel_loop3A_167 = tpu.vector_load %arg9[%parallel_loop3A_165, %parallel_loop3A_166] {strides = array<i32>} : memref<200x64xf32, #tpu.memory_space<vmem>>, vector<16xf32>,
      %parallel_loop3A_168 = arith.index_cast %parallel_loop3A_164 : i32 to index
      %parallel_loop3A_169 = arith.constant 0 : index
      %parallel_loop3A_170 = tpu.vector_load %arg13[%parallel_loop3A_168, %parallel_loop3A_169] {strides = array<i32>} : memref<200x64xf32, #tpu.memory_space<vmem>>, vector<16xf32>,
      %parallel_loop3A_171 = arith.addf %parallel_loop3A_167, %parallel_loop3A_170 : vector<16xf32>
      %parallel_loop3A_172 = arith.index_cast %parallel_loop3A_164 : i32 to index
      %parallel_loop3A_173 = arith.constant 16 : index
      %parallel_loop3A_174 = tpu.vector_load %arg9[%parallel_loop3A_172, %parallel_loop3A_173] {strides = array<i32>} : memref<200x64xf32, #tpu.memory_space<vmem>>, vector<16xf32>,
      %parallel_loop3A_175 = arith.index_cast %parallel_loop3A_164 : i32 to index
      %parallel_loop3A_176 = arith.constant 16 : index
      %parallel_loop3A_177 = tpu.vector_load %arg13[%parallel_loop3A_175, %parallel_loop3A_176] {strides = array<i32>} : memref<200x64xf32, #tpu.memory_space<vmem>>, vector<16xf32>,
      %parallel_loop3A_178 = arith.addf %parallel_loop3A_174, %parallel_loop3A_177 : vector<16xf32>
      %parallel_loop3A_179 = arith.index_cast %parallel_loop3A_164 : i32 to index
      %parallel_loop3A_180 = arith.constant 32 : index
      %parallel_loop3A_181 = tpu.vector_load %arg9[%parallel_loop3A_179, %parallel_loop3A_180] {strides = array<i32>} : memref<200x64xf32, #tpu.memory_space<vmem>>, vector<16xf32>,
      %parallel_loop3A_182 = arith.index_cast %parallel_loop3A_164 : i32 to index
      %parallel_loop3A_183 = arith.constant 32 : index
      %parallel_loop3A_184 = tpu.vector_load %arg13[%parallel_loop3A_182, %parallel_loop3A_183] {strides = array<i32>} : memref<200x64xf32, #tpu.memory_space<vmem>>, vector<16xf32>,
      %parallel_loop3A_185 = arith.addf %parallel_loop3A_181, %parallel_loop3A_184 : vector<16xf32>
      %parallel_loop3A_186 = arith.index_cast %parallel_loop3A_164 : i32 to index
      %parallel_loop3A_187 = arith.constant 48 : index
      %parallel_loop3A_188 = tpu.vector_load %arg9[%parallel_loop3A_186, %parallel_loop3A_187] {strides = array<i32>} : memref<200x64xf32, #tpu.memory_space<vmem>>, vector<16xf32>,
      %parallel_loop3A_189 = arith.index_cast %parallel_loop3A_164 : i32 to index
      %parallel_loop3A_190 = arith.constant 48 : index
      %parallel_loop3A_191 = tpu.vector_load %arg13[%parallel_loop3A_189, %parallel_loop3A_190] {strides = array<i32>} : memref<200x64xf32, #tpu.memory_space<vmem>>, vector<16xf32>,
      %parallel_loop3A_192 = arith.addf %parallel_loop3A_188, %parallel_loop3A_191 : vector<16xf32>
      %parallel_loop3A_193 = arith.addf %parallel_loop3A_171, %parallel_loop3A_178 : vector<16xf32>
      %parallel_loop3A_194 = arith.addf %parallel_loop3A_185, %parallel_loop3A_192 : vector<16xf32>
      %parallel_loop3A_195 = arith.addf %parallel_loop3A_193, %parallel_loop3A_194 : vector<16xf32>
      %parallel_loop3A_196 = arith.mulf %parallel_loop3A_171, %parallel_loop3A_171 : vector<16xf32>
      %parallel_loop3A_197 = arith.mulf %parallel_loop3A_178, %parallel_loop3A_178 : vector<16xf32>
      %parallel_loop3A_198 = arith.addf %parallel_loop3A_196, %parallel_loop3A_197 : vector<16xf32>
      %parallel_loop3A_199 = arith.mulf %parallel_loop3A_185, %parallel_loop3A_185 : vector<16xf32>
      %parallel_loop3A_200 = arith.mulf %parallel_loop3A_192, %parallel_loop3A_192 : vector<16xf32>
      %parallel_loop3A_201 = arith.addf %parallel_loop3A_199, %parallel_loop3A_200 : vector<16xf32>
      %parallel_loop3A_202 = arith.addf %parallel_loop3A_198, %parallel_loop3A_201 : vector<16xf32>
      %parallel_loop3A_203 = arith.constant true
      %parallel_loop3A_204 = vector.broadcast %parallel_loop3A_203 : i1 to vector<16xi1>
      %parallel_loop3A_205 = tpu.scan <sum>, %parallel_loop3A_195 masked %parallel_loop3A_204 : vector<16xf32>, vector<16xi1> -> vector<16xf32>
      %parallel_loop3A_206 = vector.extract %parallel_loop3A_205[15] : f32 from vector<16xf32>
      %parallel_loop3A_207 = arith.constant 1.562500e-02 : f32
      %parallel_loop3A_208 = arith.mulf %parallel_loop3A_206, %parallel_loop3A_207 : f32
      %parallel_loop3A_209 = arith.constant true
      %parallel_loop3A_210 = vector.broadcast %parallel_loop3A_209 : i1 to vector<16xi1>
      %parallel_loop3A_211 = tpu.scan <sum>, %parallel_loop3A_202 masked %parallel_loop3A_210 : vector<16xf32>, vector<16xi1> -> vector<16xf32>
      %parallel_loop3A_212 = vector.extract %parallel_loop3A_211[15] : f32 from vector<16xf32>
      %parallel_loop3A_213 = arith.constant 1.562500e-02 : f32
      %parallel_loop3A_214 = arith.mulf %parallel_loop3A_212, %parallel_loop3A_213 : f32
      %parallel_loop3A_215 = arith.mulf %parallel_loop3A_208, %parallel_loop3A_208 : f32
      %parallel_loop3A_216 = arith.subf %parallel_loop3A_214, %parallel_loop3A_215 : f32
      %parallel_loop3A_217 = arith.constant 9.99999974E-6 : f32
      %parallel_loop3A_218 = arith.addf %parallel_loop3A_216, %parallel_loop3A_217 : f32
      %parallel_loop3A_219 = arith.bitcast %parallel_loop3A_218 : f32 to i32
      %parallel_loop3A_220 = arith.constant 1 : i32
      %parallel_loop3A_221 = arith.shrsi %parallel_loop3A_219, %parallel_loop3A_220 : i32
      %parallel_loop3A_222 = arith.constant 1597463007 : i32
      %parallel_loop3A_223 = arith.subi %parallel_loop3A_222, %parallel_loop3A_221 : i32
      %parallel_loop3A_224 = arith.bitcast %parallel_loop3A_223 : i32 to f32
      %parallel_loop3A_225 = arith.constant 5.000000e-01 : f32
      %parallel_loop3A_226 = arith.mulf %parallel_loop3A_225, %parallel_loop3A_218 : f32
      %parallel_loop3A_227 = arith.mulf %parallel_loop3A_226, %parallel_loop3A_224 : f32
      %parallel_loop3A_228 = arith.mulf %parallel_loop3A_227, %parallel_loop3A_224 : f32
      %parallel_loop3A_229 = arith.constant 1.500000e+00 : f32
      %parallel_loop3A_230 = arith.subf %parallel_loop3A_229, %parallel_loop3A_228 : f32
      %parallel_loop3A_231 = arith.mulf %parallel_loop3A_224, %parallel_loop3A_230 : f32
      %parallel_loop3A_232 = arith.mulf %parallel_loop3A_226, %parallel_loop3A_231 : f32
      %parallel_loop3A_233 = arith.mulf %parallel_loop3A_232, %parallel_loop3A_231 : f32
      %parallel_loop3A_234 = arith.constant 1.500000e+00 : f32
      %parallel_loop3A_235 = arith.subf %parallel_loop3A_234, %parallel_loop3A_233 : f32
      %parallel_loop3A_236 = arith.mulf %parallel_loop3A_231, %parallel_loop3A_235 : f32
      %parallel_loop3A_237 = arith.mulf %parallel_loop3A_208, %parallel_loop3A_236 : f32
      %parallel_loop3A_238 = vector.broadcast %parallel_loop3A_236 : f32 to vector<16xf32>
      %parallel_loop3A_239 = arith.mulf %parallel_loop3A_171, %parallel_loop3A_238 : vector<16xf32>
      %parallel_loop3A_240 = vector.broadcast %parallel_loop3A_237 : f32 to vector<16xf32>
      %parallel_loop3A_241 = arith.subf %parallel_loop3A_239, %parallel_loop3A_240 : vector<16xf32>
      %parallel_loop3A_242 = arith.mulf %parallel_loop3A_241, %get3A_5 : vector<16xf32>
      %parallel_loop3A_243 = arith.addf %parallel_loop3A_242, %get3A_13 : vector<16xf32>
      %parallel_loop3A_244 = arith.index_cast %parallel_loop3A_164 : i32 to index
      %parallel_loop3A_245 = arith.constant 0 : index
      %parallel_loop3A_246 = tpu.vector_load %arg11[%parallel_loop3A_244, %parallel_loop3A_245] {strides = array<i32>} : memref<200x64xf32, #tpu.memory_space<vmem>>, vector<16xf32>,
      tpu.vector_store %arg11[%parallel_loop3A_244, %parallel_loop3A_245], %parallel_loop3A_243 {strides = array<i32>} : memref<200x64xf32, #tpu.memory_space<vmem>>, vector<16xf32>,
      %parallel_loop3A_247 = vector.broadcast %parallel_loop3A_236 : f32 to vector<16xf32>
      %parallel_loop3A_248 = arith.mulf %parallel_loop3A_178, %parallel_loop3A_247 : vector<16xf32>
      %parallel_loop3A_249 = vector.broadcast %parallel_loop3A_237 : f32 to vector<16xf32>
      %parallel_loop3A_250 = arith.subf %parallel_loop3A_248, %parallel_loop3A_249 : vector<16xf32>
      %parallel_loop3A_251 = arith.mulf %parallel_loop3A_250, %get3A_7 : vector<16xf32>
      %parallel_loop3A_252 = arith.addf %parallel_loop3A_251, %get3A_15 : vector<16xf32>
      %parallel_loop3A_253 = arith.index_cast %parallel_loop3A_164 : i32 to index
      %parallel_loop3A_254 = arith.constant 16 : index
      %parallel_loop3A_255 = tpu.vector_load %arg11[%parallel_loop3A_253, %parallel_loop3A_254] {strides = array<i32>} : memref<200x64xf32, #tpu.memory_space<vmem>>, vector<16xf32>,
      tpu.vector_store %arg11[%parallel_loop3A_253, %parallel_loop3A_254], %parallel_loop3A_252 {strides = array<i32>} : memref<200x64xf32, #tpu.memory_space<vmem>>, vector<16xf32>,
      %parallel_loop3A_256 = vector.broadcast %parallel_loop3A_236 : f32 to vector<16xf32>
      %parallel_loop3A_257 = arith.mulf %parallel_loop3A_185, %parallel_loop3A_256 : vector<16xf32>
      %parallel_loop3A_258 = vector.broadcast %parallel_loop3A_237 : f32 to vector<16xf32>
      %parallel_loop3A_259 = arith.subf %parallel_loop3A_257, %parallel_loop3A_258 : vector<16xf32>
      %parallel_loop3A_260 = arith.mulf %parallel_loop3A_259, %get3A_9 : vector<16xf32>
      %parallel_loop3A_261 = arith.addf %parallel_loop3A_260, %get3A_17 : vector<16xf32>
      %parallel_loop3A_262 = arith.index_cast %parallel_loop3A_164 : i32 to index
      %parallel_loop3A_263 = arith.constant 32 : index
      %parallel_loop3A_264 = tpu.vector_load %arg11[%parallel_loop3A_262, %parallel_loop3A_263] {strides = array<i32>} : memref<200x64xf32, #tpu.memory_space<vmem>>, vector<16xf32>,
      tpu.vector_store %arg11[%parallel_loop3A_262, %parallel_loop3A_263], %parallel_loop3A_261 {strides = array<i32>} : memref<200x64xf32, #tpu.memory_space<vmem>>, vector<16xf32>,
      %parallel_loop3A_265 = vector.broadcast %parallel_loop3A_236 : f32 to vector<16xf32>
      %parallel_loop3A_266 = arith.mulf %parallel_loop3A_192, %parallel_loop3A_265 : vector<16xf32>
      %parallel_loop3A_267 = vector.broadcast %parallel_loop3A_237 : f32 to vector<16xf32>
      %parallel_loop3A_268 = arith.subf %parallel_loop3A_266, %parallel_loop3A_267 : vector<16xf32>
      %parallel_loop3A_269 = arith.mulf %parallel_loop3A_268, %get3A_11 : vector<16xf32>
      %parallel_loop3A_270 = arith.addf %parallel_loop3A_269, %get3A_19 : vector<16xf32>
      %parallel_loop3A_271 = arith.index_cast %parallel_loop3A_164 : i32 to index
      %parallel_loop3A_272 = arith.constant 48 : index
      %parallel_loop3A_273 = tpu.vector_load %arg11[%parallel_loop3A_271, %parallel_loop3A_272] {strides = array<i32>} : memref<200x64xf32, #tpu.memory_space<vmem>>, vector<16xf32>,
      tpu.vector_store %arg11[%parallel_loop3A_271, %parallel_loop3A_272], %parallel_loop3A_270 {strides = array<i32>} : memref<200x64xf32, #tpu.memory_space<vmem>>, vector<16xf32>,
    } {sc.loop_unroll_factor = 4 : i64, sc.parallel_access}
    %add3A_58 = arith.constant 0 : i32
    %add3A_59 = arith.addi %mul3A_4, %add3A_58 : i32
    %dma_start3A_60 = arith.constant 0 : i32
    %dma_start3A_61 = arith.constant 0 : i32
    %dma_start3A_62 = tpu.memref_slice %arg7[%add3A_59, %dma_start3A_60, %dma_start3A_61] : memref<4096x200x64xf32, #tpu.memory_space<hbm>> -> memref<1x200x64xf32, #tpu.memory_space<hbm>>
    %dma_start3A_63 = tpu.memref_squeeze %dma_start3A_62 : memref<1x200x64xf32, #tpu.memory_space<hbm>> -> memref<200x64xf32, #tpu.memory_space<hbm>>
    %dma_start3A_64 = arith.constant 0 : i32
    %dma_start3A_65 = arith.constant 0 : i32
    %dma_start3A_66 = tpu.memref_slice %arg7[%add3A_59, %dma_start3A_64, %dma_start3A_65] : memref<4096x200x64xf32, #tpu.memory_space<hbm>> -> memref<1x200x64xf32, #tpu.memory_space<hbm>>
    %dma_start3A_67 = tpu.memref_squeeze %dma_start3A_66 : memref<1x200x64xf32, #tpu.memory_space<hbm>> -> memref<200x64xf32, #tpu.memory_space<hbm>>
    tpu.enqueue_dma source(%arg11 : memref<200x64xf32, #tpu.memory_space<vmem>>) target(%dma_start3A_67 : memref<200x64xf32, #tpu.memory_space<hbm>>) target_semaphore(%arg18 : memref<!tpu.dma_semaphore, #tpu.memory_space<semaphore_mem>>)
    %mul3A_68 = arith.constant 2 : i32
    %mul3A_69 = arith.constant 200 : i32
    %mul3A_70 = arith.muli %mul3A_68, %mul3A_69 : i32
    %add3A_71 = arith.constant 0 : i32
    %add3A_72 = arith.addi %mul3A_70, %add3A_71 : i32
    %dma_start3A_73 = arith.constant 0 : i32
    %dma_start3A_74 = arith.constant 0 : i32
    %dma_start3A_75 = tpu.memref_slice %arg9[%dma_start3A_73, %dma_start3A_74] : memref<200x64xf32, #tpu.memory_space<vmem>> -> memref<128x64xf32, #tpu.memory_space<vmem>>
    %dma_start3A_76 = tpu.memref_slice %arg8[%add3A_72] : memref<25600xi32, #tpu.memory_space<vmem>> -> memref<128xi32, #tpu.memory_space<vmem>>
    %dma_start3A_77 = arith.constant 0 : i32
    %dma_start3A_78 = arith.constant 0 : i32
    %dma_start3A_79 = tpu.memref_slice %arg3[%dma_start3A_77, %dma_start3A_78] : memref<100000x64xf32, #tpu.memory_space<hbm>> -> memref<100000x64xf32, #tpu.memory_space<hbm>>
    tpu.enqueue_indirect_dma source(%dma_start3A_79 : memref<100000x64xf32, #tpu.memory_space<hbm>>) target(%dma_start3A_75 : memref<128x64xf32, #tpu.memory_space<vmem>>) offsets(%dma_start3A_76 : memref<128xi32, #tpu.memory_space<vmem>>) semaphore(%arg16 : memref<!tpu.dma_semaphore, #tpu.memory_space<semaphore_mem>>)
    %add3A_80 = arith.constant 128 : i32
    %add3A_81 = arith.addi %mul3A_70, %add3A_80 : i32
    %dma_start3A_82 = arith.constant 128 : i32
    %dma_start3A_83 = arith.constant 0 : i32
    %dma_start3A_84 = tpu.memref_slice %arg9[%dma_start3A_82, %dma_start3A_83] : memref<200x64xf32, #tpu.memory_space<vmem>> -> memref<72x64xf32, #tpu.memory_space<vmem>>
    %dma_start3A_85 = tpu.memref_slice %arg8[%add3A_81] : memref<25600xi32, #tpu.memory_space<vmem>> -> memref<72xi32, #tpu.memory_space<vmem>>
    %dma_start3A_86 = arith.constant 0 : i32
    %dma_start3A_87 = arith.constant 0 : i32
    %dma_start3A_88 = tpu.memref_slice %arg3[%dma_start3A_86, %dma_start3A_87] : memref<100000x64xf32, #tpu.memory_space<hbm>> -> memref<100000x64xf32, #tpu.memory_space<hbm>>
    tpu.enqueue_indirect_dma source(%dma_start3A_88 : memref<100000x64xf32, #tpu.memory_space<hbm>>) target(%dma_start3A_84 : memref<72x64xf32, #tpu.memory_space<vmem>>) offsets(%dma_start3A_85 : memref<72xi32, #tpu.memory_space<vmem>>) semaphore(%arg16 : memref<!tpu.dma_semaphore, #tpu.memory_space<semaphore_mem>>)
    %dma_wait3A_89 = arith.constant 0 : i32
    %dma_wait3A_90 = arith.constant 0 : i32
    %dma_wait3A_91 = tpu.memref_slice %arg3[%dma_wait3A_89, %dma_wait3A_90] : memref<100000x64xf32, #tpu.memory_space<hbm>> -> memref<200x64xf32, #tpu.memory_space<hbm>>
    %dma_wait3A_92 = arith.constant 0 : i32
    %dma_wait3A_93 = arith.constant 0 : i32
    %dma_wait3A_94 = tpu.memref_slice %arg3[%dma_wait3A_92, %dma_wait3A_93] : memref<100000x64xf32, #tpu.memory_space<hbm>> -> memref<200x64xf32, #tpu.memory_space<hbm>>
    tpu.wait_dma2 semaphore(%arg17 : memref<!tpu.dma_semaphore, #tpu.memory_space<semaphore_mem>>) src(%dma_wait3A_94 : memref<200x64xf32, #tpu.memory_space<hbm>>) dst(%arg10 : memref<200x64xf32, #tpu.memory_space<vmem>>)
    %parallel_loop3A_95 = arith.constant 0 : i32
    %parallel_loop3A_96 = arith.constant 200 : i32
    %parallel_loop3A_97 = arith.constant 1 : i32
    scf.for %parallel_loop3A_164 = %parallel_loop3A_95 to %parallel_loop3A_96 step %parallel_loop3A_97  : i32 {
      %parallel_loop3A_165 = arith.index_cast %parallel_loop3A_164 : i32 to index
      %parallel_loop3A_166 = arith.constant 0 : index
      %parallel_loop3A_167 = tpu.vector_load %arg10[%parallel_loop3A_165, %parallel_loop3A_166] {strides = array<i32>} : memref<200x64xf32, #tpu.memory_space<vmem>>, vector<16xf32>,
      %parallel_loop3A_168 = arith.index_cast %parallel_loop3A_164 : i32 to index
      %parallel_loop3A_169 = arith.constant 0 : index
      %parallel_loop3A_170 = tpu.vector_load %arg13[%parallel_loop3A_168, %parallel_loop3A_169] {strides = array<i32>} : memref<200x64xf32, #tpu.memory_space<vmem>>, vector<16xf32>,
      %parallel_loop3A_171 = arith.addf %parallel_loop3A_167, %parallel_loop3A_170 : vector<16xf32>
      %parallel_loop3A_172 = arith.index_cast %parallel_loop3A_164 : i32 to index
      %parallel_loop3A_173 = arith.constant 16 : index
      %parallel_loop3A_174 = tpu.vector_load %arg10[%parallel_loop3A_172, %parallel_loop3A_173] {strides = array<i32>} : memref<200x64xf32, #tpu.memory_space<vmem>>, vector<16xf32>,
      %parallel_loop3A_175 = arith.index_cast %parallel_loop3A_164 : i32 to index
      %parallel_loop3A_176 = arith.constant 16 : index
      %parallel_loop3A_177 = tpu.vector_load %arg13[%parallel_loop3A_175, %parallel_loop3A_176] {strides = array<i32>} : memref<200x64xf32, #tpu.memory_space<vmem>>, vector<16xf32>,
      %parallel_loop3A_178 = arith.addf %parallel_loop3A_174, %parallel_loop3A_177 : vector<16xf32>
      %parallel_loop3A_179 = arith.index_cast %parallel_loop3A_164 : i32 to index
      %parallel_loop3A_180 = arith.constant 32 : index
      %parallel_loop3A_181 = tpu.vector_load %arg10[%parallel_loop3A_179, %parallel_loop3A_180] {strides = array<i32>} : memref<200x64xf32, #tpu.memory_space<vmem>>, vector<16xf32>,
      %parallel_loop3A_182 = arith.index_cast %parallel_loop3A_164 : i32 to index
      %parallel_loop3A_183 = arith.constant 32 : index
      %parallel_loop3A_184 = tpu.vector_load %arg13[%parallel_loop3A_182, %parallel_loop3A_183] {strides = array<i32>} : memref<200x64xf32, #tpu.memory_space<vmem>>, vector<16xf32>,
      %parallel_loop3A_185 = arith.addf %parallel_loop3A_181, %parallel_loop3A_184 : vector<16xf32>
      %parallel_loop3A_186 = arith.index_cast %parallel_loop3A_164 : i32 to index
      %parallel_loop3A_187 = arith.constant 48 : index
      %parallel_loop3A_188 = tpu.vector_load %arg10[%parallel_loop3A_186, %parallel_loop3A_187] {strides = array<i32>} : memref<200x64xf32, #tpu.memory_space<vmem>>, vector<16xf32>,
      %parallel_loop3A_189 = arith.index_cast %parallel_loop3A_164 : i32 to index
      %parallel_loop3A_190 = arith.constant 48 : index
      %parallel_loop3A_191 = tpu.vector_load %arg13[%parallel_loop3A_189, %parallel_loop3A_190] {strides = array<i32>} : memref<200x64xf32, #tpu.memory_space<vmem>>, vector<16xf32>,
      %parallel_loop3A_192 = arith.addf %parallel_loop3A_188, %parallel_loop3A_191 : vector<16xf32>
      %parallel_loop3A_193 = arith.addf %parallel_loop3A_171, %parallel_loop3A_178 : vector<16xf32>
      %parallel_loop3A_194 = arith.addf %parallel_loop3A_185, %parallel_loop3A_192 : vector<16xf32>
      %parallel_loop3A_195 = arith.addf %parallel_loop3A_193, %parallel_loop3A_194 : vector<16xf32>
      %parallel_loop3A_196 = arith.mulf %parallel_loop3A_171, %parallel_loop3A_171 : vector<16xf32>
      %parallel_loop3A_197 = arith.mulf %parallel_loop3A_178, %parallel_loop3A_178 : vector<16xf32>
      %parallel_loop3A_198 = arith.addf %parallel_loop3A_196, %parallel_loop3A_197 : vector<16xf32>
      %parallel_loop3A_199 = arith.mulf %parallel_loop3A_185, %parallel_loop3A_185 : vector<16xf32>
      %parallel_loop3A_200 = arith.mulf %parallel_loop3A_192, %parallel_loop3A_192 : vector<16xf32>
      %parallel_loop3A_201 = arith.addf %parallel_loop3A_199, %parallel_loop3A_200 : vector<16xf32>
      %parallel_loop3A_202 = arith.addf %parallel_loop3A_198, %parallel_loop3A_201 : vector<16xf32>
      %parallel_loop3A_203 = arith.constant true
      %parallel_loop3A_204 = vector.broadcast %parallel_loop3A_203 : i1 to vector<16xi1>
      %parallel_loop3A_205 = tpu.scan <sum>, %parallel_loop3A_195 masked %parallel_loop3A_204 : vector<16xf32>, vector<16xi1> -> vector<16xf32>
      %parallel_loop3A_206 = vector.extract %parallel_loop3A_205[15] : f32 from vector<16xf32>
      %parallel_loop3A_207 = arith.constant 1.562500e-02 : f32
      %parallel_loop3A_208 = arith.mulf %parallel_loop3A_206, %parallel_loop3A_207 : f32
      %parallel_loop3A_209 = arith.constant true
      %parallel_loop3A_210 = vector.broadcast %parallel_loop3A_209 : i1 to vector<16xi1>
      %parallel_loop3A_211 = tpu.scan <sum>, %parallel_loop3A_202 masked %parallel_loop3A_210 : vector<16xf32>, vector<16xi1> -> vector<16xf32>
      %parallel_loop3A_212 = vector.extract %parallel_loop3A_211[15] : f32 from vector<16xf32>
      %parallel_loop3A_213 = arith.constant 1.562500e-02 : f32
      %parallel_loop3A_214 = arith.mulf %parallel_loop3A_212, %parallel_loop3A_213 : f32
      %parallel_loop3A_215 = arith.mulf %parallel_loop3A_208, %parallel_loop3A_208 : f32
      %parallel_loop3A_216 = arith.subf %parallel_loop3A_214, %parallel_loop3A_215 : f32
      %parallel_loop3A_217 = arith.constant 9.99999974E-6 : f32
      %parallel_loop3A_218 = arith.addf %parallel_loop3A_216, %parallel_loop3A_217 : f32
      %parallel_loop3A_219 = arith.bitcast %parallel_loop3A_218 : f32 to i32
      %parallel_loop3A_220 = arith.constant 1 : i32
      %parallel_loop3A_221 = arith.shrsi %parallel_loop3A_219, %parallel_loop3A_220 : i32
      %parallel_loop3A_222 = arith.constant 1597463007 : i32
      %parallel_loop3A_223 = arith.subi %parallel_loop3A_222, %parallel_loop3A_221 : i32
      %parallel_loop3A_224 = arith.bitcast %parallel_loop3A_223 : i32 to f32
      %parallel_loop3A_225 = arith.constant 5.000000e-01 : f32
      %parallel_loop3A_226 = arith.mulf %parallel_loop3A_225, %parallel_loop3A_218 : f32
      %parallel_loop3A_227 = arith.mulf %parallel_loop3A_226, %parallel_loop3A_224 : f32
      %parallel_loop3A_228 = arith.mulf %parallel_loop3A_227, %parallel_loop3A_224 : f32
      %parallel_loop3A_229 = arith.constant 1.500000e+00 : f32
      %parallel_loop3A_230 = arith.subf %parallel_loop3A_229, %parallel_loop3A_228 : f32
      %parallel_loop3A_231 = arith.mulf %parallel_loop3A_224, %parallel_loop3A_230 : f32
      %parallel_loop3A_232 = arith.mulf %parallel_loop3A_226, %parallel_loop3A_231 : f32
      %parallel_loop3A_233 = arith.mulf %parallel_loop3A_232, %parallel_loop3A_231 : f32
      %parallel_loop3A_234 = arith.constant 1.500000e+00 : f32
      %parallel_loop3A_235 = arith.subf %parallel_loop3A_234, %parallel_loop3A_233 : f32
      %parallel_loop3A_236 = arith.mulf %parallel_loop3A_231, %parallel_loop3A_235 : f32
      %parallel_loop3A_237 = arith.mulf %parallel_loop3A_208, %parallel_loop3A_236 : f32
      %parallel_loop3A_238 = vector.broadcast %parallel_loop3A_236 : f32 to vector<16xf32>
      %parallel_loop3A_239 = arith.mulf %parallel_loop3A_171, %parallel_loop3A_238 : vector<16xf32>
      %parallel_loop3A_240 = vector.broadcast %parallel_loop3A_237 : f32 to vector<16xf32>
      %parallel_loop3A_241 = arith.subf %parallel_loop3A_239, %parallel_loop3A_240 : vector<16xf32>
      %parallel_loop3A_242 = arith.mulf %parallel_loop3A_241, %get3A_5 : vector<16xf32>
      %parallel_loop3A_243 = arith.addf %parallel_loop3A_242, %get3A_13 : vector<16xf32>
      %parallel_loop3A_244 = arith.index_cast %parallel_loop3A_164 : i32 to index
      %parallel_loop3A_245 = arith.constant 0 : index
      %parallel_loop3A_246 = tpu.vector_load %arg12[%parallel_loop3A_244, %parallel_loop3A_245] {strides = array<i32>} : memref<200x64xf32, #tpu.memory_space<vmem>>, vector<16xf32>,
      tpu.vector_store %arg12[%parallel_loop3A_244, %parallel_loop3A_245], %parallel_loop3A_243 {strides = array<i32>} : memref<200x64xf32, #tpu.memory_space<vmem>>, vector<16xf32>,
      %parallel_loop3A_247 = vector.broadcast %parallel_loop3A_236 : f32 to vector<16xf32>
      %parallel_loop3A_248 = arith.mulf %parallel_loop3A_178, %parallel_loop3A_247 : vector<16xf32>
      %parallel_loop3A_249 = vector.broadcast %parallel_loop3A_237 : f32 to vector<16xf32>
      %parallel_loop3A_250 = arith.subf %parallel_loop3A_248, %parallel_loop3A_249 : vector<16xf32>
      %parallel_loop3A_251 = arith.mulf %parallel_loop3A_250, %get3A_7 : vector<16xf32>
      %parallel_loop3A_252 = arith.addf %parallel_loop3A_251, %get3A_15 : vector<16xf32>
      %parallel_loop3A_253 = arith.index_cast %parallel_loop3A_164 : i32 to index
      %parallel_loop3A_254 = arith.constant 16 : index
      %parallel_loop3A_255 = tpu.vector_load %arg12[%parallel_loop3A_253, %parallel_loop3A_254] {strides = array<i32>} : memref<200x64xf32, #tpu.memory_space<vmem>>, vector<16xf32>,
      tpu.vector_store %arg12[%parallel_loop3A_253, %parallel_loop3A_254], %parallel_loop3A_252 {strides = array<i32>} : memref<200x64xf32, #tpu.memory_space<vmem>>, vector<16xf32>,
      %parallel_loop3A_256 = vector.broadcast %parallel_loop3A_236 : f32 to vector<16xf32>
      %parallel_loop3A_257 = arith.mulf %parallel_loop3A_185, %parallel_loop3A_256 : vector<16xf32>
      %parallel_loop3A_258 = vector.broadcast %parallel_loop3A_237 : f32 to vector<16xf32>
      %parallel_loop3A_259 = arith.subf %parallel_loop3A_257, %parallel_loop3A_258 : vector<16xf32>
      %parallel_loop3A_260 = arith.mulf %parallel_loop3A_259, %get3A_9 : vector<16xf32>
      %parallel_loop3A_261 = arith.addf %parallel_loop3A_260, %get3A_17 : vector<16xf32>
      %parallel_loop3A_262 = arith.index_cast %parallel_loop3A_164 : i32 to index
      %parallel_loop3A_263 = arith.constant 32 : index
      %parallel_loop3A_264 = tpu.vector_load %arg12[%parallel_loop3A_262, %parallel_loop3A_263] {strides = array<i32>} : memref<200x64xf32, #tpu.memory_space<vmem>>, vector<16xf32>,
      tpu.vector_store %arg12[%parallel_loop3A_262, %parallel_loop3A_263], %parallel_loop3A_261 {strides = array<i32>} : memref<200x64xf32, #tpu.memory_space<vmem>>, vector<16xf32>,
      %parallel_loop3A_265 = vector.broadcast %parallel_loop3A_236 : f32 to vector<16xf32>
      %parallel_loop3A_266 = arith.mulf %parallel_loop3A_192, %parallel_loop3A_265 : vector<16xf32>
      %parallel_loop3A_267 = vector.broadcast %parallel_loop3A_237 : f32 to vector<16xf32>
      %parallel_loop3A_268 = arith.subf %parallel_loop3A_266, %parallel_loop3A_267 : vector<16xf32>
      %parallel_loop3A_269 = arith.mulf %parallel_loop3A_268, %get3A_11 : vector<16xf32>
      %parallel_loop3A_270 = arith.addf %parallel_loop3A_269, %get3A_19 : vector<16xf32>
      %parallel_loop3A_271 = arith.index_cast %parallel_loop3A_164 : i32 to index
      %parallel_loop3A_272 = arith.constant 48 : index
      %parallel_loop3A_273 = tpu.vector_load %arg12[%parallel_loop3A_271, %parallel_loop3A_272] {strides = array<i32>} : memref<200x64xf32, #tpu.memory_space<vmem>>, vector<16xf32>,
      tpu.vector_store %arg12[%parallel_loop3A_271, %parallel_loop3A_272], %parallel_loop3A_270 {strides = array<i32>} : memref<200x64xf32, #tpu.memory_space<vmem>>, vector<16xf32>,
    } {sc.loop_unroll_factor = 4 : i64, sc.parallel_access}
    %add3A_98 = arith.constant 1 : i32
    %add3A_99 = arith.addi %mul3A_4, %add3A_98 : i32
    %dma_start3A_100 = arith.constant 0 : i32
    %dma_start3A_101 = arith.constant 0 : i32
    %dma_start3A_102 = tpu.memref_slice %arg7[%add3A_99, %dma_start3A_100, %dma_start3A_101] : memref<4096x200x64xf32, #tpu.memory_space<hbm>> -> memref<1x200x64xf32, #tpu.memory_space<hbm>>
    %dma_start3A_103 = tpu.memref_squeeze %dma_start3A_102 : memref<1x200x64xf32, #tpu.memory_space<hbm>> -> memref<200x64xf32, #tpu.memory_space<hbm>>
    %dma_start3A_104 = arith.constant 0 : i32
    %dma_start3A_105 = arith.constant 0 : i32
    %dma_start3A_106 = tpu.memref_slice %arg7[%add3A_99, %dma_start3A_104, %dma_start3A_105] : memref<4096x200x64xf32, #tpu.memory_space<hbm>> -> memref<1x200x64xf32, #tpu.memory_space<hbm>>
    %dma_start3A_107 = tpu.memref_squeeze %dma_start3A_106 : memref<1x200x64xf32, #tpu.memory_space<hbm>> -> memref<200x64xf32, #tpu.memory_space<hbm>>
    tpu.enqueue_dma source(%arg12 : memref<200x64xf32, #tpu.memory_space<vmem>>) target(%dma_start3A_107 : memref<200x64xf32, #tpu.memory_space<hbm>>) target_semaphore(%arg19 : memref<!tpu.dma_semaphore, #tpu.memory_space<semaphore_mem>>)
    %mul3A_108 = arith.constant 3 : i32
    %mul3A_109 = arith.constant 200 : i32
    %mul3A_110 = arith.muli %mul3A_108, %mul3A_109 : i32
    %add3A_111 = arith.constant 0 : i32
    %add3A_112 = arith.addi %mul3A_110, %add3A_111 : i32
    %dma_start3A_113 = arith.constant 0 : i32
    %dma_start3A_114 = arith.constant 0 : i32
    %dma_start3A_115 = tpu.memref_slice %arg10[%dma_start3A_113, %dma_start3A_114] : memref<200x64xf32, #tpu.memory_space<vmem>> -> memref<128x64xf32, #tpu.memory_space<vmem>>
    %dma_start3A_116 = tpu.memref_slice %arg8[%add3A_112] : memref<25600xi32, #tpu.memory_space<vmem>> -> memref<128xi32, #tpu.memory_space<vmem>>
    %dma_start3A_117 = arith.constant 0 : i32
    %dma_start3A_118 = arith.constant 0 : i32
    %dma_start3A_119 = tpu.memref_slice %arg3[%dma_start3A_117, %dma_start3A_118] : memref<100000x64xf32, #tpu.memory_space<hbm>> -> memref<100000x64xf32, #tpu.memory_space<hbm>>
    tpu.enqueue_indirect_dma source(%dma_start3A_119 : memref<100000x64xf32, #tpu.memory_space<hbm>>) target(%dma_start3A_115 : memref<128x64xf32, #tpu.memory_space<vmem>>) offsets(%dma_start3A_116 : memref<128xi32, #tpu.memory_space<vmem>>) semaphore(%arg17 : memref<!tpu.dma_semaphore, #tpu.memory_space<semaphore_mem>>)
    %add3A_120 = arith.constant 128 : i32
    %add3A_121 = arith.addi %mul3A_110, %add3A_120 : i32
    %dma_start3A_122 = arith.constant 128 : i32
    %dma_start3A_123 = arith.constant 0 : i32
    %dma_start3A_124 = tpu.memref_slice %arg10[%dma_start3A_122, %dma_start3A_123] : memref<200x64xf32, #tpu.memory_space<vmem>> -> memref<72x64xf32, #tpu.memory_space<vmem>>
    %dma_start3A_125 = tpu.memref_slice %arg8[%add3A_121] : memref<25600xi32, #tpu.memory_space<vmem>> -> memref<72xi32, #tpu.memory_space<vmem>>
    %dma_start3A_126 = arith.constant 0 : i32
    %dma_start3A_127 = arith.constant 0 : i32
    %dma_start3A_128 = tpu.memref_slice %arg3[%dma_start3A_126, %dma_start3A_127] : memref<100000x64xf32, #tpu.memory_space<hbm>> -> memref<100000x64xf32, #tpu.memory_space<hbm>>
    tpu.enqueue_indirect_dma source(%dma_start3A_128 : memref<100000x64xf32, #tpu.memory_space<hbm>>) target(%dma_start3A_124 : memref<72x64xf32, #tpu.memory_space<vmem>>) offsets(%dma_start3A_125 : memref<72xi32, #tpu.memory_space<vmem>>) semaphore(%arg17 : memref<!tpu.dma_semaphore, #tpu.memory_space<semaphore_mem>>)
    %scan3A = arith.constant 0 : i32
    %scan3A_129 = arith.constant 1 : i32
    %scan3A_130 = arith.constant 63 : i32
    %scan3A_131 = arith.addi %scan3A_129, %scan3A_130 : i32
    %scan3A_132 = arith.constant 1 : i32
    scf.for %scan3A_164 = %scan3A_129 to %scan3A_131 step %scan3A_132  : i32 {
      %mul3A_165 = arith.constant 2 : i32
      %mul3A_166 = arith.muli %mul3A_165, %scan3A_164 : i32
      %add3A_167 = arith.constant 0 : i32
      %add3A_168 = arith.addi %mul3A_166, %add3A_167 : i32
      %dma_wait3A_169 = arith.constant 0 : i32
      %dma_wait3A_170 = arith.constant 0 : i32
      %dma_wait3A_171 = tpu.memref_slice %arg3[%dma_wait3A_169, %dma_wait3A_170] : memref<100000x64xf32, #tpu.memory_space<hbm>> -> memref<200x64xf32, #tpu.memory_space<hbm>>
      %dma_wait3A_172 = arith.constant 0 : i32
      %dma_wait3A_173 = arith.constant 0 : i32
      %dma_wait3A_174 = tpu.memref_slice %arg3[%dma_wait3A_172, %dma_wait3A_173] : memref<100000x64xf32, #tpu.memory_space<hbm>> -> memref<200x64xf32, #tpu.memory_space<hbm>>
      tpu.wait_dma2 semaphore(%arg16 : memref<!tpu.dma_semaphore, #tpu.memory_space<semaphore_mem>>) src(%dma_wait3A_174 : memref<200x64xf32, #tpu.memory_space<hbm>>) dst(%arg9 : memref<200x64xf32, #tpu.memory_space<vmem>>)
      %dma_wait3A_175 = arith.constant 0 : i32
      %dma_wait3A_176 = arith.constant 0 : i32
      %dma_wait3A_177 = arith.constant 0 : i32
      %dma_wait3A_178 = tpu.memref_slice %arg7[%dma_wait3A_175, %dma_wait3A_176, %dma_wait3A_177] : memref<4096x200x64xf32, #tpu.memory_space<hbm>> -> memref<1x200x64xf32, #tpu.memory_space<hbm>>
      %dma_wait3A_179 = tpu.memref_squeeze %dma_wait3A_178 : memref<1x200x64xf32, #tpu.memory_space<hbm>> -> memref<200x64xf32, #tpu.memory_space<hbm>>
      %dma_wait3A_180 = arith.constant 0 : i32
      %dma_wait3A_181 = arith.constant 0 : i32
      %dma_wait3A_182 = tpu.memref_slice %arg7[%dma_wait3A_175, %dma_wait3A_180, %dma_wait3A_181] : memref<4096x200x64xf32, #tpu.memory_space<hbm>> -> memref<1x200x64xf32, #tpu.memory_space<hbm>>
      %dma_wait3A_183 = tpu.memref_squeeze %dma_wait3A_182 : memref<1x200x64xf32, #tpu.memory_space<hbm>> -> memref<200x64xf32, #tpu.memory_space<hbm>>
      tpu.wait_dma2 semaphore(%arg18 : memref<!tpu.dma_semaphore, #tpu.memory_space<semaphore_mem>>) src(%arg11 : memref<200x64xf32, #tpu.memory_space<vmem>>) dst(%dma_wait3A_183 : memref<200x64xf32, #tpu.memory_space<hbm>>)
      %parallel_loop3A_184 = arith.constant 0 : i32
      %parallel_loop3A_185 = arith.constant 200 : i32
      %parallel_loop3A_186 = arith.constant 1 : i32
      scf.for %parallel_loop3A_272 = %parallel_loop3A_184 to %parallel_loop3A_185 step %parallel_loop3A_186  : i32 {
        %parallel_loop3A_273 = arith.index_cast %parallel_loop3A_272 : i32 to index
        %parallel_loop3A_274 = arith.constant 0 : index
        %parallel_loop3A_275 = tpu.vector_load %arg9[%parallel_loop3A_273, %parallel_loop3A_274] {strides = array<i32>} : memref<200x64xf32, #tpu.memory_space<vmem>>, vector<16xf32>,
        %parallel_loop3A_276 = arith.index_cast %parallel_loop3A_272 : i32 to index
        %parallel_loop3A_277 = arith.constant 0 : index
        %parallel_loop3A_278 = tpu.vector_load %arg13[%parallel_loop3A_276, %parallel_loop3A_277] {strides = array<i32>} : memref<200x64xf32, #tpu.memory_space<vmem>>, vector<16xf32>,
        %parallel_loop3A_279 = arith.addf %parallel_loop3A_275, %parallel_loop3A_278 : vector<16xf32>
        %parallel_loop3A_280 = arith.index_cast %parallel_loop3A_272 : i32 to index
        %parallel_loop3A_281 = arith.constant 16 : index
        %parallel_loop3A_282 = tpu.vector_load %arg9[%parallel_loop3A_280, %parallel_loop3A_281] {strides = array<i32>} : memref<200x64xf32, #tpu.memory_space<vmem>>, vector<16xf32>,
        %parallel_loop3A_283 = arith.index_cast %parallel_loop3A_272 : i32 to index
        %parallel_loop3A_284 = arith.constant 16 : index
        %parallel_loop3A_285 = tpu.vector_load %arg13[%parallel_loop3A_283, %parallel_loop3A_284] {strides = array<i32>} : memref<200x64xf32, #tpu.memory_space<vmem>>, vector<16xf32>,
        %parallel_loop3A_286 = arith.addf %parallel_loop3A_282, %parallel_loop3A_285 : vector<16xf32>
        %parallel_loop3A_287 = arith.index_cast %parallel_loop3A_272 : i32 to index
        %parallel_loop3A_288 = arith.constant 32 : index
        %parallel_loop3A_289 = tpu.vector_load %arg9[%parallel_loop3A_287, %parallel_loop3A_288] {strides = array<i32>} : memref<200x64xf32, #tpu.memory_space<vmem>>, vector<16xf32>,
        %parallel_loop3A_290 = arith.index_cast %parallel_loop3A_272 : i32 to index
        %parallel_loop3A_291 = arith.constant 32 : index
        %parallel_loop3A_292 = tpu.vector_load %arg13[%parallel_loop3A_290, %parallel_loop3A_291] {strides = array<i32>} : memref<200x64xf32, #tpu.memory_space<vmem>>, vector<16xf32>,
        %parallel_loop3A_293 = arith.addf %parallel_loop3A_289, %parallel_loop3A_292 : vector<16xf32>
        %parallel_loop3A_294 = arith.index_cast %parallel_loop3A_272 : i32 to index
        %parallel_loop3A_295 = arith.constant 48 : index
        %parallel_loop3A_296 = tpu.vector_load %arg9[%parallel_loop3A_294, %parallel_loop3A_295] {strides = array<i32>} : memref<200x64xf32, #tpu.memory_space<vmem>>, vector<16xf32>,
        %parallel_loop3A_297 = arith.index_cast %parallel_loop3A_272 : i32 to index
        %parallel_loop3A_298 = arith.constant 48 : index
        %parallel_loop3A_299 = tpu.vector_load %arg13[%parallel_loop3A_297, %parallel_loop3A_298] {strides = array<i32>} : memref<200x64xf32, #tpu.memory_space<vmem>>, vector<16xf32>,
        %parallel_loop3A_300 = arith.addf %parallel_loop3A_296, %parallel_loop3A_299 : vector<16xf32>
        %parallel_loop3A_301 = arith.addf %parallel_loop3A_279, %parallel_loop3A_286 : vector<16xf32>
        %parallel_loop3A_302 = arith.addf %parallel_loop3A_293, %parallel_loop3A_300 : vector<16xf32>
        %parallel_loop3A_303 = arith.addf %parallel_loop3A_301, %parallel_loop3A_302 : vector<16xf32>
        %parallel_loop3A_304 = arith.mulf %parallel_loop3A_279, %parallel_loop3A_279 : vector<16xf32>
        %parallel_loop3A_305 = arith.mulf %parallel_loop3A_286, %parallel_loop3A_286 : vector<16xf32>
        %parallel_loop3A_306 = arith.addf %parallel_loop3A_304, %parallel_loop3A_305 : vector<16xf32>
        %parallel_loop3A_307 = arith.mulf %parallel_loop3A_293, %parallel_loop3A_293 : vector<16xf32>
        %parallel_loop3A_308 = arith.mulf %parallel_loop3A_300, %parallel_loop3A_300 : vector<16xf32>
        %parallel_loop3A_309 = arith.addf %parallel_loop3A_307, %parallel_loop3A_308 : vector<16xf32>
        %parallel_loop3A_310 = arith.addf %parallel_loop3A_306, %parallel_loop3A_309 : vector<16xf32>
        %parallel_loop3A_311 = arith.constant true
        %parallel_loop3A_312 = vector.broadcast %parallel_loop3A_311 : i1 to vector<16xi1>
        %parallel_loop3A_313 = tpu.scan <sum>, %parallel_loop3A_303 masked %parallel_loop3A_312 : vector<16xf32>, vector<16xi1> -> vector<16xf32>
        %parallel_loop3A_314 = vector.extract %parallel_loop3A_313[15] : f32 from vector<16xf32>
        %parallel_loop3A_315 = arith.constant 1.562500e-02 : f32
        %parallel_loop3A_316 = arith.mulf %parallel_loop3A_314, %parallel_loop3A_315 : f32
        %parallel_loop3A_317 = arith.constant true
        %parallel_loop3A_318 = vector.broadcast %parallel_loop3A_317 : i1 to vector<16xi1>
        %parallel_loop3A_319 = tpu.scan <sum>, %parallel_loop3A_310 masked %parallel_loop3A_318 : vector<16xf32>, vector<16xi1> -> vector<16xf32>
        %parallel_loop3A_320 = vector.extract %parallel_loop3A_319[15] : f32 from vector<16xf32>
        %parallel_loop3A_321 = arith.constant 1.562500e-02 : f32
        %parallel_loop3A_322 = arith.mulf %parallel_loop3A_320, %parallel_loop3A_321 : f32
        %parallel_loop3A_323 = arith.mulf %parallel_loop3A_316, %parallel_loop3A_316 : f32
        %parallel_loop3A_324 = arith.subf %parallel_loop3A_322, %parallel_loop3A_323 : f32
        %parallel_loop3A_325 = arith.constant 9.99999974E-6 : f32
        %parallel_loop3A_326 = arith.addf %parallel_loop3A_324, %parallel_loop3A_325 : f32
        %parallel_loop3A_327 = arith.bitcast %parallel_loop3A_326 : f32 to i32
        %parallel_loop3A_328 = arith.constant 1 : i32
        %parallel_loop3A_329 = arith.shrsi %parallel_loop3A_327, %parallel_loop3A_328 : i32
        %parallel_loop3A_330 = arith.constant 1597463007 : i32
        %parallel_loop3A_331 = arith.subi %parallel_loop3A_330, %parallel_loop3A_329 : i32
        %parallel_loop3A_332 = arith.bitcast %parallel_loop3A_331 : i32 to f32
        %parallel_loop3A_333 = arith.constant 5.000000e-01 : f32
        %parallel_loop3A_334 = arith.mulf %parallel_loop3A_333, %parallel_loop3A_326 : f32
        %parallel_loop3A_335 = arith.mulf %parallel_loop3A_334, %parallel_loop3A_332 : f32
        %parallel_loop3A_336 = arith.mulf %parallel_loop3A_335, %parallel_loop3A_332 : f32
        %parallel_loop3A_337 = arith.constant 1.500000e+00 : f32
        %parallel_loop3A_338 = arith.subf %parallel_loop3A_337, %parallel_loop3A_336 : f32
        %parallel_loop3A_339 = arith.mulf %parallel_loop3A_332, %parallel_loop3A_338 : f32
        %parallel_loop3A_340 = arith.mulf %parallel_loop3A_334, %parallel_loop3A_339 : f32
        %parallel_loop3A_341 = arith.mulf %parallel_loop3A_340, %parallel_loop3A_339 : f32
        %parallel_loop3A_342 = arith.constant 1.500000e+00 : f32
        %parallel_loop3A_343 = arith.subf %parallel_loop3A_342, %parallel_loop3A_341 : f32
        %parallel_loop3A_344 = arith.mulf %parallel_loop3A_339, %parallel_loop3A_343 : f32
        %parallel_loop3A_345 = arith.mulf %parallel_loop3A_316, %parallel_loop3A_344 : f32
        %parallel_loop3A_346 = vector.broadcast %parallel_loop3A_344 : f32 to vector<16xf32>
        %parallel_loop3A_347 = arith.mulf %parallel_loop3A_279, %parallel_loop3A_346 : vector<16xf32>
        %parallel_loop3A_348 = vector.broadcast %parallel_loop3A_345 : f32 to vector<16xf32>
        %parallel_loop3A_349 = arith.subf %parallel_loop3A_347, %parallel_loop3A_348 : vector<16xf32>
        %parallel_loop3A_350 = arith.mulf %parallel_loop3A_349, %get3A_5 : vector<16xf32>
        %parallel_loop3A_351 = arith.addf %parallel_loop3A_350, %get3A_13 : vector<16xf32>
        %parallel_loop3A_352 = arith.index_cast %parallel_loop3A_272 : i32 to index
        %parallel_loop3A_353 = arith.constant 0 : index
        %parallel_loop3A_354 = tpu.vector_load %arg11[%parallel_loop3A_352, %parallel_loop3A_353] {strides = array<i32>} : memref<200x64xf32, #tpu.memory_space<vmem>>, vector<16xf32>,
        tpu.vector_store %arg11[%parallel_loop3A_352, %parallel_loop3A_353], %parallel_loop3A_351 {strides = array<i32>} : memref<200x64xf32, #tpu.memory_space<vmem>>, vector<16xf32>,
        %parallel_loop3A_355 = vector.broadcast %parallel_loop3A_344 : f32 to vector<16xf32>
        %parallel_loop3A_356 = arith.mulf %parallel_loop3A_286, %parallel_loop3A_355 : vector<16xf32>
        %parallel_loop3A_357 = vector.broadcast %parallel_loop3A_345 : f32 to vector<16xf32>
        %parallel_loop3A_358 = arith.subf %parallel_loop3A_356, %parallel_loop3A_357 : vector<16xf32>
        %parallel_loop3A_359 = arith.mulf %parallel_loop3A_358, %get3A_7 : vector<16xf32>
        %parallel_loop3A_360 = arith.addf %parallel_loop3A_359, %get3A_15 : vector<16xf32>
        %parallel_loop3A_361 = arith.index_cast %parallel_loop3A_272 : i32 to index
        %parallel_loop3A_362 = arith.constant 16 : index
        %parallel_loop3A_363 = tpu.vector_load %arg11[%parallel_loop3A_361, %parallel_loop3A_362] {strides = array<i32>} : memref<200x64xf32, #tpu.memory_space<vmem>>, vector<16xf32>,
        tpu.vector_store %arg11[%parallel_loop3A_361, %parallel_loop3A_362], %parallel_loop3A_360 {strides = array<i32>} : memref<200x64xf32, #tpu.memory_space<vmem>>, vector<16xf32>,
        %parallel_loop3A_364 = vector.broadcast %parallel_loop3A_344 : f32 to vector<16xf32>
        %parallel_loop3A_365 = arith.mulf %parallel_loop3A_293, %parallel_loop3A_364 : vector<16xf32>
        %parallel_loop3A_366 = vector.broadcast %parallel_loop3A_345 : f32 to vector<16xf32>
        %parallel_loop3A_367 = arith.subf %parallel_loop3A_365, %parallel_loop3A_366 : vector<16xf32>
        %parallel_loop3A_368 = arith.mulf %parallel_loop3A_367, %get3A_9 : vector<16xf32>
        %parallel_loop3A_369 = arith.addf %parallel_loop3A_368, %get3A_17 : vector<16xf32>
        %parallel_loop3A_370 = arith.index_cast %parallel_loop3A_272 : i32 to index
        %parallel_loop3A_371 = arith.constant 32 : index
        %parallel_loop3A_372 = tpu.vector_load %arg11[%parallel_loop3A_370, %parallel_loop3A_371] {strides = array<i32>} : memref<200x64xf32, #tpu.memory_space<vmem>>, vector<16xf32>,
        tpu.vector_store %arg11[%parallel_loop3A_370, %parallel_loop3A_371], %parallel_loop3A_369 {strides = array<i32>} : memref<200x64xf32, #tpu.memory_space<vmem>>, vector<16xf32>,
        %parallel_loop3A_373 = vector.broadcast %parallel_loop3A_344 : f32 to vector<16xf32>
        %parallel_loop3A_374 = arith.mulf %parallel_loop3A_300, %parallel_loop3A_373 : vector<16xf32>
        %parallel_loop3A_375 = vector.broadcast %parallel_loop3A_345 : f32 to vector<16xf32>
        %parallel_loop3A_376 = arith.subf %parallel_loop3A_374, %parallel_loop3A_375 : vector<16xf32>
        %parallel_loop3A_377 = arith.mulf %parallel_loop3A_376, %get3A_11 : vector<16xf32>
        %parallel_loop3A_378 = arith.addf %parallel_loop3A_377, %get3A_19 : vector<16xf32>
        %parallel_loop3A_379 = arith.index_cast %parallel_loop3A_272 : i32 to index
        %parallel_loop3A_380 = arith.constant 48 : index
        %parallel_loop3A_381 = tpu.vector_load %arg11[%parallel_loop3A_379, %parallel_loop3A_380] {strides = array<i32>} : memref<200x64xf32, #tpu.memory_space<vmem>>, vector<16xf32>,
        tpu.vector_store %arg11[%parallel_loop3A_379, %parallel_loop3A_380], %parallel_loop3A_378 {strides = array<i32>} : memref<200x64xf32, #tpu.memory_space<vmem>>, vector<16xf32>,
      } {sc.loop_unroll_factor = 4 : i64, sc.parallel_access}
      %add3A_187 = arith.addi %mul3A_4, %add3A_168 : i32
      %dma_start3A_188 = arith.constant 0 : i32
      %dma_start3A_189 = arith.constant 0 : i32
      %dma_start3A_190 = tpu.memref_slice %arg7[%add3A_187, %dma_start3A_188, %dma_start3A_189] : memref<4096x200x64xf32, #tpu.memory_space<hbm>> -> memref<1x200x64xf32, #tpu.memory_space<hbm>>
      %dma_start3A_191 = tpu.memref_squeeze %dma_start3A_190 : memref<1x200x64xf32, #tpu.memory_space<hbm>> -> memref<200x64xf32, #tpu.memory_space<hbm>>
      %dma_start3A_192 = arith.constant 0 : i32
      %dma_start3A_193 = arith.constant 0 : i32
      %dma_start3A_194 = tpu.memref_slice %arg7[%add3A_187, %dma_start3A_192, %dma_start3A_193] : memref<4096x200x64xf32, #tpu.memory_space<hbm>> -> memref<1x200x64xf32, #tpu.memory_space<hbm>>
      %dma_start3A_195 = tpu.memref_squeeze %dma_start3A_194 : memref<1x200x64xf32, #tpu.memory_space<hbm>> -> memref<200x64xf32, #tpu.memory_space<hbm>>
      tpu.enqueue_dma source(%arg11 : memref<200x64xf32, #tpu.memory_space<vmem>>) target(%dma_start3A_195 : memref<200x64xf32, #tpu.memory_space<hbm>>) target_semaphore(%arg18 : memref<!tpu.dma_semaphore, #tpu.memory_space<semaphore_mem>>)
      %add3A_196 = arith.constant 2 : i32
      %add3A_197 = arith.addi %add3A_168, %add3A_196 : i32
      %min3A = arith.constant 127 : i32
      %min3A_198 = arith.minsi %add3A_197, %min3A : i32
      %mul3A_199 = arith.constant 200 : i32
      %mul3A_200 = arith.muli %min3A_198, %mul3A_199 : i32
      %add3A_201 = arith.constant 0 : i32
      %add3A_202 = arith.addi %mul3A_200, %add3A_201 : i32
      %dma_start3A_203 = arith.constant 0 : i32
      %dma_start3A_204 = arith.constant 0 : i32
      %dma_start3A_205 = tpu.memref_slice %arg9[%dma_start3A_203, %dma_start3A_204] : memref<200x64xf32, #tpu.memory_space<vmem>> -> memref<128x64xf32, #tpu.memory_space<vmem>>
      %dma_start3A_206 = tpu.memref_slice %arg8[%add3A_202] : memref<25600xi32, #tpu.memory_space<vmem>> -> memref<128xi32, #tpu.memory_space<vmem>>
      %dma_start3A_207 = arith.constant 0 : i32
      %dma_start3A_208 = arith.constant 0 : i32
      %dma_start3A_209 = tpu.memref_slice %arg3[%dma_start3A_207, %dma_start3A_208] : memref<100000x64xf32, #tpu.memory_space<hbm>> -> memref<100000x64xf32, #tpu.memory_space<hbm>>
      tpu.enqueue_indirect_dma source(%dma_start3A_209 : memref<100000x64xf32, #tpu.memory_space<hbm>>) target(%dma_start3A_205 : memref<128x64xf32, #tpu.memory_space<vmem>>) offsets(%dma_start3A_206 : memref<128xi32, #tpu.memory_space<vmem>>) semaphore(%arg16 : memref<!tpu.dma_semaphore, #tpu.memory_space<semaphore_mem>>)
      %add3A_210 = arith.constant 128 : i32
      %add3A_211 = arith.addi %mul3A_200, %add3A_210 : i32
      %dma_start3A_212 = arith.constant 128 : i32
      %dma_start3A_213 = arith.constant 0 : i32
      %dma_start3A_214 = tpu.memref_slice %arg9[%dma_start3A_212, %dma_start3A_213] : memref<200x64xf32, #tpu.memory_space<vmem>> -> memref<72x64xf32, #tpu.memory_space<vmem>>
      %dma_start3A_215 = tpu.memref_slice %arg8[%add3A_211] : memref<25600xi32, #tpu.memory_space<vmem>> -> memref<72xi32, #tpu.memory_space<vmem>>
      %dma_start3A_216 = arith.constant 0 : i32
      %dma_start3A_217 = arith.constant 0 : i32
      %dma_start3A_218 = tpu.memref_slice %arg3[%dma_start3A_216, %dma_start3A_217] : memref<100000x64xf32, #tpu.memory_space<hbm>> -> memref<100000x64xf32, #tpu.memory_space<hbm>>
      tpu.enqueue_indirect_dma source(%dma_start3A_218 : memref<100000x64xf32, #tpu.memory_space<hbm>>) target(%dma_start3A_214 : memref<72x64xf32, #tpu.memory_space<vmem>>) offsets(%dma_start3A_215 : memref<72xi32, #tpu.memory_space<vmem>>) semaphore(%arg16 : memref<!tpu.dma_semaphore, #tpu.memory_space<semaphore_mem>>)
      %add3A_219 = arith.constant 1 : i32
      %add3A_220 = arith.addi %mul3A_166, %add3A_219 : i32
      %dma_wait3A_221 = arith.constant 0 : i32
      %dma_wait3A_222 = arith.constant 0 : i32
      %dma_wait3A_223 = tpu.memref_slice %arg3[%dma_wait3A_221, %dma_wait3A_222] : memref<100000x64xf32, #tpu.memory_space<hbm>> -> memref<200x64xf32, #tpu.memory_space<hbm>>
      %dma_wait3A_224 = arith.constant 0 : i32
      %dma_wait3A_225 = arith.constant 0 : i32
      %dma_wait3A_226 = tpu.memref_slice %arg3[%dma_wait3A_224, %dma_wait3A_225] : memref<100000x64xf32, #tpu.memory_space<hbm>> -> memref<200x64xf32, #tpu.memory_space<hbm>>
      tpu.wait_dma2 semaphore(%arg17 : memref<!tpu.dma_semaphore, #tpu.memory_space<semaphore_mem>>) src(%dma_wait3A_226 : memref<200x64xf32, #tpu.memory_space<hbm>>) dst(%arg10 : memref<200x64xf32, #tpu.memory_space<vmem>>)
      %dma_wait3A_227 = arith.constant 0 : i32
      %dma_wait3A_228 = arith.constant 0 : i32
      %dma_wait3A_229 = arith.constant 0 : i32
      %dma_wait3A_230 = tpu.memref_slice %arg7[%dma_wait3A_227, %dma_wait3A_228, %dma_wait3A_229] : memref<4096x200x64xf32, #tpu.memory_space<hbm>> -> memref<1x200x64xf32, #tpu.memory_space<hbm>>
      %dma_wait3A_231 = tpu.memref_squeeze %dma_wait3A_230 : memref<1x200x64xf32, #tpu.memory_space<hbm>> -> memref<200x64xf32, #tpu.memory_space<hbm>>
      %dma_wait3A_232 = arith.constant 0 : i32
      %dma_wait3A_233 = arith.constant 0 : i32
      %dma_wait3A_234 = tpu.memref_slice %arg7[%dma_wait3A_227, %dma_wait3A_232, %dma_wait3A_233] : memref<4096x200x64xf32, #tpu.memory_space<hbm>> -> memref<1x200x64xf32, #tpu.memory_space<hbm>>
      %dma_wait3A_235 = tpu.memref_squeeze %dma_wait3A_234 : memref<1x200x64xf32, #tpu.memory_space<hbm>> -> memref<200x64xf32, #tpu.memory_space<hbm>>
      tpu.wait_dma2 semaphore(%arg19 : memref<!tpu.dma_semaphore, #tpu.memory_space<semaphore_mem>>) src(%arg12 : memref<200x64xf32, #tpu.memory_space<vmem>>) dst(%dma_wait3A_235 : memref<200x64xf32, #tpu.memory_space<hbm>>)
      %parallel_loop3A_236 = arith.constant 0 : i32
      %parallel_loop3A_237 = arith.constant 200 : i32
      %parallel_loop3A_238 = arith.constant 1 : i32
      scf.for %parallel_loop3A_272 = %parallel_loop3A_236 to %parallel_loop3A_237 step %parallel_loop3A_238  : i32 {
        %parallel_loop3A_273 = arith.index_cast %parallel_loop3A_272 : i32 to index
        %parallel_loop3A_274 = arith.constant 0 : index
        %parallel_loop3A_275 = tpu.vector_load %arg10[%parallel_loop3A_273, %parallel_loop3A_274] {strides = array<i32>} : memref<200x64xf32, #tpu.memory_space<vmem>>, vector<16xf32>,
        %parallel_loop3A_276 = arith.index_cast %parallel_loop3A_272 : i32 to index
        %parallel_loop3A_277 = arith.constant 0 : index
        %parallel_loop3A_278 = tpu.vector_load %arg13[%parallel_loop3A_276, %parallel_loop3A_277] {strides = array<i32>} : memref<200x64xf32, #tpu.memory_space<vmem>>, vector<16xf32>,
        %parallel_loop3A_279 = arith.addf %parallel_loop3A_275, %parallel_loop3A_278 : vector<16xf32>
        %parallel_loop3A_280 = arith.index_cast %parallel_loop3A_272 : i32 to index
        %parallel_loop3A_281 = arith.constant 16 : index
        %parallel_loop3A_282 = tpu.vector_load %arg10[%parallel_loop3A_280, %parallel_loop3A_281] {strides = array<i32>} : memref<200x64xf32, #tpu.memory_space<vmem>>, vector<16xf32>,
        %parallel_loop3A_283 = arith.index_cast %parallel_loop3A_272 : i32 to index
        %parallel_loop3A_284 = arith.constant 16 : index
        %parallel_loop3A_285 = tpu.vector_load %arg13[%parallel_loop3A_283, %parallel_loop3A_284] {strides = array<i32>} : memref<200x64xf32, #tpu.memory_space<vmem>>, vector<16xf32>,
        %parallel_loop3A_286 = arith.addf %parallel_loop3A_282, %parallel_loop3A_285 : vector<16xf32>
        %parallel_loop3A_287 = arith.index_cast %parallel_loop3A_272 : i32 to index
        %parallel_loop3A_288 = arith.constant 32 : index
        %parallel_loop3A_289 = tpu.vector_load %arg10[%parallel_loop3A_287, %parallel_loop3A_288] {strides = array<i32>} : memref<200x64xf32, #tpu.memory_space<vmem>>, vector<16xf32>,
        %parallel_loop3A_290 = arith.index_cast %parallel_loop3A_272 : i32 to index
        %parallel_loop3A_291 = arith.constant 32 : index
        %parallel_loop3A_292 = tpu.vector_load %arg13[%parallel_loop3A_290, %parallel_loop3A_291] {strides = array<i32>} : memref<200x64xf32, #tpu.memory_space<vmem>>, vector<16xf32>,
        %parallel_loop3A_293 = arith.addf %parallel_loop3A_289, %parallel_loop3A_292 : vector<16xf32>
        %parallel_loop3A_294 = arith.index_cast %parallel_loop3A_272 : i32 to index
        %parallel_loop3A_295 = arith.constant 48 : index
        %parallel_loop3A_296 = tpu.vector_load %arg10[%parallel_loop3A_294, %parallel_loop3A_295] {strides = array<i32>} : memref<200x64xf32, #tpu.memory_space<vmem>>, vector<16xf32>,
        %parallel_loop3A_297 = arith.index_cast %parallel_loop3A_272 : i32 to index
        %parallel_loop3A_298 = arith.constant 48 : index
        %parallel_loop3A_299 = tpu.vector_load %arg13[%parallel_loop3A_297, %parallel_loop3A_298] {strides = array<i32>} : memref<200x64xf32, #tpu.memory_space<vmem>>, vector<16xf32>,
        %parallel_loop3A_300 = arith.addf %parallel_loop3A_296, %parallel_loop3A_299 : vector<16xf32>
        %parallel_loop3A_301 = arith.addf %parallel_loop3A_279, %parallel_loop3A_286 : vector<16xf32>
        %parallel_loop3A_302 = arith.addf %parallel_loop3A_293, %parallel_loop3A_300 : vector<16xf32>
        %parallel_loop3A_303 = arith.addf %parallel_loop3A_301, %parallel_loop3A_302 : vector<16xf32>
        %parallel_loop3A_304 = arith.mulf %parallel_loop3A_279, %parallel_loop3A_279 : vector<16xf32>
        %parallel_loop3A_305 = arith.mulf %parallel_loop3A_286, %parallel_loop3A_286 : vector<16xf32>
        %parallel_loop3A_306 = arith.addf %parallel_loop3A_304, %parallel_loop3A_305 : vector<16xf32>
        %parallel_loop3A_307 = arith.mulf %parallel_loop3A_293, %parallel_loop3A_293 : vector<16xf32>
        %parallel_loop3A_308 = arith.mulf %parallel_loop3A_300, %parallel_loop3A_300 : vector<16xf32>
        %parallel_loop3A_309 = arith.addf %parallel_loop3A_307, %parallel_loop3A_308 : vector<16xf32>
        %parallel_loop3A_310 = arith.addf %parallel_loop3A_306, %parallel_loop3A_309 : vector<16xf32>
        %parallel_loop3A_311 = arith.constant true
        %parallel_loop3A_312 = vector.broadcast %parallel_loop3A_311 : i1 to vector<16xi1>
        %parallel_loop3A_313 = tpu.scan <sum>, %parallel_loop3A_303 masked %parallel_loop3A_312 : vector<16xf32>, vector<16xi1> -> vector<16xf32>
        %parallel_loop3A_314 = vector.extract %parallel_loop3A_313[15] : f32 from vector<16xf32>
        %parallel_loop3A_315 = arith.constant 1.562500e-02 : f32
        %parallel_loop3A_316 = arith.mulf %parallel_loop3A_314, %parallel_loop3A_315 : f32
        %parallel_loop3A_317 = arith.constant true
        %parallel_loop3A_318 = vector.broadcast %parallel_loop3A_317 : i1 to vector<16xi1>
        %parallel_loop3A_319 = tpu.scan <sum>, %parallel_loop3A_310 masked %parallel_loop3A_318 : vector<16xf32>, vector<16xi1> -> vector<16xf32>
        %parallel_loop3A_320 = vector.extract %parallel_loop3A_319[15] : f32 from vector<16xf32>
        %parallel_loop3A_321 = arith.constant 1.562500e-02 : f32
        %parallel_loop3A_322 = arith.mulf %parallel_loop3A_320, %parallel_loop3A_321 : f32
        %parallel_loop3A_323 = arith.mulf %parallel_loop3A_316, %parallel_loop3A_316 : f32
        %parallel_loop3A_324 = arith.subf %parallel_loop3A_322, %parallel_loop3A_323 : f32
        %parallel_loop3A_325 = arith.constant 9.99999974E-6 : f32
        %parallel_loop3A_326 = arith.addf %parallel_loop3A_324, %parallel_loop3A_325 : f32
        %parallel_loop3A_327 = arith.bitcast %parallel_loop3A_326 : f32 to i32
        %parallel_loop3A_328 = arith.constant 1 : i32
        %parallel_loop3A_329 = arith.shrsi %parallel_loop3A_327, %parallel_loop3A_328 : i32
        %parallel_loop3A_330 = arith.constant 1597463007 : i32
        %parallel_loop3A_331 = arith.subi %parallel_loop3A_330, %parallel_loop3A_329 : i32
        %parallel_loop3A_332 = arith.bitcast %parallel_loop3A_331 : i32 to f32
        %parallel_loop3A_333 = arith.constant 5.000000e-01 : f32
        %parallel_loop3A_334 = arith.mulf %parallel_loop3A_333, %parallel_loop3A_326 : f32
        %parallel_loop3A_335 = arith.mulf %parallel_loop3A_334, %parallel_loop3A_332 : f32
        %parallel_loop3A_336 = arith.mulf %parallel_loop3A_335, %parallel_loop3A_332 : f32
        %parallel_loop3A_337 = arith.constant 1.500000e+00 : f32
        %parallel_loop3A_338 = arith.subf %parallel_loop3A_337, %parallel_loop3A_336 : f32
        %parallel_loop3A_339 = arith.mulf %parallel_loop3A_332, %parallel_loop3A_338 : f32
        %parallel_loop3A_340 = arith.mulf %parallel_loop3A_334, %parallel_loop3A_339 : f32
        %parallel_loop3A_341 = arith.mulf %parallel_loop3A_340, %parallel_loop3A_339 : f32
        %parallel_loop3A_342 = arith.constant 1.500000e+00 : f32
        %parallel_loop3A_343 = arith.subf %parallel_loop3A_342, %parallel_loop3A_341 : f32
        %parallel_loop3A_344 = arith.mulf %parallel_loop3A_339, %parallel_loop3A_343 : f32
        %parallel_loop3A_345 = arith.mulf %parallel_loop3A_316, %parallel_loop3A_344 : f32
        %parallel_loop3A_346 = vector.broadcast %parallel_loop3A_344 : f32 to vector<16xf32>
        %parallel_loop3A_347 = arith.mulf %parallel_loop3A_279, %parallel_loop3A_346 : vector<16xf32>
        %parallel_loop3A_348 = vector.broadcast %parallel_loop3A_345 : f32 to vector<16xf32>
        %parallel_loop3A_349 = arith.subf %parallel_loop3A_347, %parallel_loop3A_348 : vector<16xf32>
        %parallel_loop3A_350 = arith.mulf %parallel_loop3A_349, %get3A_5 : vector<16xf32>
        %parallel_loop3A_351 = arith.addf %parallel_loop3A_350, %get3A_13 : vector<16xf32>
        %parallel_loop3A_352 = arith.index_cast %parallel_loop3A_272 : i32 to index
        %parallel_loop3A_353 = arith.constant 0 : index
        %parallel_loop3A_354 = tpu.vector_load %arg12[%parallel_loop3A_352, %parallel_loop3A_353] {strides = array<i32>} : memref<200x64xf32, #tpu.memory_space<vmem>>, vector<16xf32>,
        tpu.vector_store %arg12[%parallel_loop3A_352, %parallel_loop3A_353], %parallel_loop3A_351 {strides = array<i32>} : memref<200x64xf32, #tpu.memory_space<vmem>>, vector<16xf32>,
        %parallel_loop3A_355 = vector.broadcast %parallel_loop3A_344 : f32 to vector<16xf32>
        %parallel_loop3A_356 = arith.mulf %parallel_loop3A_286, %parallel_loop3A_355 : vector<16xf32>
        %parallel_loop3A_357 = vector.broadcast %parallel_loop3A_345 : f32 to vector<16xf32>
        %parallel_loop3A_358 = arith.subf %parallel_loop3A_356, %parallel_loop3A_357 : vector<16xf32>
        %parallel_loop3A_359 = arith.mulf %parallel_loop3A_358, %get3A_7 : vector<16xf32>
        %parallel_loop3A_360 = arith.addf %parallel_loop3A_359, %get3A_15 : vector<16xf32>
        %parallel_loop3A_361 = arith.index_cast %parallel_loop3A_272 : i32 to index
        %parallel_loop3A_362 = arith.constant 16 : index
        %parallel_loop3A_363 = tpu.vector_load %arg12[%parallel_loop3A_361, %parallel_loop3A_362] {strides = array<i32>} : memref<200x64xf32, #tpu.memory_space<vmem>>, vector<16xf32>,
        tpu.vector_store %arg12[%parallel_loop3A_361, %parallel_loop3A_362], %parallel_loop3A_360 {strides = array<i32>} : memref<200x64xf32, #tpu.memory_space<vmem>>, vector<16xf32>,
        %parallel_loop3A_364 = vector.broadcast %parallel_loop3A_344 : f32 to vector<16xf32>
        %parallel_loop3A_365 = arith.mulf %parallel_loop3A_293, %parallel_loop3A_364 : vector<16xf32>
        %parallel_loop3A_366 = vector.broadcast %parallel_loop3A_345 : f32 to vector<16xf32>
        %parallel_loop3A_367 = arith.subf %parallel_loop3A_365, %parallel_loop3A_366 : vector<16xf32>
        %parallel_loop3A_368 = arith.mulf %parallel_loop3A_367, %get3A_9 : vector<16xf32>
        %parallel_loop3A_369 = arith.addf %parallel_loop3A_368, %get3A_17 : vector<16xf32>
        %parallel_loop3A_370 = arith.index_cast %parallel_loop3A_272 : i32 to index
        %parallel_loop3A_371 = arith.constant 32 : index
        %parallel_loop3A_372 = tpu.vector_load %arg12[%parallel_loop3A_370, %parallel_loop3A_371] {strides = array<i32>} : memref<200x64xf32, #tpu.memory_space<vmem>>, vector<16xf32>,
        tpu.vector_store %arg12[%parallel_loop3A_370, %parallel_loop3A_371], %parallel_loop3A_369 {strides = array<i32>} : memref<200x64xf32, #tpu.memory_space<vmem>>, vector<16xf32>,
        %parallel_loop3A_373 = vector.broadcast %parallel_loop3A_344 : f32 to vector<16xf32>
        %parallel_loop3A_374 = arith.mulf %parallel_loop3A_300, %parallel_loop3A_373 : vector<16xf32>
        %parallel_loop3A_375 = vector.broadcast %parallel_loop3A_345 : f32 to vector<16xf32>
        %parallel_loop3A_376 = arith.subf %parallel_loop3A_374, %parallel_loop3A_375 : vector<16xf32>
        %parallel_loop3A_377 = arith.mulf %parallel_loop3A_376, %get3A_11 : vector<16xf32>
        %parallel_loop3A_378 = arith.addf %parallel_loop3A_377, %get3A_19 : vector<16xf32>
        %parallel_loop3A_379 = arith.index_cast %parallel_loop3A_272 : i32 to index
        %parallel_loop3A_380 = arith.constant 48 : index
        %parallel_loop3A_381 = tpu.vector_load %arg12[%parallel_loop3A_379, %parallel_loop3A_380] {strides = array<i32>} : memref<200x64xf32, #tpu.memory_space<vmem>>, vector<16xf32>,
        tpu.vector_store %arg12[%parallel_loop3A_379, %parallel_loop3A_380], %parallel_loop3A_378 {strides = array<i32>} : memref<200x64xf32, #tpu.memory_space<vmem>>, vector<16xf32>,
      } {sc.loop_unroll_factor = 4 : i64, sc.parallel_access}
      %add3A_239 = arith.addi %mul3A_4, %add3A_220 : i32
      %dma_start3A_240 = arith.constant 0 : i32
      %dma_start3A_241 = arith.constant 0 : i32
      %dma_start3A_242 = tpu.memref_slice %arg7[%add3A_239, %dma_start3A_240, %dma_start3A_241] : memref<4096x200x64xf32, #tpu.memory_space<hbm>> -> memref<1x200x64xf32, #tpu.memory_space<hbm>>
      %dma_start3A_243 = tpu.memref_squeeze %dma_start3A_242 : memref<1x200x64xf32, #tpu.memory_space<hbm>> -> memref<200x64xf32, #tpu.memory_space<hbm>>
      %dma_start3A_244 = arith.constant 0 : i32
      %dma_start3A_245 = arith.constant 0 : i32
      %dma_start3A_246 = tpu.memref_slice %arg7[%add3A_239, %dma_start3A_244, %dma_start3A_245] : memref<4096x200x64xf32, #tpu.memory_space<hbm>> -> memref<1x200x64xf32, #tpu.memory_space<hbm>>
      %dma_start3A_247 = tpu.memref_squeeze %dma_start3A_246 : memref<1x200x64xf32, #tpu.memory_space<hbm>> -> memref<200x64xf32, #tpu.memory_space<hbm>>
      tpu.enqueue_dma source(%arg12 : memref<200x64xf32, #tpu.memory_space<vmem>>) target(%dma_start3A_247 : memref<200x64xf32, #tpu.memory_space<hbm>>) target_semaphore(%arg19 : memref<!tpu.dma_semaphore, #tpu.memory_space<semaphore_mem>>)
      %add3A_248 = arith.constant 2 : i32
      %add3A_249 = arith.addi %add3A_220, %add3A_248 : i32
      %min3A_250 = arith.constant 127 : i32
      %min3A_251 = arith.minsi %add3A_249, %min3A_250 : i32
      %mul3A_252 = arith.constant 200 : i32
      %mul3A_253 = arith.muli %min3A_251, %mul3A_252 : i32
      %add3A_254 = arith.constant 0 : i32
      %add3A_255 = arith.addi %mul3A_253, %add3A_254 : i32
      %dma_start3A_256 = arith.constant 0 : i32
      %dma_start3A_257 = arith.constant 0 : i32
      %dma_start3A_258 = tpu.memref_slice %arg10[%dma_start3A_256, %dma_start3A_257] : memref<200x64xf32, #tpu.memory_space<vmem>> -> memref<128x64xf32, #tpu.memory_space<vmem>>
      %dma_start3A_259 = tpu.memref_slice %arg8[%add3A_255] : memref<25600xi32, #tpu.memory_space<vmem>> -> memref<128xi32, #tpu.memory_space<vmem>>
      %dma_start3A_260 = arith.constant 0 : i32
      %dma_start3A_261 = arith.constant 0 : i32
      %dma_start3A_262 = tpu.memref_slice %arg3[%dma_start3A_260, %dma_start3A_261] : memref<100000x64xf32, #tpu.memory_space<hbm>> -> memref<100000x64xf32, #tpu.memory_space<hbm>>
      tpu.enqueue_indirect_dma source(%dma_start3A_262 : memref<100000x64xf32, #tpu.memory_space<hbm>>) target(%dma_start3A_258 : memref<128x64xf32, #tpu.memory_space<vmem>>) offsets(%dma_start3A_259 : memref<128xi32, #tpu.memory_space<vmem>>) semaphore(%arg17 : memref<!tpu.dma_semaphore, #tpu.memory_space<semaphore_mem>>)
      %add3A_263 = arith.constant 128 : i32
      %add3A_264 = arith.addi %mul3A_253, %add3A_263 : i32
      %dma_start3A_265 = arith.constant 128 : i32
      %dma_start3A_266 = arith.constant 0 : i32
      %dma_start3A_267 = tpu.memref_slice %arg10[%dma_start3A_265, %dma_start3A_266] : memref<200x64xf32, #tpu.memory_space<vmem>> -> memref<72x64xf32, #tpu.memory_space<vmem>>
      %dma_start3A_268 = tpu.memref_slice %arg8[%add3A_264] : memref<25600xi32, #tpu.memory_space<vmem>> -> memref<72xi32, #tpu.memory_space<vmem>>
      %dma_start3A_269 = arith.constant 0 : i32
      %dma_start3A_270 = arith.constant 0 : i32
      %dma_start3A_271 = tpu.memref_slice %arg3[%dma_start3A_269, %dma_start3A_270] : memref<100000x64xf32, #tpu.memory_space<hbm>> -> memref<100000x64xf32, #tpu.memory_space<hbm>>
      tpu.enqueue_indirect_dma source(%dma_start3A_271 : memref<100000x64xf32, #tpu.memory_space<hbm>>) target(%dma_start3A_267 : memref<72x64xf32, #tpu.memory_space<vmem>>) offsets(%dma_start3A_268 : memref<72xi32, #tpu.memory_space<vmem>>) semaphore(%arg17 : memref<!tpu.dma_semaphore, #tpu.memory_space<semaphore_mem>>)
    }
    %scan3A_133 = arith.constant 63 : i32
    %dma_wait3A_134 = arith.constant 0 : i32
    %dma_wait3A_135 = arith.constant 0 : i32
    %dma_wait3A_136 = tpu.memref_slice %arg3[%dma_wait3A_134, %dma_wait3A_135] : memref<100000x64xf32, #tpu.memory_space<hbm>> -> memref<200x64xf32, #tpu.memory_space<hbm>>
    %dma_wait3A_137 = arith.constant 0 : i32
    %dma_wait3A_138 = arith.constant 0 : i32
    %dma_wait3A_139 = tpu.memref_slice %arg3[%dma_wait3A_137, %dma_wait3A_138] : memref<100000x64xf32, #tpu.memory_space<hbm>> -> memref<200x64xf32, #tpu.memory_space<hbm>>
    tpu.wait_dma2 semaphore(%arg16 : memref<!tpu.dma_semaphore, #tpu.memory_space<semaphore_mem>>) src(%dma_wait3A_139 : memref<200x64xf32, #tpu.memory_space<hbm>>) dst(%arg9 : memref<200x64xf32, #tpu.memory_space<vmem>>)
    %dma_wait3A_140 = arith.constant 0 : i32
    %dma_wait3A_141 = arith.constant 0 : i32
    %dma_wait3A_142 = arith.constant 0 : i32
    %dma_wait3A_143 = tpu.memref_slice %arg7[%dma_wait3A_140, %dma_wait3A_141, %dma_wait3A_142] : memref<4096x200x64xf32, #tpu.memory_space<hbm>> -> memref<1x200x64xf32, #tpu.memory_space<hbm>>
    %dma_wait3A_144 = tpu.memref_squeeze %dma_wait3A_143 : memref<1x200x64xf32, #tpu.memory_space<hbm>> -> memref<200x64xf32, #tpu.memory_space<hbm>>
    %dma_wait3A_145 = arith.constant 0 : i32
    %dma_wait3A_146 = arith.constant 0 : i32
    %dma_wait3A_147 = tpu.memref_slice %arg7[%dma_wait3A_140, %dma_wait3A_145, %dma_wait3A_146] : memref<4096x200x64xf32, #tpu.memory_space<hbm>> -> memref<1x200x64xf32, #tpu.memory_space<hbm>>
    %dma_wait3A_148 = tpu.memref_squeeze %dma_wait3A_147 : memref<1x200x64xf32, #tpu.memory_space<hbm>> -> memref<200x64xf32, #tpu.memory_space<hbm>>
    tpu.wait_dma2 semaphore(%arg18 : memref<!tpu.dma_semaphore, #tpu.memory_space<semaphore_mem>>) src(%arg11 : memref<200x64xf32, #tpu.memory_space<vmem>>) dst(%dma_wait3A_148 : memref<200x64xf32, #tpu.memory_space<hbm>>)
    %dma_wait3A_149 = arith.constant 0 : i32
    %dma_wait3A_150 = arith.constant 0 : i32
    %dma_wait3A_151 = tpu.memref_slice %arg3[%dma_wait3A_149, %dma_wait3A_150] : memref<100000x64xf32, #tpu.memory_space<hbm>> -> memref<200x64xf32, #tpu.memory_space<hbm>>
    %dma_wait3A_152 = arith.constant 0 : i32
    %dma_wait3A_153 = arith.constant 0 : i32
    %dma_wait3A_154 = tpu.memref_slice %arg3[%dma_wait3A_152, %dma_wait3A_153] : memref<100000x64xf32, #tpu.memory_space<hbm>> -> memref<200x64xf32, #tpu.memory_space<hbm>>
    tpu.wait_dma2 semaphore(%arg17 : memref<!tpu.dma_semaphore, #tpu.memory_space<semaphore_mem>>) src(%dma_wait3A_154 : memref<200x64xf32, #tpu.memory_space<hbm>>) dst(%arg10 : memref<200x64xf32, #tpu.memory_space<vmem>>)
    %dma_wait3A_155 = arith.constant 0 : i32
    %dma_wait3A_156 = arith.constant 0 : i32
    %dma_wait3A_157 = arith.constant 0 : i32
    %dma_wait3A_158 = tpu.memref_slice %arg7[%dma_wait3A_155, %dma_wait3A_156, %dma_wait3A_157] : memref<4096x200x64xf32, #tpu.memory_space<hbm>> -> memref<1x200x64xf32, #tpu.memory_space<hbm>>
    %dma_wait3A_159 = tpu.memref_squeeze %dma_wait3A_158 : memref<1x200x64xf32, #tpu.memory_space<hbm>> -> memref<200x64xf32, #tpu.memory_space<hbm>>
    %dma_wait3A_160 = arith.constant 0 : i32
    %dma_wait3A_161 = arith.constant 0 : i32
    %dma_wait3A_162 = tpu.memref_slice %arg7[%dma_wait3A_155, %dma_wait3A_160, %dma_wait3A_161] : memref<4096x200x64xf32, #tpu.memory_space<hbm>> -> memref<1x200x64xf32, #tpu.memory_space<hbm>>
    %dma_wait3A_163 = tpu.memref_squeeze %dma_wait3A_162 : memref<1x200x64xf32, #tpu.memory_space<hbm>> -> memref<200x64xf32, #tpu.memory_space<hbm>>
    tpu.wait_dma2 semaphore(%arg19 : memref<!tpu.dma_semaphore, #tpu.memory_space<semaphore_mem>>) src(%arg12 : memref<200x64xf32, #tpu.memory_space<vmem>>) dst(%dma_wait3A_163 : memref<200x64xf32, #tpu.memory_space<hbm>>)
    return
  }
}

</mosaic_0001>

<sc_bundles>
// kernel: kernel.3.cloned.1.call-start
scs
__scs_entry_jumppad:
0x0: {  	(pc) =	sbr.rel $0x88, $3  }
0x1: {  	(tag) =	ssettag $0x0;
	lr =	simm.s32 $0x1  }
0x2: {  	[smem:$0x3F9C] =	sst lr;
	_ =	strace $0xD0000000  }
0x3: {  	_ = 	snop  }
0x4: {  	_ = 	snop  }
0x5: {  	_ = 	snop  }
0x6: {  	_ = 	snop  }
0x7: {  	_ = 	snop  }
__scs_overlays_trampoline_lowered:
0x8: {  	[smem:$0x3FAB] =	sst s0  }
0x9: {  	[smem:$0x3FAC] =	sst s1  }
0xa: {  	[smem:$0x3FAD] =	sst s2  }
0xb: {  	[smem:$0x3FAE] =	sst s3  }
0xc: {  	[smem:$0x3FAF] =	sst s4  }
0xd: {  	[smem:$0x3FB0] =	sst s5  }
0xe: {  	[smem:$0x3FB1] =	sst s6  }
0xf: {  	[smem:$0x3FB2] =	sst s7  }
0x10: {  	[smem:$0x3FB3] =	sst s8  }
0x11: {  	[smem:$0x3FB4] =	sst s9;
	s0 =	simm.s32 @!p0 $0x0  }
0x12: {  	s1 =	sld [smem:$0x3F9A];
	s0 =	simm.s32 @p0 $0x1  }
0x13: {  	[smem:$0x3FB5] =	sst s0;
	s0 =	simm.s32 @!p1 $0x0  }
0x14: {  	s2 =	sld [smem:$0x3F99];
	s0 =	simm.s32 @p1 $0x1  }
0x15: {  	[smem:$0x3FB6] =	sst s0;
	s0 =	simm.s32 @!p2 $0x0  }
0x16: {  	s3 =	sld [smem:$0x3FDB];
	s0 =	simm.s32 @p2 $0x1  }
0x17: {  	s4 =	simm.s32 $0x1BF5;
	[smem:$0x3FB8] =	sst s0  }
0x18: {  	s0 =	sld [smem:$0x3F9B];
	_ =	swait.ge [sflag:s4], $0x0  }
0x19: {  	s7 =	sld [smem:$0x3F9C]  }
0x1a: {  	s8 =	sadd.s32 $0xFFFFE003, lr  }
0x1b: {  	s9 =	sadd.s32 $0xFFFFFEF7, lr;
	s5 =	simm.s32 $0xFFFFFFFF;
	p2 =	slt.u32 s8, $0xFFFFF086  }
0x1c: {  	p1 =	slt.u32 s9, $0xF7A;
	s5 =	simm.s32 @!p2 $0x0  }
0x1d: {  	s5 =	simm.s32 @p1 $0x1;
	p0 =	seq.s32 s7, s2  }
0x1e: {  	s7 =	smul.u32 @!p0 $0xF7A, s2;
	p2 =	seq.s32 @!p0 s5, $0x0  }
0x1f: {  	s9 =	smul.u32 $0xF7A, s1;
	s8 =	simm.s32 @!p0 $0x1BF5;
	p2 =	por !p2, p0  }
0x20: {  	[sflag:s8] =	ssyncset.s32 @!p0 $0xFFFFF086;
	s6 =	sadd.s32 @!p0 s3, s7;
	s7 =	simm.s32 @!p0 $0x108  }
0x21: {  	s3 =	sadd.s32 s3, s9;
	s6 =	sadd.s32 @!p0 $0x88, s6;
	s7 =	simm.s32 @p2 $0x1082  }
0x22: {  	[simem:s7], [sflag:s8] =	dma.local @!p0 [hbm:s6], $0xF7A  }
0x23: {  	s9 =	sor.u32 $0xD0000000, s2;
	s6 =	simm.s32 $0x108;
	_ =	swait.ge @!p0 [sflag:s8], $0x0  }
0x24: {  	s3 =	sadd.s32 $0x88, s3;
	s6 =	simm.s32 @!p1 $0x1082;
	[sflag:s4] =	ssyncset.s32 $0xFFFFF086  }
0x25: {  	[simem:s6], [sflag:s4] =	dma.local [hbm:s3], $0xF7A  }
0x26: {  	[smem:$0x3F9C] =	sst s1;
	(tag) =	ssettag s2;
	_ =	strace s9  }
0x27: {  	s1 =	sld [smem:$0x3FAC]  }
0x28: {  	s2 =	sld [smem:$0x3FAD]  }
0x29: {  	s4 =	sld [smem:$0x3FAF]  }
0x2a: {  	p0 =	seq.s32 s5, $0x0;
	s5 =	sld [smem:$0x3FB0]  }
0x2b: {  	s6 =	sld [smem:$0x3FB1]  }
0x2c: {  	s7 =	sld [smem:$0x3FB2]  }
0x2d: {  	s3 =	simm.s32 $0x108;
	s8 =	sld [smem:$0x3FB3]  }
0x2e: {  	s3 =	simm.s32 @!p0 $0x1082;
	s9 =	sld [smem:$0x3FB4]  }
0x2f: {  	lr =	sadd.s32 s0, s3;
	s0 =	sld [smem:$0x3FAB]  }
0x30: {  	s3 =	sld [smem:$0x3FAE]  }
0x31: {  	[smem:$0x3FB7] =	sst s10  }
0x32: {  	s10 =	sld [smem:$0x3FB5];
	_ =	sdelay $0x3  }
0x33: {  	p0 =	seq.s32 s10, $0x1;
	s10 =	sld [smem:$0x3FB7];
	_ =	sdelay $0x3  }
0x34: {  	[smem:$0x3FB7] =	sst s10  }
0x35: {  	s10 =	sld [smem:$0x3FB6];
	_ =	sdelay $0x3  }
0x36: {  	p1 =	seq.s32 s10, $0x1;
	s10 =	sld [smem:$0x3FB7];
	_ =	sdelay $0x3  }
0x37: {  	[smem:$0x3FB7] =	sst s10  }
0x38: {  	s10 =	sld [smem:$0x3FB8]  }
0x39: {  	_ = 	snop;
	(pc) =	sbr.ind lr, $3  }
0x3a: {  	_ = 	snop  }
0x3b: {  	_ = 	snop  }
0x3c: {  	p2 =	seq.s32 s10, $0x1;
	s10 =	sld [smem:$0x3FB7]  }
0x3d: {  	_ =	shalt  }
0x3e: {  	_ =	shalt  }
0x3f: {  	_ =	shalt  }
0x40: {  	_ =	shalt  }
0x41: {  	_ =	shalt  }
0x42: {  	_ =	shalt  }
0x43: {  	_ =	shalt  }
0x44: {  	_ =	shalt  }
0x45: {  	_ =	shalt  }
0x46: {  	_ =	shalt  }
0x47: {  	_ =	shalt  }
0x48: {  	_ =	shalt  }
0x49: {  	_ =	shalt  }
0x4a: {  	_ =	shalt  }
0x4b: {  	_ =	shalt  }
0x4c: {  	_ =	shalt  }
0x4d: {  	_ =	shalt  }
0x4e: {  	_ =	shalt  }
0x4f: {  	_ =	shalt  }
0x50: {  	_ =	shalt  }
0x51: {  	_ =	shalt  }
0x52: {  	_ =	shalt  }
0x53: {  	_ =	shalt  }
0x54: {  	_ =	shalt  }
0x55: {  	_ =	shalt  }
0x56: {  	_ =	shalt  }
0x57: {  	_ =	shalt  }
0x58: {  	_ =	shalt  }
0x59: {  	_ =	shalt  }
0x5a: {  	_ =	shalt  }
0x5b: {  	_ =	shalt  }
0x5c: {  	_ =	shalt  }
0x5d: {  	_ =	shalt  }
0x5e: {  	_ =	shalt  }
0x5f: {  	_ =	shalt  }
0x60: {  	_ =	shalt  }
0x61: {  	_ =	shalt  }
0x62: {  	_ =	shalt  }
0x63: {  	_ =	shalt  }
0x64: {  	_ =	shalt  }
0x65: {  	_ =	shalt  }
0x66: {  	_ =	shalt  }
0x67: {  	_ =	shalt  }
0x68: {  	_ =	shalt  }
0x69: {  	_ =	shalt  }
0x6a: {  	_ =	shalt  }
0x6b: {  	_ =	shalt  }
0x6c: {  	_ =	shalt  }
0x6d: {  	_ =	shalt  }
0x6e: {  	_ =	shalt  }
0x6f: {  	_ =	shalt  }
0x70: {  	_ =	shalt  }
0x71: {  	_ =	shalt  }
0x72: {  	_ =	shalt  }
0x73: {  	_ =	shalt  }
0x74: {  	_ =	shalt  }
0x75: {  	_ =	shalt  }
0x76: {  	_ =	shalt  }
0x77: {  	_ =	shalt  }
0x78: {  	_ =	shalt  }
0x79: {  	_ =	shalt  }
0x7a: {  	_ =	shalt  }
0x7b: {  	_ =	shalt  }
0x7c: {  	_ =	shalt  }
0x7d: {  	_ =	shalt  }
0x7e: {  	_ =	shalt  }
0x7f: {  	_ =	shalt  }
0x80: {  	_ =	shalt  }
0x81: {  	_ =	shalt  }
0x82: {  	_ =	shalt  }
0x83: {  	_ =	shalt  }
0x84: {  	_ =	shalt  }
0x85: {  	_ =	shalt  }
0x86: {  	_ =	shalt  }
0x87: {  	_ =	shalt  }
.Lfunc_end0:
.L_simem_size_0:
called_computation.1_lowered:
.L_overlay_start_0:
0x88: {  	s2 =	sld [smem:$0x3FD9]  }
0x89: {  	s3 =	sld [smem:$0x3FFE];
	_ =	sdelay $0x1  }
0x8a: {  	s1 =	srdreg.scid  }
0x8b: {  	s0 =	sand.u32 $0x1, s1  }
0x8c: {  	s17 =	sshll.u32 s0, $0xA;
	s2 =	sadd.s32 s3, s2  }
0x8d: {  	s2 =	sadd.s32 s2, s17  }
0x8e: {  	[smem:$0x3FC3] =	sst s2  }
0x8f: {  	_ = 	snop  }
0x90: {  	s2 =	sld [smem:$0x3FC6]  }
0x91: {  	s18 =	sld [smem:$0x3FC5]  }
0x92: {  	s4 =	sld [smem:$0x3FD0];
	(tm) =	ssettm $0x1  }
0x93: {  	s5 =	sld [smem:$0x3FFB];
	_ =	sdelay $0x3  }
0x94: {  	_ =	strace s5  }
0x95: {  	s5 =	sld [smem:$0x3FFC];
	_ =	sdelay $0x3  }
0x96: {  	_ =	strace s5  }
0x97: {  	s5 =	sld [smem:$0x3FFD];
	_ =	sdelay $0x3  }
0x98: {  	_ =	strace s5  }
0x99: {  	_ =	strace $0x8FFFFFFF  }
0x9a: {  	s19 =	sld [smem:$0x3FDB];
	_ =	sdelay $0x1  }
0x9b: {  	s6 =	simm.s32 $_scs_section_size  }
0x9c: {  	s7 =	simm.s32 $_size__tile_overlayer_lowered;
	s8 =	simm.s32 $_tile_overlayer_lowered  }
0x9d: {  	s22 =	simm.s32 $0x1BFF;
	s21 =	sshll.u32 s8, $0x1;
	s5 =	sadd.s32 s6, s19  }
0x9e: {  	s9 =	simm.s32 $0x0;
	s20 =	sshll.u32 s7, $0x1;
	s7 =	sadd.s32 s21, s5  }
0x9f: {  	[timem:s9], [sflag:s22] =	dma.local [hbm:s7], s20  }
0xa0: {  	_ =	swait.ge [sflag:s22], s20  }
0xa1: {  	s6 =	ssub.s32 $0x0, s20;
	[sflag:s22] =	ssyncset.done $0x0  }
0xa2: {  	[sflag:s22] =	ssyncadd.s32 s6;
	_ =	sdelay $0x1  }
0xa3: {  	s23 =	simm.s32 $0x1B8B  }
0xa4: {  	_ =	swait.ge [sflag:s23], $0x1  }
0xa5: {  	[sflag:s23] =	ssyncset.done $0x0  }
0xa6: {  	s25 =	simm.s32 $0x1B8E;
	s24 =	sld [smem:$0x3FFE];
	[sflag:s23] =	ssyncadd.s32 $0xFFFFFFFF  }
0xa7: {  	s26 =	simm.s32 $execute0_lowered;
	[smem:$0x3FD2] =	sst s25  }
0xa8: {  	s7 =	sshll.u32 s26, $0x1;
	_ =	strace $0x80000046;
	[dreg:$0x1] =	wrdreg $0xFFFFFFFF  }
0xa9: {  	s28 =	simm.s32 $_size_execute0_lowered;
	s5 =	sadd.s32 s5, s7;
	[dreg:$0x0] =	wrdreg $0x0  }
0xaa: {  	s7 =	sshll.u32 s28, $0x1;
	[dreg:$0x2] =	wrdreg s5  }
0xab: {  	[dreg:$0x3] =	wrdreg s7  }
0xac: {  	[dreg:$0x4] =	wrdreg $0xC0  }
0xad: {  	_ =	task [dreg:s9], $0x5FFFF  }
0xae: {  	[dreg:$0x1] =	wrdreg $0xFFFFFFFF  }
0xaf: {  	[dreg:$0x0] =	wrdreg $0x60  }
0xb0: {  	[dreg:$0x2] =	wrdreg s24  }
0xb1: {  	[dreg:$0x3] =	wrdreg s2  }
0xb2: {  	[dreg:$0x4] =	wrdreg s18  }
0xb3: {  	[dreg:$0x5] =	wrdreg s4  }
0xb4: {  	[dreg:$0x6] =	wrdreg $0x9  }
0xb5: {  	_ =	task.clear_ibuf [dreg:s9], $0x7FFFF;
	_ =	strace $0x90000046  }
0xb6: {  	s29 =	simm.s32 $0x9;
	_ =	strace $0x80000048  }
0xb7: {  	_ =	swait.ge [sflag:s29], $0x1  }
0xb8: {  	[sflag:s29] =	ssyncadd.s32 $0xFFFFFFFF  }
0xb9: {  	_ =	strace $0x90000048  }
0xba: {  	_ =	sfence  }
0xbb: {  	s30 =	sld [smem:$0x0];
	_ =	sdelay $0x2  }
0xbc: {  	s31 =	sshll.u32 s1, $0xD;
	s1 =	sshrl.u32 s1, $0x2  }
0xbd: {  	s3 =	sand.u32 $0x4000, s31;
	s1 =	sadd.s32 s1, s30  }
0xbe: {  	s0 =	sor.u32 s3, s0;
	s1 =	sshll.u32 s1, $0x11  }
0xbf: {  	s0 =	sor.u32 s1, s0  }
0xc0: {  	s0 =	sadd.s32 $0x8F2B, s0  }
0xc1: {  	[sflag:s0] =	ssyncadd.remote.s32 $0x1  }
0xc2: {  	_ =	sfence.sel $0xFFFF  }
0xc3: {  	[dreg:$0x0] =	wrdreg $0xFFFFFFFF;
	(pc) =	sbr.abs _section_cstart, $3  }
0xc4: {  	[dreg:$0x1] =	wrdreg $0xFFFFFFFF  }
0xc5: {  	_ =	task.clear_ibuf [dreg:s9], $0x2FFFF;
	_ =	strace $0x9FFFFFFF  }
0xc6: {  	(tm) =	ssettm $0x7FFFFFFF  }
0xc7: {  	_ =	shalt  }
tec
execute0_lowered:
.L_overlay_start_1:
0x0: {  	(tag) =	ssettag $0x1  }
0x1: {  	s0 =	rddreg [dreg:$0x0]  }
0x2: {  	s1 =	srdreg.scid;
	s2 =	stileid.u32  }
0x3: {  	s5 =	rddreg [dreg:$0x3];
	s1 =	sand.u32 $0x1, s1;
	s2 =	sshll.u32 s2, $0x1  }
0x4: {  	s3 =	simm.s32 $0x0;
	s24 =	simm.s32 $0x48;
	s2 =	sor.u32 s1, s2  }
0x5: {  	s25 =	simm.s32 $0x1;
	s30 =	simm.s32 $0x2;
	s26 =	smul.u32 $0xC80, s2  }
0x6: {  	[smem:$0x7FF] =	sst s3;
	s6 =	sadd.s32 $0x1A000, s0;
	s7 =	smul.u32 $0x32000, s2  }
0x7: {  	_ =	strace $0x80000047;
	s3 =	sadd.s32 s26, s0;
	s0 =	sadd.s32 $0x800, s0  }
0x8: {  	s1 =	ssub.s32 $0x2, s1;
	s29 =	sadd.s32 s5, s7;
	[dreg:$0x5] =	wrdreg s0  }
0x9: {  	s8 =	sshrl.u32 s1, $0x1;
	s31 =	sadd.s32 $0x1000, s3;
	[dreg:$0x6] =	wrdreg s29  }
0xa: {  	s28 =	ssub.s32 s1, s8;
	s1 =	sadd.s32 $0x640, s29;
	[dreg:$0x7] =	wrdreg s31  }
0xb: {  	s9 =	sshll.u32 s2, $0x7;
	s0 =	smax.u32 s28, $0x1;
	[dreg:$0x8] =	wrdreg s1  }
0xc: {  	s2 =	simm.s32 $0x0;
	s3 =	simm.s32 $0x0;
	[dreg:$0x9] =	wrdreg s0  }
.LBB2_1:
0xd: {  	[dreg:$0xa] =	wrdreg s2  }
0xe: {  	s0 =	rddreg [dreg:$0x7];
	s1 =	simm.s32 $0x5  }
0xf: {  	[tilespmem:s3], [sflag:$0x5] =	stream.linear.gather [hbm4b:s0+s3], $0x6400, $0x38;
	[tilespmem:$0x15E80] =	vst v63  }
0x10: {  	_ =	swait.ge [sflag:s1], $0x6400  }
0x11: {  	[sflag:s1] =	ssyncset.done $0x0  }
0x12: {  	s21 =	simm.s32 $0x12C00;
	s20 =	rddreg [dreg:$0x5];
	[sflag:s1] =	ssyncadd.s32 $0xFFFF9C00  }
0x13: {  	[tilespmem:s21], [sflag:$0x5] =	stream.linear.gather [hbm4b:s20+s3], $0x3200, $0x38;
	[tilespmem:$0x15E80] =	vst v63  }
0x14: {  	_ =	swait.ge [sflag:s1], $0x3200  }
0x15: {  	[sflag:s1] =	ssyncset.done $0x0  }
0x16: {  	[sflag:s1] =	ssyncadd.s32 $0xFFFFCE00  }
0x17: {  	s23 =	simm.s32 $0x15E00;
	s22 =	rddreg [dreg:$0x1]  }
0x18: {  	[tilespmem:s23], [sflag:$0x5] =	stream.linear.gather [hbm4b:s22+s3], $0x40, $0x38;
	[tilespmem:$0x15E80] =	vst v63  }
0x19: {  	_ =	swait.ge [sflag:s1], $0x40  }
0x1a: {  	[sflag:s1] =	ssyncset.done $0x0  }
0x1b: {  	[sflag:s1] =	ssyncadd.s32 $0xFFFFFFC0  }
0x1c: {  	s31 =	simm.s32 $0x15E40;
	s26 =	rddreg [dreg:$0x2]  }
0x1d: {  	[tilespmem:s31], [sflag:$0x5] =	stream.linear.gather [hbm4b:s26+s3], $0x40, $0x38;
	[tilespmem:$0x15E80] =	vst v63  }
0x1e: {  	_ =	swait.ge [sflag:s1], $0x40  }
0x1f: {  	[sflag:s1] =	ssyncset.done $0x0  }
0x20: {  	[sflag:s1] =	ssyncadd.s32 $0xFFFFFFC0  }
0x21: {  	v0 =	vld [tilespmem:$0x15E00]  }
0x22: {  	v1 =	vld [tilespmem:$0x15E10]  }
0x23: {  	v2 =	vld [tilespmem:$0x15E20]  }
0x24: {  	v3 =	vld [tilespmem:$0x15E30]  }
0x25: {  	v4 =	vld [tilespmem:$0x15E40]  }
0x26: {  	v5 =	vld [tilespmem:$0x15E50]  }
0x27: {  	s4 =	simm.s32 $0x6400;
	s1 =	simm.s32 $0x80;
	v6 =	vld [tilespmem:$0x15E60]  }
0x28: {  	v7 =	vld [tilespmem:$0x15E70];
	[tilespmem:s4], [sflag:$0x1] =	stream.indirect.gather [hbm4b:s6+s1], $0x40, s3, s1, $0xb8  }
0x29: {  	s7 =	simm.s32 $0x8400  }
0x2a: {  	[tilespmem:s7], [sflag:$0x1] =	stream.indirect.gather [hbm4b:s6+s24], $0x40, s1, s24, $0xb8;
	[tilespmem:$0x15E80] =	vst v63  }
0x2b: {  	s8 =	simm.s32 $0xC8;
	s10 =	simm.s32 $0x9600  }
0x2c: {  	[tilespmem:s10], [sflag:$0x2] =	stream.indirect.gather [hbm4b:s6+s1], $0x40, s8, s1, $0xb8;
	[tilespmem:$0x15E80] =	vst v63  }
0x2d: {  	s11 =	simm.s32 $0x148;
	s12 =	simm.s32 $0xB600  }
0x2e: {  	[tilespmem:s12], [sflag:$0x2] =	stream.indirect.gather [hbm4b:s6+s24], $0x40, s11, s24, $0xb8;
	[tilespmem:$0x15E80] =	vst v63  }
0x2f: {  	_ =	swait.ge [sflag:s25], $0x3200  }
0x30: {  	[sflag:s25] =	ssyncset.done $0x0  }
0x31: {  	s13 =	simm.s32 $0x6480;
	[sflag:s25] =	ssyncadd.s32 $0xFFFFCE00  }
0x32: {  	s14 =	simm.s32 $0x12C80;
	v8 =	vld [tilespmem:s13+$0x40]  }
0x33: {  	v9 =	vld [tilespmem:s14+$0x40]  }
0x34: {  	v11 =	vld [tilespmem:s13+$0x50]  }
0x35: {  	v12 =	vld [tilespmem:s14+$0x50]  }
0x36: {  	v13 =	vld [tilespmem:s13+$0x60]  }
0x37: {  	v14 =	vld [tilespmem:s14+$0x60]  }
0x38: {  	v15 =	vld [tilespmem:s13+$0x70]  }
0x39: {  	v16 =	vld [tilespmem:s14+$0x70]  }
0x3a: {  	v17 =	vld [tilespmem:s14+$0xFFFFFF80]  }
0x3b: {  	v18 =	vld [tilespmem:s13+$0xFFFFFF90]  }
0x3c: {  	v19 =	vld [tilespmem:s14+$0xFFFFFF90]  }
0x3d: {  	v20 =	vld [tilespmem:s13+$0xFFFFFFA0]  }
0x3e: {  	v27 =	vld [tilespmem:s13+$0xFFFFFFC0]  }
0x3f: {  	v28 =	vld [tilespmem:s14+$0xFFFFFFC0];
	v10 =	vadd.f32 v9, v8;
	v9 =	vadd.f32 v12, v11  }
0x40: {  	v29 =	vld [tilespmem:s14+$0xFFFFFFD0];
	v8 =	vadd.f32 v14, v13;
	v11 =	vadd.f32 v16, v15  }
0x41: {  	v30 =	vld [tilespmem:s14+$0xFFFFFFE0];
	v14 =	vmul.f32 v10, v10;
	v15 =	vmul.f32 v9, v9  }
0x42: {  	v31 =	vld [tilespmem:s14+$0xFFFFFFF0];
	v21 =	vmul.f32 v8, v8;
	v22 =	vmul.f32 v11, v11  }
0x43: {  	v13 =	vld [tilespmem:s13+$0xFFFFFFB0];
	v23 =	vadd.f32 v9, v10;
	v24 =	vadd.f32 v11, v8  }
0x44: {  	v16 =	vld [tilespmem:s14+$0xFFFFFFB0];
	v14 =	vadd.f32 v15, v14;
	v15 =	vadd.f32 v22, v21  }
0x45: {  	v34 =	vld [tilespmem:s13+$0x10];
	v21 =	vadd.f32 v24, v23  }
0x46: {  	v12 =	vld [tilespmem:s14+$0xFFFFFFA0];
	v14 =	vadd.f32 v15, v14  }
0x47: {  	v26 =	vadd.f32 v19, v18;
	v18 =	vld [tilespmem:s14+$0x20];
	(xrf2) =	vadd.scan.msk.f32 $0xffff, v21  }
0x48: {  	v22 =	vld [tilespmem:s13+$0xFFFFFFD0];
	(xrf2) =	vadd.scan.msk.f32 $0xffff, v14  }
0x49: {  	v24 =	vadd.f32 v16, v13;
	v13 =	vld [tilespmem:s13+$0x20]  }
0x4a: {  	v15 =	vld [tilespmem:s13+$0xFFFFFFE0]  }
0x4b: {  	v14 =	vld [tilespmem:s13+$0xFFFFFFF0]  }
0x4c: {  	v25 =	vadd.f32 v12, v20;
	v12 =	vld [tilespmem:s14+$0x10]  }
0x4d: {  	v32 =	vld [tilespmem:s13+$0x0]  }
0x4e: {  	v33 =	vld [tilespmem:s14+$0x0];
	v23 =	vadd.f32 v28, v27;
	v16 =	vadd.f32 v24, v25  }
0x4f: {  	v19 =	vld [tilespmem:s13+$0x30];
	v21 =	vadd.f32 v29, v22;
	v22 =	vadd.f32 v30, v15  }
0x50: {  	v27 =	vmul.f32 v23, v23;
	v53 =	vadd.f32 v18, v13;
	v20 =	vadd.f32 v31, v14;
	v14 =	vld [tilespmem:s13+$0xFFFFFF80]  }
0x51: {  	v28 =	vmul.f32 v21, v21;
	v30 =	vadd.f32 v12, v34;
	v31 =	vld [tilespmem:s14+$0x30];
	v35 =	vmul.f32 v22, v22;
	v15, _, _ =	vpop (xrf2)  }
0x52: {  	v29 =	vadd.f32 v20, v22;
	v50 =	vmul.f32 v20, v20;
	(v2sf) =	vpush v15, $0xF;
	v15, _, _ =	vpop (xrf2)  }
0x53: {  	(v2sf) =	vpush v15, $0xF;
	v15 =	vadd.f32 v21, v23  }
0x54: {  	v36 =	vadd.f32 v28, v27;
	v13 =	vadd.f32 v50, v35  }
0x55: {  	v12 =	vadd.f32 v29, v15;
	v29 =	vadd.f32 v17, v14  }
0x56: {  	v28 =	vadd.f32 v33, v32;
	v31 =	vadd.f32 v31, v19  }
0x57: {  	s7 =	simm.s32 $0x12D80;
	v13 =	vadd.f32 v13, v36;
	v14 =	vadd.f32 v26, v29  }
0x58: {  	v54 =	vld [tilespmem:s7+$0x50];
	v15 =	vadd.f32 v31, v53;
	(xrf2) =	vadd.scan.msk.f32 $0xffff, v12;
	v12 =	vadd.f32 v30, v28  }
0x59: {  	v55 =	vld [tilespmem:s7+$0x60];
	v17 =	vmul.f32 v24, v24;
	(xrf2) =	vadd.scan.msk.f32 $0xffff, v13;
	v13 =	vmul.f32 v26, v26;
	v14 =	vadd.f32 v16, v14  }
0x5a: {  	s8 =	simm.s32 $0x6580;
	v58 =	vld [tilespmem:s7+$0xFFFFFF90];
	v16 =	vmul.f32 v25, v25;
	v12 =	vadd.f32 v15, v12;
	v15 =	vmul.f32 v29, v29  }
0x5b: {  	v37 =	vld [tilespmem:s8+$0xFFFFFFA0]  }
0x5c: {  	v38 =	vld [tilespmem:s7+$0xFFFFFFA0];
	v16 =	vadd.f32 v17, v16;
	v13 =	vadd.f32 v13, v15  }
0x5d: {  	v42 =	vld [tilespmem:s7+$0xFFFFFFC0]  }
0x5e: {  	v18 =	vmul.f32 v30, v30;
	v19 =	vmul.f32 v53, v53;
	(xrf2) =	vadd.scan.msk.f32 $0xffff, v14;
	v14 =	vld [tilespmem:s8+$0x40];
	v13 =	vadd.f32 v16, v13  }
0x5f: {  	v52 =	vmul.f32 v31, v31;
	v17 =	vmul.f32 v28, v28;
	v15 =	vld [tilespmem:s8+$0x50];
	(xrf2) =	vadd.scan.msk.f32 $0xffff, v12  }
0x60: {  	v12 =	vld [tilespmem:s7+$0x40];
	(xrf2) =	vadd.scan.msk.f32 $0xffff, v13  }
0x61: {  	v16 =	vld [tilespmem:s8+$0x60];
	v17 =	vadd.f32 v18, v17;
	v18 =	vadd.f32 v52, v19  }
0x62: {  	v13 =	vld [tilespmem:s8+$0x70]  }
0x63: {  	v17 =	vadd.f32 v18, v17;
	v18 =	vld [tilespmem:s7+$0x70]  }
0x64: {  	v43 =	vld [tilespmem:s8+$0xFFFFFFD0]  }
0x65: {  	v60 =	vld [tilespmem:s7+$0xFFFFFFD0]  }
0x66: {  	v62 =	vld [tilespmem:s8+$0xFFFFFFE0];
	v34 =	vadd.f32 v54, v15;
	v19, _, _ =	vpop (xrf2);
	v33 =	vadd.f32 v12, v14  }
0x67: {  	v63 =	vld [tilespmem:s8+$0x0];
	(v2sf) =	vpush v19, $0xF;
	v56, _, _ =	vpop (xrf2);
	v32 =	vadd.f32 v55, v16  }
0x68: {  	v44 =	vld [tilespmem:s7+$0x0];
	v15 =	vmul.f32 v34, v34;
	(v2sf) =	vpush v56, $0xF;
	v35 =	vadd.f32 v18, v13;
	v57, _, _ =	vpop (xrf2)  }
0x69: {  	v12 =	vld [tilespmem:s8+$0xFFFFFFB0];
	v14 =	vmul.f32 v33, v33;
	v39 =	vadd.f32 v34, v33;
	(v2sf) =	vpush v57, $0xF;
	v59, _, _ =	vpop (xrf2)  }
0x6a: {  	s15 =	spop (v2sf);
	v13 =	vld [tilespmem:s7+$0xFFFFFFB0];
	v40 =	vmul.f32 v32, v32;
	v41 =	vmul.f32 v35, v35;
	(v2sf) =	vpush v59, $0xF;
	v18, _, _ =	vpop (xrf2)  }
0x6b: {  	s11 =	smul.f32 $1.562500000e-02, s15;
	s16 =	spop (v2sf);
	v16 =	vld [tilespmem:s8+$0xFFFFFFC0];
	(v2sf) =	vpush v18, $0xF;
	v18 =	vadd.f32 v35, v32  }
0x6c: {  	(xrf2) =	vadd.scan.msk.f32 $0xffff, v17;
	v17 =	vld [tilespmem:s8+$0xFFFFFF90];
	s0 =	smul.f32 $1.562500000e-02, s16;
	v14 =	vadd.f32 v15, v14;
	v15 =	vadd.f32 v41, v40  }
0x6d: {  	v19 =	vld [tilespmem:s7+$0xFFFFFF80];
	s17 =	smul.f32 s11, s11;
	v18 =	vadd.f32 v18, v39  }
0x6e: {  	v14 =	vadd.f32 v15, v14;
	v15 =	vld [tilespmem:s7+$0xFFFFFFE0]  }
0x6f: {  	s0 =	ssub.f32 s0, s17;
	v50 =	vadd.f32 v13, v12;
	(xrf2) =	vadd.scan.msk.f32 $0xffff, v18;
	v18 =	vld [tilespmem:s8+$0xFFFFFFF0]  }
0x70: {  	v42 =	vadd.f32 v42, v16;
	(xrf2) =	vadd.scan.msk.f32 $0xffff, v14;
	v14 =	vld [tilespmem:s7+$0xFFFFFFF0]  }
0x71: {  	s0 =	sadd.f32 $9.999999740e-06, s0;
	v46 =	vadd.f32 v58, v17;
	v17 =	vld [tilespmem:s8+$0x10];
	v40 =	vadd.f32 v60, v43;
	[tilespmem:$0x1FEC0] =	vst v50  }
0x72: {  	v12 =	vld [tilespmem:s7+$0x10];
	[tilespmem:$0x1FEE0] =	vst v42  }
0x73: {  	s18 =	sshra.s32 s0, $0x1;
	s0 =	smul.f32 $5.000000000e-01, s0;
	[tilespmem:$0x1FEF0] =	vst v40  }
0x74: {  	s2 =	ssub.s32 $0x5F3759DF, s18;
	v45 =	vadd.f32 v15, v62;
	v13 =	vld [tilespmem:s8+$0x20]  }
0x75: {  	s10 =	smul.f32 s2, s0;
	v52 =	vld [tilespmem:s8+$0x30];
	v27 =	vadd.f32 v14, v18  }
0x76: {  	v14 =	vld [tilespmem:s7+$0x20];
	[tilespmem:$0x1FF00] =	vst v45  }
0x77: {  	v51 =	vadd.f32 v38, v37;
	s10 =	smul.f32 s2, s10;
	[tilespmem:$0x1FF10] =	vst v27  }
0x78: {  	v56 =	vld [tilespmem:s8+$0xFFFFFF80]  }
0x79: {  	v47 =	vadd.f32 v44, v63;
	v61, _, _ =	vpop (xrf2);
	s10 =	ssub.f32 $1.500000000e+00, s10;
	v15 =	vmul.f32 v51, v51;
	v18 =	vmul.f32 v50, v50  }
0x7a: {  	v54 =	vadd.f32 v40, v42;
	(v2sf) =	vpush v61, $0xF  }
0x7b: {  	v40 =	vmul.f32 v40, v40;
	s12 =	spop (v2sf);
	s13 =	smul.f32 s2, s10;
	v15 =	vadd.f32 v18, v15;
	v18 =	vmul.f32 v42, v42;
	v58 =	vld [tilespmem:s7+$0x30];
	s7 =	simm.s32 $0x6680  }
0x7c: {  	s2 =	smul.f32 $1.562500000e-02, s12;
	v61 =	vadd.f32 v12, v17;
	v55 =	vadd.f32 v27, v45;
	s8 =	simm.s32 $0x12E80;
	v38 =	vld [tilespmem:s7+$0x40]  }
0x7d: {  	s20 =	spop (v2sf);
	s0 =	smul.f32 s13, s0;
	v60 =	vmul.f32 v27, v27;
	v18 =	vadd.f32 v40, v18;
	v40 =	vld [tilespmem:s8+$0x40];
	[tilespmem:$0x1FF20] =	vst v47;
	v27 =	vadd.f32 v19, v56  }
0x7e: {  	s12 =	smul.f32 $1.562500000e-02, s20;
	[tilespmem:$0x1FF40] =	vst v61  }
0x7f: {  	s19 =	smul.f32 s2, s2;
	v12 =	vld [tilespmem:s7+$0x50];
	[tilespmem:$0x1FEA0] =	vst v27  }
0x80: {  	s0 =	smul.f32 s0, s13;
	s14 =	spop (v2sf);
	v45 =	vmul.f32 v45, v45;
	v48 =	vadd.f32 v14, v13;
	v13 =	vld [tilespmem:s8+$0x50];
	[tilespmem:$0x1FEB0] =	vst v46  }
0x81: {  	v16 =	vadd.f32 v50, v51;
	s12 =	ssub.f32 s12, s19;
	s10 =	smul.f32 $1.562500000e-02, s14;
	v62 =	vadd.f32 v58, v52;
	v19 =	vld [tilespmem:s7+$0x60]  }
0x82: {  	s0 =	ssub.f32 $1.500000000e+00, s0;
	v37 =	vadd.f32 v55, v54;
	v17 =	vadd.f32 v60, v45;
	v50 =	vld [tilespmem:s8+$0x60];
	[tilespmem:$0x1FF50] =	vst v48  }
0x83: {  	s21 =	spop (v2sf);
	v63 =	vadd.f32 v61, v47;
	s15 =	smul.f32 s10, s10;
	v14 =	vmul.f32 v46, v46;
	v49 =	vadd.f32 v46, v27;
	[tilespmem:$0x1FF70] =	vst v62  }
0x84: {  	s12 =	sadd.f32 $9.999999740e-06, s12;
	v57, _, _ =	vpop (xrf2);
	s13 =	smul.f32 s0, s13;
	(xrf2) =	vadd.scan.msk.f32 $0xffff, v37;
	v17 =	vadd.f32 v17, v18;
	v39 =	vmul.f32 v27, v27;
	v18 =	vadd.f32 v62, v48;
	v52 =	vld [tilespmem:s7+$0x70]  }
0x85: {  	s0 =	smul.f32 $1.562500000e-02, s21;
	s22 =	spop (v2sf);
	(v2sf) =	vpush v57, $0xF;
	v16 =	vadd.f32 v16, v49;
	v54 =	vld [tilespmem:s8+$0x70]  }
0x86: {  	v59, _, _ =	vpop (xrf2);
	s18 =	smul.f32 $1.562500000e-02, s22;
	(xrf2) =	vadd.scan.msk.f32 $0xffff, v17;
	v14 =	vadd.f32 v14, v39;
	v17 =	vadd.f32 v18, v63;
	v18 =	vld [tilespmem:s7+$0xFFFFFF90]  }
0x87: {  	v55 =	vmul.f32 v47, v47;
	(v2sf) =	vpush v59, $0xF;
	s14 =	smul.f32 $5.000000000e-01, s12;
	v57 =	vmul.f32 v48, v48;
	v43 =	vld [tilespmem:s7+$0xFFFFFFB0]  }
0x88: {  	s12 =	sshra.s32 s12, $0x1;
	s16 =	smul.f32 s0, s0;
	v56 =	vmul.f32 v61, v61;
	v58 =	vmul.f32 v62, v62;
	v14 =	vadd.f32 v15, v14;
	(xrf2) =	vadd.scan.msk.f32 $0xffff, v16;
	v15 =	vld [tilespmem:s8+$0xFFFFFF90]  }
0x89: {  	s12 =	ssub.s32 $0x5F3759DF, s12;
	s15 =	ssub.f32 s18, s15;
	s18 =	smul.f32 s13, s11;
	v16 =	vld [tilespmem:s7+$0xFFFFFFA0];
	(xrf2) =	vadd.scan.msk.f32 $0xffff, v17  }
0x8a: {  	s23 =	spop (v2sf);
	s31 =	smul.f32 s12, s14;
	v36 =	vadd.f32 v58, v57;
	v17 =	vadd.f32 v56, v55;
	(xrf2) =	vadd.scan.msk.f32 $0xffff, v14;
	v14 =	vld [tilespmem:s8+$0xFFFFFFA0]  }
0x8b: {  	s20 =	smul.f32 $1.562500000e-02, s23;
	s26 =	sadd.f32 $9.999999740e-06, s15;
	v60 =	vadd.f32 v13, v12;
	v12 =	vld [tilespmem:s7+$0xFFFFFFC0]  }
0x8c: {  	s4 =	smul.f32 s12, s31;
	v13 =	vld [tilespmem:s8+$0xFFFFFFC0];
	v17 =	vadd.f32 v36, v17  }
0x8d: {  	v11 =	vmul.f32 s13, v11;
	v10 =	vmul.f32 s13, v10;
	v38 =	vadd.f32 v40, v38;
	s20 =	ssub.f32 s20, s16;
	s21 =	sshra.s32 s26, $0x1;
	s16 =	smul.f32 $5.000000000e-01, s26;
	v36 =	vld [tilespmem:s8+$0xFFFFFFB0]  }
0x8e: {  	s11 =	ssub.f32 $1.500000000e+00, s4;
	s21 =	ssub.s32 $0x5F3759DF, s21;
	v59, _, _ =	vpop (xrf2);
	v27 =	vadd.f32 v50, v19;
	v19 =	vmov s18;
	(xrf2) =	vadd.scan.msk.f32 $0xffff, v17;
	v17 =	vld [tilespmem:s7+$0xFFFFFFD0];
	[tilespmem:$0x1FF90] =	vst v60  }
0x8f: {  	s17 =	sadd.f32 $9.999999740e-06, s20;
	s22 =	smul.f32 s21, s16;
	v11 =	vsub.f32 v11, v19;
	[tilespmem:$0x1FF80] =	vst v38  }
0x90: {  	v9 =	vmul.f32 s13, v9;
	s11 =	smul.f32 s12, s11;
	v10 =	vsub.f32 v10, v19;
	[tilespmem:$0x1FFA0] =	vst v27  }
0x91: {  	v8 =	vmul.f32 s13, v8;
	s23 =	sshra.s32 s17, $0x1;
	s20 =	smul.f32 $5.000000000e-01, s17;
	v39 =	vld [tilespmem:s8+$0xFFFFFFD0];
	[tilespmem:$0x1FE60] =	vst v11  }
0x92: {  	s19 =	smul.f32 s21, s22;
	s22 =	ssub.s32 $0x5F3759DF, s23;
	v9 =	vsub.f32 v9, v19;
	[tilespmem:$0x1FE70] =	vst v10  }
0x93: {  	s23 =	smul.f32 s22, s20;
	v8 =	vsub.f32 v8, v19;
	v40 =	vld [tilespmem:s7+$0xFFFFFFE0]  }
0x94: {  	s14 =	smul.f32 s11, s14;
	s15 =	ssub.f32 $1.500000000e+00, s19;
	v37 =	vld [tilespmem:s8+$0xFFFFFFE0];
	[tilespmem:$0x1FE80] =	vst v9  }
0x95: {  	v63 =	vmov v38;
	v61 =	vadd.f32 v60, v38;
	s23 =	smul.f32 s22, s23;
	v38 =	vld [tilespmem:s7+$0xFFFFFFF0];
	[tilespmem:$0x1FE90] =	vst v8  }
0x96: {  	(v2sf) =	vpush v59, $0xF;
	v56 =	vadd.f32 v54, v52;
	v45, _, _ =	vpop (xrf2);
	s15 =	smul.f32 s21, s15;
	s26 =	spop (v2sf);
	v19 =	vld [tilespmem:s8+$0xFFFFFFF0]  }
0x97: {  	(v2sf) =	vpush v45, $0xF;
	s12 =	smul.f32 $1.562500000e-02, s26;
	s31 =	spop (v2sf);
	v42 =	vld [tilespmem:s7+$0x0]  }
0x98: {  	v50 =	vmul.f32 v63, v63;
	v62 =	vmovc v60;
	v44 =	vadd.f32 v56, v27;
	s4 =	smul.f32 $1.562500000e-02, s31;
	v8 =	vadd.f32 v14, v16;
	v16 =	vld [tilespmem:s8+$0x0]  }
0x99: {  	v52 =	vmul.f32 v62, v62;
	v54 =	vmul.f32 v27, v27;
	v9 =	vadd.f32 v15, v18;
	s19 =	smul.f32 s12, s12;
	v15 =	vld [tilespmem:s7+$0x10]  }
0x9a: {  	s14 =	smul.f32 s14, s11;
	v55 =	vmul.f32 v56, v56;
	s17 =	ssub.f32 $1.500000000e+00, s23;
	v12 =	vadd.f32 v13, v12;
	v47 =	vadd.f32 v44, v61;
	v58 =	vld [tilespmem:s8+$0x10]  }
0x9b: {  	s16 =	smul.f32 s15, s16;
	v10 =	vadd.f32 v36, v43;
	v14 =	vadd.f32 v52, v50;
	v62 =	vld [tilespmem:s8+$0x20];
	v46, _, _ =	vpop (xrf2);
	s18 =	ssub.f32 s4, s19  }
0x9c: {  	v18 =	vadd.f32 v55, v54;
	s22 =	smul.f32 s22, s17;
	v63 =	vmul.f32 v12, v12;
	v50 =	vld [tilespmem:s8+$0xFFFFFF80];
	(v2sf) =	vpush v46, $0xF;
	v48, _, _ =	vpop (xrf2)  }
0x9d: {  	s16 =	smul.f32 s16, s15;
	v57 =	vmul.f32 v8, v8;
	v61 =	vadd.f32 v39, v17;
	v17 =	vld [tilespmem:s7+$0x20];
	(v2sf) =	vpush v48, $0xF;
	v49, _, _ =	vpop (xrf2);
	s18 =	sadd.f32 $9.999999740e-06, s18  }
0x9e: {  	v60 =	vmul.f32 v10, v10;
	v18 =	vadd.f32 v18, v14;
	s20 =	smul.f32 s22, s20;
	(v2sf) =	vpush v49, $0xF;
	v49 =	vld [tilespmem:s7+$0x30]  }
0x9f: {  	(xrf2) =	vadd.scan.msk.f32 $0xffff, v47;
	v13 =	vadd.f32 v37, v40;
	v14 =	vadd.f32 v19, v38;
	v19 =	vld [tilespmem:s8+$0x30];
	[tilespmem:$0x1FDF0] =	vst v61;
	s26 =	sshra.s32 s18, $0x1;
	s31 =	smul.f32 $5.000000000e-01, s18  }
0xa0: {  	s16 =	ssub.f32 $1.500000000e+00, s16;
	v36 =	vadd.f32 v60, v57;
	s20 =	smul.f32 s20, s22;
	v48 =	vmul.f32 v61, v61;
	v11 =	vadd.f32 v61, v12;
	[tilespmem:$0x1FE00] =	vst v12;
	s21 =	ssub.s32 $0x5F3759DF, s26  }
0xa1: {  	v16 =	vadd.f32 v16, v42;
	v12 =	vadd.f32 v58, v15;
	v58 =	vmul.f32 v13, v13;
	v59, _, _ =	vpop (xrf2);
	v57 =	vld [tilespmem:s7+$0xFFFFFF80];
	s18 =	smul.f32 s21, s31  }
0xa2: {  	s4 =	ssub.f32 $1.500000000e+00, s14;
	s14 =	smul.f32 s16, s15;
	(xrf2) =	vadd.scan.msk.f32 $0xffff, v18;
	v52 =	vadd.f32 v48, v63;
	[tilespmem:$0x1FE10] =	vst v13;
	(v2sf) =	vpush v59, $0xF  }
0xa3: {  	v55 =	vadd.f32 v14, v13;
	[tilespmem:$0x1FE20] =	vst v14;
	v60 =	vmul.f32 v14, v14;
	v61 =	vadd.f32 v62, v17;
	s26 =	smul.f32 s21, s18  }
0xa4: {  	v17 =	vmovc v10;
	v62 =	vadd.f32 v10, v8;
	v10 =	vmul.f32 v16, v16;
	v46 =	vmul.f32 v12, v12;
	s18 =	smul.f32 s4, s11;
	s11 =	simm.s32 $0x6780  }
0xa5: {  	s16 =	simm.s32 $0x12F80;
	s20 =	ssub.f32 $1.500000000e+00, s20;
	v29 =	vmul.f32 s14, v29;
	v59 =	vadd.f32 v55, v11;
	v63 =	vadd.f32 v19, v49;
	v49 =	vld [tilespmem:s11+$0x40]  }
0xa6: {  	v26 =	vmul.f32 s14, v26;
	v40 =	vadd.f32 v60, v58;
	v19 =	vadd.f32 v50, v57;
	v50 =	vld [tilespmem:s16+$0x40];
	[tilespmem:$0x1FE30] =	vst v12  }
0xa7: {  	v25 =	vmul.f32 s14, v25;
	s13 =	smul.f32 s20, s22;
	s17 =	spop (v2sf);
	v42 =	vadd.f32 v46, v10;
	(xrf2) =	vadd.scan.msk.f32 $0xffff, v59;
	[tilespmem:$0x1FE50] =	vst v61  }
0xa8: {  	v47 =	vmul.f32 v61, v61;
	s8 =	smul.f32 $1.562500000e-02, s17;
	v38 =	vadd.f32 v40, v52;
	v52 =	vadd.f32 v12, v16;
	s19 =	ssub.f32 $1.500000000e+00, s26;
	[tilespmem:$0x1FE40] =	vst v63  }
0xa9: {  	v57 =	vmul.f32 v9, v9;
	v48 =	vmul.f32 v63, v63;
	v45 =	vadd.f32 v63, v61;
	s2 =	smul.f32 s18, s2;
	v54, _, _ =	vpop (xrf2);
	v60 =	vld [tilespmem:s16+$0x50]  }
0xaa: {  	v43 =	vadd.f32 v9, v19;
	v59 =	vmul.f32 v19, v19;
	v63 =	vld [tilespmem:s16+$0x60];
	s15 =	smul.f32 s21, s19;
	(v2sf) =	vpush v54, $0xF  }
0xab: {  	v21 =	vmul.f32 s18, v21;
	(xrf2) =	vadd.scan.msk.f32 $0xffff, v38;
	v37 =	vadd.f32 v48, v47;
	s19 =	smul.f32 s14, s10;
	v54 =	vld [tilespmem:s11+$0x50];
	v61 =	vadd.f32 v45, v52  }
0xac: {  	s26 =	smul.f32 s8, s8;
	v45 =	vld [tilespmem:s11+$0x70];
	v47 =	vmov s2;
	v55 =	vadd.f32 v62, v43;
	v39 =	vadd.f32 v57, v59  }
0xad: {  	v62 =	vld [tilespmem:s11+$0x60];
	v52 =	vsub.f32 v21, v47;
	s23 =	smul.f32 s15, s31;
	s31 =	spop (v2sf);
	v58, _, _ =	vpop (xrf2);
	v37 =	vadd.f32 v37, v42;
	v11 =	vmov s19  }
0xae: {  	v24 =	vmul.f32 s14, v24;
	s4 =	smul.f32 $1.562500000e-02, s31;
	(v2sf) =	vpush v58, $0xF;
	(xrf2) =	vadd.scan.msk.f32 $0xffff, v55;
	v59 =	vsub.f32 v29, v11;
	v29 =	vld [tilespmem:s16+$0x70]  }
0xaf: {  	v20 =	vmul.f32 s18, v20;
	v27 =	vld [tilespmem:s11+$0xFFFFFF90];
	s17 =	spop (v2sf);
	v36 =	vadd.f32 v36, v39;
	v57 =	vsub.f32 v26, v11;
	s21 =	smul.f32 s23, s15;
	(xrf2) =	vadd.scan.msk.f32 $0xffff, v61  }
0xb0: {  	v18 =	vmovc v16;
	v16 =	vmov v9;
	v41 =	vld [tilespmem:s11+$0xFFFFFFB0];
	v58 =	vsub.f32 v25, v11;
	v9 =	vsub.f32 v24, v11;
	s7 =	smul.f32 $1.562500000e-02, s17;
	s20 =	ssub.f32 s4, s26  }
0xb1: {  	v21 =	vld [tilespmem:s16+$0xFFFFFF90];
	v55 =	vsub.f32 v20, v47;
	v26 =	vadd.f32 v60, v54;
	s21 =	ssub.f32 $1.500000000e+00, s21;
	v25, _, _ =	vpop (xrf2)  }
0xb2: {  	v24 =	vmul.f32 s18, v23;
	v20 =	vld [tilespmem:s16+$0xFFFFFFA0];
	(xrf2) =	vadd.scan.msk.f32 $0xffff, v36;
	s23 =	smul.f32 s7, s7;
	v23 =	vadd.f32 v63, v62;
	s20 =	sadd.f32 $9.999999740e-06, s20;
	(v2sf) =	vpush v25, $0xF  }
0xb3: {  	v39 =	vld [tilespmem:s16+$0x20];
	s10 =	smul.f32 s21, s15;
	s21 =	spop (v2sf);
	v25 =	vadd.f32 v50, v49;
	v29 =	vadd.f32 v29, v45  }
0xb4: {  	v15 =	vmovc v8;
	v22 =	vmul.f32 s18, v22;
	v36 =	vld [tilespmem:s11+$0x0];
	v63 =	vsub.f32 v24, v47;
	(xrf2) =	vadd.scan.msk.f32 $0xffff, v37;
	v8 =	vmul.f32 v26, v26;
	s15 =	smul.f32 $1.562500000e-02, s21  }
0xb5: {  	v24 =	vld [tilespmem:s11+$0xFFFFFFA0];
	v10 =	vmul.f32 v23, v23;
	s14 =	smul.f32 $5.000000000e-01, s20;
	v60, _, _ =	vpop (xrf2);
	v61 =	vadd.f32 v26, v25;
	v38 =	vadd.f32 v29, v23  }
0xb6: {  	s4 =	spop (v2sf);
	s18 =	smul.f32 s10, s12;
	(v2sf) =	vpush v60, $0xF;
	v62 =	vmul.f32 v25, v25;
	v60 =	vld [tilespmem:s11+$0xFFFFFFC0];
	v11 =	vmul.f32 v29, v29  }
0xb7: {  	v54 =	vsub.f32 v22, v47;
	s17 =	smul.f32 $1.562500000e-02, s4;
	v34 =	vmul.f32 s10, v34;
	v43 =	vadd.f32 v38, v61;
	v61 =	vld [tilespmem:s16+$0xFFFFFFC0]  }
0xb8: {  	s19 =	spop (v2sf);
	s31 =	smul.f32 s15, s15;
	v44 =	vadd.f32 v8, v62;
	v37 =	vmov s18;
	v62 =	vadd.f32 v11, v10;
	v8 =	vld [tilespmem:s16+$0xFFFFFFD0];
	v22, _, _ =	vpop (xrf2)  }
0xb9: {  	s20 =	sshra.s32 s20, $0x1;
	s22 =	smul.f32 $1.562500000e-02, s19;
	v48 =	vsub.f32 v34, v37;
	v34 =	vld [tilespmem:s11+$0x10];
	(v2sf) =	vpush v22, $0xF;
	v22, _, _ =	vpop (xrf2)  }
0xba: {  	s2 =	ssub.s32 $0x5F3759DF, s20;
	s21 =	ssub.f32 s17, s23;
	(v2sf) =	vpush v22, $0xF;
	v22 =	vmul.f32 s10, v35;
	v35 =	vld [tilespmem:s16+$0xFFFFFFB0]  }
0xbb: {  	v33 =	vmul.f32 s10, v33;
	s20 =	smul.f32 s2, s14;
	s23 =	ssub.f32 s22, s31;
	v10 =	vadd.f32 v62, v44;
	v44 =	vld [tilespmem:s16+$0xFFFFFFE0]  }
0xbc: {  	s0 =	smul.f32 s13, s0;
	v20 =	vadd.f32 v20, v24;
	s21 =	sadd.f32 $9.999999740e-06, s21;
	v62 =	vld [tilespmem:s11+$0xFFFFFFF0];
	v45, _, _ =	vpop (xrf2);
	v46 =	vsub.f32 v22, v37;
	v22 =	vmul.f32 s10, v32  }
0xbd: {  	v30 =	vmul.f32 s13, v30;
	s31 =	smul.f32 s2, s20;
	v47 =	vsub.f32 v33, v37;
	s4 =	sadd.f32 $9.999999740e-06, s23;
	(xrf2) =	vadd.scan.msk.f32 $0xffff, v43;
	v43 =	vld [tilespmem:s16+$0xFFFFFFF0];
	(v2sf) =	vpush v45, $0xF  }
0xbe: {  	v42 =	vmov s0;
	s26 =	sshra.s32 s21, $0x1;
	s12 =	smul.f32 $5.000000000e-01, s21;
	v32 =	vld [tilespmem:s11+$0xFFFFFFD0];
	v50 =	vsub.f32 v22, v37;
	v22 =	vadd.f32 v21, v27;
	v21, _, _ =	vpop (xrf2)  }
0xbf: {  	v11 =	vmul.f32 s13, v28;
	s22 =	ssub.s32 $0x5F3759DF, s26;
	s20 =	smul.f32 $5.000000000e-01, s4;
	v37 =	vld [tilespmem:s11+$0xFFFFFFE0];
	(v2sf) =	vpush v21, $0xF;
	v21 =	vadd.f32 v35, v41  }
0xc0: {  	v53 =	vmul.f32 s13, v53;
	v12 =	vsub.f32 v30, v42;
	v33 =	vld [tilespmem:s16+$0x10];
	s19 =	sshra.s32 s4, $0x1;
	s4 =	spop (v2sf);
	s17 =	smul.f32 s22, s12  }
0xc1: {  	v49 =	vld [tilespmem:s16+$0xFFFFFF80];
	v30 =	vmul.f32 v20, v20;
	v45 =	vsub.f32 v11, v42;
	s10 =	smul.f32 $1.562500000e-02, s4;
	v28 =	vmul.f32 v21, v21  }
0xc2: {  	v11 =	vsub.f32 v53, v42;
	v53 =	vld [tilespmem:s11+$0x20];
	v24 =	vadd.f32 v61, v60;
	s26 =	ssub.s32 $0x5F3759DF, s19;
	s21 =	smul.f32 s22, s17  }
0xc3: {  	v31 =	vmul.f32 s13, v31;
	v38 =	vld [tilespmem:s11+$0x30];
	s28 =	smul.f32 s26, s20;
	v27 =	vadd.f32 v8, v32;
	v41 =	vadd.f32 v28, v30  }
0xc4: {  	v61 =	vld [tilespmem:s16+$0x0];
	s19 =	smul.f32 s10, s10;
	s21 =	ssub.f32 $1.500000000e+00, s21;
	v8 =	vmul.f32 v24, v24;
	v28 =	vadd.f32 v44, v37;
	v30 =	vadd.f32 v43, v62  }
0xc5: {  	s23 =	ssub.f32 $1.500000000e+00, s31;
	(xrf2) =	vadd.scan.msk.f32 $0xffff, v10;
	v10 =	vsub.f32 v31, v42;
	v34 =	vadd.f32 v33, v34;
	s31 =	smul.f32 s26, s28;
	v31 =	vmul.f32 v27, v27;
	v62 =	vld [tilespmem:s16+$0x30]  }
0xc6: {  	s17 =	spop (v2sf);
	s18 =	smul.f32 s22, s21;
	v40 =	vadd.f32 v27, v24;
	v37 =	vld [tilespmem:s11+$0xFFFFFF80];
	v44 =	vadd.f32 v30, v28  }
0xc7: {  	v32 =	vadd.f32 v39, v53;
	s22 =	smul.f32 $1.562500000e-02, s17;
	v43 =	vadd.f32 v31, v8  }
0xc8: {  	s2 =	smul.f32 s2, s23;
	s21 =	ssub.f32 $1.500000000e+00, s31;
	v8, _, _ =	vpop (xrf2);
	v33 =	vmul.f32 v28, v28;
	v42 =	vadd.f32 v44, v40;
	v40 =	vmul.f32 v30, v30  }
0xc9: {  	s4 =	ssub.f32 s22, s19;
	v31 =	vadd.f32 v61, v36;
	(v2sf) =	vpush v8, $0xF  }
0xca: {  	s31 =	smul.f32 s2, s14;
	v39 =	vmul.f32 v32, v32;
	v44 =	vadd.f32 v40, v33;
	v33 =	vadd.f32 v62, v38  }
0xcb: {  	s13 =	smul.f32 s26, s21;
	v8 =	vmul.f32 v34, v34;
	s14 =	sadd.f32 $9.999999740e-06, s4;
	v61 =	vmul.f32 v31, v31;
	v35 =	vadd.f32 v49, v37  }
0xcc: {  	s12 =	smul.f32 s18, s12;
	v37 =	vmul.f32 v22, v22;
	v13 =	vadd.f32 v44, v43;
	v44 =	vmul.f32 v33, v33  }
0xcd: {  	s17 =	sshra.s32 s14, $0x1;
	s14 =	smul.f32 $5.000000000e-01, s14;
	v40 =	vadd.f32 v8, v61;
	v49 =	vmul.f32 v35, v35;
	v43 =	vadd.f32 v34, v31  }
0xce: {  	s20 =	smul.f32 s13, s20;
	s21 =	ssub.s32 $0x5F3759DF, s17;
	v62 =	vadd.f32 v33, v32;
	v39 =	vadd.f32 v44, v39;
	v44 =	vld [tilespmem:$0x1FE60]  }
0xcf: {  	v38 =	vadd.f32 v21, v20;
	s19 =	smul.f32 s21, s14;
	v37 =	vadd.f32 v37, v49  }
0xd0: {  	v60, _, _ =	vpop (xrf2);
	s12 =	smul.f32 s12, s18;
	v8 =	vadd.f32 v22, v35;
	v61 =	vadd.f32 v62, v43;
	v43 =	vld [tilespmem:$0x1FE80]  }
0xd1: {  	(v2sf) =	vpush v60, $0xF;
	s22 =	smul.f32 s21, s19;
	v62 =	vadd.f32 v41, v37;
	v41 =	vld [tilespmem:$0x1FE70]  }
0xd2: {  	s0 =	smul.f32 s31, s2;
	s23 =	ssub.f32 $1.500000000e+00, s12;
	v60 =	vadd.f32 v38, v8;
	v8 =	vmul.f32 v46, v3;
	v46 =	vmul.f32 v57, v1  }
0xd3: {  	s20 =	smul.f32 s20, s13;
	s31 =	ssub.f32 $1.500000000e+00, s22;
	v49 =	vmul.f32 v44, v3;
	v44 =	vld [tilespmem:$0x1FE90]  }
0xd4: {  	s26 =	spop (v2sf);
	s12 =	smul.f32 s23, s18;
	v57 =	vmul.f32 v58, v2;
	v46 =	vadd.f32 v46, v5  }
0xd5: {  	s28 =	simm.s32 $0xC880;
	v58 =	vmul.f32 v63, v0;
	v63 =	vadd.f32 v8, v7;
	s17 =	smul.f32 s21, s31;
	s21 =	spop (v2sf);
	v38 =	vmul.f32 v43, v1  }
0xd6: {  	s0 =	ssub.f32 $1.500000000e+00, s0;
	s23 =	smul.f32 $1.562500000e-02, s21;
	s21 =	simm.s32 $0xC980;
	[tilespmem:s28+$0xFFFFFF90] =	vst v46;
	v37 =	vmul.f32 v41, v0;
	v36 =	vadd.f32 v49, v7  }
0xd7: {  	v41 =	vmul.f32 v59, v0;
	[tilespmem:s21+$0x70] =	vst v63;
	v38 =	vadd.f32 v38, v5  }
0xd8: {  	s11 =	smul.f32 s0, s2;
	s4 =	ssub.f32 $1.500000000e+00, s20;
	v53 =	vadd.f32 v39, v40;
	v37 =	vadd.f32 v37, v4;
	[tilespmem:s28+$0x70] =	vst v36;
	v49 =	vmul.f32 v44, v2  }
0xd9: {  	s2 =	smul.f32 $1.562500000e-02, s26;
	v39 =	vmul.f32 v9, v3;
	v9 =	vmul.f32 v54, v2;
	v54 =	vadd.f32 v41, v4;
	[tilespmem:s28+$0x50] =	vst v38  }
0xda: {  	s29 =	smul.f32 s4, s13;
	[tilespmem:s28+$0x40] =	vst v37;
	v49 =	vadd.f32 v49, v6  }
0xdb: {  	s19 =	smul.f32 s2, s2;
	[tilespmem:s28+$0xFFFFFF80] =	vst v54  }
0xdc: {  	s13 =	smul.f32 s12, s7;
	v57 =	vadd.f32 v57, v6;
	s22 =	spop (v2sf);
	[tilespmem:s28+$0x60] =	vst v49  }
0xdd: {  	s0 =	smul.f32 s17, s14;
	s26 =	spop (v2sf);
	v59 =	vld [tilespmem:$0x1FEA0]  }
0xde: {  	v39 =	vadd.f32 v39, v7;
	s7 =	smul.f32 $1.562500000e-02, s26;
	v63 =	vld [tilespmem:$0x1FEB0];
	[tilespmem:s28+$0xFFFFFFA0] =	vst v57  }
0xdf: {  	s14 =	smul.f32 s0, s17;
	v43 =	vld [tilespmem:$0x1FEC0];
	[tilespmem:$0x1FED0] =	vst v5  }
0xe0: {  	s18 =	ssub.f32 s23, s19;
	s0 =	smul.f32 $1.562500000e-02, s22;
	v37 =	vmul.f32 v50, v2;
	v50 =	vadd.f32 v58, v4;
	v44 =	vld [tilespmem:$0x1FEE0];
	[tilespmem:s28+$0xFFFFFFB0] =	vst v39  }
0xe1: {  	s23 =	smul.f32 s7, s7;
	s14 =	ssub.f32 $1.500000000e+00, s14;
	v58 =	vld [tilespmem:$0x1FEF0]  }
0xe2: {  	v8 =	vmul.f32 v52, v1;
	s31 =	smul.f32 s0, s0;
	v46 =	vmul.f32 s12, v59;
	v59 =	vld [tilespmem:$0x1FF00];
	[tilespmem:s28+$0xFFFFFFC0] =	vst v50  }
0xe3: {  	s4 =	spop (v2sf);
	s14 =	smul.f32 s14, s17;
	v52 =	vmul.f32 s12, v63;
	v63 =	vld [tilespmem:$0x1FF10]  }
0xe4: {  	v55 =	vmul.f32 v55, v3;
	v47 =	vmul.f32 v47, v0;
	s19 =	spop (v2sf);
	v38 =	vadd.f32 v8, v5;
	s17 =	smul.f32 $1.562500000e-02, s4  }
0xe5: {  	v45 =	vmul.f32 v45, v0;
	v40 =	vadd.f32 v9, v6;
	s18 =	sadd.f32 $9.999999740e-06, s18;
	v36 =	vmul.f32 v48, v1;
	s26 =	smul.f32 $1.562500000e-02, s19  }
0xe6: {  	v41 =	vadd.f32 v55, v7;
	v48 =	vmul.f32 s12, v51;
	s20 =	smul.f32 s14, s10;
	s22 =	ssub.f32 s17, s31;
	v49 =	vmul.f32 s14, v56;
	v8 =	vld [tilespmem:$0x1FF20];
	[tilespmem:s28+$0xFFFFFFD0] =	vst v38  }
0xe7: {  	s10 =	smul.f32 $5.000000000e-01, s18;
	s18 =	sshra.s32 s18, $0x1;
	v51 =	vmul.f32 s12, v43;
	v43 =	vadd.f32 v36, v5;
	[tilespmem:$0x1FF30] =	vst v6;
	v36 =	vld [tilespmem:$0x1FF40];
	v56 =	vmul.f32 s11, v58  }
0xe8: {  	s8 =	smul.f32 s11, s8;
	s22 =	sadd.f32 $9.999999740e-06, s22;
	s12 =	ssub.s32 $0x5F3759DF, s18;
	v58 =	vmov s20;
	v54 =	vmul.f32 s11, v63;
	v63 =	vadd.f32 v37, v6;
	v37 =	vld [tilespmem:$0x1FF50];
	[tilespmem:s28+$0xFFFFFFE0] =	vst v40  }
0xe9: {  	v47 =	vadd.f32 v47, v4;
	(xrf2) =	vadd.scan.msk.f32 $0xffff, v42;
	s18 =	ssub.f32 s26, s23;
	s31 =	smul.f32 s12, s10;
	v9 =	vsub.f32 v49, v58;
	[tilespmem:$0x1FF60] =	vst v4  }
0xea: {  	v45 =	vadd.f32 v45, v4;
	s4 =	sshra.s32 s22, $0x1;
	v55 =	vmul.f32 s11, v44;
	s20 =	smul.f32 $5.000000000e-01, s22;
	v57 =	vmul.f32 s11, v59;
	v42 =	vld [tilespmem:$0x1FF70];
	[tilespmem:s28+$0xFFFFFFF0] =	vst v41  }
0xeb: {  	s18 =	sadd.f32 $9.999999740e-06, s18;
	s17 =	smul.f32 s12, s31;
	v39 =	vmul.f32 s29, v8;
	s11 =	ssub.s32 $0x5F3759DF, s4;
	v44 =	vmul.f32 v9, v3;
	v9 =	vmov s13;
	v59 =	vld [tilespmem:$0x1FF80]  }
0xec: {  	v40 =	vmul.f32 v12, v1;
	s19 =	smul.f32 s11, s20;
	v46 =	vsub.f32 v46, v9;
	v4 =	vsub.f32 v52, v9;
	v8 =	vld [tilespmem:$0x1FF90];
	[tilespmem:s21+$0x40] =	vst v47  }
0xed: {  	s31 =	sshra.s32 s18, $0x1;
	s26 =	smul.f32 $5.000000000e-01, s18;
	v38 =	vmul.f32 s29, v36;
	v5 =	vsub.f32 v48, v9;
	v41 =	vmul.f32 v11, v2;
	v49 =	vld [tilespmem:$0x1FFA0]  }
0xee: {  	s4 =	ssub.f32 $1.500000000e+00, s17;
	v6 =	vsub.f32 v51, v9;
	s17 =	smul.f32 s11, s19;
	s19 =	ssub.s32 $0x5F3759DF, s31;
	v51 =	vmul.f32 v46, v0;
	v47 =	vmul.f32 v4, v1;
	[tilespmem:$0x1FFB0] =	vst v7  }
0xef: {  	v46 =	vmul.f32 v5, v2;
	s18 =	smul.f32 s19, s26;
	v37 =	vmul.f32 s29, v37;
	[tilespmem:s21+$0x50] =	vst v43  }
0xf0: {  	[tilespmem:s21+$0x60] =	vst v63;
	v36 =	vmul.f32 s29, v42;
	v42 =	vadd.f32 v44, v7;
	v7 =	vmov s8;
	s8 =	smul.f32 s12, s4  }
0xf1: {  	s23 =	simm.s32 $0xCA80;
	[tilespmem:s28+$0x0] =	vst v45;
	v43 =	vmul.f32 v6, v3;
	s31 =	smul.f32 s19, s18;
	v9 =	vsub.f32 v56, v7;
	v59 =	vmul.f32 s14, v59  }
0xf2: {  	v52 =	vsub.f32 v57, v7;
	v50 =	vmul.f32 s14, v8;
	[tilespmem:s23+$0x70] =	vst v42;
	v49 =	vmul.f32 s14, v49;
	s14 =	ssub.f32 $1.500000000e+00, s17  }
0xf3: {  	v48 =	vsub.f32 v54, v7;
	v57, _, _ =	vpop (xrf2);
	(xrf2) =	vadd.scan.msk.f32 $0xffff, v13;
	v8 =	vsub.f32 v55, v7;
	s18 =	smul.f32 s8, s10;
	s12 =	ssub.f32 $1.500000000e+00, s31;
	[tilespmem:$0x1FFC0] =	vst v2  }
0xf4: {  	(v2sf) =	vpush v57, $0xF;
	v42 =	vmul.f32 v10, v3;
	(xrf2) =	vadd.scan.msk.f32 $0xffff, v60;
	[tilespmem:$0x1FFD0] =	vst v3;
	s14 =	smul.f32 s11, s14  }
0xf5: {  	s10 =	simm.s32 $0xC;
	(xrf2) =	vadd.scan.msk.f32 $0xffff, v61;
	[tilespmem:$0x1FFE0] =	vst v0;
	v54 =	vsub.f32 v59, v58;
	v50 =	vsub.f32 v50, v58;
	s13 =	smul.f32 s19, s12  }
0xf6: {  	[tilespmem:$0x1FFF0] =	vst v1;
	v45 =	vmul.f32 v8, v0;
	s12 =	spop (v2sf);
	v44 =	vsub.f32 v49, v58;
	s11 =	simm.s32 $0x6880;
	v49 =	vmul.f32 v9, v1;
	s20 =	smul.f32 s14, s20  }
.LBB2_2:
0xf7: {  	v55 =	vld [tilespmem:s11+$0x40]  }
0xf8: {  	v4 =	vld [tilespmem:$0x1FF60]  }
0xf9: {  	v2 =	vld [tilespmem:$0x1FFC0]  }
0xfa: {  	v3 =	vld [tilespmem:$0x1FFD0]  }
0xfb: {  	v0 =	vld [tilespmem:$0x1FFE0]  }
0xfc: {  	v1 =	vld [tilespmem:$0x1FFF0]  }
0xfd: {  	v5 =	vld [tilespmem:$0x1FED0]  }
0xfe: {  	v6 =	vld [tilespmem:$0x1FF30]  }
0xff: {  	v7 =	vld [tilespmem:$0x1FFB0]  }
0x100: {  	v58 =	vld [tilespmem:s11+$0x50];
	s17 =	smul.f32 s29, s15  }
0x101: {  	s16 =	sadd.s32 $0x100, s16;
	v10 =	vld [tilespmem:s11+$0x70]  }
0x102: {  	v56 =	vld [tilespmem:s16+$0x40];
	v61 =	vmov s17;
	v51 =	vadd.f32 v51, v4  }
0x103: {  	(xrf2) =	vadd.scan.msk.f32 $0xffff, v62;
	v59 =	vld [tilespmem:s16+$0x70];
	v39 =	vsub.f32 v39, v61;
	v47 =	vadd.f32 v47, v5  }
0x104: {  	s20 =	smul.f32 s20, s14;
	v52 =	vmul.f32 v52, v2;
	v46 =	vadd.f32 v46, v6;
	v43 =	vadd.f32 v43, v7;
	[tilespmem:s21+$0xFFFFFF80] =	vst v51;
	v51 =	vld [tilespmem:s16+$0x50]  }
0x105: {  	s12 =	smul.f32 $1.562500000e-02, s12;
	v54 =	vmul.f32 v54, v0;
	v45 =	vadd.f32 v45, v4;
	v42 =	vadd.f32 v42, v7;
	[tilespmem:s21+$0xFFFFFF90] =	vst v47;
	v47 =	vld [tilespmem:s11+$0x60]  }
0x106: {  	s20 =	ssub.f32 $1.500000000e+00, s20;
	[tilespmem:s21+$0xFFFFFFA0] =	vst v46;
	v46 =	vadd.f32 v49, v5;
	v49 =	vadd.f32 v52, v6;
	v52 =	vld [tilespmem:s16+$0x60]  }
0x107: {  	s31 =	smul.f32 s12, s12;
	v48 =	vmul.f32 v48, v3;
	[tilespmem:s21+$0xFFFFFFB0] =	vst v43;
	v60 =	vadd.f32 v54, v4;
	v54 =	vadd.f32 v56, v55;
	v55 =	vld [tilespmem:$0x1FE20]  }
0x108: {  	s15 =	smov.u32 s7;
	v50 =	vmul.f32 v50, v1;
	v9 =	vadd.f32 v40, v5;
	v40 =	vsub.f32 v38, v61;
	s7 =	smul.f32 s20, s14;
	v57, _, _ =	vpop (xrf2);
	[tilespmem:s21+$0xFFFFFFC0] =	vst v45;
	v38 =	vld [tilespmem:s11+$0xFFFFFFA0];
	s22 =	spop (v2sf)  }
0x109: {  	v44 =	vmul.f32 v44, v2;
	(xrf2) =	vadd.scan.msk.f32 $0xffff, v53;
	[tilespmem:s28+$0x30] =	vst v42;
	v45 =	vld [tilespmem:s16+$0xFFFFFFA0];
	(v2sf) =	vpush v57, $0xF;
	s22 =	smul.f32 $1.562500000e-02, s22  }
0x10a: {  	v8 =	vadd.f32 v48, v7;
	v42 =	vmul.f32 s7, v19;
	v19 =	vmov v35;
	v63, _, _ =	vpop (xrf2);
	v35 =	vld [tilespmem:s16+$0xFFFFFFB0];
	[tilespmem:s21+$0xFFFFFFD0] =	vst v46  }
0x10b: {  	s26 =	smul.f32 s13, s26;
	v11 =	vadd.f32 v41, v6;
	[tilespmem:s21+$0xFFFFFFE0] =	vst v49;
	v49 =	vld [tilespmem:s11+$0xFFFFFF90];
	(v2sf) =	vpush v63, $0xF;
	s22 =	ssub.f32 s22, s31  }
0x10c: {  	v44 =	vadd.f32 v44, v6;
	v46 =	vadd.f32 v50, v5;
	[tilespmem:s21+$0xFFFFFFF0] =	vst v8;
	v5 =	vld [tilespmem:s16+$0xFFFFFF90];
	v63, _, _ =	vpop (xrf2)  }
0x10d: {  	s4 =	smul.f32 s26, s13;
	v57 =	vld [tilespmem:s16+$0xFFFFFFC0];
	(v2sf) =	vpush v63, $0xF;
	v51 =	vadd.f32 v51, v58;
	s22 =	sadd.f32 $9.999999740e-06, s22  }
0x10e: {  	[tilespmem:s23+$0x40] =	vst v60;
	v60 =	vld [tilespmem:s11+$0xFFFFFFD0];
	v6, _, _ =	vpop (xrf2);
	v53 =	vadd.f32 v52, v47;
	v58 =	vadd.f32 v59, v10;
	s31 =	smul.f32 s18, s8  }
0x10f: {  	v62 =	vld [tilespmem:s16+$0xFFFFFFD0];
	v10 =	vmul.f32 v54, v54;
	(v2sf) =	vpush v6, $0xF;
	s19 =	sshra.s32 s22, $0x1;
	s18 =	smul.f32 $5.000000000e-01, s22  }
0x110: {  	[tilespmem:s28+$0x10] =	vst v9;
	v59 =	vmul.f32 v39, v0;
	v39 =	vld [tilespmem:s11+$0xFFFFFFB0];
	v8 =	vadd.f32 v51, v54;
	v9 =	vadd.f32 v58, v53;
	s29 =	ssub.f32 $1.500000000e+00, s31;
	s31 =	ssub.s32 $0x5F3759DF, s19  }
0x111: {  	[tilespmem:s28+$0x20] =	vst v11;
	v11 =	vmul.f32 v51, v51;
	v43 =	vadd.f32 v5, v49;
	v49 =	vld [tilespmem:s11+$0xFFFFFFC0];
	s22 =	ssub.f32 $1.500000000e+00, s4;
	s4 =	smul.f32 s31, s18  }
0x112: {  	[tilespmem:s23+$0x60] =	vst v44;
	v5 =	vmul.f32 v53, v53;
	v6 =	vmul.f32 v58, v58;
	v48 =	vadd.f32 v9, v8;
	v9 =	vld [tilespmem:$0x1FE00];
	s14 =	smul.f32 s29, s8  }
0x113: {  	[tilespmem:s23+$0x50] =	vst v46;
	v50 =	vadd.f32 v11, v10;
	v10 =	vmov v24;
	v11 =	vld [tilespmem:$0x1FDF0];
	s19 =	spop (v2sf);
	s17 =	smul.f32 s31, s4  }
0x114: {  	v46 =	vmul.f32 s7, v15;
	v47 =	vmul.f32 s7, v16;
	v8 =	vadd.f32 v6, v5;
	v63, _, _ =	vpop (xrf2);
	[tilespmem:$0x1FE00] =	vst v10;
	v10 =	vld [tilespmem:s16+$0xFFFFFFF0];
	s8 =	smul.f32 $1.562500000e-02, s19  }
0x115: {  	v15 =	vmovc v20;
	v16 =	vmovc v22;
	v20 =	vadd.f32 v45, v38;
	v44 =	vmul.f32 v43, v43;
	(v2sf) =	vpush v63, $0xF;
	v63 =	vld [tilespmem:s11+$0xFFFFFFE0];
	s29 =	smul.f32 s22, s13;
	s20 =	ssub.f32 $1.500000000e+00, s17  }
0x116: {  	v22 =	vmovc v43;
	v43 =	vmul.f32 s7, v17;
	v17 =	vmovc v21;
	v21 =	vadd.f32 v35, v39;
	v38 =	vadd.f32 v8, v50;
	v50 =	vld [tilespmem:$0x1FE10];
	s19 =	smul.f32 s7, s0  }
0x117: {  	v35 =	vmul.f32 v20, v20;
	(xrf2) =	vadd.scan.msk.f32 $0xffff, v48;
	v8 =	vld [tilespmem:s16+$0xFFFFFFE0];
	s26 =	smul.f32 s31, s20  }
0x118: {  	v39 =	vmov v27;
	v27 =	vmul.f32 v21, v21;
	v45 =	vmul.f32 s14, v9;
	v9 =	vld [tilespmem:s11+$0xFFFFFFF0];
	s31 =	smul.f32 s8, s8;
	s4 =	spop (v2sf)  }
0x119: {  	v24 =	vadd.f32 v57, v49;
	v57 =	vmov v28;
	v48 =	vmul.f32 s14, v11;
	v11 =	vld [tilespmem:$0x1FE30];
	s22 =	smul.f32 $1.562500000e-02, s4  }
0x11a: {  	(xrf2) =	vadd.scan.msk.f32 $0xffff, v38;
	[tilespmem:$0x1FE10] =	vst v57;
	v57 =	vadd.f32 v27, v35;
	v27 =	vadd.f32 v62, v60;
	v62 =	vld [tilespmem:$0x1FE40];
	s17 =	spop (v2sf);
	s18 =	smul.f32 s26, s18  }
0x11b: {  	v49 =	vmul.f32 s14, v50;
	v50 =	vmul.f32 s14, v55;
	v55 =	vsub.f32 v36, v61;
	v36 =	vmovc v34;
	v34 =	vld [tilespmem:s11+$0x10];
	s20 =	ssub.f32 s22, s31;
	s22 =	smul.f32 $1.562500000e-02, s17  }
0x11c: {  	v52 =	vsub.f32 v37, v61;
	[tilespmem:$0x1FDF0] =	vst v39;
	v61 =	vmov v30;
	v30 =	vadd.f32 v59, v4;
	v59 =	vld [tilespmem:s16+$0x10];
	s31 =	spop (v2sf);
	s18 =	smul.f32 s18, s26  }
0x11d: {  	s28 =	smov.u32 s21;
	v56 =	vadd.f32 v21, v20;
	v35 =	vmul.f32 v24, v24;
	v60 =	vld [tilespmem:s11+$0x0];
	v39 =	vmul.f32 s29, v18;
	[tilespmem:$0x1FE20] =	vst v61;
	s7 =	smul.f32 $1.562500000e-02, s31  }
0x11e: {  	v28 =	vadd.f32 v8, v63;
	v63 =	vmov s19;
	v61 =	vld [tilespmem:s16+$0x0];
	[tilespmem:s28+$0x0] =	vst v30;
	v30 =	vadd.f32 v10, v9;
	s17 =	spop (v2sf);
	s18 =	ssub.f32 $1.500000000e+00, s18  }
0x11f: {  	v41 =	vld [tilespmem:s16+$0xFFFFFF80];
	v18 =	vmovc v31;
	v8 =	vadd.f32 v27, v24;
	v31 =	vmul.f32 v27, v27;
	v42 =	vsub.f32 v42, v63;
	s19 =	smul.f32 $1.562500000e-02, s17  }
0x120: {  	v37 =	vld [tilespmem:$0x1FE50];
	[tilespmem:$0x1FE30] =	vst v36;
	v38 =	vmul.f32 s29, v11;
	v36 =	vmul.f32 s29, v62;
	v6 =	vadd.f32 v30, v28;
	s0 =	smov.u32 s22;
	s18 =	smul.f32 s18, s26  }
0x121: {  	v62 =	vmov v33;
	v9 =	vmul.f32 v28, v28;
	v10 =	vld [tilespmem:s11+$0x20];
	v5, _, _ =	vpop (xrf2);
	v34 =	vadd.f32 v59, v34;
	s20 =	sadd.f32 $9.999999740e-06, s20;
	s22 =	smul.f32 s22, s0  }
0x122: {  	v33 =	vld [tilespmem:s16+$0x20];
	[tilespmem:$0x1FE40] =	vst v62;
	v62 =	vmul.f32 v30, v30;
	(v2sf) =	vpush v5, $0xF;
	v8 =	vadd.f32 v6, v8;
	s12 =	smul.f32 s18, s12  }
0x123: {  	v11 =	vmovc v32;
	s4 =	sshra.s32 s20, $0x1;
	s26 =	smul.f32 s7, s7;
	s31 =	ssub.f32 s19, s22;
	v4 =	vmul.f32 s18, v29;
	v29 =	vmovc v58;
	v58 =	vadd.f32 v31, v35;
	v31 =	vadd.f32 v61, v60;
	v60 =	vld [tilespmem:s11+$0x30]  }
0x124: {  	v59, _, _ =	vpop (xrf2);
	v6 =	vmul.f32 v34, v34;
	v9 =	vadd.f32 v62, v9;
	s13 =	ssub.s32 $0x5F3759DF, s4;
	s4 =	spop (v2sf);
	v61 =	vld [tilespmem:s16+$0x30];
	v12 =	vmov s12;
	s12 =	smul.f32 $5.000000000e-01, s20  }
0x125: {  	[tilespmem:$0x1FE50] =	vst v11;
	(v2sf) =	vpush v59, $0xF;
	v11 =	vmul.f32 s18, v25;
	v13 =	vmul.f32 s18, v26;
	v26 =	vmovc v51;
	v51 =	vld [tilespmem:s11+$0xFFFFFF80];
	s20 =	smul.f32 $1.562500000e-02, s4  }
0x126: {  	s14 =	smul.f32 s14, s2;
	v14 =	vmul.f32 s18, v23;
	s18 =	sadd.f32 $9.999999740e-06, s31;
	v5 =	vmul.f32 v31, v31;
	v62 =	vadd.f32 v34, v31  }
0x127: {  	(xrf2) =	vadd.scan.msk.f32 $0xffff, v8;
	v9 =	vadd.f32 v9, v58;
	v32 =	vsub.f32 v4, v12;
	s17 =	smul.f32 s13, s12;
	s20 =	ssub.f32 s20, s26  }
0x128: {  	v25 =	vmovc v54;
	v54 =	vmov s14;
	s19 =	sshra.s32 s18, $0x1;
	s31 =	smul.f32 $5.000000000e-01, s18;
	v58 =	vsub.f32 v43, v63;
	v8 =	vadd.f32 v6, v5  }
0x129: {  	s18 =	ssub.s32 $0x5F3759DF, s19;
	v4 =	vmul.f32 v32, v3;
	v32 =	vadd.f32 v33, v10;
	v33 =	vadd.f32 v61, v60;
	s4 =	smul.f32 s13, s17;
	s20 =	sadd.f32 $9.999999740e-06, s20  }
0x12a: {  	v40 =	vmul.f32 v40, v1;
	v35 =	vadd.f32 v41, v51;
	v61 =	vsub.f32 v48, v54;
	s17 =	smul.f32 s18, s31  }
0x12b: {  	s2 =	smov.u32 s8;
	v41 =	vmul.f32 v52, v2;
	v52 =	vsub.f32 v49, v54;
	v48 =	vsub.f32 v50, v54;
	s19 =	sshra.s32 s20, $0x1;
	s26 =	smul.f32 $5.000000000e-01, s20  }
0x12c: {  	v37 =	vmul.f32 s29, v37;
	v50 =	vsub.f32 v13, v12;
	v59 =	vadd.f32 v4, v7;
	s8 =	ssub.f32 $1.500000000e+00, s4;
	s14 =	smul.f32 s18, s17;
	s22 =	ssub.s32 $0x5F3759DF, s19  }
0x12d: {  	v10 =	vmul.f32 v32, v32;
	v4 =	vadd.f32 v33, v32;
	v51 =	vmul.f32 v33, v33;
	s20 =	smul.f32 s22, s26  }
0x12e: {  	s10 =	sadd.s32 $0x4, s10;
	v5 =	vadd.f32 v22, v35;
	v6 =	vmul.f32 v35, v35;
	v7 =	vsub.f32 v47, v63;
	s8 =	smul.f32 s13, s8  }
0x12f: {  	p0 =	slt.u32 s10, $0xC4;
	v43 =	vmul.f32 v58, v3;
	v4 =	vadd.f32 v4, v62;
	v10 =	vadd.f32 v51, v10;
	s14 =	ssub.f32 $1.500000000e+00, s14;
	s20 =	smul.f32 s22, s20  }
.Ltmp0:
0x130: {  	s21 =	smov.u32 s23;
	s23 =	sadd.s32 $0x100, s23;
	v49 =	vmul.f32 v61, v1;
	v5 =	vadd.f32 v56, v5;
	v44 =	vadd.f32 v44, v6;
	(pc) =	sbr.rel @p0 .LBB2_2-.Ltmp0, $4  }
0x131: {  	[tilespmem:s23+$0x70] =	vst v59;
	v51 =	vmul.f32 v42, v0;
	v56 =	vsub.f32 v46, v63;
	v59 =	vsub.f32 v45, v54;
	v63, _, _ =	vpop (xrf2);
	s14 =	smul.f32 s18, s14  }
0x132: {  	v23 =	vmovc v53;
	(xrf2) =	vadd.scan.msk.f32 $0xffff, v9;
	v47 =	vmul.f32 v7, v1;
	v54 =	vsub.f32 v11, v12;
	(v2sf) =	vpush v63, $0xF;
	s18 =	smul.f32 s8, s12;
	s13 =	ssub.f32 $1.500000000e+00, s20  }
0x133: {  	v42 =	vmul.f32 v55, v3;
	v53 =	vadd.f32 v10, v8;
	v62 =	vadd.f32 v57, v44;
	(xrf2) =	vadd.scan.msk.f32 $0xffff, v5;
	s20 =	smul.f32 s14, s31  }
0x134: {  	s11 =	sadd.s32 $0x100, s11;
	v46 =	vmul.f32 v56, v2;
	v45 =	vmul.f32 v59, v0;
	v44 =	vsub.f32 v14, v12;
	(xrf2) =	vadd.scan.msk.f32 $0xffff, v4;
	s12 =	spop (v2sf);
	s13 =	smul.f32 s22, s13  }
0x135: {  	_ =	sdelay $0x2  }
0x136: {  	s12 =	smul.f32 $1.562500000e-02, s12;
	s10 =	spop (v2sf);
	(xrf2) =	vadd.scan.msk.f32 $0xffff, v62  }
0x137: {  	s10 =	smul.f32 $1.562500000e-02, s10  }
0x138: {  	s11 =	smul.f32 s12, s12  }
0x139: {  	s16 =	smul.f32 s20, s14  }
0x13a: {  	s26 =	smul.f32 s13, s26;
	(xrf2) =	vadd.scan.msk.f32 $0xffff, v53;
	s10 =	ssub.f32 s10, s11;
	v8, _, _ =	vpop (xrf2)  }
0x13b: {  	s18 =	smul.f32 s18, s8;
	(v2sf) =	vpush v8, $0xF  }
0x13c: {  	s11 =	smul.f32 s26, s13;
	s10 =	sadd.f32 $9.999999740e-06, s10;
	v8, _, _ =	vpop (xrf2)  }
0x13d: {  	s16 =	ssub.f32 $1.500000000e+00, s16;
	s26 =	smul.f32 s29, s15;
	(v2sf) =	vpush v8, $0xF  }
0x13e: {  	s31 =	sshra.s32 s10, $0x1;
	s10 =	smul.f32 $5.000000000e-01, s10;
	v8, _, _ =	vpop (xrf2)  }
0x13f: {  	s4 =	ssub.f32 $1.500000000e+00, s18;
	s16 =	smul.f32 s16, s14;
	s20 =	ssub.s32 $0x5F3759DF, s31;
	(v2sf) =	vpush v8, $0xF  }
0x140: {  	v4 =	vld [tilespmem:$0x1FF60];
	s22 =	smul.f32 s20, s10;
	v8, _, _ =	vpop (xrf2)  }
0x141: {  	v2 =	vld [tilespmem:$0x1FFC0];
	s15 =	smul.f32 s4, s8;
	(v2sf) =	vpush v8, $0xF  }
0x142: {  	v5 =	vld [tilespmem:$0x1FED0];
	s17 =	smul.f32 s20, s22  }
0x143: {  	v6 =	vld [tilespmem:$0x1FF30];
	s11 =	ssub.f32 $1.500000000e+00, s11;
	s14 =	smul.f32 s16, s0  }
0x144: {  	v3 =	vld [tilespmem:$0x1FFD0];
	s2 =	smul.f32 s15, s2;
	v8, _, _ =	vpop (xrf2);
	s18 =	ssub.f32 $1.500000000e+00, s17  }
0x145: {  	v7 =	vld [tilespmem:$0x1FFB0];
	s11 =	smul.f32 s11, s13;
	(v2sf) =	vpush v8, $0xF  }
0x146: {  	v0 =	vld [tilespmem:$0x1FFE0];
	s19 =	spop (v2sf);
	s18 =	smul.f32 s20, s18  }
0x147: {  	s8 =	smul.f32 $1.562500000e-02, s19  }
0x148: {  	v1 =	vld [tilespmem:$0x1FFF0];
	s10 =	smul.f32 s18, s10  }
0x149: {  	v9 =	vmul.f32 v52, v2;
	v8 =	vadd.f32 v51, v4;
	s22 =	smul.f32 s8, s8  }
0x14a: {  	v10 =	vadd.f32 v47, v5;
	v11 =	vadd.f32 v46, v6;
	v12 =	vmul.f32 v48, v3;
	s4 =	smul.f32 s10, s18;
	s31 =	spop (v2sf)  }
0x14b: {  	v13 =	vadd.f32 v43, v7;
	v14 =	vadd.f32 v45, v4;
	v60 =	vmul.f32 v54, v0;
	[tilespmem:s21+$0xFFFFFF80] =	vst v8;
	s17 =	smul.f32 $1.562500000e-02, s31  }
0x14c: {  	v45 =	vadd.f32 v49, v5;
	v40 =	vadd.f32 v40, v5;
	v56 =	vmul.f32 s16, v15;
	v15 =	vld [tilespmem:$0x1FE00];
	s19 =	spop (v2sf);
	s31 =	ssub.f32 $1.500000000e+00, s4  }
0x14d: {  	v62 =	vmul.f32 v50, v1;
	v41 =	vadd.f32 v41, v6;
	v44 =	vmul.f32 v44, v2;
	s10 =	smul.f32 $1.562500000e-02, s19  }
0x14e: {  	v42 =	vadd.f32 v42, v7;
	v61 =	vmov s26;
	v19 =	vmul.f32 s16, v19;
	[tilespmem:s21+$0xFFFFFF90] =	vst v10;
	s4 =	spop (v2sf);
	s13 =	smul.f32 s31, s18  }
0x14f: {  	v63 =	vmul.f32 s16, v16;
	v9 =	vadd.f32 v9, v6;
	v12 =	vadd.f32 v12, v7;
	v10 =	vld [tilespmem:$0x1FDF0];
	[tilespmem:s21+$0xFFFFFFA0] =	vst v11;
	s17 =	ssub.f32 s17, s22;
	s0 =	smul.f32 $1.562500000e-02, s4  }
0x150: {  	v57 =	vmul.f32 s16, v17;
	v39 =	vsub.f32 v39, v61;
	v8 =	vsub.f32 v38, v61;
	v11 =	vld [tilespmem:$0x1FE10];
	s4 =	spop (v2sf);
	s19 =	smul.f32 s10, s10  }
0x151: {  	v43 =	vadd.f32 v60, v4;
	v37 =	vsub.f32 v37, v61;
	v58 =	vmul.f32 s15, v15;
	v15 =	vld [tilespmem:$0x1FE20];
	[tilespmem:s21+$0xFFFFFFB0] =	vst v13;
	s29 =	smul.f32 $1.562500000e-02, s4  }
0x152: {  	v47 =	vadd.f32 v62, v5;
	v44 =	vadd.f32 v44, v6;
	v8 =	vmul.f32 v8, v1;
	[tilespmem:s21+$0xFFFFFFC0] =	vst v14;
	s20 =	smul.f32 s13, s12;
	s18 =	sadd.f32 $9.999999740e-06, s17  }
0x153: {  	v39 =	vmul.f32 v39, v0;
	v37 =	vmul.f32 v37, v2;
	v13 =	vsub.f32 v36, v61;
	v17 =	vld [tilespmem:$0x1FE50];
	s31 =	smul.f32 s0, s0;
	s22 =	ssub.f32 s29, s19  }
0x154: {  	v16 =	vmul.f32 s11, v18;
	v8 =	vadd.f32 v8, v5;
	v61 =	vmov s14;
	s29 =	spop (v2sf);
	s12 =	smul.f32 $5.000000000e-01, s18  }
0x155: {  	v10 =	vmul.f32 s15, v10;
	v19 =	vsub.f32 v19, v61;
	v13 =	vmul.f32 v13, v3;
	s18 =	sshra.s32 s18, $0x1;
	s29 =	smul.f32 $1.562500000e-02, s29  }
0x156: {  	s7 =	smul.f32 s11, s7;
	v62 =	vsub.f32 v56, v61;
	v36 =	vsub.f32 v57, v61;
	v11 =	vmul.f32 s15, v11;
	s18 =	ssub.s32 $0x5F3759DF, s18;
	s17 =	sadd.f32 $9.999999740e-06, s22  }
0x157: {  	v14 =	vld [tilespmem:$0x1FE30];
	[tilespmem:s21+$0xFFFFFFD0] =	vst v45;
	v19 =	vmul.f32 v19, v0;
	v13 =	vadd.f32 v13, v7;
	v59 =	vmul.f32 s15, v15;
	s19 =	smul.f32 s18, s12;
	s26 =	ssub.f32 s29, s31  }
0x158: {  	v15 =	vadd.f32 v39, v4;
	v18 =	vmul.f32 s11, v17;
	v17 =	vld [tilespmem:$0x1FE40];
	[tilespmem:s21+$0xFFFFFFE0] =	vst v9;
	v29 =	vmul.f32 s13, v29;
	s31 =	sshra.s32 s17, $0x1;
	s16 =	smul.f32 $5.000000000e-01, s17  }
0x159: {  	[tilespmem:s21+$0xFFFFFFF0] =	vst v12;
	v9 =	vmul.f32 s13, v25;
	v12 =	vmul.f32 s13, v23;
	v60 =	vmov s20;
	s15 =	ssub.s32 $0x5F3759DF, s31;
	s4 =	smul.f32 s18, s19;
	s17 =	sadd.f32 $9.999999740e-06, s26  }
0x15a: {  	v36 =	vmul.f32 v36, v3;
	[tilespmem:s21+$0x0] =	vst v15;
	v15 =	vadd.f32 v19, v4;
	v29 =	vsub.f32 v29, v60;
	s19 =	smul.f32 s15, s16  }
0x15b: {  	[tilespmem:s28+$0x10] =	vst v40;
	v25 =	vmul.f32 s13, v26;
	v9 =	vsub.f32 v9, v60;
	v12 =	vsub.f32 v12, v60;
	s14 =	smul.f32 $5.000000000e-01, s17;
	s22 =	sshra.s32 s17, $0x1  }
0x15c: {  	v26 =	vsub.f32 v63, v61;
	[tilespmem:s23+$0xFFFFFF80] =	vst v15;
	v15 =	vadd.f32 v36, v7;
	v29 =	vmul.f32 v29, v3;
	s20 =	ssub.f32 $1.500000000e+00, s4;
	s26 =	smul.f32 s15, s19;
	s31 =	ssub.s32 $0x5F3759DF, s22  }
0x15d: {  	[tilespmem:s28+$0x20] =	vst v41;
	v25 =	vsub.f32 v25, v60;
	v9 =	vmul.f32 v9, v0;
	v12 =	vmul.f32 v12, v2;
	s4 =	smul.f32 s31, s14  }
0x15e: {  	v39 =	vmul.f32 v62, v2;
	[tilespmem:s23+$0xFFFFFFB0] =	vst v15;
	v15 =	vadd.f32 v37, v6;
	v23 =	vadd.f32 v29, v7;
	s13 =	smul.f32 s18, s20;
	s17 =	ssub.f32 $1.500000000e+00, s26  }
0x15f: {  	[tilespmem:s28+$0x30] =	vst v42;
	v29 =	vmov s2;
	v9 =	vadd.f32 v9, v4;
	v12 =	vadd.f32 v12, v6;
	s19 =	smul.f32 s31, s4  }
0x160: {  	[tilespmem:s23+$0x40] =	vst v43;
	v26 =	vmul.f32 v26, v1;
	v63 =	vsub.f32 v58, v29;
	v10 =	vsub.f32 v10, v29;
	s15 =	smul.f32 s15, s17  }
0x161: {  	v14 =	vmul.f32 s11, v14;
	[tilespmem:s23+$0x50] =	vst v47;
	v11 =	vsub.f32 v11, v29;
	v29 =	vsub.f32 v59, v29;
	s22 =	sadd.s32 $0x100, s23;
	s12 =	smul.f32 s13, s12  }
0x162: {  	v38 =	vmul.f32 v63, v0;
	v10 =	vmul.f32 v10, v1;
	[tilespmem:s22+$0x70] =	vst v23;
	v23 =	vadd.f32 v26, v5;
	s16 =	smul.f32 s15, s16  }
0x163: {  	[tilespmem:s23+$0x60] =	vst v44;
	v11 =	vmul.f32 v11, v2;
	v19 =	vmul.f32 v29, v3;
	v26 =	vadd.f32 v39, v6;
	s12 =	smul.f32 s12, s13  }
0x164: {  	v29 =	vadd.f32 v38, v4;
	[tilespmem:s23+$0xFFFFFF90] =	vst v23;
	v10 =	vadd.f32 v10, v5;
	v23 =	vmov s7;
	s18 =	ssub.f32 $1.500000000e+00, s19;
	s16 =	smul.f32 s16, s15  }
0x165: {  	[tilespmem:s21+$0x10] =	vst v8;
	v17 =	vmul.f32 s11, v17;
	v16 =	vsub.f32 v16, v23;
	v14 =	vsub.f32 v14, v23;
	s12 =	ssub.f32 $1.500000000e+00, s12  }
0x166: {  	v25 =	vmul.f32 v25, v1;
	[tilespmem:s21+$0x20] =	vst v15;
	v11 =	vadd.f32 v11, v6;
	v8 =	vsub.f32 v18, v23;
	s26 =	smul.f32 s31, s18;
	s16 =	ssub.f32 $1.500000000e+00, s16  }
0x167: {  	[tilespmem:s22+$0x40] =	vst v9;
	v19 =	vadd.f32 v19, v7;
	v16 =	vmul.f32 v16, v0;
	v14 =	vmul.f32 v14, v1;
	s12 =	smul.f32 s12, s13  }
0x168: {  	v17 =	vsub.f32 v17, v23;
	[tilespmem:s23+$0xFFFFFFD0] =	vst v10;
	v10 =	vadd.f32 v25, v5;
	v8 =	vmul.f32 v8, v2;
	s4 =	smul.f32 s16, s15  }
0x169: {  	[tilespmem:s23+$0xFFFFFFE0] =	vst v11;
	v9 =	vadd.f32 v16, v4;
	v14 =	vadd.f32 v14, v5;
	s8 =	smul.f32 s12, s8  }
0x16a: {  	[tilespmem:s23+$0xFFFFFFF0] =	vst v19;
	v8 =	vadd.f32 v8, v6;
	s31 =	smul.f32 s26, s14;
	v19 =	vmul.f32 s12, v24;
	v11 =	vmul.f32 s4, v20  }
0x16b: {  	[tilespmem:s22+$0x50] =	vst v10;
	v10 =	vmov s8;
	v20 =	vmul.f32 s4, v21;
	s10 =	smul.f32 s4, s10;
	v21 =	vmul.f32 s12, v27  }
0x16c: {  	[tilespmem:s22+$0x60] =	vst v12;
	v18 =	vmul.f32 s12, v28;
	v25 =	vmul.f32 s4, v35;
	v12 =	vsub.f32 v19, v10  }
0x16d: {  	[tilespmem:s23+$0x0] =	vst v9;
	s7 =	smul.f32 s31, s26;
	v15 =	vmul.f32 s12, v30;
	v24 =	vmov s10;
	v9 =	vsub.f32 v21, v10  }
0x16e: {  	[tilespmem:s21+$0x30] =	vst v13;
	v22 =	vmul.f32 s4, v22;
	v12 =	vmul.f32 v12, v0;
	v23 =	vsub.f32 v25, v24  }
0x16f: {  	[tilespmem:s23+$0xFFFFFFA0] =	vst v26;
	s7 =	ssub.f32 $1.500000000e+00, s7;
	v18 =	vsub.f32 v18, v10;
	v20 =	vsub.f32 v20, v24;
	v9 =	vmul.f32 v9, v1  }
0x170: {  	[tilespmem:s23+$0xFFFFFFC0] =	vst v29;
	v11 =	vsub.f32 v11, v24;
	v12 =	vadd.f32 v12, v4;
	v16 =	vmul.f32 v23, v0  }
0x171: {  	[tilespmem:s23+$0x10] =	vst v14;
	s7 =	smul.f32 s7, s26;
	v10 =	vsub.f32 v15, v10;
	v19 =	vmul.f32 v20, v3;
	v9 =	vadd.f32 v9, v5  }
0x172: {  	v18 =	vmul.f32 v18, v2;
	v11 =	vmul.f32 v11, v2;
	[tilespmem:s22+$0xFFFFFFC0] =	vst v12;
	v16 =	vadd.f32 v16, v4  }
0x173: {  	v13 =	vmul.f32 s7, v31;
	v22 =	vsub.f32 v22, v24;
	s0 =	smul.f32 s7, s0;
	v15 =	vadd.f32 v19, v7;
	[tilespmem:s22+$0xFFFFFFD0] =	vst v9  }
0x174: {  	v25 =	vmul.f32 s7, v34;
	v10 =	vmul.f32 v10, v3;
	v11 =	vadd.f32 v11, v6;
	[tilespmem:s22+$0xFFFFFF80] =	vst v16  }
0x175: {  	v22 =	vmul.f32 v22, v1;
	v12 =	vmov s0;
	[tilespmem:s22+$0xFFFFFFB0] =	vst v15;
	v15 =	vadd.f32 v18, v6  }
0x176: {  	v10 =	vadd.f32 v10, v7;
	v9 =	vsub.f32 v13, v12;
	v16 =	vmul.f32 s7, v32;
	[tilespmem:s22+$0xFFFFFFA0] =	vst v11  }
0x177: {  	v13 =	vmul.f32 v17, v3;
	v11 =	vmul.f32 s7, v33;
	[tilespmem:s22+$0xFFFFFFE0] =	vst v15;
	v15 =	vsub.f32 v25, v12  }
0x178: {  	v20 =	vadd.f32 v22, v5;
	[tilespmem:s22+$0xFFFFFFF0] =	vst v10;
	v9 =	vmul.f32 v9, v0;
	v10 =	vsub.f32 v16, v12  }
0x179: {  	[tilespmem:s23+$0x20] =	vst v8;
	v13 =	vadd.f32 v13, v7;
	v11 =	vsub.f32 v11, v12;
	v12 =	vmul.f32 v15, v1  }
0x17a: {  	[tilespmem:s22+$0xFFFFFF90] =	vst v20;
	v8 =	vadd.f32 v9, v4;
	v9 =	vmul.f32 v10, v2  }
0x17b: {  	[tilespmem:s23+$0x30] =	vst v13;
	v10 =	vmul.f32 v11, v3;
	v11 =	vadd.f32 v12, v5  }
0x17c: {  	[tilespmem:s22+$0x0] =	vst v8;
	v8 =	vadd.f32 v9, v6  }
0x17d: {  	v9 =	vadd.f32 v10, v7;
	[tilespmem:s22+$0x10] =	vst v11  }
0x17e: {  	[tilespmem:s22+$0x20] =	vst v8  }
0x17f: {  	[tilespmem:s22+$0x30] =	vst v9  }
0x180: {  	s13 =	simm.s32 $0xC800;
	s12 =	rddreg [dreg:$0x6]  }
0x181: {  	[hbm4b:s12+s3] =	stream.linear.scatter [tilespmem:s13], [sflag:$0x3], $0x3200, $0x38;
	[tilespmem:$0x15E80] =	vst v63  }
0x182: {  	s14 =	simm.s32 $0x6400;
	s15 =	simm.s32 $0x190  }
0x183: {  	[tilespmem:s14], [sflag:$0x1] =	stream.indirect.gather [hbm4b:s6+s1], $0x40, s15, s1, $0xb8;
	[tilespmem:$0x15E80] =	vst v63  }
0x184: {  	s17 =	simm.s32 $0x210;
	s16 =	simm.s32 $0x8400  }
0x185: {  	[tilespmem:s16], [sflag:$0x1] =	stream.indirect.gather [hbm4b:s6+s24], $0x40, s17, s24, $0xb8;
	[tilespmem:$0x15E80] =	vst v63  }
0x186: {  	_ =	swait.ge [sflag:s30], $0x3200  }
0x187: {  	[sflag:s30] =	ssyncset.done $0x0  }
0x188: {  	s18 =	simm.s32 $0x9680;
	[sflag:s30] =	ssyncadd.s32 $0xFFFFCE00  }
0x189: {  	s19 =	simm.s32 $0x12C80;
	v8 =	vld [tilespmem:s18+$0x40]  }
0x18a: {  	v9 =	vld [tilespmem:s19+$0x40]  }
0x18b: {  	v11 =	vld [tilespmem:s18+$0x50]  }
0x18c: {  	v12 =	vld [tilespmem:s19+$0x50]  }
0x18d: {  	v13 =	vld [tilespmem:s18+$0x60]  }
0x18e: {  	v14 =	vld [tilespmem:s19+$0x60]  }
0x18f: {  	v15 =	vld [tilespmem:s18+$0x70]  }
0x190: {  	v16 =	vld [tilespmem:s19+$0x70]  }
0x191: {  	v17 =	vld [tilespmem:s18+$0xFFFFFF90]  }
0x192: {  	v20 =	vld [tilespmem:s19+$0xFFFFFF90]  }
0x193: {  	v18 =	vld [tilespmem:s18+$0xFFFFFFA0]  }
0x194: {  	v25 =	vld [tilespmem:s18+$0xFFFFFFC0]  }
0x195: {  	v26 =	vld [tilespmem:s19+$0xFFFFFFC0]  }
0x196: {  	v27 =	vld [tilespmem:s19+$0xFFFFFFF0]  }
0x197: {  	v28 =	vld [tilespmem:s18+$0x0];
	v10 =	vadd.f32 v9, v8;
	v9 =	vadd.f32 v12, v11  }
0x198: {  	v43 =	vld [tilespmem:s19+$0x30];
	v8 =	vadd.f32 v14, v13;
	v11 =	vadd.f32 v16, v15  }
0x199: {  	v13 =	vld [tilespmem:s18+$0xFFFFFFB0];
	v14 =	vmul.f32 v10, v10;
	v15 =	vmul.f32 v9, v9  }
0x19a: {  	v16 =	vld [tilespmem:s19+$0xFFFFFFB0];
	v21 =	vmul.f32 v8, v8;
	v22 =	vmul.f32 v11, v11  }
0x19b: {  	v12 =	vld [tilespmem:s19+$0xFFFFFFA0];
	v23 =	vadd.f32 v9, v10;
	v24 =	vadd.f32 v11, v8  }
0x19c: {  	v14 =	vadd.f32 v15, v14;
	v15 =	vadd.f32 v22, v21;
	v22 =	vld [tilespmem:s18+$0xFFFFFFD0]  }
0x19d: {  	v21 =	vadd.f32 v24, v23;
	v24 =	vld [tilespmem:s19+$0xFFFFFFD0]  }
0x19e: {  	v23 =	vadd.f32 v26, v25;
	v25 =	vld [tilespmem:s18+$0x30];
	v14 =	vadd.f32 v15, v14  }
0x19f: {  	v31 =	vadd.f32 v16, v13;
	v13 =	vld [tilespmem:s18+$0x20];
	(xrf2) =	vadd.scan.msk.f32 $0xffff, v21  }
0x1a0: {  	v15 =	vld [tilespmem:s18+$0xFFFFFFE0];
	(xrf2) =	vadd.scan.msk.f32 $0xffff, v14  }
0x1a1: {  	v21 =	vld [tilespmem:s19+$0xFFFFFFE0]  }
0x1a2: {  	v14 =	vld [tilespmem:s18+$0xFFFFFFF0]  }
0x1a3: {  	v16 =	vld [tilespmem:s19+$0x20]  }
0x1a4: {  	v29 =	vld [tilespmem:s19+$0x0];
	v18 =	vadd.f32 v12, v18  }
0x1a5: {  	v19 =	vld [tilespmem:s19+$0xFFFFFF80];
	v22 =	vadd.f32 v24, v22  }
0x1a6: {  	v30 =	vld [tilespmem:s18+$0x10];
	v46 =	vadd.f32 v20, v17;
	v42 =	vadd.f32 v31, v18;
	v24 =	vmul.f32 v23, v23  }
0x1a7: {  	v20 =	vadd.f32 v21, v15;
	v26 =	vmul.f32 v22, v22;
	v21 =	vadd.f32 v27, v14;
	v14 =	vld [tilespmem:s18+$0xFFFFFF80]  }
0x1a8: {  	v12 =	vld [tilespmem:s19+$0x10];
	v52 =	vadd.f32 v43, v25;
	v54 =	vadd.f32 v16, v13  }
0x1a9: {  	v45 =	vmul.f32 v20, v20;
	v26 =	vadd.f32 v26, v24;
	v24 =	vadd.f32 v29, v28;
	v15, _, _ =	vpop (xrf2)  }
0x1aa: {  	v44 =	vadd.f32 v21, v20;
	v28 =	vmul.f32 v21, v21;
	(v2sf) =	vpush v15, $0xF;
	v15, _, _ =	vpop (xrf2)  }
0x1ab: {  	(v2sf) =	vpush v15, $0xF;
	v15 =	vadd.f32 v22, v23  }
0x1ac: {  	s20 =	simm.s32 $0x9780;
	v13 =	vadd.f32 v28, v45;
	v16 =	vadd.f32 v19, v14  }
0x1ad: {  	v47 =	vld [tilespmem:s20+$0x50];
	v27 =	vadd.f32 v12, v30;
	v12 =	vadd.f32 v44, v15  }
0x1ae: {  	v48 =	vld [tilespmem:s20+$0x60];
	v13 =	vadd.f32 v13, v26;
	v14 =	vadd.f32 v46, v16  }
0x1af: {  	s10 =	simm.s32 $0x12D80;
	v49 =	vld [tilespmem:s20+$0x70];
	v15 =	vadd.f32 v52, v54;
	(xrf2) =	vadd.scan.msk.f32 $0xffff, v12;
	v12 =	vadd.f32 v27, v24  }
0x1b0: {  	v50 =	vld [tilespmem:s10+$0x70];
	v14 =	vadd.f32 v42, v14  }
0x1b1: {  	v36 =	vld [tilespmem:s20+$0xFFFFFF90];
	(xrf2) =	vadd.scan.msk.f32 $0xffff, v13;
	v12 =	vadd.f32 v15, v12  }
0x1b2: {  	v51 =	vld [tilespmem:s10+$0xFFFFFF90];
	v25 =	vmul.f32 v31, v31;
	v19 =	vmul.f32 v18, v18;
	(xrf2) =	vadd.scan.msk.f32 $0xffff, v14  }
0x1b3: {  	v38 =	vld [tilespmem:s20+$0xFFFFFFA0];
	v13 =	vmul.f32 v46, v46;
	v15 =	vmul.f32 v16, v16;
	(xrf2) =	vadd.scan.msk.f32 $0xffff, v12  }
0x1b4: {  	v39 =	vld [tilespmem:s20+$0xFFFFFFC0];
	v14 =	vadd.f32 v25, v19;
	v19 =	vmul.f32 v24, v24;
	v25 =	vmul.f32 v27, v27  }
0x1b5: {  	v60 =	vld [tilespmem:s20+$0xFFFFFFD0];
	v28 =	vmul.f32 v52, v52;
	v26 =	vmul.f32 v54, v54;
	v13 =	vadd.f32 v13, v15  }
0x1b6: {  	v12 =	vld [tilespmem:s20+$0x40];
	v19 =	vadd.f32 v25, v19  }
0x1b7: {  	v15 =	vld [tilespmem:s10+$0x40];
	v25 =	vadd.f32 v28, v26;
	v13 =	vadd.f32 v14, v13  }
0x1b8: {  	v14 =	vld [tilespmem:s10+$0x50]  }
0x1b9: {  	(xrf2) =	vadd.scan.msk.f32 $0xffff, v13;
	v13 =	vld [tilespmem:s10+$0x60]  }
0x1ba: {  	v63 =	vld [tilespmem:s10+$0xFFFFFFD0];
	v32 =	vadd.f32 v50, v49;
	v19 =	vadd.f32 v25, v19;
	v26, _, _ =	vpop (xrf2)  }
0x1bb: {  	v41 =	vld [tilespmem:s20+$0x0];
	v45 =	vadd.f32 v51, v36;
	s21 =	spop (v2sf);
	(v2sf) =	vpush v26, $0xF;
	v25, _, _ =	vpop (xrf2)  }
0x1bc: {  	v49 =	vld [tilespmem:s10+$0xFFFFFFE0];
	s8 =	smul.f32 $1.562500000e-02, s21;
	s22 =	spop (v2sf);
	(xrf2) =	vadd.scan.msk.f32 $0xffff, v19;
	v26 =	vadd.f32 v15, v12;
	(v2sf) =	vpush v25, $0xF;
	v25, _, _ =	vpop (xrf2)  }
0x1bd: {  	v50 =	vld [tilespmem:s20+$0xFFFFFFF0];
	v28 =	vadd.f32 v14, v47;
	s0 =	smul.f32 $1.562500000e-02, s22;
	(v2sf) =	vpush v25, $0xF;
	v25, _, _ =	vpop (xrf2)  }
0x1be: {  	v51 =	vld [tilespmem:s20+$0x10];
	s23 =	smul.f32 s8, s8;
	(v2sf) =	vpush v25, $0xF;
	v25 =	vadd.f32 v13, v48  }
0x1bf: {  	v58 =	vmul.f32 v32, v32;
	v44 =	vld [tilespmem:s10+$0x0];
	v15 =	vmul.f32 v26, v26  }
0x1c0: {  	v42 =	vld [tilespmem:s10+$0xFFFFFFC0];
	v53 =	vmul.f32 v28, v28;
	s0 =	ssub.f32 s0, s23;
	v57 =	vmul.f32 v25, v25  }
0x1c1: {  	v12 =	vld [tilespmem:s10+$0xFFFFFFA0];
	v56 =	vadd.f32 v28, v26;
	v59 =	vadd.f32 v32, v25  }
0x1c2: {  	v15 =	vadd.f32 v53, v15;
	v48 =	vld [tilespmem:s20+$0xFFFFFFE0];
	s0 =	sadd.f32 $9.999999740e-06, s0;
	v61 =	vadd.f32 v58, v57  }
0x1c3: {  	v14 =	vld [tilespmem:s10+$0xFFFFFFB0];
	v34 =	vadd.f32 v59, v56  }
0x1c4: {  	v13 =	vld [tilespmem:s20+$0xFFFFFFB0];
	s24 =	sshra.s32 s0, $0x1;
	s0 =	smul.f32 $5.000000000e-01, s0;
	v15 =	vadd.f32 v61, v15  }
0x1c5: {  	v19 =	vld [tilespmem:s10+$0xFFFFFF80];
	v55, _, _ =	vpop (xrf2);
	s2 =	ssub.s32 $0x5F3759DF, s24;
	v58 =	vadd.f32 v42, v39;
	(xrf2) =	vadd.scan.msk.f32 $0xffff, v34  }
0x1c6: {  	v17 =	vadd.f32 v63, v60;
	(v2sf) =	vpush v55, $0xF;
	s26 =	smul.f32 s2, s0;
	v62, _, _ =	vpop (xrf2);
	(xrf2) =	vadd.scan.msk.f32 $0xffff, v15;
	v15 =	vld [tilespmem:s10+$0xFFFFFFF0]  }
0x1c7: {  	v55 =	vadd.f32 v12, v38;
	v12 =	vld [tilespmem:s10+$0x10];
	v30 =	vadd.f32 v49, v48;
	[tilespmem:$0x1FD20] =	vst v58  }
0x1c8: {  	s7 =	smul.f32 s2, s26;
	[tilespmem:$0x1FD30] =	vst v17  }
0x1c9: {  	v57 =	vadd.f32 v14, v13;
	v13 =	vld [tilespmem:s20+$0x20];
	[tilespmem:$0x1FD40] =	vst v30  }
0x1ca: {  	s7 =	ssub.f32 $1.500000000e+00, s7;
	v14 =	vld [tilespmem:s20+$0xFFFFFF80]  }
0x1cb: {  	v29 =	vadd.f32 v15, v50  }
0x1cc: {  	(v2sf) =	vpush v62, $0xF;
	v61 =	vld [tilespmem:s10+$0x20];
	s31 =	spop (v2sf);
	s4 =	smul.f32 s2, s7  }
0x1cd: {  	v63 =	vld [tilespmem:s20+$0x30];
	s2 =	smul.f32 $1.562500000e-02, s31;
	[tilespmem:$0x1FD50] =	vst v29  }
0x1ce: {  	s15 =	spop (v2sf);
	s0 =	smul.f32 s4, s0;
	v48 =	vld [tilespmem:s10+$0x30]  }
0x1cf: {  	v60 =	vmul.f32 v17, v17;
	v37 =	vadd.f32 v17, v58;
	s12 =	smul.f32 $1.562500000e-02, s15;
	v17 =	vadd.f32 v19, v14  }
0x1d0: {  	v59 =	vmul.f32 v58, v58;
	s14 =	smul.f32 s2, s2;
	s10 =	simm.s32 $0x9880  }
0x1d1: {  	s11 =	simm.s32 $0x12E80;
	s16 =	spop (v2sf);
	s0 =	smul.f32 s0, s4;
	v53 =	vadd.f32 v61, v13;
	v38 =	vld [tilespmem:s10+$0x40];
	[tilespmem:$0x1FD00] =	vst v17  }
0x1d2: {  	v47 =	vmul.f32 v30, v30;
	v33 =	vadd.f32 v60, v59;
	s7 =	smul.f32 $1.562500000e-02, s16;
	s12 =	ssub.f32 s12, s14;
	v14 =	vld [tilespmem:s11+$0x40]  }
0x1d3: {  	v15 =	vadd.f32 v57, v55;
	v50 =	vmul.f32 v29, v29;
	s0 =	ssub.f32 $1.500000000e+00, s0;
	v36 =	vld [tilespmem:s10+$0x50];
	[tilespmem:$0x1FD80] =	vst v53;
	v58 =	vadd.f32 v48, v63  }
0x1d4: {  	s17 =	spop (v2sf);
	v40 =	vadd.f32 v29, v30;
	v29 =	vadd.f32 v12, v51;
	s18 =	smul.f32 s7, s7;
	[tilespmem:$0x1FD10] =	vst v45  }
0x1d5: {  	v12 =	vadd.f32 v50, v47;
	v13 =	vadd.f32 v45, v17;
	s12 =	sadd.f32 $9.999999740e-06, s12;
	s13 =	smul.f32 s0, s4;
	v35 =	vld [tilespmem:s11+$0x50];
	[tilespmem:$0x1FD90] =	vst v58  }
0x1d6: {  	v30 =	vadd.f32 v44, v41;
	v19 =	vmul.f32 v55, v55;
	v37 =	vadd.f32 v40, v37;
	s0 =	smul.f32 $1.562500000e-02, s17;
	s20 =	spop (v2sf);
	v59 =	vld [tilespmem:s10+$0x60]  }
0x1d7: {  	v51 =	vmul.f32 v57, v57;
	v62, _, _ =	vpop (xrf2);
	v12 =	vadd.f32 v12, v33;
	v13 =	vadd.f32 v15, v13;
	s21 =	smul.f32 $1.562500000e-02, s20;
	v15 =	vld [tilespmem:s11+$0x60];
	[tilespmem:$0x1FD70] =	vst v29  }
0x1d8: {  	v56 =	vmul.f32 v45, v45;
	(v2sf) =	vpush v62, $0xF;
	(xrf2) =	vadd.scan.msk.f32 $0xffff, v37;
	s14 =	smul.f32 $5.000000000e-01, s12;
	[tilespmem:$0x1FD60] =	vst v30  }
0x1d9: {  	v60 =	vadd.f32 v51, v19;
	v19 =	vmul.f32 v17, v17;
	v61 =	vadd.f32 v29, v30;
	v49, _, _ =	vpop (xrf2);
	s12 =	sshra.s32 s12, $0x1;
	s19 =	smul.f32 s0, s0;
	(xrf2) =	vadd.scan.msk.f32 $0xffff, v12;
	v12 =	vld [tilespmem:s10+$0x70]  }
0x1da: {  	(v2sf) =	vpush v49, $0xF;
	s12 =	ssub.s32 $0x5F3759DF, s12;
	s20 =	smul.f32 s13, s8;
	s15 =	ssub.f32 s21, s18;
	(xrf2) =	vadd.scan.msk.f32 $0xffff, v13;
	v39 =	vadd.f32 v58, v53;
	v13 =	vld [tilespmem:s11+$0x70]  }
0x1db: {  	v41 =	vmul.f32 v30, v30;
	v62 =	vmul.f32 v29, v29;
	v40 =	vadd.f32 v56, v19;
	s22 =	spop (v2sf);
	s24 =	smul.f32 s12, s14;
	v19 =	vld [tilespmem:s11+$0xFFFFFF80]  }
0x1dc: {  	v43 =	vmul.f32 v53, v53;
	s18 =	smul.f32 $1.562500000e-02, s22;
	v63 =	vmul.f32 v58, v58;
	s23 =	sadd.f32 $9.999999740e-06, s15;
	v37 =	vadd.f32 v39, v61;
	v39 =	vld [tilespmem:s10+$0xFFFFFF90]  }
0x1dd: {  	s31 =	smul.f32 s12, s24;
	v50 =	vld [tilespmem:s11+$0xFFFFFF90]  }
0x1de: {  	v48 =	vadd.f32 v62, v41;
	v11 =	vmul.f32 s13, v11;
	s18 =	ssub.f32 s18, s19;
	v49 =	vadd.f32 v63, v43;
	v42 =	vld [tilespmem:s11+$0xFFFFFFA0];
	s26 =	sshra.s32 s23, $0x1;
	s16 =	smul.f32 $5.000000000e-01, s23  }
0x1df: {  	v34 =	vadd.f32 v60, v40;
	v10 =	vmul.f32 s13, v10;
	v53 =	vmov s20;
	v41 =	vld [tilespmem:s10+$0xFFFFFFB0];
	s8 =	ssub.f32 $1.500000000e+00, s31;
	s21 =	ssub.s32 $0x5F3759DF, s26  }
0x1e0: {  	v9 =	vmul.f32 s13, v9;
	v11 =	vsub.f32 v11, v53;
	v44 =	vld [tilespmem:s10+$0xFFFFFFC0];
	s4 =	sadd.f32 $9.999999740e-06, s18;
	(xrf2) =	vadd.scan.msk.f32 $0xffff, v37;
	v40 =	vadd.f32 v49, v48;
	s17 =	smul.f32 s21, s16  }
0x1e1: {  	v8 =	vmul.f32 s13, v8;
	v10 =	vsub.f32 v10, v53;
	(xrf2) =	vadd.scan.msk.f32 $0xffff, v34;
	v34 =	vld [tilespmem:s10+$0xFFFFFFA0];
	s8 =	smul.f32 s12, s8  }
0x1e2: {  	v9 =	vsub.f32 v9, v53;
	s23 =	smul.f32 $5.000000000e-01, s4;
	v51, _, _ =	vpop (xrf2);
	(xrf2) =	vadd.scan.msk.f32 $0xffff, v40;
	v40 =	vld [tilespmem:s11+$0xFFFFFFB0];
	[tilespmem:$0x1FC90] =	vst v11  }
0x1e3: {  	v8 =	vsub.f32 v8, v53;
	s19 =	sshra.s32 s4, $0x1;
	[tilespmem:$0x1FCA0] =	vst v10;
	s24 =	smul.f32 s21, s17  }
0x1e4: {  	v14 =	vadd.f32 v14, v38;
	s26 =	ssub.s32 $0x5F3759DF, s19;
	v10 =	vld [tilespmem:s11+$0xFFFFFFC0];
	[tilespmem:$0x1FCB0] =	vst v9;
	s14 =	smul.f32 s8, s14  }
0x1e5: {  	v17 =	vadd.f32 v35, v36;
	s22 =	smul.f32 s26, s23;
	v45 =	vld [tilespmem:s10+$0xFFFFFFD0];
	[tilespmem:$0x1FCC0] =	vst v8  }
0x1e6: {  	v29 =	vadd.f32 v15, v59;
	s15 =	ssub.f32 $1.500000000e+00, s24;
	v58 =	vld [tilespmem:s11+$0xFFFFFFD0];
	[tilespmem:$0x1FDA0] =	vst v14;
	s14 =	smul.f32 s14, s8  }
0x1e7: {  	(v2sf) =	vpush v51, $0xF;
	v60 =	vadd.f32 v13, v12;
	s31 =	spop (v2sf);
	[tilespmem:$0x1FDB0] =	vst v17;
	s22 =	smul.f32 s26, s22  }
0x1e8: {  	v59 =	vmul.f32 v17, v17;
	v56, _, _ =	vpop (xrf2);
	v62 =	vmul.f32 v29, v29;
	s12 =	smul.f32 $1.562500000e-02, s31;
	v35 =	vld [tilespmem:s10+$0xFFFFFFE0];
	[tilespmem:$0x1FDC0] =	vst v29  }
0x1e9: {  	(v2sf) =	vpush v56, $0xF;
	v9, _, _ =	vpop (xrf2);
	v11 =	vadd.f32 v60, v29;
	v63 =	vmul.f32 v60, v60;
	s15 =	smul.f32 s21, s15;
	s4 =	spop (v2sf);
	v12 =	vld [tilespmem:s11+$0xFFFFFFE0]  }
0x1ea: {  	(v2sf) =	vpush v9, $0xF;
	v9 =	vadd.f32 v17, v14;
	v14 =	vmul.f32 v14, v14;
	v13 =	vld [tilespmem:s10+$0xFFFFFFF0];
	s20 =	smul.f32 $1.562500000e-02, s4  }
0x1eb: {  	v15 =	vld [tilespmem:s11+$0xFFFFFFF0];
	v38 =	vadd.f32 v63, v62;
	s14 =	ssub.f32 $1.500000000e+00, s14;
	v17 =	vadd.f32 v40, v41;
	s19 =	smul.f32 s12, s12  }
0x1ec: {  	v36 =	vld [tilespmem:s10+$0x0];
	s17 =	ssub.f32 $1.500000000e+00, s22;
	v53 =	vadd.f32 v11, v9;
	v33 =	vadd.f32 v59, v14;
	s16 =	smul.f32 s15, s16  }
0x1ed: {  	v56 =	vld [tilespmem:s11+$0x0];
	v10 =	vadd.f32 v10, v44;
	v14 =	vadd.f32 v42, v34;
	s14 =	smul.f32 s14, s8;
	s21 =	ssub.f32 s20, s19  }
0x1ee: {  	v62 =	vld [tilespmem:s10+$0xFFFFFF80];
	s13 =	smul.f32 s26, s17;
	v8, _, _ =	vpop (xrf2);
	v11 =	vadd.f32 v58, v45;
	v33 =	vadd.f32 v38, v33  }
0x1ef: {  	v37 =	vld [tilespmem:s10+$0x10];
	v42 =	vadd.f32 v17, v14;
	(v2sf) =	vpush v8, $0xF;
	v8, _, _ =	vpop (xrf2);
	s16 =	smul.f32 s16, s15;
	s18 =	sadd.f32 $9.999999740e-06, s21  }
0x1f0: {  	v34 =	vld [tilespmem:s10+$0x20];
	s22 =	smul.f32 s13, s23;
	(v2sf) =	vpush v8, $0xF;
	v8 =	vadd.f32 v50, v39;
	v61, _, _ =	vpop (xrf2)  }
0x1f1: {  	v59 =	vld [tilespmem:s11+$0x20];
	(xrf2) =	vadd.scan.msk.f32 $0xffff, v53;
	v63 =	vadd.f32 v11, v10;
	(v2sf) =	vpush v61, $0xF;
	s23 =	sshra.s32 s18, $0x1;
	s18 =	smul.f32 $5.000000000e-01, s18  }
0x1f2: {  	v58 =	vmul.f32 v10, v10;
	v39 =	vld [tilespmem:s11+$0x10];
	s16 =	ssub.f32 $1.500000000e+00, s16;
	v9 =	vmovc v8;
	s20 =	smul.f32 s22, s13;
	v8 =	vadd.f32 v12, v35;
	v12 =	vadd.f32 v15, v13;
	s21 =	ssub.s32 $0x5F3759DF, s23  }
0x1f3: {  	v48 =	vld [tilespmem:s10+$0x30];
	v61 =	vmul.f32 v11, v11;
	v15 =	vmovc v17;
	v13 =	vadd.f32 v56, v36;
	v17 =	vadd.f32 v19, v62;
	s24 =	smul.f32 s21, s18  }
0x1f4: {  	v53 =	vld [tilespmem:s11+$0x30];
	s15 =	smul.f32 s16, s15;
	v49 =	vmul.f32 v8, v8;
	v51 =	vmul.f32 v12, v12;
	v56 =	vadd.f32 v12, v8  }
0x1f5: {  	v23 =	vmul.f32 s14, v23;
	v35 =	vadd.f32 v61, v58;
	v61 =	vadd.f32 v9, v17;
	s22 =	smul.f32 s21, s24  }
0x1f6: {  	(xrf2) =	vadd.scan.msk.f32 $0xffff, v33;
	[tilespmem:$0x1FC40] =	vst v8;
	s26 =	spop (v2sf);
	v58 =	vadd.f32 v51, v49;
	v33 =	vadd.f32 v56, v63;
	s24 =	smul.f32 s15, s7  }
0x1f7: {  	s11 =	simm.s32 $0x9980;
	v36 =	vmul.f32 v9, v9;
	[tilespmem:$0x1FC50] =	vst v12;
	v12 =	vadd.f32 v59, v34;
	v8 =	vadd.f32 v39, v37;
	s8 =	smul.f32 $1.562500000e-02, s26  }
0x1f8: {  	s22 =	ssub.f32 $1.500000000e+00, s22;
	s16 =	spop (v2sf);
	v59 =	vadd.f32 v58, v35;
	(xrf2) =	vadd.scan.msk.f32 $0xffff, v33;
	v33 =	vadd.f32 v42, v61;
	v42 =	vld [tilespmem:s11+$0x40];
	[tilespmem:$0x1FC60] =	vst v13  }
0x1f9: {  	v34 =	vmul.f32 v15, v15;
	v47 =	vmul.f32 s15, v16;
	v16 =	vadd.f32 v53, v48;
	[tilespmem:$0x1FC70] =	vst v8;
	s19 =	smul.f32 $1.562500000e-02, s16;
	s16 =	simm.s32 $0x12F80  }
0x1fa: {  	v40 =	vmul.f32 v13, v13;
	v31 =	vmul.f32 s15, v31;
	s21 =	smul.f32 s21, s22;
	(xrf2) =	vadd.scan.msk.f32 $0xffff, v59;
	v44 =	vld [tilespmem:s16+$0x40];
	[tilespmem:$0x1FC80] =	vst v12  }
0x1fb: {  	v39 =	vadd.f32 v8, v13;
	v63 =	vadd.f32 v16, v12;
	v53 =	vmul.f32 v8, v8;
	v62, _, _ =	vpop (xrf2);
	s4 =	smul.f32 s8, s8;
	(xrf2) =	vadd.scan.msk.f32 $0xffff, v33;
	v33 =	vld [tilespmem:s11+$0x50]  }
0x1fc: {  	v56 =	vmul.f32 v16, v16;
	v49 =	vmov s24;
	(v2sf) =	vpush v62, $0xF;
	v48 =	vld [tilespmem:s16+$0x50];
	s31 =	smul.f32 s21, s18  }
0x1fd: {  	v62 =	vmul.f32 v12, v12;
	v39 =	vadd.f32 v63, v39;
	v63 =	vmul.f32 v17, v17;
	v51 =	vld [tilespmem:s11+$0x60];
	s18 =	ssub.f32 s19, s4;
	s19 =	smul.f32 s14, s2  }
0x1fe: {  	v37 =	vmul.f32 v14, v14;
	v40 =	vadd.f32 v53, v40;
	v8 =	vsub.f32 v31, v49;
	v53 =	vld [tilespmem:s16+$0x60]  }
0x1ff: {  	v50 =	vadd.f32 v56, v62;
	v36 =	vadd.f32 v36, v63;
	v62 =	vld [tilespmem:s11+$0x70];
	v63 =	vmov s19  }
0x200: {  	v22 =	vmul.f32 s14, v22;
	v12 =	vsub.f32 v47, v49;
	v47 =	vld [tilespmem:s16+$0x70];
	[tilespmem:$0x1FCD0] =	vst v8;
	v8 =	vsub.f32 v23, v63  }
0x201: {  	v34 =	vadd.f32 v34, v37  }
0x202: {  	v61, _, _ =	vpop (xrf2);
	(xrf2) =	vadd.scan.msk.f32 $0xffff, v39;
	[tilespmem:$0x1FCE0] =	vst v8;
	v8 =	vsub.f32 v22, v63  }
0x203: {  	s20 =	ssub.f32 $1.500000000e+00, s20;
	v38 =	vmul.f32 s15, v46;
	v34 =	vadd.f32 v34, v36  }
0x204: {  	v20 =	vmul.f32 s14, v20;
	s17 =	smul.f32 s31, s21;
	[tilespmem:$0x1FCF0] =	vst v8  }
0x205: {  	s13 =	smul.f32 s20, s13;
	v35 =	vmul.f32 s15, v18;
	v13 =	vsub.f32 v38, v49;
	(v2sf) =	vpush v61, $0xF;
	v23, _, _ =	vpop (xrf2);
	(xrf2) =	vadd.scan.msk.f32 $0xffff, v34;
	v31 =	vld [tilespmem:s11+$0xFFFFFF90]  }
0x206: {  	s22 =	spop (v2sf);
	v59 =	vsub.f32 v20, v63;
	s23 =	ssub.f32 $1.500000000e+00, s17;
	v20 =	vadd.f32 v48, v33;
	v48 =	vmul.f32 s14, v21;
	v34 =	vld [tilespmem:s16+$0xFFFFFF90]  }
0x207: {  	s10 =	smul.f32 $1.562500000e-02, s22;
	v61 =	vadd.f32 v50, v40;
	s26 =	spop (v2sf);
	v21 =	vadd.f32 v53, v51;
	v36 =	vld [tilespmem:s11+$0xFFFFFFA0]  }
0x208: {  	v18 =	vsub.f32 v35, v49;
	s17 =	spop (v2sf);
	s7 =	smul.f32 s23, s21;
	v56 =	vsub.f32 v48, v63;
	v41 =	vld [tilespmem:s16+$0xFFFFFFA0]  }
0x209: {  	s31 =	smul.f32 s10, s10;
	s24 =	spop (v2sf);
	(v2sf) =	vpush v23, $0xF;
	v23 =	vadd.f32 v47, v62;
	v62 =	vmul.f32 v21, v21;
	v22, _, _ =	vpop (xrf2);
	(xrf2) =	vadd.scan.msk.f32 $0xffff, v61;
	v37 =	vld [tilespmem:s11+$0xFFFFFFB0]  }
0x20a: {  	s12 =	smul.f32 s7, s12;
	v32 =	vmul.f32 s7, v32;
	v61 =	vmul.f32 v20, v20;
	v33 =	vld [tilespmem:s11+$0xFFFFFFC0];
	(v2sf) =	vpush v22, $0xF  }
0x20b: {  	s15 =	smul.f32 $1.562500000e-02, s26;
	v45 =	vld [tilespmem:s16+$0xFFFFFFC0];
	v26 =	vmul.f32 s7, v26;
	v22 =	vadd.f32 v44, v42;
	v49, _, _ =	vpop (xrf2);
	v39 =	vadd.f32 v23, v21  }
0x20c: {  	s22 =	smul.f32 $1.562500000e-02, s17;
	v58 =	vld [tilespmem:s11+$0xFFFFFFD0];
	v63 =	vmul.f32 v23, v23;
	(v2sf) =	vpush v49, $0xF;
	v51, _, _ =	vpop (xrf2);
	v46 =	vmov s12  }
0x20d: {  	s4 =	smul.f32 s15, s15;
	v30 =	vld [tilespmem:s11+$0xFFFFFFE0];
	v50 =	vadd.f32 v20, v22;
	v53 =	vmul.f32 v22, v22;
	(v2sf) =	vpush v51, $0xF  }
0x20e: {  	s20 =	ssub.f32 s22, s31;
	s22 =	smul.f32 $1.562500000e-02, s24;
	v29 =	vld [tilespmem:s16+$0xFFFFFFE0];
	v63 =	vadd.f32 v63, v62;
	v42 =	vsub.f32 v32, v46  }
0x20f: {  	v25 =	vmul.f32 s7, v25;
	v44 =	vld [tilespmem:s16+$0xFFFFFFB0];
	v48 =	vsub.f32 v26, v46;
	v47 =	vadd.f32 v61, v53;
	v26, _, _ =	vpop (xrf2)  }
0x210: {  	s0 =	smul.f32 s13, s0;
	s21 =	ssub.f32 s22, s4;
	v62 =	vld [tilespmem:s16+$0xFFFFFFD0];
	v43 =	vadd.f32 v39, v50;
	(v2sf) =	vpush v26, $0xF  }
0x211: {  	s20 =	sadd.f32 $9.999999740e-06, s20;
	v32 =	vld [tilespmem:s16+$0x0];
	v39 =	vmul.f32 s13, v27;
	v26 =	vadd.f32 v34, v31;
	v31 =	vadd.f32 v63, v47  }
0x212: {  	s4 =	sadd.f32 $9.999999740e-06, s21;
	v50 =	vld [tilespmem:s11+$0x10];
	v63 =	vmul.f32 s13, v24;
	v24 =	vadd.f32 v45, v33;
	v33 =	vmov s0  }
0x213: {  	v40 =	vmul.f32 s13, v54;
	s31 =	sshra.s32 s20, $0x1;
	s14 =	smul.f32 $5.000000000e-01, s20;
	v53 =	vsub.f32 v25, v46;
	v34 =	vld [tilespmem:s11+$0xFFFFFFF0];
	v25, _, _ =	vpop (xrf2);
	v8 =	vsub.f32 v39, v33  }
0x214: {  	s19 =	sshra.s32 s4, $0x1;
	s20 =	smul.f32 $5.000000000e-01, s4;
	s4 =	spop (v2sf);
	(xrf2) =	vadd.scan.msk.f32 $0xffff, v43;
	(v2sf) =	vpush v25, $0xF;
	v25 =	vadd.f32 v41, v36;
	v41 =	vld [tilespmem:s16+$0xFFFFFFF0]  }
0x215: {  	(xrf2) =	vadd.scan.msk.f32 $0xffff, v31;
	v31 =	vld [tilespmem:s11+$0x0];
	[tilespmem:$0x1FDD0] =	vst v8;
	v8 =	vsub.f32 v40, v33;
	_ =	sdelay $0x1  }
0x216: {  	v49 =	vsub.f32 v63, v33;
	v63 =	vld [tilespmem:s16+$0x10];
	[tilespmem:$0x1FDE0] =	vst v8  }
0x217: {  	v28 =	vmul.f32 s7, v28;
	v40 =	vld [tilespmem:s11+$0x20]  }
0x218: {  	v27 =	vadd.f32 v62, v58;
	v58 =	vmul.f32 s13, v52;
	v52 =	vld [tilespmem:s16+$0x20]  }
0x219: {  	v51 =	vsub.f32 v28, v46;
	v29 =	vadd.f32 v29, v30;
	v39 =	vld [tilespmem:s11+$0x30]  }
0x21a: {  	s18 =	sadd.f32 $9.999999740e-06, s18;
	v28 =	vadd.f32 v44, v37;
	v44 =	vld [tilespmem:s16+$0x30];
	v30 =	vadd.f32 v41, v34  }
0x21b: {  	v19 =	vmov v16;
	v16 =	vsub.f32 v58, v33;
	v35 =	vmul.f32 v27, v27  }
0x21c: {  	s2 =	smul.f32 $5.000000000e-01, s18;
	s18 =	sshra.s32 s18, $0x1;
	v43 =	vadd.f32 v27, v24;
	v33 =	vmul.f32 v24, v24;
	v8 =	vld [tilespmem:$0x1FC90];
	v34 =	vadd.f32 v30, v29  }
0x21d: {  	s18 =	ssub.s32 $0x5F3759DF, s18;
	v31 =	vadd.f32 v32, v31;
	v32 =	vadd.f32 v63, v50;
	v50 =	vld [tilespmem:s16+$0xFFFFFF80]  }
0x21e: {  	s26 =	smul.f32 s18, s2;
	s22 =	ssub.s32 $0x5F3759DF, s31;
	v41 =	vadd.f32 v35, v33;
	v63 =	vld [tilespmem:s11+$0xFFFFFF80];
	v54 =	vadd.f32 v34, v43  }
0x21f: {  	s17 =	smul.f32 s22, s14;
	v58, _, _ =	vpop (xrf2);
	v33 =	vadd.f32 v52, v40;
	v34 =	vadd.f32 v44, v39  }
0x220: {  	s23 =	smul.f32 s18, s26;
	v62 =	vmul.f32 v28, v28;
	v61 =	vmul.f32 v25, v25;
	(v2sf) =	vpush v58, $0xF  }
0x221: {  	s26 =	ssub.s32 $0x5F3759DF, s19;
	s21 =	smul.f32 s22, s17;
	v58 =	vadd.f32 v32, v31;
	v39 =	vadd.f32 v34, v33  }
0x222: {  	s28 =	smul.f32 s26, s20;
	v46 =	vadd.f32 v62, v61;
	v61 =	vmul.f32 v29, v29;
	v62 =	vmul.f32 v30, v30  }
0x223: {  	s23 =	ssub.f32 $1.500000000e+00, s23;
	v47 =	vadd.f32 v50, v63;
	v63 =	vadd.f32 v39, v58;
	v58 =	vmul.f32 v8, v3;
	v8 =	vld [tilespmem:$0x1FCA0]  }
0x224: {  	s24 =	ssub.f32 $1.500000000e+00, s21;
	s31 =	smul.f32 s26, s28;
	v43 =	vmul.f32 v31, v31;
	v45 =	vmul.f32 v32, v32  }
0x225: {  	s7 =	smul.f32 s18, s23;
	v37 =	vadd.f32 v62, v61  }
0x226: {  	s18 =	smul.f32 s22, s24;
	s21 =	ssub.f32 $1.500000000e+00, s31;
	v35 =	vadd.f32 v45, v43;
	v61 =	vmul.f32 v33, v33;
	v43 =	vmul.f32 v34, v34  }
0x227: {  	s24 =	smul.f32 s7, s2;
	v36, _, _ =	vpop (xrf2)  }
0x228: {  	s2 =	smul.f32 s26, s21;
	(v2sf) =	vpush v36, $0xF;
	v36 =	vadd.f32 v43, v61;
	v43 =	vmul.f32 v8, v0;
	v8 =	vld [tilespmem:$0x1FCB0]  }
0x229: {  	s12 =	smul.f32 $1.562500000e-02, s4  }
0x22a: {  	s20 =	smul.f32 s2, s20  }
0x22b: {  	s0 =	smul.f32 s24, s7;
	v44 =	vadd.f32 v28, v25;
	v45 =	vadd.f32 v26, v47  }
0x22c: {  	s20 =	smul.f32 s20, s2;
	v50 =	vmul.f32 v26, v26;
	v52 =	vmul.f32 v47, v47  }
0x22d: {  	s0 =	ssub.f32 $1.500000000e+00, s0;
	v61 =	vadd.f32 v44, v45;
	v44 =	vmul.f32 v8, v1;
	v8 =	vld [tilespmem:$0x1FCC0]  }
0x22e: {  	s19 =	smul.f32 s12, s12;
	s26 =	ssub.f32 $1.500000000e+00, s20;
	v45 =	vadd.f32 v50, v52  }
0x22f: {  	s11 =	smul.f32 s0, s7;
	v52 =	vadd.f32 v36, v35;
	v36 =	vadd.f32 v58, v7  }
0x230: {  	s17 =	spop (v2sf);
	s7 =	smul.f32 s26, s2;
	s2 =	simm.s32 $0xFA80  }
0x231: {  	s22 =	smul.f32 $1.562500000e-02, s17;
	[tilespmem:s2+$0x70] =	vst v36  }
0x232: {  	v38 =	vmul.f32 v8, v2;
	v8 =	vld [tilespmem:$0x1FCD0]  }
0x233: {  	s31 =	ssub.f32 s22, s19;
	_ =	sdelay $0x1  }
0x234: {  	s13 =	sadd.f32 $9.999999740e-06, s31;
	_ =	sdelay $0x1  }
0x235: {  	s4 =	sshra.s32 s13, $0x1;
	s13 =	smul.f32 $5.000000000e-01, s13;
	v40 =	vmul.f32 v8, v3;
	v8 =	vld [tilespmem:$0x1FCE0]  }
0x236: {  	s21 =	ssub.s32 $0x5F3759DF, s4  }
0x237: {  	s17 =	smul.f32 s21, s13;
	v39 =	vadd.f32 v43, v4;
	_ =	sdelay $0x1  }
0x238: {  	s22 =	smul.f32 s21, s17;
	v62 =	vadd.f32 v37, v41;
	[tilespmem:s2+$0x40] =	vst v39  }
0x239: {  	v50 =	vmul.f32 v42, v3;
	v37 =	vadd.f32 v44, v5;
	v36 =	vmul.f32 v8, v0;
	v8 =	vld [tilespmem:$0x1FCF0]  }
0x23a: {  	s24 =	ssub.f32 $1.500000000e+00, s22;
	v38 =	vadd.f32 v38, v6  }
0x23b: {  	s14 =	smul.f32 s18, s14;
	v43 =	vadd.f32 v50, v7;
	[tilespmem:s2+$0x50] =	vst v37  }
0x23c: {  	s31 =	smul.f32 s21, s24;
	s21 =	simm.s32 $0xFB80;
	[tilespmem:s2+$0x60] =	vst v38  }
0x23d: {  	s19 =	spop (v2sf);
	s14 =	smul.f32 s14, s18;
	[tilespmem:s21+$0x70] =	vst v43  }
0x23e: {  	s28 =	smul.f32 $1.562500000e-02, s19;
	v39 =	vmul.f32 v8, v1;
	v8 =	vld [tilespmem:$0x1FD00]  }
0x23f: {  	s14 =	ssub.f32 $1.500000000e+00, s14  }
0x240: {  	s4 =	smul.f32 s28, s28  }
0x241: {  	s18 =	smul.f32 s14, s18;
	s14 =	spop (v2sf);
	v58 =	vmul.f32 v12, v0  }
0x242: {  	s19 =	smul.f32 $1.562500000e-02, s14;
	v35 =	vmul.f32 v13, v1  }
0x243: {  	s17 =	spop (v2sf);
	s14 =	smul.f32 s18, s10;
	v41 =	vmul.f32 v18, v2;
	v42 =	vadd.f32 v58, v4;
	v43 =	vmul.f32 s18, v8;
	v8 =	vld [tilespmem:$0x1FD10]  }
0x244: {  	s20 =	spop (v2sf);
	s0 =	smul.f32 s31, s13;
	v35 =	vadd.f32 v35, v5  }
0x245: {  	s10 =	smul.f32 $1.562500000e-02, s20;
	v41 =	vadd.f32 v41, v6;
	[tilespmem:s2+$0xFFFFFF80] =	vst v42  }
0x246: {  	s13 =	smul.f32 s0, s31;
	v40 =	vadd.f32 v40, v7;
	[tilespmem:s2+$0xFFFFFF90] =	vst v35  }
0x247: {  	v48 =	vmul.f32 v48, v0;
	s0 =	smul.f32 $1.562500000e-02, s17;
	[tilespmem:s2+$0xFFFFFFA0] =	vst v41  }
0x248: {  	s26 =	smul.f32 s10, s10;
	s13 =	ssub.f32 $1.500000000e+00, s13;
	v36 =	vadd.f32 v36, v4;
	v58 =	vmul.f32 s18, v8;
	v8 =	vld [tilespmem:$0x1FD20];
	[tilespmem:s2+$0xFFFFFFB0] =	vst v40  }
0x249: {  	s24 =	smul.f32 s0, s0;
	v42 =	vadd.f32 v48, v4;
	v48 =	vmul.f32 v49, v0;
	v49 =	vld [tilespmem:$0x1FD30]  }
0x24a: {  	v59 =	vmul.f32 v59, v2;
	s13 =	smul.f32 s13, s31;
	s31 =	spop (v2sf);
	v37 =	vmul.f32 v56, v3;
	v39 =	vadd.f32 v39, v5;
	v50 =	vld [tilespmem:$0x1FD40];
	[tilespmem:s2+$0xFFFFFFC0] =	vst v36  }
0x24b: {  	s23 =	ssub.f32 s19, s4;
	s29 =	smul.f32 $1.562500000e-02, s31;
	v36 =	vld [tilespmem:$0x1FD50]  }
0x24c: {  	s19 =	spop (v2sf);
	s22 =	smul.f32 s13, s12;
	v35 =	vmul.f32 v53, v2;
	v53 =	vadd.f32 v59, v6;
	v59 =	vadd.f32 v37, v7;
	v37 =	vld [tilespmem:$0x1FD60];
	[tilespmem:s2+$0xFFFFFFD0] =	vst v39  }
0x24d: {  	s20 =	sadd.f32 $9.999999740e-06, s23;
	s23 =	smul.f32 $1.562500000e-02, s19;
	v38 =	vmul.f32 v51, v1;
	v39 =	vld [tilespmem:$0x1FD80]  }
0x24e: {  	(xrf2) =	vadd.scan.msk.f32 $0xffff, v54;
	v54 =	vmul.f32 s13, v60;
	s17 =	ssub.f32 s29, s24  }
0x24f: {  	v60 =	vmov s22;
	s23 =	ssub.f32 s23, s26;
	v41 =	vadd.f32 v38, v5;
	v38 =	vld [tilespmem:$0x1FD70];
	[tilespmem:s2+$0xFFFFFFE0] =	vst v53  }
0x250: {  	s4 =	sshra.s32 s20, $0x1;
	s12 =	smul.f32 $5.000000000e-01, s20;
	s20 =	sadd.f32 $9.999999740e-06, s17;
	v54 =	vsub.f32 v54, v60;
	v44 =	vld [tilespmem:$0x1FD90];
	[tilespmem:s2+$0xFFFFFFF0] =	vst v59  }
0x251: {  	s8 =	smul.f32 s11, s8;
	s23 =	sadd.f32 $9.999999740e-06, s23;
	v56 =	vadd.f32 v46, v45;
	v46 =	vld [tilespmem:$0x1FDA0];
	v45 =	vmul.f32 s11, v49;
	v49 =	vmul.f32 s11, v36  }
0x252: {  	s31 =	sshra.s32 s20, $0x1;
	s20 =	smul.f32 $5.000000000e-01, s20;
	v36 =	vmul.f32 s7, v39;
	v39 =	vmul.f32 v54, v3;
	v54 =	vld [tilespmem:$0x1FDB0];
	[tilespmem:s21+$0x40] =	vst v42  }
0x253: {  	v55 =	vmul.f32 s18, v55;
	v57 =	vmul.f32 s18, v57;
	s29 =	smul.f32 $5.000000000e-01, s23;
	s18 =	ssub.s32 $0x5F3759DF, s4;
	v42 =	vld [tilespmem:$0x1FDC0]  }
0x254: {  	s24 =	smul.f32 s18, s12;
	v51 =	vmul.f32 s11, v8;
	v50 =	vmul.f32 s11, v50;
	s11 =	ssub.s32 $0x5F3759DF, s31  }
0x255: {  	s4 =	smul.f32 s11, s20  }
0x256: {  	v48 =	vadd.f32 v48, v4;
	v40 =	vadd.f32 v35, v6;
	s22 =	smul.f32 s18, s24;
	v35 =	vmul.f32 s7, v44  }
0x257: {  	s17 =	sshra.s32 s23, $0x1;
	v53 =	vmov s14;
	[tilespmem:s21+$0x50] =	vst v41;
	v59 =	vmul.f32 s13, v46;
	s23 =	smul.f32 s11, s4;
	v46 =	vmul.f32 s13, v54  }
0x258: {  	s14 =	ssub.s32 $0x5F3759DF, s17;
	s19 =	ssub.f32 $1.500000000e+00, s22;
	v54 =	vadd.f32 v39, v7;
	v44 =	vmul.f32 s13, v42;
	v42 =	vsub.f32 v43, v53;
	v43 =	vld [tilespmem:$0x1FDD0];
	[tilespmem:s21+$0x60] =	vst v40  }
0x259: {  	s24 =	smul.f32 s14, s29;
	v55 =	vsub.f32 v55, v53;
	v57 =	vsub.f32 v57, v53;
	s22 =	ssub.f32 $1.500000000e+00, s23;
	s23 =	simm.s32 $0xFC80;
	[tilespmem:s2+$0x0] =	vst v48  }
0x25a: {  	v37 =	vmul.f32 s7, v37;
	v7 =	vsub.f32 v58, v53;
	v53 =	vmov s8;
	[tilespmem:s23+$0x70] =	vst v54  }
0x25b: {  	s31 =	smul.f32 s14, s24;
	v38 =	vmul.f32 s7, v38;
	v51 =	vsub.f32 v51, v53;
	v58 =	vsub.f32 v45, v53;
	v48 =	vld [tilespmem:$0x1FDE0]  }
0x25c: {  	v41 =	vmul.f32 v16, v3;
	s8 =	smul.f32 s18, s19;
	v54 =	vsub.f32 v50, v53;
	v53 =	vsub.f32 v49, v53;
	v50, _, _ =	vpop (xrf2)  }
0x25d: {  	s26 =	smul.f32 s11, s22;
	v49 =	vmul.f32 v57, v3;
	(v2sf) =	vpush v50, $0xF;
	v50 =	vmul.f32 v51, v0  }
0x25e: {  	(xrf2) =	vadd.scan.msk.f32 $0xffff, v62;
	s13 =	ssub.f32 $1.500000000e+00, s31;
	v45 =	vsub.f32 v59, v60;
	s18 =	smul.f32 s8, s12;
	v51 =	vmul.f32 v58, v1;
	v39 =	vmul.f32 v43, v1  }
0x25f: {  	s11 =	simm.s32 $0xC;
	(xrf2) =	vadd.scan.msk.f32 $0xffff, v61;
	v46 =	vsub.f32 v46, v60;
	s20 =	smul.f32 s26, s20;
	v43 =	vmul.f32 v42, v0;
	v42 =	vmul.f32 v7, v1  }
0x260: {  	(xrf2) =	vadd.scan.msk.f32 $0xffff, v63;
	v44 =	vsub.f32 v44, v60;
	s12 =	simm.s32 $0x9A80;
	s14 =	smul.f32 s14, s13;
	s13 =	spop (v2sf);
	v40 =	vmul.f32 v48, v2;
	v48 =	vmul.f32 v55, v2  }
.LBB2_4:
0x261: {  	v55 =	vld [tilespmem:s12+$0x40]  }
0x262: {  	v4 =	vld [tilespmem:$0x1FF60]  }
0x263: {  	v2 =	vld [tilespmem:$0x1FFC0]  }
0x264: {  	v3 =	vld [tilespmem:$0x1FFD0]  }
0x265: {  	v0 =	vld [tilespmem:$0x1FFE0]  }
0x266: {  	v5 =	vld [tilespmem:$0x1FED0]  }
0x267: {  	v6 =	vld [tilespmem:$0x1FF30]  }
0x268: {  	v7 =	vld [tilespmem:$0x1FFB0]  }
0x269: {  	s13 =	smul.f32 $1.562500000e-02, s13;
	v1 =	vld [tilespmem:$0x1FFF0]  }
0x26a: {  	s16 =	sadd.s32 $0x100, s16;
	v58 =	vld [tilespmem:s12+$0x50];
	s7 =	smul.f32 s7, s15;
	v43 =	vadd.f32 v43, v4  }
0x26b: {  	v57 =	vld [tilespmem:s16+$0x40];
	s29 =	smul.f32 s14, s29;
	v42 =	vadd.f32 v42, v5  }
0x26c: {  	(xrf2) =	vadd.scan.msk.f32 $0xffff, v56;
	s20 =	smul.f32 s20, s26;
	v56 =	vld [tilespmem:s12+$0x70];
	v59 =	vadd.f32 v48, v6;
	[tilespmem:s21+$0xFFFFFF80] =	vst v43  }
0x26d: {  	s19 =	smul.f32 s18, s8;
	v48 =	vld [tilespmem:s16+$0x50];
	v60 =	vadd.f32 v49, v7;
	[tilespmem:s21+$0xFFFFFF90] =	vst v42  }
0x26e: {  	s31 =	smul.f32 s13, s13;
	v54 =	vmul.f32 v54, v2;
	v53 =	vmul.f32 v53, v3;
	v49 =	vadd.f32 v50, v4;
	v50 =	vld [tilespmem:s12+$0x60];
	[tilespmem:s21+$0xFFFFFFA0] =	vst v59  }
0x26f: {  	s4 =	smul.f32 s29, s14;
	v63, _, _ =	vpop (xrf2);
	v46 =	vmul.f32 v46, v1;
	(xrf2) =	vadd.scan.msk.f32 $0xffff, v52;
	v61 =	vadd.f32 v51, v5;
	v52 =	vld [tilespmem:s16+$0x60];
	[tilespmem:s21+$0xFFFFFFB0] =	vst v60  }
0x270: {  	s20 =	ssub.f32 $1.500000000e+00, s20;
	s22 =	spop (v2sf);
	(v2sf) =	vpush v63, $0xF;
	v62 =	vadd.f32 v54, v6;
	[tilespmem:s21+$0xFFFFFFC0] =	vst v49;
	v59 =	vld [tilespmem:s16+$0x70]  }
0x271: {  	s29 =	ssub.f32 $1.500000000e+00, s19;
	s22 =	smul.f32 $1.562500000e-02, s22;
	v45 =	vmul.f32 v45, v0;
	v60 =	vadd.f32 v53, v7;
	[tilespmem:s21+$0xFFFFFFD0] =	vst v61;
	v43 =	vadd.f32 v46, v5;
	v46 =	vld [tilespmem:s12+$0xFFFFFF90]  }
0x272: {  	s15 =	smov.u32 s10;
	v18 =	vmov v47;
	s10 =	smul.f32 s20, s26;
	v53 =	vadd.f32 v39, v5;
	v49 =	vadd.f32 v40, v6;
	v63, _, _ =	vpop (xrf2);
	v47 =	vld [tilespmem:s16+$0xFFFFFFB0];
	[tilespmem:s21+$0xFFFFFFE0] =	vst v62  }
0x273: {  	v44 =	vmul.f32 v44, v2;
	s26 =	smul.f32 s29, s8;
	s22 =	ssub.f32 s22, s31;
	v45 =	vadd.f32 v45, v4;
	(v2sf) =	vpush v63, $0xF;
	v61, _, _ =	vpop (xrf2);
	[tilespmem:s21+$0xFFFFFFF0] =	vst v60;
	v62 =	vld [tilespmem:s16+$0xFFFFFF90]  }
0x274: {  	v54 =	vadd.f32 v57, v55;
	v60 =	vmov s7;
	[tilespmem:s2+$0x20] =	vst v49;
	v49 =	vld [tilespmem:s16+$0xFFFFFFA0];
	(v2sf) =	vpush v61, $0xF  }
0x275: {  	s24 =	sadd.f32 $9.999999740e-06, s22;
	[tilespmem:s23+$0x40] =	vst v45;
	v45 =	vmul.f32 s26, v10;
	v10 =	vld [tilespmem:$0x1FC40];
	v39 =	vsub.f32 v38, v60;
	v48 =	vadd.f32 v48, v58  }
0x276: {  	v38 =	vld [tilespmem:s12+$0xFFFFFFA0];
	v52 =	vadd.f32 v52, v50;
	v58 =	vadd.f32 v59, v56  }
0x277: {  	v44 =	vadd.f32 v44, v6;
	v37 =	vsub.f32 v37, v60;
	v57 =	vld [tilespmem:s12+$0xFFFFFFC0];
	s17 =	sshra.s32 s24, $0x1;
	s18 =	smul.f32 $5.000000000e-01, s24  }
0x278: {  	v8 =	vld [tilespmem:s12+$0xFFFFFFE0];
	s19 =	ssub.s32 $0x5F3759DF, s17;
	v50 =	vadd.f32 v48, v54;
	v5 =	vadd.f32 v58, v52  }
0x279: {  	v63, _, _ =	vpop (xrf2);
	v59 =	vmul.f32 v37, v0;
	v37 =	vld [tilespmem:s12+$0xFFFFFFB0];
	s24 =	smul.f32 s19, s18  }
0x27a: {  	s29 =	smul.f32 s10, s0;
	[tilespmem:s23+$0x60] =	vst v44;
	(v2sf) =	vpush v63, $0xF;
	v44 =	vadd.f32 v5, v50;
	v50 =	vmul.f32 s26, v10;
	v10 =	vld [tilespmem:$0x1FC50]  }
0x27b: {  	v41 =	vadd.f32 v41, v7;
	[tilespmem:s23+$0x50] =	vst v43;
	v43 =	vmul.f32 s10, v9;
	v9 =	vld [tilespmem:s16+$0xFFFFFFF0];
	s7 =	smul.f32 s19, s24  }
0x27c: {  	v16 =	vmovc v25;
	s22 =	ssub.f32 $1.500000000e+00, s4;
	v56 =	vmul.f32 v52, v52;
	s4 =	spop (v2sf);
	v46 =	vadd.f32 v62, v46;
	v61 =	vmul.f32 v58, v58;
	v62 =	vld [tilespmem:s16+$0xFFFFFFC0]  }
0x27d: {  	[tilespmem:s2+$0x10] =	vst v53;
	v51 =	vmul.f32 v54, v54;
	v53 =	vmul.f32 v48, v48;
	v63 =	vld [tilespmem:s12+$0xFFFFFFD0];
	s8 =	smul.f32 $1.562500000e-02, s4;
	v6, _, _ =	vpop (xrf2);
	v25 =	vadd.f32 v49, v38;
	s17 =	ssub.f32 $1.500000000e+00, s7  }
0x27e: {  	[tilespmem:s2+$0x30] =	vst v41;
	v41 =	vmul.f32 s10, v17;
	v17 =	vmovc v28;
	(v2sf) =	vpush v6, $0xF;
	v56 =	vadd.f32 v61, v56;
	v61 =	vld [tilespmem:s16+$0xFFFFFFD0];
	s7 =	smul.f32 s22, s14  }
0x27f: {  	v55 =	vadd.f32 v53, v51;
	v28 =	vadd.f32 v47, v37;
	v47 =	vld [tilespmem:s16+$0xFFFFFFE0];
	(xrf2) =	vadd.scan.msk.f32 $0xffff, v44;
	s19 =	smul.f32 s19, s17;
	v51 =	vmul.f32 s26, v10;
	v10 =	vmovc v30  }
0x280: {  	v6 =	vmov v24;
	s24 =	smul.f32 s8, s8;
	v37 =	vmul.f32 v25, v25;
	v44 =	vmul.f32 s10, v15;
	[tilespmem:$0x1FC50] =	vst v10;
	v10 =	vld [tilespmem:$0x1FC60]  }
0x281: {  	v38 =	vadd.f32 v56, v55;
	v15 =	vmovc v27;
	v27 =	vmul.f32 v28, v28;
	v24 =	vadd.f32 v62, v57;
	v62 =	vld [tilespmem:s12+$0xFFFFFFF0];
	s31 =	spop (v2sf);
	s18 =	smul.f32 s19, s18  }
0x282: {  	v55 =	vsub.f32 v35, v60;
	v35 =	vmov v32;
	v32 =	vld [tilespmem:s12+$0x10];
	s22 =	smul.f32 $1.562500000e-02, s31  }
0x283: {  	v39 =	vmul.f32 v39, v1;
	(xrf2) =	vadd.scan.msk.f32 $0xffff, v38;
	v57 =	vadd.f32 v27, v37;
	v27 =	vadd.f32 v61, v63;
	v61 =	vld [tilespmem:s12+$0x0];
	s18 =	smul.f32 s18, s19;
	s4 =	spop (v2sf)  }
0x284: {  	v49 =	vmul.f32 s26, v11;
	v11 =	vmovc v29;
	v30 =	vadd.f32 v59, v4;
	v29 =	vadd.f32 v47, v8;
	v47 =	vld [tilespmem:s16+$0x10];
	s20 =	ssub.f32 s22, s24;
	s22 =	smul.f32 $1.562500000e-02, s4  }
0x285: {  	s2 =	smov.u32 s21;
	v53 =	vsub.f32 v36, v60;
	v42 =	vmul.f32 v46, v46;
	s18 =	ssub.f32 $1.500000000e+00, s18;
	s14 =	spop (v2sf);
	v37 =	vmul.f32 s7, v10;
	v10 =	vld [tilespmem:$0x1FC70]  }
0x286: {  	v5 =	vmovc v26;
	v26 =	vmov v46;
	v46 =	vmul.f32 s10, v14;
	v63 =	vld [tilespmem:s16+$0x0];
	[tilespmem:s2+$0x0] =	vst v30;
	v30 =	vadd.f32 v9, v62;
	s10 =	smul.f32 $1.562500000e-02, s14  }
0x287: {  	[tilespmem:$0x1FC40] =	vst v11;
	v56 =	vadd.f32 v28, v25;
	v60 =	vmul.f32 v24, v24;
	v59 =	vmov s29;
	s18 =	smul.f32 s18, s19;
	s0 =	smov.u32 s22  }
0x288: {  	v36 =	vld [tilespmem:$0x1FC80];
	v4 =	vmovc v33;
	v41 =	vsub.f32 v41, v59;
	v9 =	vmul.f32 v29, v29;
	v12 =	vmul.f32 v30, v30;
	s22 =	smul.f32 s22, s0  }
0x289: {  	v40 =	vld [tilespmem:s16+$0xFFFFFF80];
	[tilespmem:$0x1FC80] =	vst v4;
	v8 =	vadd.f32 v27, v24;
	s19 =	spop (v2sf);
	v62, _, _ =	vpop (xrf2);
	s13 =	smul.f32 s18, s13;
	v4 =	vmul.f32 s18, v23;
	v13 =	vmul.f32 s18, v20  }
0x28a: {  	s20 =	sadd.f32 $9.999999740e-06, s20;
	v32 =	vadd.f32 v47, v32;
	s24 =	smul.f32 $1.562500000e-02, s19;
	v20 =	vmovc v48;
	v48 =	vld [tilespmem:s12+$0xFFFFFF80];
	v38 =	vmul.f32 s7, v10;
	v10 =	vmovc v31;
	v31 =	vmul.f32 v27, v27  }
0x28b: {  	s26 =	smul.f32 s26, s28;
	v33 =	vld [tilespmem:s12+$0x20];
	[tilespmem:$0x1FC70] =	vst v35;
	v9 =	vadd.f32 v12, v9;
	(v2sf) =	vpush v62, $0xF;
	v11 =	vmov s13  }
0x28c: {  	v35 =	vmul.f32 s7, v19;
	v19 =	vmovc v34;
	s17 =	sshra.s32 s20, $0x1;
	s29 =	smul.f32 s10, s10;
	v23 =	vmovc v58;
	s4 =	ssub.f32 s24, s22;
	v34 =	vsub.f32 v4, v11;
	v58 =	vadd.f32 v31, v60;
	v60 =	vld [tilespmem:s16+$0x20]  }
0x28d: {  	v36 =	vmul.f32 s7, v36;
	s14 =	ssub.s32 $0x5F3759DF, s17;
	v62, _, _ =	vpop (xrf2);
	s13 =	smul.f32 $5.000000000e-01, s20;
	s17 =	spop (v2sf);
	v4 =	vadd.f32 v30, v29;
	v31 =	vadd.f32 v63, v61;
	v61 =	vld [tilespmem:s12+$0x30]  }
0x28e: {  	v14 =	vmul.f32 s18, v21;
	(v2sf) =	vpush v62, $0xF;
	s20 =	smul.f32 $1.562500000e-02, s17;
	v63 =	vld [tilespmem:s16+$0x30];
	v34 =	vmul.f32 v34, v3  }
0x28f: {  	[tilespmem:$0x1FC60] =	vst v10;
	v10 =	vmul.f32 s18, v22;
	s18 =	sadd.f32 $9.999999740e-06, s4;
	v8 =	vadd.f32 v4, v8;
	v47 =	vadd.f32 v40, v48  }
0x290: {  	s21 =	smov.u32 s23;
	v22 =	vmovc v54;
	s19 =	smul.f32 s14, s13;
	s20 =	ssub.f32 s20, s29;
	v62 =	vadd.f32 v34, v7;
	v9 =	vadd.f32 v9, v58;
	v58 =	vmov s26  }
0x291: {  	s23 =	sadd.s32 $0x100, s23;
	s29 =	sshra.s32 s18, $0x1;
	s31 =	smul.f32 $5.000000000e-01, s18;
	v4 =	vmul.f32 v31, v31;
	v12 =	vadd.f32 v32, v31;
	(xrf2) =	vadd.scan.msk.f32 $0xffff, v8;
	v54 =	vsub.f32 v50, v58  }
0x292: {  	s24 =	smul.f32 s14, s19;
	s18 =	ssub.s32 $0x5F3759DF, s29;
	s20 =	sadd.f32 $9.999999740e-06, s20;
	[tilespmem:s23+$0x70] =	vst v62;
	(xrf2) =	vadd.scan.msk.f32 $0xffff, v9;
	v9 =	vsub.f32 v43, v59;
	v62 =	vsub.f32 v49, v58  }
0x293: {  	s26 =	smul.f32 s18, s31;
	v33 =	vadd.f32 v60, v33;
	v60 =	vmul.f32 v32, v32;
	v34 =	vadd.f32 v63, v61  }
0x294: {  	s28 =	smov.u32 s8;
	v7 =	vmul.f32 v47, v47;
	s4 =	sshra.s32 s20, $0x1;
	s29 =	smul.f32 $5.000000000e-01, s20;
	v61 =	vsub.f32 v44, v59;
	v44 =	vsub.f32 v14, v11  }
0x295: {  	v21 =	vmovc v52;
	s8 =	ssub.f32 $1.500000000e+00, s24;
	s17 =	smul.f32 s18, s26;
	s19 =	ssub.s32 $0x5F3759DF, s4;
	v8 =	vadd.f32 v60, v4;
	v52 =	vmul.f32 v33, v33;
	v48 =	vmul.f32 v34, v34  }
0x296: {  	v43 =	vmul.f32 v41, v0;
	s26 =	smul.f32 s19, s29;
	v40 =	vadd.f32 v34, v33;
	v4 =	vadd.f32 v26, v47  }
0x297: {  	s11 =	sadd.s32 $0x4, s11;
	v41 =	vmul.f32 v55, v3;
	s8 =	smul.f32 s14, s8;
	v60 =	vadd.f32 v42, v7;
	v63 =	vadd.f32 v48, v52  }
0x298: {  	p0 =	slt.u32 s11, $0xC4;
	v42 =	vmul.f32 v9, v1;
	s20 =	ssub.f32 $1.500000000e+00, s17;
	s24 =	smul.f32 s19, s26;
	v12 =	vadd.f32 v40, v12;
	v4 =	vadd.f32 v56, v4  }
.Ltmp1:
0x299: {  	v14 =	vmovc v16;
	v49 =	vmul.f32 v61, v3;
	v52 =	vadd.f32 v63, v8;
	v8 =	vsub.f32 v46, v59;
	(pc) =	sbr.rel @p0 .LBB2_4-.Ltmp1, $4  }
0x29a: {  	v9 =	vmovc v5;
	v40 =	vmul.f32 v53, v2;
	v56 =	vadd.f32 v57, v60;
	s26 =	smul.f32 s18, s20;
	v53 =	vsub.f32 v51, v58  }
0x29b: {  	s18 =	smul.f32 s8, s13;
	v51 =	vmul.f32 v62, v1;
	s14 =	ssub.f32 $1.500000000e+00, s24;
	(xrf2) =	vadd.scan.msk.f32 $0xffff, v4;
	v48 =	vmul.f32 v8, v2;
	v8 =	vsub.f32 v45, v58  }
0x29c: {  	s20 =	smul.f32 s26, s31;
	v46 =	vsub.f32 v13, v11;
	v63, _, _ =	vpop (xrf2);
	(xrf2) =	vadd.scan.msk.f32 $0xffff, v12;
	v45 =	vsub.f32 v10, v11;
	v10 =	vmov v6  }
0x29d: {  	s12 =	sadd.s32 $0x100, s12;
	s13 =	spop (v2sf);
	s14 =	smul.f32 s19, s14;
	v11 =	vmovc v15;
	v15 =	vmovc v17;
	v17 =	vmov v18;
	(v2sf) =	vpush v63, $0xF;
	v50 =	vmul.f32 v8, v0  }
0x29e: {  	(xrf2) =	vadd.scan.msk.f32 $0xffff, v56;
	_ =	sdelay $0x4  }
0x29f: {  	s11 =	smul.f32 $1.562500000e-02, s13;
	s12 =	spop (v2sf)  }
0x2a0: {  	v8, _, _ =	vpop (xrf2);
	s12 =	smul.f32 $1.562500000e-02, s12  }
0x2a1: {  	(v2sf) =	vpush v8, $0xF;
	s13 =	smul.f32 s11, s11;
	v55, _, _ =	vpop (xrf2)  }
0x2a2: {  	(v2sf) =	vpush v55, $0xF  }
0x2a3: {  	(xrf2) =	vadd.scan.msk.f32 $0xffff, v52;
	s12 =	ssub.f32 s12, s13;
	v56, _, _ =	vpop (xrf2)  }
0x2a4: {  	(v2sf) =	vpush v56, $0xF;
	v57, _, _ =	vpop (xrf2)  }
0x2a5: {  	s24 =	smul.f32 s20, s26;
	s12 =	sadd.f32 $9.999999740e-06, s12;
	(v2sf) =	vpush v57, $0xF  }
0x2a6: {  	s16 =	smul.f32 s14, s29  }
0x2a7: {  	s29 =	sshra.s32 s12, $0x1;
	s22 =	smul.f32 $5.000000000e-01, s12  }
0x2a8: {  	s16 =	smul.f32 s16, s14;
	s31 =	ssub.s32 $0x5F3759DF, s29  }
0x2a9: {  	s4 =	smul.f32 s31, s22  }
0x2aa: {  	s18 =	smul.f32 s18, s8;
	s13 =	ssub.f32 $1.500000000e+00, s24  }
0x2ab: {  	s16 =	ssub.f32 $1.500000000e+00, s16;
	s17 =	smul.f32 s31, s4  }
0x2ac: {  	s20 =	smul.f32 s13, s26  }
0x2ad: {  	s14 =	smul.f32 s16, s14;
	v58, _, _ =	vpop (xrf2);
	s24 =	ssub.f32 $1.500000000e+00, s17  }
0x2ae: {  	s12 =	smul.f32 s7, s15;
	s19 =	spop (v2sf);
	(v2sf) =	vpush v58, $0xF  }
0x2af: {  	s15 =	smul.f32 s31, s24  }
0x2b0: {  	s7 =	smul.f32 $1.562500000e-02, s19;
	s29 =	spop (v2sf)  }
0x2b1: {  	s31 =	smul.f32 s15, s22;
	s17 =	spop (v2sf)  }
0x2b2: {  	s18 =	ssub.f32 $1.500000000e+00, s18;
	s13 =	smul.f32 $1.562500000e-02, s17  }
0x2b3: {  	s16 =	smul.f32 s31, s15;
	s19 =	spop (v2sf)  }
0x2b4: {  	s24 =	smul.f32 s13, s13;
	s31 =	spop (v2sf)  }
0x2b5: {  	s31 =	smul.f32 $1.562500000e-02, s31  }
0x2b6: {  	s18 =	smul.f32 s18, s8;
	s16 =	ssub.f32 $1.500000000e+00, s16  }
0x2b7: {  	v5 =	vld [tilespmem:$0x1FED0];
	s26 =	smul.f32 s7, s7;
	s31 =	ssub.f32 s31, s24  }
0x2b8: {  	v6 =	vld [tilespmem:$0x1FF30];
	s4 =	smul.f32 $1.562500000e-02, s29  }
0x2b9: {  	v0 =	vld [tilespmem:$0x1FC40];
	s15 =	smul.f32 s16, s15;
	s16 =	sadd.f32 $9.999999740e-06, s31  }
0x2ba: {  	v59 =	vld [tilespmem:$0x1FC50];
	s8 =	smul.f32 $1.562500000e-02, s19  }
0x2bb: {  	v60 =	vld [tilespmem:$0x1FC60];
	s24 =	sshra.s32 s16, $0x1;
	s16 =	smul.f32 $5.000000000e-01, s16  }
0x2bc: {  	v61 =	vld [tilespmem:$0x1FC70];
	v3 =	vadd.f32 v39, v5;
	s22 =	ssub.f32 s4, s26;
	s26 =	smul.f32 s8, s8;
	s24 =	ssub.s32 $0x5F3759DF, s24  }
0x2bd: {  	v62 =	vld [tilespmem:$0x1FC80];
	v18 =	vmul.f32 s14, v19;
	v19 =	vadd.f32 v40, v6;
	s4 =	spop (v2sf);
	s19 =	smul.f32 s24, s16  }
0x2be: {  	v7 =	vld [tilespmem:$0x1FFB0];
	[tilespmem:s2+$0x10] =	vst v3;
	s22 =	sadd.f32 $9.999999740e-06, s22;
	s29 =	smul.f32 $1.562500000e-02, s4  }
0x2bf: {  	[tilespmem:s2+$0x20] =	vst v19;
	s31 =	smul.f32 s24, s19  }
0x2c0: {  	v4 =	vld [tilespmem:$0x1FF60];
	s17 =	sshra.s32 s22, $0x1;
	s22 =	smul.f32 $5.000000000e-01, s22;
	s26 =	ssub.f32 s29, s26  }
0x2c1: {  	s0 =	smul.f32 s20, s0;
	s29 =	ssub.s32 $0x5F3759DF, s17;
	s31 =	ssub.f32 $1.500000000e+00, s31  }
0x2c2: {  	s4 =	smul.f32 s29, s22  }
0x2c3: {  	v52 =	vmul.f32 s18, v10;
	s24 =	smul.f32 s24, s31  }
0x2c4: {  	v41 =	vadd.f32 v41, v7;
	v12 =	vmul.f32 s20, v17;
	v13 =	vmul.f32 s20, v9;
	s4 =	smul.f32 s29, s4  }
0x2c5: {  	v14 =	vmul.f32 s20, v14;
	v63 =	vmul.f32 s20, v15;
	v43 =	vadd.f32 v43, v4;
	s16 =	smul.f32 s24, s16  }
0x2c6: {  	v49 =	vadd.f32 v49, v7;
	v55 =	vmul.f32 s18, v11;
	v15 =	vmul.f32 s14, v60;
	s10 =	smul.f32 s14, s10;
	[tilespmem:s2+$0x30] =	vst v41;
	s4 =	ssub.f32 $1.500000000e+00, s4  }
0x2c7: {  	v17 =	vmul.f32 s14, v62;
	v57 =	vmul.f32 s18, v59;
	v59 =	vmov s0;
	v2 =	vld [tilespmem:$0x1FFC0];
	[tilespmem:s21+$0xFFFFFF80] =	vst v43;
	s26 =	sadd.f32 $9.999999740e-06, s26;
	s16 =	smul.f32 s16, s24  }
0x2c8: {  	v62 =	vmov s10;
	v12 =	vsub.f32 v12, v59;
	v13 =	vsub.f32 v13, v59;
	v3 =	vld [tilespmem:$0x1FFD0];
	s4 =	smul.f32 s29, s4  }
0x2c9: {  	v14 =	vsub.f32 v14, v59;
	v17 =	vsub.f32 v17, v62;
	v58 =	vmov s12;
	s19 =	sshra.s32 s26, $0x1;
	s26 =	smul.f32 $5.000000000e-01, s26;
	s16 =	ssub.f32 $1.500000000e+00, s16  }
0x2ca: {  	v16 =	vmul.f32 s14, v61;
	v37 =	vsub.f32 v37, v58;
	v38 =	vsub.f32 v38, v58;
	s14 =	smul.f32 s4, s22  }
0x2cb: {  	v56 =	vmul.f32 s18, v0;
	v35 =	vsub.f32 v35, v58;
	v50 =	vadd.f32 v50, v4;
	s19 =	ssub.s32 $0x5F3759DF, s19;
	s16 =	smul.f32 s16, s24  }
0x2cc: {  	v19 =	vmul.f32 v54, v2;
	v54 =	vsub.f32 v36, v58;
	v14 =	vmul.f32 v14, v2;
	s17 =	smul.f32 s19, s26  }
0x2cd: {  	v41 =	vmul.f32 v35, v3;
	s0 =	smul.f32 s14, s4;
	v8 =	vmul.f32 s16, v28;
	v28 =	vadd.f32 v42, v5  }
0x2ce: {  	v23 =	vmul.f32 s15, v23;
	s31 =	smul.f32 s18, s28;
	v40 =	vmul.f32 s16, v47;
	v47 =	vadd.f32 v48, v6  }
0x2cf: {  	v58 =	vsub.f32 v15, v62;
	v22 =	vmul.f32 s15, v22;
	v20 =	vmul.f32 s15, v20;
	s0 =	ssub.f32 $1.500000000e+00, s0;
	[tilespmem:s21+$0xFFFFFF90] =	vst v28  }
0x2d0: {  	s17 =	smul.f32 s19, s17;
	v61 =	vmov s31;
	v48 =	vmul.f32 v53, v3;
	v53 =	vadd.f32 v51, v5;
	v0 =	vld [tilespmem:$0x1FFE0];
	[tilespmem:s21+$0xFFFFFFA0] =	vst v47  }
0x2d1: {  	s0 =	smul.f32 s0, s4;
	v9 =	vmul.f32 s16, v25;
	v25 =	vadd.f32 v19, v6;
	v51 =	vsub.f32 v52, v61;
	v1 =	vld [tilespmem:$0x1FFF0];
	[tilespmem:s21+$0xFFFFFFB0] =	vst v49  }
0x2d2: {  	v21 =	vmul.f32 s15, v21;
	s17 =	ssub.f32 $1.500000000e+00, s17;
	v52 =	vsub.f32 v55, v61;
	v55 =	vsub.f32 v57, v61;
	[tilespmem:s21+$0xFFFFFFC0] =	vst v50  }
0x2d3: {  	v24 =	vmul.f32 s0, v24;
	v11 =	vmul.f32 s16, v26;
	v26 =	vadd.f32 v48, v7;
	[tilespmem:s21+$0xFFFFFFD0] =	vst v53  }
0x2d4: {  	s17 =	smul.f32 s19, s17;
	v28 =	vmul.f32 v54, v2;
	v54 =	vadd.f32 v14, v6;
	v14 =	vmul.f32 v55, v3;
	[tilespmem:s21+$0xFFFFFFE0] =	vst v25  }
0x2d5: {  	v47 =	vmul.f32 v44, v2;
	[tilespmem:s21+$0xFFFFFFF0] =	vst v26;
	v26 =	vadd.f32 v41, v7;
	v53 =	vsub.f32 v56, v61  }
0x2d6: {  	s18 =	smul.f32 s17, s26;
	v27 =	vmul.f32 s0, v27;
	v29 =	vmul.f32 s0, v29;
	[tilespmem:s23+$0xFFFFFFA0] =	vst v54;
	v14 =	vadd.f32 v14, v7  }
0x2d7: {  	s11 =	smul.f32 s15, s11;
	v30 =	vmul.f32 s0, v30;
	v49 =	vadd.f32 v47, v6;
	[tilespmem:s21+$0x30] =	vst v26;
	v57 =	vmul.f32 v53, v2  }
0x2d8: {  	s20 =	smul.f32 s18, s17;
	[tilespmem:s23+$0xFFFFFFF0] =	vst v14;
	v37 =	vmul.f32 v37, v0;
	v43 =	vmul.f32 v45, v0;
	v45 =	vadd.f32 v28, v6  }
0x2d9: {  	s0 =	smul.f32 s0, s7;
	v50 =	vsub.f32 v63, v59;
	[tilespmem:s23+$0x60] =	vst v49;
	v12 =	vmul.f32 v12, v0;
	v63 =	vadd.f32 v57, v6  }
0x2da: {  	v60 =	vmov s11;
	s19 =	smul.f32 s16, s13;
	v25 =	vmul.f32 v51, v0;
	v19 =	vadd.f32 v37, v4;
	[tilespmem:s21+$0x20] =	vst v45  }
0x2db: {  	v35 =	vsub.f32 v22, v60;
	v38 =	vmul.f32 v38, v1;
	v12 =	vadd.f32 v12, v4;
	[tilespmem:s23+$0xFFFFFFE0] =	vst v63  }
0x2dc: {  	s22 =	ssub.f32 $1.500000000e+00, s20;
	v36 =	vmov s0;
	v10 =	vmov s19;
	v25 =	vadd.f32 v25, v4;
	[tilespmem:s21+$0x0] =	vst v19  }
0x2dd: {  	v11 =	vsub.f32 v11, v10;
	v46 =	vmul.f32 v46, v1;
	v42 =	vadd.f32 v38, v5;
	[tilespmem:s23+$0xFFFFFF80] =	vst v12  }
0x2de: {  	s2 =	smul.f32 s22, s17;
	v9 =	vsub.f32 v9, v10;
	v13 =	vmul.f32 v13, v1;
	v38 =	vadd.f32 v43, v4;
	[tilespmem:s23+$0xFFFFFFC0] =	vst v25  }
0x2df: {  	v8 =	vsub.f32 v8, v10;
	v26 =	vmul.f32 v52, v1;
	v48 =	vadd.f32 v46, v5;
	[tilespmem:s21+$0x10] =	vst v42  }
0x2e0: {  	v31 =	vmul.f32 s2, v31;
	v28 =	vmul.f32 v17, v2;
	v13 =	vadd.f32 v13, v5;
	[tilespmem:s23+$0x40] =	vst v38  }
0x2e1: {  	v61 =	vsub.f32 v16, v62;
	v59 =	vadd.f32 v26, v5;
	v19 =	vmul.f32 v50, v3;
	[tilespmem:s23+$0x50] =	vst v48  }
0x2e2: {  	v12 =	vmul.f32 v58, v0;
	v25 =	vsub.f32 v18, v62;
	[tilespmem:s23+$0xFFFFFF90] =	vst v13;
	v42 =	vadd.f32 v28, v6  }
0x2e3: {  	v26 =	vsub.f32 v23, v60;
	[tilespmem:s23+$0xFFFFFFD0] =	vst v59;
	v13 =	vmul.f32 v61, v1;
	v56 =	vadd.f32 v19, v7  }
0x2e4: {  	v32 =	vmul.f32 s2, v32;
	v12 =	vadd.f32 v12, v4;
	v38 =	vmul.f32 v25, v3;
	[tilespmem:s23+$0x20] =	vst v42  }
0x2e5: {  	v41 =	vsub.f32 v20, v60;
	v39 =	vmul.f32 v26, v3;
	v13 =	vadd.f32 v13, v5;
	[tilespmem:s23+$0xFFFFFFB0] =	vst v56  }
0x2e6: {  	v17 =	vmul.f32 v35, v0;
	v43 =	vsub.f32 v21, v60;
	[tilespmem:s23+$0x0] =	vst v12;
	v14 =	vadd.f32 v38, v7  }
0x2e7: {  	v45 =	vmul.f32 v41, v1;
	v46 =	vsub.f32 v40, v10;
	v44 =	vadd.f32 v39, v7;
	[tilespmem:s23+$0x10] =	vst v13  }
0x2e8: {  	v33 =	vmul.f32 s2, v33;
	v47 =	vmul.f32 v43, v2;
	v48 =	vadd.f32 v17, v4;
	[tilespmem:s23+$0x30] =	vst v14;
	s23 =	sadd.s32 $0x100, s23  }
0x2e9: {  	v34 =	vmul.f32 s2, v34;
	s2 =	smul.f32 s2, s8;
	v49 =	vadd.f32 v45, v5;
	v50 =	vmul.f32 v46, v0;
	[tilespmem:s23+$0x70] =	vst v44  }
0x2ea: {  	v9 =	vmul.f32 v9, v2;
	v11 =	vmul.f32 v11, v1;
	v12 =	vadd.f32 v47, v6;
	[tilespmem:s23+$0x40] =	vst v48  }
0x2eb: {  	v51 =	vsub.f32 v24, v36;
	v37 =	vmov s2;
	v52 =	vadd.f32 v50, v4;
	[tilespmem:s23+$0x50] =	vst v49  }
0x2ec: {  	v8 =	vmul.f32 v8, v3;
	v11 =	vadd.f32 v11, v5;
	v60 =	vsub.f32 v34, v37;
	[tilespmem:s23+$0x60] =	vst v12  }
0x2ed: {  	v54 =	vsub.f32 v29, v36;
	v9 =	vadd.f32 v9, v6;
	v10 =	vmul.f32 v51, v0;
	[tilespmem:s23+$0xFFFFFF80] =	vst v52  }
0x2ee: {  	v55 =	vsub.f32 v30, v36;
	v8 =	vadd.f32 v8, v7;
	v61 =	vmul.f32 v60, v3;
	[tilespmem:s23+$0xFFFFFF90] =	vst v11  }
0x2ef: {  	v53 =	vsub.f32 v27, v36;
	v10 =	vadd.f32 v10, v4;
	v56 =	vmul.f32 v54, v2;
	[tilespmem:s23+$0xFFFFFFA0] =	vst v9  }
0x2f0: {  	v57 =	vsub.f32 v31, v37;
	v63 =	vadd.f32 v61, v7;
	v13 =	vmul.f32 v55, v3;
	[tilespmem:s23+$0xFFFFFFB0] =	vst v8  }
0x2f1: {  	v58 =	vsub.f32 v32, v37;
	v12 =	vmul.f32 v53, v1;
	v11 =	vadd.f32 v56, v6;
	[tilespmem:s23+$0xFFFFFFC0] =	vst v10  }
0x2f2: {  	v59 =	vsub.f32 v33, v37;
	v9 =	vmul.f32 v57, v0;
	v13 =	vadd.f32 v13, v7;
	[tilespmem:s23+$0x30] =	vst v63  }
0x2f3: {  	v8 =	vmul.f32 v58, v1;
	v12 =	vadd.f32 v12, v5;
	[tilespmem:s23+$0xFFFFFFE0] =	vst v11  }
0x2f4: {  	v10 =	vmul.f32 v59, v2;
	v9 =	vadd.f32 v9, v4;
	[tilespmem:s23+$0xFFFFFFF0] =	vst v13  }
0x2f5: {  	v8 =	vadd.f32 v8, v5;
	[tilespmem:s23+$0xFFFFFFD0] =	vst v12  }
0x2f6: {  	v62 =	vadd.f32 v10, v6;
	[tilespmem:s23+$0x0] =	vst v9  }
0x2f7: {  	[tilespmem:s23+$0x10] =	vst v8  }
0x2f8: {  	[tilespmem:s23+$0x20] =	vst v62  }
0x2f9: {  	s24 =	simm.s32 $0xFA00;
	s0 =	rddreg [dreg:$0x8]  }
0x2fa: {  	[hbm4b:s0+s3] =	stream.linear.scatter [tilespmem:s24], [sflag:$0x4], $0x3200, $0x38;
	[tilespmem:$0x15E80] =	vst v63  }
0x2fb: {  	s15 =	simm.s32 $0x1;
	s28 =	simm.s32 $0x258;
	s26 =	simm.s32 $0x9600  }
0x2fc: {  	[tilespmem:s26], [sflag:$0x2] =	stream.indirect.gather [hbm4b:s6+s1], $0x40, s28, s1, $0xb8;
	[tilespmem:$0x15E80] =	vst v63  }
0x2fd: {  	s29 =	simm.s32 $0xB600;
	s31 =	simm.s32 $0x2D8;
	s24 =	simm.s32 $0x48  }
0x2fe: {  	[tilespmem:s29], [sflag:$0x2] =	stream.indirect.gather [hbm4b:s6+s24], $0x40, s31, s24, $0xb8;
	[tilespmem:$0x15E80] =	vst v63  }
.LBB2_6:
0x2ff: {  	_ =	swait.ge [sflag:s25], $0x3200  }
0x300: {  	[sflag:s25] =	ssyncset.done $0x0  }
0x301: {  	s0 =	simm.s32 $0x3;
	[sflag:s25] =	ssyncadd.s32 $0xFFFFCE00  }
0x302: {  	_ =	swait.ge [sflag:s0], $0x3200  }
0x303: {  	[sflag:s0] =	ssyncset.done $0x0  }
0x304: {  	s20 =	simm.s32 $0x6480;
	[sflag:s0] =	ssyncadd.s32 $0xFFFFCE00  }
0x305: {  	s2 =	simm.s32 $0x12C80;
	v8 =	vld [tilespmem:s20+$0x40]  }
0x306: {  	v9 =	vld [tilespmem:s2+$0x40]  }
0x307: {  	v11 =	vld [tilespmem:s20+$0x50]  }
0x308: {  	v12 =	vld [tilespmem:s2+$0x50]  }
0x309: {  	v13 =	vld [tilespmem:s20+$0x60]  }
0x30a: {  	v14 =	vld [tilespmem:s2+$0x60]  }
0x30b: {  	v15 =	vld [tilespmem:s20+$0x70]  }
0x30c: {  	v16 =	vld [tilespmem:s2+$0x70]  }
0x30d: {  	v19 =	vld [tilespmem:s2+$0xFFFFFF80]  }
0x30e: {  	v17 =	vld [tilespmem:s20+$0xFFFFFF90]  }
0x30f: {  	v20 =	vld [tilespmem:s2+$0xFFFFFF90]  }
0x310: {  	v18 =	vld [tilespmem:s20+$0xFFFFFFA0]  }
0x311: {  	v25 =	vld [tilespmem:s20+$0xFFFFFFC0]  }
0x312: {  	v27 =	vld [tilespmem:s2+$0xFFFFFFC0];
	v10 =	vadd.f32 v9, v8;
	v9 =	vadd.f32 v12, v11  }
0x313: {  	v28 =	vld [tilespmem:s2+$0xFFFFFFF0];
	v8 =	vadd.f32 v14, v13;
	v11 =	vadd.f32 v16, v15  }
0x314: {  	v29 =	vld [tilespmem:s20+$0x0];
	v14 =	vmul.f32 v10, v10;
	v15 =	vmul.f32 v9, v9  }
0x315: {  	v30 =	vld [tilespmem:s2+$0x0];
	v21 =	vmul.f32 v8, v8;
	v22 =	vmul.f32 v11, v11  }
0x316: {  	v31 =	vld [tilespmem:s20+$0x10];
	v23 =	vadd.f32 v9, v10;
	v24 =	vadd.f32 v11, v8  }
0x317: {  	v12 =	vld [tilespmem:s2+$0xFFFFFFA0];
	v14 =	vadd.f32 v15, v14;
	v15 =	vadd.f32 v22, v21  }
0x318: {  	v13 =	vld [tilespmem:s20+$0xFFFFFFB0];
	v21 =	vadd.f32 v24, v23  }
0x319: {  	v16 =	vld [tilespmem:s2+$0xFFFFFFB0];
	v14 =	vadd.f32 v15, v14  }
0x31a: {  	v22 =	vld [tilespmem:s20+$0xFFFFFFD0];
	(xrf2) =	vadd.scan.msk.f32 $0xffff, v21  }
0x31b: {  	v23 =	vld [tilespmem:s2+$0xFFFFFFD0];
	(xrf2) =	vadd.scan.msk.f32 $0xffff, v14  }
0x31c: {  	v15 =	vld [tilespmem:s20+$0xFFFFFFE0]  }
0x31d: {  	v14 =	vld [tilespmem:s20+$0xFFFFFFF0]  }
0x31e: {  	v21 =	vld [tilespmem:s2+$0xFFFFFFE0]  }
0x31f: {  	v32 =	vld [tilespmem:s20+$0x30];
	v17 =	vadd.f32 v20, v17  }
0x320: {  	v24 =	vadd.f32 v27, v25;
	v27 =	vld [tilespmem:s2+$0x20];
	v22 =	vadd.f32 v23, v22  }
0x321: {  	v18 =	vadd.f32 v12, v18;
	v26 =	vadd.f32 v16, v13;
	v12 =	vld [tilespmem:s2+$0x10]  }
0x322: {  	v23 =	vmul.f32 v24, v24;
	v25 =	vmul.f32 v22, v22;
	v20 =	vadd.f32 v28, v14;
	v14 =	vld [tilespmem:s20+$0xFFFFFF80]  }
0x323: {  	v52 =	vadd.f32 v30, v29;
	v13 =	vld [tilespmem:s20+$0x20];
	v21 =	vadd.f32 v21, v15  }
0x324: {  	v33 =	vld [tilespmem:s2+$0x30];
	v16 =	vadd.f32 v26, v18;
	v35 =	vadd.f32 v25, v23;
	v15, _, _ =	vpop (xrf2)  }
0x325: {  	v28 =	vadd.f32 v20, v21;
	(v2sf) =	vpush v15, $0xF;
	v15, _, _ =	vpop (xrf2)  }
0x326: {  	v34 =	vmul.f32 v21, v21;
	(v2sf) =	vpush v15, $0xF;
	v15 =	vadd.f32 v22, v24  }
0x327: {  	v23 =	vadd.f32 v12, v31;
	v29 =	vmul.f32 v20, v20;
	v2 =	vadd.f32 v19, v14  }
0x328: {  	v12 =	vadd.f32 v28, v15;
	v28 =	vadd.f32 v27, v13  }
0x329: {  	v13 =	vadd.f32 v29, v34;
	v29 =	vadd.f32 v33, v32  }
0x32a: {  	v15 =	vadd.f32 v17, v2;
	(xrf2) =	vadd.scan.msk.f32 $0xffff, v12;
	v12 =	vadd.f32 v23, v52  }
0x32b: {  	v13 =	vadd.f32 v13, v35;
	v19 =	vadd.f32 v29, v28  }
0x32c: {  	s11 =	simm.s32 $0x6580;
	v27 =	vmul.f32 v26, v26;
	v15 =	vadd.f32 v16, v15;
	v16 =	vmul.f32 v18, v18  }
0x32d: {  	v4 =	vld [tilespmem:s11+$0x50];
	(xrf2) =	vadd.scan.msk.f32 $0xffff, v13;
	v12 =	vadd.f32 v19, v12;
	v13 =	vmul.f32 v17, v17;
	v19 =	vmul.f32 v2, v2  }
0x32e: {  	s7 =	simm.s32 $0x12D80;
	v7 =	vld [tilespmem:s11+$0xFFFFFF90];
	v30 =	vmul.f32 v28, v28  }
0x32f: {  	v36 =	vld [tilespmem:s7+$0xFFFFFF90];
	v31 =	vmul.f32 v29, v29;
	(xrf2) =	vadd.scan.msk.f32 $0xffff, v15;
	v15 =	vadd.f32 v27, v16;
	v13 =	vadd.f32 v13, v19  }
0x330: {  	v16 =	vmul.f32 v52, v52;
	v27 =	vmul.f32 v23, v23;
	(xrf2) =	vadd.scan.msk.f32 $0xffff, v12;
	v12 =	vld [tilespmem:s11+$0x40]  }
0x331: {  	v19 =	vld [tilespmem:s7+$0x40];
	v13 =	vadd.f32 v15, v13  }
0x332: {  	v16 =	vadd.f32 v27, v16;
	v27 =	vadd.f32 v31, v30;
	v31 =	vld [tilespmem:s11+$0x60]  }
0x333: {  	v15 =	vld [tilespmem:s7+$0x50];
	(xrf2) =	vadd.scan.msk.f32 $0xffff, v13  }
0x334: {  	v16 =	vadd.f32 v27, v16;
	v27 =	vld [tilespmem:s11+$0x70]  }
0x335: {  	v13 =	vld [tilespmem:s7+$0x60];
	v30, _, _ =	vpop (xrf2)  }
0x336: {  	(v2sf) =	vpush v30, $0xF;
	v30 =	vld [tilespmem:s7+$0x70]  }
0x337: {  	v37 =	vld [tilespmem:s11+$0xFFFFFFA0]  }
0x338: {  	v39 =	vld [tilespmem:s11+$0xFFFFFFC0]  }
0x339: {  	v42 =	vld [tilespmem:s7+$0xFFFFFFC0];
	v32 =	vadd.f32 v19, v12;
	v5, _, _ =	vpop (xrf2);
	(xrf2) =	vadd.scan.msk.f32 $0xffff, v16  }
0x33a: {  	v43 =	vld [tilespmem:s11+$0xFFFFFFD0];
	v33 =	vadd.f32 v15, v4;
	v31 =	vadd.f32 v13, v31  }
0x33b: {  	v50 =	vld [tilespmem:s7+$0xFFFFFFD0];
	v19 =	vmul.f32 v32, v32;
	(v2sf) =	vpush v5, $0xF;
	v6, _, _ =	vpop (xrf2);
	v34 =	vadd.f32 v30, v27  }
0x33c: {  	v51 =	vld [tilespmem:s11+$0xFFFFFFE0];
	s21 =	spop (v2sf);
	v38 =	vadd.f32 v33, v32;
	(v2sf) =	vpush v6, $0xF;
	v48, _, _ =	vpop (xrf2);
	v40 =	vmul.f32 v31, v31  }
0x33d: {  	v57 =	vld [tilespmem:s11+$0x0];
	s8 =	smul.f32 $1.562500000e-02, s21;
	s22 =	spop (v2sf);
	(v2sf) =	vpush v48, $0xF;
	v27 =	vmul.f32 v33, v33;
	v30, _, _ =	vpop (xrf2);
	v41 =	vmul.f32 v34, v34  }
0x33e: {  	v44 =	vld [tilespmem:s7+$0x0];
	s0 =	smul.f32 $1.562500000e-02, s22;
	(v2sf) =	vpush v30, $0xF;
	v30 =	vadd.f32 v34, v31  }
0x33f: {  	v12 =	vld [tilespmem:s7+$0xFFFFFFA0];
	s23 =	smul.f32 s8, s8;
	v19 =	vadd.f32 v27, v19;
	v27 =	vadd.f32 v41, v40  }
0x340: {  	v15 =	vld [tilespmem:s7+$0xFFFFFFB0];
	v30 =	vadd.f32 v30, v38  }
0x341: {  	s0 =	ssub.f32 s0, s23;
	v19 =	vadd.f32 v27, v19;
	v27 =	vld [tilespmem:s7+$0xFFFFFFE0]  }
0x342: {  	(xrf2) =	vadd.scan.msk.f32 $0xffff, v30;
	v30 =	vld [tilespmem:s11+$0xFFFFFFF0]  }
0x343: {  	s0 =	sadd.f32 $9.999999740e-06, s0;
	v49, _, _ =	vpop (xrf2);
	(xrf2) =	vadd.scan.msk.f32 $0xffff, v19;
	v19 =	vld [tilespmem:s7+$0xFFFFFFF0]  }
0x344: {  	v13 =	vld [tilespmem:s11+$0xFFFFFFB0]  }
0x345: {  	v58 =	vld [tilespmem:s11+$0x10];
	v5 =	vadd.f32 v42, v39;
	s25 =	sshra.s32 s0, $0x1;
	s0 =	smul.f32 $5.000000000e-01, s0  }
0x346: {  	v3 =	vadd.f32 v50, v43;
	v16 =	vld [tilespmem:s7+$0xFFFFFF80];
	s2 =	ssub.s32 $0x5F3759DF, s25  }
0x347: {  	v6 =	vadd.f32 v12, v37;
	v12 =	vld [tilespmem:s7+$0x10];
	s4 =	smul.f32 s2, s0;
	[tilespmem:$0x1FB80] =	vst v5;
	v1 =	vadd.f32 v27, v51  }
0x348: {  	[tilespmem:$0x1FB90] =	vst v3;
	v0 =	vadd.f32 v19, v30  }
0x349: {  	v55 =	vadd.f32 v15, v13;
	s4 =	smul.f32 s2, s4;
	v13 =	vld [tilespmem:s11+$0x20];
	[tilespmem:$0x1FBA0] =	vst v1  }
0x34a: {  	[tilespmem:$0x1FBB0] =	vst v0  }
0x34b: {  	s4 =	ssub.f32 $1.500000000e+00, s4;
	v15 =	vld [tilespmem:s11+$0xFFFFFF80]  }
0x34c: {  	[tilespmem:$0x1FB70] =	vst v6  }
0x34d: {  	(v2sf) =	vpush v49, $0xF;
	s10 =	spop (v2sf);
	s4 =	smul.f32 s2, s4;
	v27 =	vmul.f32 v5, v5;
	v30 =	vmul.f32 v3, v3;
	v59 =	vld [tilespmem:s7+$0x20]  }
0x34e: {  	s2 =	smul.f32 $1.562500000e-02, s10;
	v62 =	vld [tilespmem:s11+$0x30]  }
0x34f: {  	s0 =	smul.f32 s4, s0;
	v27 =	vadd.f32 v30, v27;
	v30 =	vld [tilespmem:s7+$0x30]  }
0x350: {  	v45 =	vadd.f32 v44, v57;
	s12 =	spop (v2sf);
	s10 =	smul.f32 s2, s2;
	v46 =	vadd.f32 v16, v15  }
0x351: {  	v4 =	vadd.f32 v36, v7;
	v60 =	vadd.f32 v3, v5;
	s12 =	smul.f32 $1.562500000e-02, s12;
	s7 =	simm.s32 $0x6680  }
0x352: {  	s13 =	spop (v2sf);
	v63 =	vmul.f32 v1, v1;
	s0 =	smul.f32 s0, s4;
	v7 =	vmul.f32 v0, v0;
	s11 =	simm.s32 $0x12E80;
	v38 =	vld [tilespmem:s7+$0x40];
	v49 =	vadd.f32 v59, v13;
	[tilespmem:$0x1FB50] =	vst v46  }
0x353: {  	v47 =	vadd.f32 v12, v58;
	s12 =	ssub.f32 s12, s10;
	s10 =	smul.f32 $1.562500000e-02, s13;
	v40 =	vadd.f32 v0, v1;
	v15 =	vld [tilespmem:s11+$0x40]  }
0x354: {  	s0 =	ssub.f32 $1.500000000e+00, s0;
	v12 =	vadd.f32 v7, v63;
	v57 =	vadd.f32 v30, v62;
	v35 =	vld [tilespmem:s7+$0x50];
	[tilespmem:$0x1FBE0] =	vst v49  }
0x355: {  	s26 =	spop (v2sf);
	s18 =	smul.f32 s10, s10;
	v37 =	vadd.f32 v40, v60;
	[tilespmem:$0x1FB60] =	vst v4  }
0x356: {  	v19 =	vadd.f32 v55, v6;
	s31 =	sadd.f32 $9.999999740e-06, s12;
	v61, _, _ =	vpop (xrf2);
	s13 =	smul.f32 s0, s4;
	v12 =	vadd.f32 v12, v27;
	v50 =	vld [tilespmem:s11+$0x50];
	[tilespmem:$0x1FBF0] =	vst v57  }
0x357: {  	v56 =	vmul.f32 v4, v4;
	s0 =	smul.f32 $1.562500000e-02, s26;
	s19 =	spop (v2sf);
	(v2sf) =	vpush v61, $0xF;
	v5, _, _ =	vpop (xrf2);
	(xrf2) =	vadd.scan.msk.f32 $0xffff, v37;
	v13 =	vadd.f32 v4, v46;
	v27 =	vld [tilespmem:s7+$0x60]  }
0x358: {  	v48 =	vmul.f32 v55, v55;
	s17 =	smul.f32 $1.562500000e-02, s19;
	(v2sf) =	vpush v5, $0xF;
	(xrf2) =	vadd.scan.msk.f32 $0xffff, v12;
	v58 =	vld [tilespmem:s11+$0x60];
	[tilespmem:$0x1FBD0] =	vst v47  }
0x359: {  	s14 =	smul.f32 $5.000000000e-01, s31;
	v16 =	vmul.f32 v6, v6;
	v30 =	vmul.f32 v46, v46;
	v13 =	vadd.f32 v19, v13;
	[tilespmem:$0x1FBC0] =	vst v45  }
0x35a: {  	v41 =	vmul.f32 v45, v45;
	s4 =	sshra.s32 s31, $0x1;
	s16 =	smul.f32 s0, s0;
	v39 =	vadd.f32 v57, v49;
	v19 =	vadd.f32 v47, v45;
	v12 =	vld [tilespmem:s7+$0x70]  }
0x35b: {  	s4 =	ssub.s32 $0x5F3759DF, s4;
	s19 =	smul.f32 s13, s8;
	s12 =	ssub.f32 s17, s18;
	v59 =	vmul.f32 v47, v47;
	v16 =	vadd.f32 v48, v16;
	v30 =	vadd.f32 v56, v30;
	(xrf2) =	vadd.scan.msk.f32 $0xffff, v13;
	v13 =	vld [tilespmem:s11+$0x70]  }
0x35c: {  	s22 =	smul.f32 s4, s14;
	s20 =	spop (v2sf);
	v60 =	vmul.f32 v49, v49;
	v61 =	vmul.f32 v57, v57;
	v39 =	vadd.f32 v39, v19;
	v19 =	vld [tilespmem:s11+$0xFFFFFF80]  }
0x35d: {  	s17 =	smul.f32 $1.562500000e-02, s20;
	s21 =	sadd.f32 $9.999999740e-06, s12;
	v16 =	vadd.f32 v16, v30;
	v30 =	vld [tilespmem:s7+$0xFFFFFF90]  }
0x35e: {  	s25 =	smul.f32 s4, s22;
	v41 =	vadd.f32 v59, v41;
	v40 =	vadd.f32 v61, v60;
	v42 =	vld [tilespmem:s11+$0xFFFFFFA0]  }
0x35f: {  	v10 =	vmul.f32 s13, v10;
	s16 =	ssub.f32 s17, s16;
	s23 =	sshra.s32 s21, $0x1;
	s18 =	smul.f32 $5.000000000e-01, s21;
	v44 =	vld [tilespmem:s7+$0xFFFFFFC0]  }
0x360: {  	v9 =	vmul.f32 s13, v9;
	v63 =	vmov s19;
	s8 =	ssub.f32 $1.500000000e+00, s25;
	s17 =	ssub.s32 $0x5F3759DF, s23;
	v40 =	vadd.f32 v40, v41;
	v41 =	vld [tilespmem:s7+$0xFFFFFFB0]  }
0x361: {  	v8 =	vmul.f32 s13, v8;
	v4 =	vsub.f32 v10, v63;
	s26 =	sadd.f32 $9.999999740e-06, s16;
	s31 =	smul.f32 s17, s18;
	(xrf2) =	vadd.scan.msk.f32 $0xffff, v39;
	v39 =	vld [tilespmem:s11+$0xFFFFFF90];
	v62, _, _ =	vpop (xrf2)  }
0x362: {  	v11 =	vmul.f32 s13, v11;
	v6 =	vsub.f32 v9, v63;
	s8 =	smul.f32 s4, s8;
	(xrf2) =	vadd.scan.msk.f32 $0xffff, v16;
	v16 =	vld [tilespmem:s7+$0xFFFFFFA0];
	(v2sf) =	vpush v62, $0xF;
	v45, _, _ =	vpop (xrf2)  }
0x363: {  	s21 =	smul.f32 $5.000000000e-01, s26;
	(xrf2) =	vadd.scan.msk.f32 $0xffff, v40;
	v40 =	vld [tilespmem:s11+$0xFFFFFFB0];
	[tilespmem:$0x1FB10] =	vst v4;
	(v2sf) =	vpush v45, $0xF;
	v45 =	vsub.f32 v8, v63  }
0x364: {  	s20 =	sshra.s32 s26, $0x1;
	s16 =	smul.f32 s17, s31;
	v46 =	vadd.f32 v50, v35;
	v5 =	vld [tilespmem:s11+$0xFFFFFFC0];
	[tilespmem:$0x1FB20] =	vst v6  }
0x365: {  	v53 =	vsub.f32 v11, v63;
	s14 =	smul.f32 s8, s14;
	s20 =	ssub.s32 $0x5F3759DF, s20;
	v48 =	vadd.f32 v58, v27;
	v11 =	vld [tilespmem:s7+$0xFFFFFFD0];
	[tilespmem:$0x1FB30] =	vst v45  }
0x366: {  	s22 =	smul.f32 s20, s21;
	v43 =	vld [tilespmem:s11+$0xFFFFFFD0];
	[tilespmem:$0x1FC00] =	vst v46  }
0x367: {  	v62 =	vadd.f32 v15, v38;
	s12 =	ssub.f32 $1.500000000e+00, s16;
	s14 =	smul.f32 s14, s8;
	v15 =	vld [tilespmem:s7+$0xFFFFFFE0];
	[tilespmem:$0x1FC10] =	vst v48  }
0x368: {  	v59 =	vadd.f32 v13, v12;
	s23 =	smul.f32 s20, s22;
	v12 =	vld [tilespmem:s11+$0xFFFFFFE0]  }
0x369: {  	s16 =	smul.f32 s17, s12;
	s25 =	spop (v2sf);
	v27 =	vld [tilespmem:s7+$0xFFFFFFF0]  }
0x36a: {  	v50 =	vadd.f32 v46, v62;
	v54 =	vmul.f32 v62, v62;
	v56 =	vmul.f32 v46, v46;
	s12 =	smul.f32 $1.562500000e-02, s25;
	s26 =	spop (v2sf);
	v51 =	vld [tilespmem:s11+$0xFFFFFFF0]  }
0x36b: {  	v58 =	vmul.f32 v48, v48;
	v13 =	vadd.f32 v59, v48;
	v0 =	vadd.f32 v39, v30;
	s17 =	smul.f32 $1.562500000e-02, s26;
	v30 =	vld [tilespmem:s7+$0x0]  }
0x36c: {  	s14 =	ssub.f32 $1.500000000e+00, s14;
	v60 =	vmul.f32 v59, v59;
	v36 =	vadd.f32 v56, v54;
	s22 =	smul.f32 s16, s18;
	v6 =	vadd.f32 v42, v16;
	v7, _, _ =	vpop (xrf2);
	v37 =	vld [tilespmem:s7+$0x10]  }
0x36d: {  	s4 =	ssub.f32 $1.500000000e+00, s23;
	s31 =	smul.f32 s12, s12;
	v46 =	vadd.f32 v13, v50;
	v9 =	vld [tilespmem:s11+$0x10];
	(v2sf) =	vpush v7, $0xF;
	v47, _, _ =	vpop (xrf2)  }
0x36e: {  	s14 =	smul.f32 s14, s8;
	v61 =	vadd.f32 v60, v58;
	(v2sf) =	vpush v47, $0xF;
	v47 =	vld [tilespmem:s11+$0x0]  }
0x36f: {  	s13 =	smul.f32 s20, s4;
	v63 =	vadd.f32 v5, v44;
	s20 =	ssub.f32 s17, s31;
	v49, _, _ =	vpop (xrf2);
	v10 =	vadd.f32 v43, v11;
	v11 =	vld [tilespmem:s7+$0x20]  }
0x370: {  	v24 =	vmul.f32 s14, v24;
	v22 =	vmul.f32 s14, v22;
	s17 =	smul.f32 s22, s16;
	(v2sf) =	vpush v49, $0xF;
	v49 =	vld [tilespmem:s11+$0x20]  }
0x371: {  	(xrf2) =	vadd.scan.msk.f32 $0xffff, v46;
	v7 =	vadd.f32 v40, v41;
	s4 =	sadd.f32 $9.999999740e-06, s20;
	v51 =	vadd.f32 v51, v27;
	v27 =	vld [tilespmem:s7+$0xFFFFFF80];
	[tilespmem:$0x1FAD0] =	vst v63  }
0x372: {  	v36 =	vadd.f32 v61, v36;
	v48 =	vmul.f32 v63, v63;
	s17 =	ssub.f32 $1.500000000e+00, s17;
	v57, _, _ =	vpop (xrf2);
	v50 =	vadd.f32 v12, v15;
	[tilespmem:$0x1FAE0] =	vst v10  }
0x373: {  	v54 =	vadd.f32 v7, v6;
	s25 =	sshra.s32 s4, $0x1;
	s4 =	smul.f32 $5.000000000e-01, s4;
	(v2sf) =	vpush v57, $0xF;
	v15 =	vmul.f32 v10, v10;
	v57 =	vld [tilespmem:s7+$0x30]  }
0x374: {  	(xrf2) =	vadd.scan.msk.f32 $0xffff, v36;
	s16 =	smul.f32 s17, s16;
	v56 =	vadd.f32 v10, v63;
	v8 =	vadd.f32 v9, v37;
	v61 =	vld [tilespmem:s11+$0x30];
	v58 =	vmul.f32 v50, v50  }
0x375: {  	s19 =	ssub.s32 $0x5F3759DF, s25;
	v60 =	vmul.f32 v51, v51;
	v63 =	vadd.f32 v47, v30;
	v30 =	vadd.f32 v51, v50  }
0x376: {  	s26 =	smul.f32 s19, s4;
	v38 =	vadd.f32 v15, v48;
	v46 =	vmul.f32 s16, v2;
	v10 =	vmul.f32 s16, v17  }
0x377: {  	s23 =	smul.f32 s13, s21;
	[tilespmem:$0x1FAF0] =	vst v50;
	v26 =	vmul.f32 s16, v26;
	v30 =	vadd.f32 v30, v56;
	v19 =	vadd.f32 v19, v27  }
0x378: {  	[tilespmem:$0x1FB00] =	vst v51;
	s31 =	spop (v2sf);
	v51 =	vmul.f32 v7, v7;
	s20 =	smul.f32 s19, s26;
	v9 =	vadd.f32 v60, v58;
	v11 =	vadd.f32 v49, v11  }
0x379: {  	s11 =	simm.s32 $0x6780;
	s8 =	smul.f32 $1.562500000e-02, s31;
	v49 =	vmul.f32 v6, v6;
	v48 =	vadd.f32 v61, v57;
	(xrf2) =	vadd.scan.msk.f32 $0xffff, v30;
	v30 =	vadd.f32 v0, v19  }
0x37a: {  	s21 =	simm.s32 $0x12F80;
	v12 =	vmovc v0;
	v35 =	vld [tilespmem:s11+$0x40];
	s31 =	smul.f32 s16, s10;
	v27 =	vmul.f32 v0, v0;
	v50 =	vadd.f32 v8, v63;
	s20 =	ssub.f32 $1.500000000e+00, s20;
	v47 =	vadd.f32 v9, v38  }
0x37b: {  	s18 =	smul.f32 s23, s13;
	v17 =	vmovc v6;
	v5 =	vld [tilespmem:s21+$0x60];
	v60 =	vmul.f32 v63, v63;
	v42 =	vadd.f32 v48, v11;
	v30 =	vadd.f32 v54, v30  }
0x37c: {  	v58, _, _ =	vpop (xrf2);
	v61 =	vmul.f32 v8, v8;
	v36 =	vadd.f32 v51, v49;
	v2 =	vmov s31;
	v49 =	vld [tilespmem:s11+$0x70];
	s20 =	smul.f32 s19, s20;
	(xrf2) =	vadd.scan.msk.f32 $0xffff, v47  }
0x37d: {  	v14 =	vmovc v63;
	s31 =	smul.f32 s14, s2;
	v51 =	vld [tilespmem:s21+$0x70];
	(v2sf) =	vpush v58, $0xF;
	v0 =	vmul.f32 v11, v11;
	v40 =	vadd.f32 v42, v50;
	(xrf2) =	vadd.scan.msk.f32 $0xffff, v30  }
0x37e: {  	v1 =	vmul.f32 v19, v19;
	v6 =	vsub.f32 v46, v2;
	v63, _, _ =	vpop (xrf2);
	v56 =	vmul.f32 v48, v48;
	s4 =	smul.f32 s20, s4;
	v42 =	vld [tilespmem:s21+$0x50]  }
0x37f: {  	s23 =	spop (v2sf);
	s22 =	smul.f32 s8, s8;
	v41 =	vadd.f32 v61, v60;
	(v2sf) =	vpush v63, $0xF;
	v50 =	vmov s31;
	(xrf2) =	vadd.scan.msk.f32 $0xffff, v40;
	v40 =	vld [tilespmem:s11+$0x60]  }
0x380: {  	s18 =	ssub.f32 $1.500000000e+00, s18;
	v27 =	vadd.f32 v27, v1;
	v30 =	vld [tilespmem:s11+$0x50];
	v63 =	vsub.f32 v22, v50;
	s4 =	smul.f32 s4, s20  }
0x381: {  	v21 =	vmul.f32 s14, v21;
	v44 =	vld [tilespmem:s21+$0x40];
	s25 =	smul.f32 $1.562500000e-02, s23;
	v15 =	vmovc v11;
	v11 =	vsub.f32 v26, v2;
	v3 =	vadd.f32 v56, v0;
	s26 =	spop (v2sf)  }
0x382: {  	v27 =	vadd.f32 v36, v27;
	v56 =	vsub.f32 v24, v50;
	s17 =	spop (v2sf);
	[tilespmem:$0x1FB40] =	vst v63;
	s4 =	ssub.f32 $1.500000000e+00, s4  }
0x383: {  	v13 =	vmov v48;
	v60 =	vsub.f32 v21, v50;
	s7 =	smul.f32 $1.562500000e-02, s26;
	v48 =	vadd.f32 v3, v41;
	s26 =	spop (v2sf);
	v46 =	vld [tilespmem:s11+$0xFFFFFF90];
	v24, _, _ =	vpop (xrf2)  }
0x384: {  	v21 =	vld [tilespmem:s21+$0xFFFFFF90];
	s10 =	smul.f32 s4, s20;
	s20 =	spop (v2sf);
	v26 =	vadd.f32 v5, v40;
	(v2sf) =	vpush v24, $0xF  }
0x385: {  	s13 =	smul.f32 s18, s13;
	v58 =	vld [tilespmem:s11+$0xFFFFFFA0];
	(xrf2) =	vadd.scan.msk.f32 $0xffff, v27;
	v24 =	vadd.f32 v42, v30;
	v30 =	vadd.f32 v51, v49  }
0x386: {  	v37 =	vmul.f32 s16, v18;
	s22 =	ssub.f32 s25, s22;
	s16 =	smul.f32 $1.562500000e-02, s17;
	v54 =	vld [tilespmem:s21+$0xFFFFFFA0];
	v27 =	vadd.f32 v44, v35;
	v22, _, _ =	vpop (xrf2);
	(xrf2) =	vadd.scan.msk.f32 $0xffff, v48  }
0x387: {  	v20 =	vmul.f32 s14, v20;
	s23 =	smul.f32 s7, s7;
	v36 =	vld [tilespmem:s11+$0xFFFFFFB0];
	(v2sf) =	vpush v22, $0xF;
	v3 =	vadd.f32 v30, v26;
	v22, _, _ =	vpop (xrf2)  }
0x388: {  	s17 =	sadd.f32 $9.999999740e-06, s22;
	v38 =	vld [tilespmem:s21+$0xFFFFFFB0];
	s19 =	smul.f32 $1.562500000e-02, s26;
	(v2sf) =	vpush v22, $0xF;
	v22 =	vadd.f32 v24, v27  }
0x389: {  	v16 =	vmov v7;
	v57 =	vsub.f32 v20, v50;
	v7 =	vld [tilespmem:s11+$0xFFFFFFC0];
	s25 =	smul.f32 s16, s16  }
0x38a: {  	v63 =	vld [tilespmem:s21+$0xFFFFFFC0];
	s2 =	smul.f32 $5.000000000e-01, s17;
	v20 =	vmul.f32 v26, v26;
	v9 =	vadd.f32 v3, v22;
	v22 =	vmul.f32 v30, v30  }
0x38b: {  	v25 =	vld [tilespmem:s11+$0xFFFFFFD0];
	s17 =	sshra.s32 s17, $0x1;
	s12 =	smul.f32 s10, s12;
	v34 =	vmul.f32 s10, v34  }
0x38c: {  	v43 =	vld [tilespmem:s11+$0xFFFFFFF0];
	s4 =	ssub.f32 s19, s23;
	s19 =	smul.f32 $1.562500000e-02, s20;
	s17 =	ssub.s32 $0x5F3759DF, s17;
	v4 =	vmul.f32 v27, v27;
	v5 =	vmul.f32 v24, v24;
	v20 =	vadd.f32 v22, v20  }
0x38d: {  	v18 =	vmovc v8;
	v8 =	vsub.f32 v10, v2;
	v10 =	vsub.f32 v37, v2;
	v40 =	vld [tilespmem:s11+$0xFFFFFFE0];
	s22 =	smul.f32 s17, s2;
	v0 =	vmov s12  }
0x38e: {  	s0 =	smul.f32 s13, s0;
	v28 =	vmul.f32 s13, v28;
	v35 =	vld [tilespmem:s21+$0xFFFFFFE0];
	v47 =	vsub.f32 v34, v0;
	v2, _, _ =	vpop (xrf2);
	v37 =	vadd.f32 v5, v4  }
0x38f: {  	v44 =	vld [tilespmem:s11+$0x10];
	s18 =	ssub.f32 s19, s25;
	s25 =	smul.f32 s17, s22;
	v4 =	vmul.f32 s13, v23;
	v23 =	vadd.f32 v63, v7;
	(v2sf) =	vpush v2, $0xF;
	v1, _, _ =	vpop (xrf2)  }
0x390: {  	v22 =	vmul.f32 s10, v31;
	v31 =	vld [tilespmem:s21+$0xFFFFFFD0];
	(v2sf) =	vpush v1, $0xF;
	v2 =	vadd.f32 v20, v37;
	v20, _, _ =	vpop (xrf2)  }
0x391: {  	v34 =	vld [tilespmem:s11+$0x0];
	s26 =	ssub.f32 $1.500000000e+00, s25;
	s25 =	spop (v2sf);
	v5 =	vmov s0;
	(v2sf) =	vpush v20, $0xF;
	v20 =	vadd.f32 v54, v58  }
0x392: {  	v29 =	vmul.f32 s13, v29;
	v7 =	vld [tilespmem:s21+$0x0];
	v58 =	vsub.f32 v4, v5;
	v4 =	vsub.f32 v28, v5  }
0x393: {  	v63 =	vld [tilespmem:s21+$0x10]  }
0x394: {  	(xrf2) =	vadd.scan.msk.f32 $0xffff, v9;
	v9 =	vsub.f32 v29, v5;
	v37 =	vld [tilespmem:s21+$0xFFFFFFF0];
	[tilespmem:$0x1FC20] =	vst v4  }
0x395: {  	v3 =	vmul.f32 s13, v52;
	v45 =	vsub.f32 v22, v0;
	(xrf2) =	vadd.scan.msk.f32 $0xffff, v2;
	v25 =	vadd.f32 v31, v25;
	v42 =	vld [tilespmem:s11+$0x20]  }
0x396: {  	s4 =	sadd.f32 $9.999999740e-06, s4;
	v22 =	vadd.f32 v21, v46;
	v21 =	vadd.f32 v38, v36;
	v39 =	vld [tilespmem:s21+$0x20]  }
0x397: {  	v46 =	vsub.f32 v3, v5;
	v5 =	vmul.f32 v23, v23;
	v31 =	vmul.f32 v25, v25;
	v38 =	vld [tilespmem:s11+$0x30]  }
0x398: {  	v32 =	vmul.f32 s10, v32;
	s23 =	sshra.s32 s4, $0x1;
	s14 =	smul.f32 $5.000000000e-01, s4;
	v2 =	vld [tilespmem:s11+$0xFFFFFF80]  }
0x399: {  	v33 =	vmul.f32 s10, v33;
	s18 =	sadd.f32 $9.999999740e-06, s18;
	s4 =	ssub.s32 $0x5F3759DF, s23;
	v41 =	vadd.f32 v31, v5;
	v31 =	vadd.f32 v7, v34;
	v7 =	vld [tilespmem:s21+$0x30]  }
0x39a: {  	v50 =	vsub.f32 v32, v0;
	s22 =	smul.f32 s4, s14;
	v61 =	vmul.f32 v21, v21;
	v34 =	vadd.f32 v63, v44;
	v63 =	vld [tilespmem:s21+$0xFFFFFF80]  }
0x39b: {  	s20 =	smul.f32 $5.000000000e-01, s18;
	v28 =	vadd.f32 v35, v40;
	v49 =	vmul.f32 v20, v20;
	v29 =	vadd.f32 v37, v43  }
0x39c: {  	v51 =	vsub.f32 v33, v0;
	s23 =	sshra.s32 s18, $0x1;
	s12 =	smul.f32 $1.562500000e-02, s25;
	v37 =	vadd.f32 v25, v23  }
0x39d: {  	s31 =	smul.f32 s4, s22;
	s22 =	ssub.s32 $0x5F3759DF, s23;
	v49 =	vadd.f32 v61, v49;
	v61 =	vadd.f32 v29, v28  }
0x39e: {  	s23 =	smul.f32 s22, s20;
	v48, _, _ =	vpop (xrf2);
	v32 =	vadd.f32 v39, v42;
	v33 =	vadd.f32 v7, v38  }
0x39f: {  	s10 =	smul.f32 s17, s26;
	v0 =	vmul.f32 v28, v28;
	(v2sf) =	vpush v48, $0xF;
	v3, _, _ =	vpop (xrf2);
	v35 =	vadd.f32 v63, v2  }
0x3a0: {  	s19 =	ssub.f32 $1.500000000e+00, s31;
	s31 =	smul.f32 s12, s12;
	(v2sf) =	vpush v3, $0xF;
	v2 =	vmul.f32 v32, v32;
	v3 =	vmul.f32 v33, v33  }
0x3a1: {  	s23 =	smul.f32 s22, s23;
	v1 =	vmul.f32 v29, v29;
	v4 =	vmul.f32 v31, v31  }
0x3a2: {  	s13 =	smul.f32 s10, s2;
	v5 =	vmul.f32 v34, v34;
	v48 =	vadd.f32 v61, v37;
	v37 =	vadd.f32 v3, v2;
	v3 =	vld [tilespmem:$0x1FFD0]  }
0x3a3: {  	s26 =	spop (v2sf);
	s18 =	smul.f32 s4, s19;
	v7 =	vadd.f32 v1, v0  }
0x3a4: {  	s4 =	smul.f32 $1.562500000e-02, s26;
	v43 =	vld [tilespmem:$0x1FB20];
	v52 =	vadd.f32 v34, v31;
	v36 =	vadd.f32 v5, v4;
	v38 =	vmul.f32 v22, v22  }
0x3a5: {  	s17 =	ssub.f32 $1.500000000e+00, s23;
	s0 =	smul.f32 s13, s10;
	v42 =	vld [tilespmem:$0x1FB10];
	v54 =	vadd.f32 v33, v32;
	v63 =	vadd.f32 v7, v41;
	v7 =	vmul.f32 v35, v35  }
0x3a6: {  	s23 =	smul.f32 s18, s14;
	v4 =	vadd.f32 v21, v20;
	v1 =	vld [tilespmem:$0x1FFF0];
	v5 =	vadd.f32 v22, v35  }
0x3a7: {  	s17 =	smul.f32 s22, s17;
	s22 =	ssub.f32 s4, s31;
	v61 =	vadd.f32 v54, v52;
	v44 =	vmul.f32 v53, v3;
	v53 =	vadd.f32 v38, v7;
	v7 =	vld [tilespmem:$0x1FFB0]  }
0x3a8: {  	s0 =	ssub.f32 $1.500000000e+00, s0;
	s4 =	smul.f32 s23, s18;
	v0 =	vld [tilespmem:$0x1FFE0]  }
0x3a9: {  	s25 =	smul.f32 s17, s20;
	s2 =	sadd.f32 $9.999999740e-06, s22;
	[tilespmem:$0x1FC30] =	vst v61;
	v61 =	vadd.f32 v4, v5;
	v5 =	vld [tilespmem:$0x1FED0]  }
0x3aa: {  	s11 =	smul.f32 s0, s10;
	v4 =	vld [tilespmem:$0x1FF60]  }
0x3ab: {  	s26 =	sshra.s32 s2, $0x1;
	s31 =	smul.f32 $5.000000000e-01, s2;
	v2 =	vld [tilespmem:$0x1FFC0]  }
0x3ac: {  	s4 =	ssub.f32 $1.500000000e+00, s4;
	s20 =	smul.f32 s25, s17;
	s14 =	ssub.s32 $0x5F3759DF, s26;
	v52 =	vadd.f32 v37, v36;
	v36 =	vmul.f32 v43, v1;
	v37 =	vadd.f32 v44, v7;
	v44 =	vld [tilespmem:$0x1FB30]  }
0x3ad: {  	s2 =	smul.f32 s14, s31;
	v41 =	vmul.f32 v42, v0  }
0x3ae: {  	s13 =	smul.f32 s4, s18;
	s26 =	ssub.f32 $1.500000000e+00, s20;
	v40 =	vadd.f32 v36, v5;
	v36 =	vmul.f32 v6, v0;
	v6 =	vld [tilespmem:$0x1FF30]  }
0x3af: {  	s23 =	spop (v2sf);
	s2 =	smul.f32 s14, s2;
	v41 =	vadd.f32 v41, v4  }
0x3b0: {  	s29 =	simm.s32 $0xC880;
	s18 =	spop (v2sf);
	s10 =	smul.f32 s26, s17  }
0x3b1: {  	s17 =	smul.f32 $1.562500000e-02, s18;
	s25 =	ssub.f32 $1.500000000e+00, s2;
	[tilespmem:s29+$0x40] =	vst v41;
	v54 =	vmul.f32 v44, v2  }
0x3b2: {  	s18 =	smul.f32 s13, s7;
	[tilespmem:s29+$0x70] =	vst v37  }
0x3b3: {  	s14 =	smul.f32 s14, s25;
	v47 =	vmul.f32 v47, v3;
	v39 =	vadd.f32 v54, v6;
	v54 =	vld [tilespmem:$0x1FB40]  }
0x3b4: {  	s20 =	spop (v2sf);
	s2 =	smul.f32 $1.562500000e-02, s23  }
0x3b5: {  	s23 =	spop (v2sf);
	s0 =	smul.f32 s14, s31;
	v37 =	vadd.f32 v47, v7  }
0x3b6: {  	s7 =	smul.f32 $1.562500000e-02, s23;
	s23 =	simm.s32 $0xC980;
	v38 =	vmul.f32 v8, v1;
	v36 =	vadd.f32 v36, v4;
	[tilespmem:s29+$0x50] =	vst v40  }
0x3b7: {  	v43 =	vmul.f32 v56, v0;
	s19 =	smul.f32 s0, s14;
	[tilespmem:s23+$0x70] =	vst v37  }
0x3b8: {  	v42 =	vmul.f32 v10, v2;
	v38 =	vadd.f32 v38, v5;
	[tilespmem:s29+$0xFFFFFF80] =	vst v36;
	v56 =	vmul.f32 v54, v1  }
0x3b9: {  	s31 =	smul.f32 s2, s2;
	v60 =	vmul.f32 v60, v2;
	v57 =	vmul.f32 v57, v3;
	s22 =	ssub.f32 $1.500000000e+00, s19;
	[tilespmem:s29+$0x60] =	vst v39  }
0x3ba: {  	s0 =	smul.f32 $1.562500000e-02, s20;
	v47 =	vmul.f32 v11, v3;
	v42 =	vadd.f32 v42, v6;
	v41 =	vadd.f32 v56, v5;
	v56 =	vld [tilespmem:$0x1FB50];
	[tilespmem:s29+$0xFFFFFF90] =	vst v38  }
0x3bb: {  	s26 =	spop (v2sf);
	s14 =	smul.f32 s22, s14;
	v44 =	vadd.f32 v57, v7;
	v57 =	vld [tilespmem:$0x1FB60]  }
0x3bc: {  	s4 =	ssub.f32 s17, s31;
	s31 =	smul.f32 $1.562500000e-02, s26;
	v47 =	vadd.f32 v47, v7;
	v36 =	vadd.f32 v60, v6;
	v60 =	vld [tilespmem:$0x1FB70];
	[tilespmem:s29+$0xFFFFFFA0] =	vst v42  }
0x3bd: {  	v43 =	vadd.f32 v43, v4;
	s17 =	smul.f32 s14, s12;
	v38 =	vld [tilespmem:$0x1FB80]  }
0x3be: {  	s25 =	smul.f32 s0, s0;
	v37 =	vmul.f32 v45, v2;
	v45 =	vmul.f32 s14, v59;
	v42 =	vld [tilespmem:$0x1FB90];
	[tilespmem:s29+$0xFFFFFFB0] =	vst v47  }
0x3bf: {  	s20 =	smul.f32 s7, s7;
	s4 =	sadd.f32 $9.999999740e-06, s4;
	v53 =	vadd.f32 v49, v53;
	v49 =	vmov s17;
	v59 =	vld [tilespmem:$0x1FBA0];
	[tilespmem:s29+$0xFFFFFFC0] =	vst v43  }
0x3c0: {  	v50 =	vmul.f32 v50, v0;
	s19 =	ssub.f32 s31, s25;
	s25 =	spop (v2sf);
	v11 =	vsub.f32 v45, v49;
	v8 =	vld [tilespmem:$0x1FBB0]  }
0x3c1: {  	v46 =	vmul.f32 v46, v0;
	s26 =	smul.f32 $1.562500000e-02, s25;
	v39 =	vmul.f32 v51, v1;
	v10 =	vld [tilespmem:$0x1FBC0]  }
0x3c2: {  	s12 =	smul.f32 $5.000000000e-01, s4;
	s4 =	sshra.s32 s4, $0x1;
	v51 =	vmul.f32 s13, v55;
	v47 =	vmul.f32 v11, v3  }
0x3c3: {  	s8 =	smul.f32 s11, s8;
	(xrf2) =	vadd.scan.msk.f32 $0xffff, v48;
	s19 =	sadd.f32 $9.999999740e-06, s19;
	s4 =	ssub.s32 $0x5F3759DF, s4;
	[tilespmem:s29+$0xFFFFFFD0] =	vst v41;
	v54 =	vmul.f32 s13, v56;
	v57 =	vmul.f32 s13, v57  }
0x3c4: {  	s31 =	smul.f32 s4, s12;
	v45 =	vld [tilespmem:$0x1FBD0];
	v60 =	vmul.f32 s13, v60;
	s13 =	ssub.f32 s26, s20;
	v56 =	vmul.f32 s11, v38  }
0x3c5: {  	s17 =	smul.f32 $5.000000000e-01, s19;
	v40 =	vadd.f32 v50, v4;
	s20 =	sshra.s32 s19, $0x1;
	v55 =	vmul.f32 s11, v42;
	v50 =	vmul.f32 s11, v8;
	v8 =	vld [tilespmem:$0x1FBE0];
	[tilespmem:s29+$0xFFFFFFE0] =	vst v36  }
0x3c6: {  	s25 =	smul.f32 s4, s31;
	v48 =	vadd.f32 v39, v5;
	v59 =	vmul.f32 s11, v59;
	s13 =	sadd.f32 $9.999999740e-06, s13;
	v39 =	vmul.f32 s10, v10;
	s11 =	ssub.s32 $0x5F3759DF, s20;
	v10 =	vld [tilespmem:$0x1FBF0];
	[tilespmem:s29+$0xFFFFFFF0] =	vst v44  }
0x3c7: {  	v43 =	vadd.f32 v37, v6;
	s26 =	smul.f32 s11, s17;
	v42 =	vld [tilespmem:$0x1FC00];
	[tilespmem:s23+$0x40] =	vst v40  }
0x3c8: {  	v46 =	vadd.f32 v46, v4;
	v11 =	vmov s18;
	v5 =	vadd.f32 v47, v7;
	s31 =	sshra.s32 s13, $0x1;
	s18 =	smul.f32 $5.000000000e-01, s13;
	v44 =	vld [tilespmem:$0x1FC10];
	[tilespmem:s23+$0x50] =	vst v48  }
0x3c9: {  	s19 =	ssub.f32 $1.500000000e+00, s25;
	v6 =	vsub.f32 v54, v11;
	v7 =	vsub.f32 v57, v11;
	s25 =	ssub.s32 $0x5F3759DF, s31;
	s20 =	smul.f32 s11, s26;
	[tilespmem:s23+$0x60] =	vst v43  }
0x3ca: {  	s28 =	simm.s32 $0xCA80;
	v57 =	vsub.f32 v60, v11;
	v38 =	vmul.f32 s10, v45;
	v45 =	vmul.f32 s14, v62;
	s26 =	smul.f32 s25, s18;
	[tilespmem:s29+$0x0] =	vst v46  }
0x3cb: {  	v47 =	vmul.f32 v7, v1;
	[tilespmem:s28+$0x70] =	vst v5;
	v36 =	vmul.f32 s10, v10;
	v10 =	vmov s8  }
0x3cc: {  	v37 =	vmul.f32 s10, v8;
	v8 =	vsub.f32 v51, v11;
	s31 =	smul.f32 s25, s26;
	v11 =	vsub.f32 v55, v10;
	v55 =	vld [tilespmem:$0x1FC20]  }
0x3cd: {  	v60, _, _ =	vpop (xrf2);
	(xrf2) =	vadd.scan.msk.f32 $0xffff, v63;
	v40 =	vmul.f32 v58, v1;
	v46 =	vmul.f32 v57, v2;
	v63 =	vld [tilespmem:$0x1FC30];
	s8 =	smul.f32 s4, s19  }
0x3ce: {  	(v2sf) =	vpush v60, $0xF;
	v62 =	vmul.f32 s14, v42;
	v44 =	vmul.f32 s14, v44;
	s14 =	ssub.f32 $1.500000000e+00, s20  }
0x3cf: {  	v51 =	vmul.f32 v6, v0;
	v56 =	vsub.f32 v56, v10;
	v54 =	vsub.f32 v59, v10;
	s4 =	ssub.f32 $1.500000000e+00, s31;
	s20 =	smul.f32 s8, s12  }
0x3d0: {  	v48 =	vsub.f32 v50, v10;
	v42 =	vmul.f32 v9, v3;
	v43 =	vmul.f32 v8, v3;
	s26 =	smul.f32 s11, s14  }
0x3d1: {  	s13 =	spop (v2sf);
	(xrf2) =	vadd.scan.msk.f32 $0xffff, v61;
	v50 =	vsub.f32 v62, v49;
	v44 =	vsub.f32 v44, v49;
	s14 =	smul.f32 s25, s4;
	v41 =	vmul.f32 v55, v2  }
0x3d2: {  	s12 =	simm.s32 $0x6880;
	(xrf2) =	vadd.scan.msk.f32 $0xffff, v63;
	s11 =	simm.s32 $0xC;
	s22 =	smul.f32 s26, s17;
	v55 =	vsub.f32 v45, v49;
	v45 =	vmul.f32 v56, v0;
	v49 =	vmul.f32 v11, v1  }
.LBB2_7:
0x3d3: {  	v56 =	vld [tilespmem:s12+$0x40]  }
0x3d4: {  	v3 =	vld [tilespmem:$0x1FF60]  }
0x3d5: {  	v9 =	vld [tilespmem:$0x1FFC0]  }
0x3d6: {  	v10 =	vld [tilespmem:$0x1FFD0]  }
0x3d7: {  	v7 =	vld [tilespmem:$0x1FFE0]  }
0x3d8: {  	v8 =	vld [tilespmem:$0x1FFF0]  }
0x3d9: {  	v0 =	vld [tilespmem:$0x1FED0]  }
0x3da: {  	v1 =	vld [tilespmem:$0x1FF30]  }
0x3db: {  	v11 =	vld [tilespmem:$0x1FFB0]  }
0x3dc: {  	v58 =	vld [tilespmem:s12+$0x50]  }
0x3dd: {  	s21 =	sadd.s32 $0x100, s21;
	v59 =	vld [tilespmem:s12+$0x70];
	v51 =	vadd.f32 v51, v3  }
0x3de: {  	v57 =	vld [tilespmem:s21+$0x40];
	v47 =	vadd.f32 v47, v0  }
0x3df: {  	(xrf2) =	vadd.scan.msk.f32 $0xffff, v53;
	v6 =	vld [tilespmem:s21+$0x70];
	v46 =	vadd.f32 v46, v1;
	[tilespmem:s23+$0xFFFFFF80] =	vst v51  }
0x3e0: {  	v43 =	vadd.f32 v43, v11;
	v51 =	vld [tilespmem:s21+$0x50];
	[tilespmem:s23+$0xFFFFFF90] =	vst v47  }
0x3e1: {  	s13 =	smul.f32 $1.562500000e-02, s13;
	v54 =	vmul.f32 v54, v9;
	v2 =	vadd.f32 v49, v0;
	v47 =	vld [tilespmem:s12+$0x60];
	[tilespmem:s23+$0xFFFFFFA0] =	vst v46  }
0x3e2: {  	s10 =	smul.f32 s10, s16;
	v55 =	vmul.f32 v55, v7;
	v45 =	vadd.f32 v45, v3;
	v63, _, _ =	vpop (xrf2);
	(xrf2) =	vadd.scan.msk.f32 $0xffff, v52;
	v52 =	vld [tilespmem:s21+$0x60];
	[tilespmem:s23+$0xFFFFFFB0] =	vst v43  }
0x3e3: {  	s17 =	smul.f32 s13, s13;
	v48 =	vmul.f32 v48, v10;
	v4 =	vadd.f32 v40, v0;
	s4 =	spop (v2sf);
	v60 =	vadd.f32 v54, v1;
	[tilespmem:s23+$0xFFFFFFD0] =	vst v2;
	v2 =	vld [tilespmem:s12+$0xFFFFFF90]  }
0x3e4: {  	[tilespmem:s23+$0xFFFFFFC0] =	vst v45;
	v55 =	vadd.f32 v55, v3;
	s4 =	smul.f32 $1.562500000e-02, s4;
	(v2sf) =	vpush v63, $0xF;
	v61, _, _ =	vpop (xrf2);
	v45 =	vld [tilespmem:s21+$0xFFFFFFA0]  }
0x3e5: {  	s22 =	smul.f32 s22, s26;
	v62 =	vadd.f32 v48, v11;
	(v2sf) =	vpush v61, $0xF;
	[tilespmem:s23+$0xFFFFFFE0] =	vst v60;
	v61 =	vld [tilespmem:s21+$0xFFFFFF90]  }
0x3e6: {  	s18 =	smul.f32 s14, s18;
	v5 =	vadd.f32 v41, v1;
	v42 =	vadd.f32 v42, v11;
	v63, _, _ =	vpop (xrf2);
	v60 =	vmov s10;
	[tilespmem:s28+$0x40] =	vst v55;
	v55 =	vld [tilespmem:$0x1FAE0];
	s4 =	ssub.f32 s4, s17  }
0x3e7: {  	s19 =	smul.f32 s20, s8;
	[tilespmem:s23+$0xFFFFFFF0] =	vst v62;
	s17 =	ssub.f32 $1.500000000e+00, s22;
	(v2sf) =	vpush v63, $0xF;
	v40 =	vsub.f32 v38, v60;
	v38 =	vld [tilespmem:s12+$0xFFFFFFA0]  }
0x3e8: {  	s25 =	smul.f32 s18, s14;
	v50 =	vmul.f32 v50, v8;
	v54 =	vadd.f32 v57, v56;
	v39 =	vsub.f32 v39, v60;
	v49 =	vld [tilespmem:s12+$0xFFFFFFC0];
	s4 =	sadd.f32 $9.999999740e-06, s4  }
0x3e9: {  	s16 =	smov.u32 s7;
	v44 =	vmul.f32 v44, v9;
	v57 =	vld [tilespmem:s21+$0xFFFFFFC0];
	v62, _, _ =	vpop (xrf2);
	v51 =	vadd.f32 v51, v58;
	s7 =	smul.f32 s17, s26;
	v52 =	vadd.f32 v52, v47  }
0x3ea: {  	v58 =	vadd.f32 v6, v59;
	v59 =	vmul.f32 v39, v7;
	v39 =	vld [tilespmem:s12+$0xFFFFFFB0];
	(v2sf) =	vpush v62, $0xF;
	s31 =	sshra.s32 s4, $0x1;
	s18 =	smul.f32 $5.000000000e-01, s4  }
0x3eb: {  	s19 =	ssub.f32 $1.500000000e+00, s19;
	v46 =	vadd.f32 v50, v0;
	v44 =	vadd.f32 v44, v1;
	[tilespmem:s29+$0x10] =	vst v4;
	v62 =	vld [tilespmem:s21+$0xFFFFFFD0];
	s22 =	ssub.s32 $0x5F3759DF, s31  }
0x3ec: {  	s20 =	ssub.f32 $1.500000000e+00, s25;
	[tilespmem:s29+$0x30] =	vst v42;
	v63 =	vadd.f32 v51, v54;
	v42 =	vmul.f32 s7, v19;
	v19 =	vmovc v35;
	v35 =	vld [tilespmem:s21+$0xFFFFFFB0];
	v4 =	vadd.f32 v58, v52;
	s25 =	smul.f32 s22, s18  }
0x3ed: {  	[tilespmem:s29+$0x20] =	vst v5;
	v5 =	vmul.f32 v54, v54;
	s26 =	smul.f32 s19, s8;
	v6 =	vmul.f32 v51, v51;
	v43 =	vadd.f32 v61, v2;
	v61 =	vld [tilespmem:s12+$0xFFFFFFD0]  }
0x3ee: {  	v1 =	vmul.f32 v52, v52;
	v2 =	vmul.f32 v58, v58;
	s31 =	spop (v2sf);
	v48 =	vadd.f32 v4, v63;
	v63 =	vld [tilespmem:s12+$0xFFFFFFE0];
	s10 =	smul.f32 s22, s25  }
0x3ef: {  	s8 =	smul.f32 $1.562500000e-02, s31;
	v50 =	vadd.f32 v6, v5;
	v6 =	vld [tilespmem:$0x1FAD0];
	v0, _, _ =	vpop (xrf2)  }
0x3f0: {  	[tilespmem:s28+$0x50] =	vst v46;
	v4 =	vadd.f32 v2, v1;
	v1 =	vld [tilespmem:s12+$0xFFFFFFF0];
	s31 =	smul.f32 s7, s0;
	(v2sf) =	vpush v0, $0xF;
	s17 =	ssub.f32 $1.500000000e+00, s10  }
0x3f1: {  	[tilespmem:s28+$0x60] =	vst v44;
	v47 =	vmul.f32 s7, v12;
	v46 =	vmul.f32 s7, v17;
	v17 =	vmovc v20;
	v20 =	vadd.f32 v45, v38;
	v2 =	vld [tilespmem:s21+$0xFFFFFFF0];
	s10 =	smul.f32 s20, s14  }
0x3f2: {  	v12 =	vmovc v22;
	v44 =	vmul.f32 v43, v43;
	v22 =	vmov v43;
	(xrf2) =	vadd.scan.msk.f32 $0xffff, v48;
	v5 =	vadd.f32 v4, v50;
	v0 =	vld [tilespmem:s21+$0xFFFFFFE0];
	s4 =	smul.f32 s22, s17  }
0x3f3: {  	v43 =	vmul.f32 s7, v16;
	v16 =	vmovc v21;
	v21 =	vadd.f32 v35, v39;
	v35 =	vmovc v23;
	v23 =	vadd.f32 v57, v49;
	v57 =	vld [tilespmem:$0x1FB00];
	s20 =	smul.f32 s8, s8  }
0x3f4: {  	v53 =	vsub.f32 v37, v60;
	v48 =	vmul.f32 s26, v55;
	v4 =	vld [tilespmem:$0x1FAF0];
	v55 =	vsub.f32 v36, v60;
	(xrf2) =	vadd.scan.msk.f32 $0xffff, v5;
	s22 =	spop (v2sf);
	s18 =	smul.f32 s4, s18  }
0x3f5: {  	v60 =	vmovc v29;
	v29 =	vadd.f32 v59, v3;
	v59 =	vld [tilespmem:s21+$0x10];
	v39 =	vmul.f32 v20, v20;
	v45 =	vmul.f32 s26, v6;
	s17 =	smul.f32 $1.562500000e-02, s22;
	s25 =	spop (v2sf)  }
0x3f6: {  	v56 =	vmov v25;
	[tilespmem:$0x1FB00] =	vst v60;
	v60 =	vld [tilespmem:s12+$0x0];
	v25 =	vmul.f32 v21, v21;
	v6 =	vmul.f32 v23, v23;
	s22 =	spop (v2sf);
	s18 =	smul.f32 s18, s4  }
0x3f7: {  	[tilespmem:$0x1FAE0] =	vst v56;
	v56 =	vadd.f32 v21, v20;
	v38 =	vmul.f32 s10, v18;
	v18 =	vmovc v34;
	v34 =	vld [tilespmem:s12+$0x10];
	v37 =	vmul.f32 s10, v15;
	s14 =	ssub.f32 s17, s20;
	s17 =	smul.f32 $1.562500000e-02, s25  }
0x3f8: {  	v50 =	vmul.f32 s26, v57;
	v57 =	vadd.f32 v25, v39;
	v25 =	vadd.f32 v62, v61;
	v61 =	vld [tilespmem:s21+$0x0];
	s7 =	smul.f32 $1.562500000e-02, s22  }
0x3f9: {  	s29 =	smov.u32 s23;
	v5 =	vmovc v28;
	v36 =	vmul.f32 s10, v13;
	v49 =	vmul.f32 s26, v4;
	v28 =	vadd.f32 v0, v63;
	s25 =	spop (v2sf);
	s18 =	ssub.f32 $1.500000000e+00, s18  }
0x3fa: {  	v41 =	vld [tilespmem:s21+$0xFFFFFF80];
	v13 =	vmovc v33;
	v39 =	vmul.f32 s10, v14;
	v62 =	vmov s31;
	[tilespmem:s29+$0x0] =	vst v29;
	v29 =	vadd.f32 v2, v1;
	s31 =	smul.f32 $1.562500000e-02, s25  }
0x3fb: {  	v14 =	vmovc v31;
	v1 =	vmul.f32 v28, v28;
	v2 =	vld [tilespmem:s12+$0x20];
	v42 =	vsub.f32 v42, v62;
	v31 =	vmul.f32 v25, v25;
	s0 =	smov.u32 s17;
	s4 =	smul.f32 s18, s4  }
0x3fc: {  	[tilespmem:$0x1FAD0] =	vst v35;
	v33 =	vld [tilespmem:s21+$0x20];
	v0 =	vadd.f32 v25, v23;
	v4 =	vmul.f32 v29, v29;
	v34 =	vadd.f32 v59, v34;
	v35, _, _ =	vpop (xrf2);
	s17 =	smul.f32 s17, s0  }
0x3fd: {  	v15 =	vmovc v32;
	s19 =	sadd.f32 $9.999999740e-06, s14;
	s18 =	smul.f32 s7, s7;
	v32 =	vmul.f32 s4, v30;
	v30 =	vmovc v58;
	v58 =	vadd.f32 v31, v6;
	v31 =	vadd.f32 v61, v60;
	v60 =	vld [tilespmem:s12+$0x30]  }
0x3fe: {  	v1 =	vadd.f32 v4, v1;
	(v2sf) =	vpush v35, $0xF;
	v35, _, _ =	vpop (xrf2);
	s22 =	ssub.f32 s31, s17;
	s13 =	smul.f32 s4, s13;
	v61 =	vld [tilespmem:s21+$0x30]  }
0x3ff: {  	[tilespmem:$0x1FAF0] =	vst v5;
	s31 =	smul.f32 s26, s2;
	v63 =	vmul.f32 s4, v27;
	v27 =	vmovc v54;
	v54 =	vadd.f32 v29, v28;
	v5 =	vmul.f32 s4, v24;
	v24 =	vmovc v51;
	v51 =	vld [tilespmem:s12+$0xFFFFFF80];
	s25 =	spop (v2sf)  }
0x400: {  	s14 =	sshra.s32 s19, $0x1;
	v6 =	vmul.f32 s4, v26;
	(v2sf) =	vpush v35, $0xF;
	s4 =	sadd.f32 $9.999999740e-06, s22;
	v3 =	vmov s13;
	s17 =	smul.f32 $1.562500000e-02, s25  }
0x401: {  	s14 =	ssub.s32 $0x5F3759DF, s14;
	s13 =	smul.f32 $5.000000000e-01, s19;
	v0 =	vadd.f32 v54, v0;
	v54 =	vmul.f32 v31, v31;
	v32 =	vsub.f32 v32, v3  }
0x402: {  	v4 =	vadd.f32 v34, v31;
	v1 =	vadd.f32 v1, v58;
	v58 =	vmov s31;
	s22 =	sshra.s32 s4, $0x1;
	s4 =	smul.f32 $5.000000000e-01, s4;
	s17 =	ssub.f32 s17, s18  }
0x403: {  	s19 =	smul.f32 s14, s13;
	s20 =	ssub.s32 $0x5F3759DF, s22;
	v59 =	vmul.f32 v32, v10;
	v32 =	vadd.f32 v33, v2;
	v33 =	vadd.f32 v61, v60  }
0x404: {  	(xrf2) =	vadd.scan.msk.f32 $0xffff, v0;
	v2 =	vmul.f32 v34, v34;
	v35 =	vadd.f32 v41, v51;
	s26 =	smul.f32 s20, s4;
	v61 =	vsub.f32 v47, v62;
	s17 =	sadd.f32 $9.999999740e-06, s17  }
0x405: {  	v51 =	vmul.f32 v42, v7;
	v42 =	vmul.f32 v55, v10;
	v55 =	vsub.f32 v63, v3;
	s25 =	smul.f32 s14, s19  }
0x406: {  	s2 =	smov.u32 s8;
	v59 =	vadd.f32 v59, v11;
	v0 =	vadd.f32 v2, v54;
	v2 =	vmul.f32 v32, v32;
	s31 =	sshra.s32 s17, $0x1;
	s18 =	smul.f32 $5.000000000e-01, s17  }
0x407: {  	v41 =	vadd.f32 v33, v32;
	s19 =	smul.f32 s20, s26;
	v47 =	vmul.f32 v61, v8;
	v61 =	vsub.f32 v48, v58;
	s8 =	ssub.f32 $1.500000000e+00, s25;
	s25 =	ssub.s32 $0x5F3759DF, s31  }
0x408: {  	s23 =	smov.u32 s28;
	s28 =	sadd.s32 $0x100, s28;
	v11 =	vmul.f32 v33, v33;
	v54 =	vsub.f32 v49, v58;
	v48 =	vsub.f32 v50, v58;
	s22 =	smul.f32 s25, s18  }
0x409: {  	s11 =	sadd.s32 $0x4, s11;
	v60 =	vmul.f32 v35, v35;
	v50 =	vsub.f32 v5, v3;
	[tilespmem:s28+$0x70] =	vst v59;
	v59 =	vadd.f32 v22, v35;
	s8 =	smul.f32 s14, s8  }
0x40a: {  	p0 =	slt.u32 s11, $0xC4;
	v4 =	vadd.f32 v41, v4;
	v2 =	vadd.f32 v11, v2;
	s17 =	ssub.f32 $1.500000000e+00, s19;
	s31 =	smul.f32 s25, s22  }
.Ltmp2:
0x40b: {  	v40 =	vmul.f32 v40, v8;
	v44 =	vadd.f32 v44, v60;
	v60 =	vsub.f32 v45, v58;
	(pc) =	sbr.rel @p0 .LBB2_7-.Ltmp2, $4  }
0x40c: {  	v26 =	vmovc v52;
	v41 =	vmul.f32 v53, v9;
	v11 =	vadd.f32 v56, v59;
	v52 =	vadd.f32 v2, v0;
	s26 =	smul.f32 s20, s17  }
0x40d: {  	(xrf2) =	vadd.scan.msk.f32 $0xffff, v1;
	v49 =	vmul.f32 v61, v8;
	v56 =	vsub.f32 v46, v62;
	v59 =	vsub.f32 v43, v62;
	s20 =	smul.f32 s8, s13;
	s14 =	ssub.f32 $1.500000000e+00, s31  }
0x40e: {  	v53 =	vadd.f32 v57, v44;
	v45 =	vmul.f32 v60, v7;
	v44 =	vsub.f32 v6, v3;
	(xrf2) =	vadd.scan.msk.f32 $0xffff, v11;
	s22 =	smul.f32 s26, s4;
	v62, _, _ =	vpop (xrf2)  }
0x40f: {  	s12 =	sadd.s32 $0x100, s12;
	s13 =	spop (v2sf);
	v46 =	vmul.f32 v56, v9;
	v43 =	vmul.f32 v59, v10;
	(xrf2) =	vadd.scan.msk.f32 $0xffff, v4;
	(v2sf) =	vpush v62, $0xF;
	s14 =	smul.f32 s25, s14  }
0x410: {  	_ = 	snop  }
0x411: {  	s4 =	smul.f32 $1.562500000e-02, s13;
	s11 =	spop (v2sf)  }
0x412: {  	(xrf2) =	vadd.scan.msk.f32 $0xffff, v53;
	s11 =	smul.f32 $1.562500000e-02, s11  }
0x413: {  	s12 =	smul.f32 s4, s4  }
0x414: {  	s22 =	smul.f32 s22, s26;
	(xrf2) =	vadd.scan.msk.f32 $0xffff, v52  }
0x415: {  	s17 =	smul.f32 s20, s8;
	s11 =	ssub.f32 s11, s12  }
0x416: {  	s21 =	smul.f32 s14, s18;
	s13 =	ssub.f32 $1.500000000e+00, s22  }
0x417: {  	s20 =	smul.f32 s10, s16;
	s11 =	sadd.f32 $9.999999740e-06, s11;
	v0, _, _ =	vpop (xrf2)  }
0x418: {  	s22 =	ssub.f32 $1.500000000e+00, s17;
	s12 =	smul.f32 s21, s14;
	(v2sf) =	vpush v0, $0xF  }
0x419: {  	v10, _, _ =	vpop (xrf2);
	s25 =	sshra.s32 s11, $0x1;
	s19 =	smul.f32 $5.000000000e-01, s11  }
0x41a: {  	s16 =	smul.f32 s22, s8;
	(v2sf) =	vpush v10, $0xF;
	v11, _, _ =	vpop (xrf2);
	s21 =	ssub.s32 $0x5F3759DF, s25  }
0x41b: {  	(v2sf) =	vpush v11, $0xF;
	s18 =	smul.f32 s21, s19  }
0x41c: {  	s2 =	smul.f32 s16, s2;
	s11 =	ssub.f32 $1.500000000e+00, s12;
	v52, _, _ =	vpop (xrf2)  }
0x41d: {  	v58 =	vld [tilespmem:$0x1FF60];
	(v2sf) =	vpush v52, $0xF;
	s25 =	smul.f32 s21, s18  }
0x41e: {  	v62 =	vld [tilespmem:$0x1FFC0];
	s11 =	smul.f32 s11, s14;
	v53, _, _ =	vpop (xrf2)  }
0x41f: {  	v7 =	vld [tilespmem:$0x1FED0];
	s18 =	smul.f32 s13, s26;
	(v2sf) =	vpush v53, $0xF;
	s17 =	ssub.f32 $1.500000000e+00, s25  }
0x420: {  	v63 =	vld [tilespmem:$0x1FFD0];
	s7 =	smul.f32 s11, s7  }
0x421: {  	v61 =	vld [tilespmem:$0x1FFF0];
	s12 =	smul.f32 s21, s17  }
0x422: {  	s14 =	smul.f32 s18, s0  }
0x423: {  	s26 =	spop (v2sf);
	s10 =	smul.f32 s12, s19  }
0x424: {  	v59 =	vmov s20;
	v1 =	vmul.f32 v54, v62;
	v54 =	vld [tilespmem:$0x1FF30];
	s8 =	smul.f32 $1.562500000e-02, s26  }
0x425: {  	v39 =	vsub.f32 v39, v59;
	v2 =	vadd.f32 v47, v7;
	v4 =	vmul.f32 v48, v63;
	v48 =	vld [tilespmem:$0x1FFB0];
	s21 =	smul.f32 s10, s12  }
0x426: {  	v6 =	vadd.f32 v45, v58;
	v57 =	vadd.f32 v49, v7;
	v49 =	vmul.f32 v50, v61;
	s17 =	smul.f32 s8, s8  }
0x427: {  	v40 =	vadd.f32 v40, v7;
	v0 =	vadd.f32 v51, v58;
	v51 =	vld [tilespmem:$0x1FFE0];
	s26 =	ssub.f32 $1.500000000e+00, s21;
	s19 =	spop (v2sf)  }
0x428: {  	v50 =	vsub.f32 v38, v59;
	v47 =	vadd.f32 v49, v7;
	s22 =	smul.f32 $1.562500000e-02, s19  }
0x429: {  	v10 =	vsub.f32 v37, v59;
	v3 =	vadd.f32 v46, v54;
	s25 =	spop (v2sf);
	s13 =	smul.f32 s26, s12  }
0x42a: {  	v44 =	vmul.f32 v44, v62;
	v5 =	vadd.f32 v43, v48;
	v1 =	vadd.f32 v1, v54;
	[tilespmem:s23+$0xFFFFFF80] =	vst v0;
	s10 =	smul.f32 $1.562500000e-02, s25;
	s12 =	spop (v2sf)  }
0x42b: {  	v4 =	vadd.f32 v4, v48;
	v41 =	vadd.f32 v41, v54;
	v0 =	vmul.f32 v50, v61;
	v9 =	vld [tilespmem:$0x1FAD0];
	[tilespmem:s23+$0xFFFFFF90] =	vst v2;
	s21 =	ssub.f32 s22, s17;
	s0 =	smul.f32 $1.562500000e-02, s12  }
0x42c: {  	v42 =	vadd.f32 v42, v48;
	v10 =	vmul.f32 v10, v62;
	v2 =	vld [tilespmem:$0x1FAE0];
	[tilespmem:s23+$0xFFFFFFA0] =	vst v3;
	v56 =	vmul.f32 v55, v51;
	s25 =	spop (v2sf);
	s22 =	smul.f32 s10, s10  }
0x42d: {  	v44 =	vadd.f32 v44, v54;
	v39 =	vmul.f32 v39, v51;
	v3 =	vld [tilespmem:$0x1FAF0];
	v55 =	vmul.f32 s11, v14;
	s17 =	sadd.f32 $9.999999740e-06, s21;
	s21 =	smul.f32 $1.562500000e-02, s25  }
0x42e: {  	v53 =	vsub.f32 v36, v59;
	v11 =	vld [tilespmem:$0x1FB00];
	v19 =	vmul.f32 s18, v19;
	v8 =	vmul.f32 s18, v12;
	s26 =	spop (v2sf);
	s20 =	smul.f32 s0, s0  }
0x42f: {  	v0 =	vadd.f32 v0, v7;
	v49 =	vmul.f32 s18, v17;
	v52 =	vmul.f32 s18, v16;
	s12 =	smul.f32 $5.000000000e-01, s17;
	s19 =	ssub.f32 s21, s22  }
0x430: {  	[tilespmem:s23+$0xFFFFFFB0] =	vst v5;
	v10 =	vadd.f32 v10, v54;
	v17 =	vmul.f32 s11, v15;
	v5 =	vmul.f32 v53, v63;
	s17 =	sshra.s32 s17, $0x1;
	s21 =	smul.f32 $1.562500000e-02, s26  }
0x431: {  	v36 =	vmov s7;
	v43 =	vadd.f32 v56, v58;
	v56 =	vmul.f32 s11, v18;
	s4 =	smul.f32 s13, s4;
	s17 =	ssub.s32 $0x5F3759DF, s17;
	s19 =	sadd.f32 $9.999999740e-06, s19  }
0x432: {  	[tilespmem:s23+$0xFFFFFFC0] =	vst v6;
	v14 =	vadd.f32 v39, v58;
	v9 =	vmul.f32 s16, v9;
	v2 =	vmul.f32 s16, v2;
	s22 =	smul.f32 s17, s12;
	s20 =	ssub.f32 s21, s20  }
0x433: {  	[tilespmem:s23+$0xFFFFFFD0] =	vst v57;
	v57 =	vmov s14;
	v3 =	vmul.f32 s16, v3;
	v11 =	vmul.f32 s16, v11;
	s25 =	sshra.s32 s19, $0x1;
	s16 =	smul.f32 $5.000000000e-01, s19  }
0x434: {  	[tilespmem:s29+$0x20] =	vst v41;
	v41 =	vsub.f32 v17, v36;
	v8 =	vsub.f32 v8, v57;
	v12 =	vmov s4;
	s26 =	smul.f32 s17, s22;
	s21 =	sadd.f32 $9.999999740e-06, s20;
	s4 =	ssub.s32 $0x5F3759DF, s25  }
0x435: {  	[tilespmem:s23+$0xFFFFFFE0] =	vst v1;
	v18 =	vmul.f32 s11, v13;
	v13 =	vsub.f32 v49, v57;
	v6 =	vsub.f32 v56, v36;
	s22 =	smul.f32 s4, s16  }
0x436: {  	[tilespmem:s23+$0x10] =	vst v0;
	v5 =	vadd.f32 v5, v48;
	v0 =	vmul.f32 v41, v62;
	v8 =	vmul.f32 v8, v61;
	s14 =	smul.f32 $5.000000000e-01, s21;
	s19 =	sshra.s32 s21, $0x1  }
0x437: {  	[tilespmem:s23+$0xFFFFFFF0] =	vst v4;
	v19 =	vsub.f32 v19, v57;
	v13 =	vmul.f32 v13, v62;
	v6 =	vmul.f32 v6, v61;
	s25 =	ssub.f32 $1.500000000e+00, s26;
	s18 =	ssub.s32 $0x5F3759DF, s19;
	s20 =	smul.f32 s4, s22  }
0x438: {  	[tilespmem:s29+$0x10] =	vst v40;
	v16 =	vsub.f32 v52, v57;
	v30 =	vmul.f32 s13, v30;
	v59 =	vmul.f32 s13, v27;
	s26 =	smul.f32 s18, s14  }
0x439: {  	[tilespmem:s29+$0x30] =	vst v42;
	v13 =	vadd.f32 v13, v54;
	v24 =	vmul.f32 s13, v24;
	v60 =	vmul.f32 s13, v26;
	s13 =	smul.f32 s17, s25  }
0x43a: {  	[tilespmem:s28+$0x50] =	vst v47;
	v0 =	vadd.f32 v0, v54;
	v8 =	vadd.f32 v8, v7;
	s21 =	ssub.f32 $1.500000000e+00, s20;
	s22 =	smul.f32 s18, s26  }
0x43b: {  	v6 =	vadd.f32 v6, v7;
	[tilespmem:s28+$0xFFFFFFA0] =	vst v13;
	v13 =	vsub.f32 v55, v36;
	v27 =	vmov s2;
	s12 =	smul.f32 s13, s12  }
0x43c: {  	v19 =	vmul.f32 v19, v51;
	[tilespmem:s28+$0xFFFFFF90] =	vst v8;
	v8 =	vsub.f32 v18, v36;
	v9 =	vsub.f32 v9, v27;
	s4 =	smul.f32 s4, s21  }
0x43d: {  	[tilespmem:s28+$0x60] =	vst v44;
	v16 =	vmul.f32 v16, v63;
	v2 =	vsub.f32 v2, v27;
	v3 =	vsub.f32 v3, v27;
	s17 =	ssub.f32 $1.500000000e+00, s22;
	s12 =	smul.f32 s12, s13  }
0x43e: {  	[tilespmem:s23+$0x20] =	vst v10;
	v37 =	vmul.f32 v13, v51;
	v11 =	vsub.f32 v11, v27;
	v30 =	vsub.f32 v30, v12;
	s16 =	smul.f32 s4, s16  }
0x43f: {  	[tilespmem:s28+$0x40] =	vst v43;
	v1 =	vsub.f32 v59, v12;
	v9 =	vmul.f32 v9, v51;
	v24 =	vsub.f32 v24, v12;
	s26 =	smul.f32 s18, s17  }
0x440: {  	[tilespmem:s23+$0x0] =	vst v14;
	v4 =	vsub.f32 v60, v12;
	v2 =	vmul.f32 v2, v61;
	v12 =	vadd.f32 v19, v58;
	s12 =	ssub.f32 $1.500000000e+00, s12;
	s16 =	smul.f32 s16, s4  }
0x441: {  	[tilespmem:s23+$0x30] =	vst v5;
	v44 =	vadd.f32 v37, v58;
	v3 =	vmul.f32 v3, v62;
	v11 =	vmul.f32 v11, v63;
	s14 =	smul.f32 s26, s14  }
0x442: {  	v1 =	vmul.f32 v1, v51;
	[tilespmem:s28+$0xFFFFFF80] =	vst v12;
	v12 =	vadd.f32 v16, v48;
	v9 =	vadd.f32 v9, v58;
	s12 =	smul.f32 s12, s13  }
0x443: {  	[tilespmem:s28+$0x20] =	vst v0;
	v2 =	vadd.f32 v2, v7;
	v14 =	vmul.f32 v24, v61;
	v4 =	vmul.f32 v4, v62;
	s16 =	ssub.f32 $1.500000000e+00, s16;
	s7 =	smul.f32 s14, s26  }
0x444: {  	[tilespmem:s28+$0x10] =	vst v6;
	v30 =	vmul.f32 v30, v63;
	v3 =	vadd.f32 v3, v54;
	v1 =	vadd.f32 v1, v58;
	s17 =	smul.f32 s12, s8  }
0x445: {  	[tilespmem:s28+$0x0] =	vst v44;
	v38 =	vadd.f32 v14, v7;
	v4 =	vadd.f32 v4, v54;
	v40 =	vmul.f32 s12, v23;
	s4 =	smul.f32 s16, s4  }
0x446: {  	[tilespmem:s28+$0xFFFFFFB0] =	vst v12;
	v15 =	vmul.f32 s12, v25;
	v42 =	vmul.f32 s12, v29;
	v46 =	vmov s17  }
0x447: {  	[tilespmem:s28+$0xFFFFFFC0] =	vst v9;
	s7 =	ssub.f32 $1.500000000e+00, s7;
	v47 =	vsub.f32 v40, v46;
	v12 =	vmul.f32 s4, v35;
	v13 =	vmul.f32 s4, v22  }
0x448: {  	[tilespmem:s28+$0xFFFFFFD0] =	vst v2;
	s25 =	sadd.s32 $0x100, s28;
	v49 =	vsub.f32 v15, v46;
	v39 =	vmul.f32 s4, v20;
	v14 =	vmul.f32 s4, v21;
	s4 =	smul.f32 s4, s10  }
0x449: {  	v11 =	vadd.f32 v11, v48;
	[tilespmem:s25+$0x40] =	vst v1;
	v16 =	vmul.f32 s12, v28;
	v2 =	vsub.f32 v42, v46;
	s7 =	smul.f32 s7, s26  }
0x44a: {  	v26 =	vadd.f32 v30, v48;
	[tilespmem:s25+$0x60] =	vst v4;
	v4 =	vmul.f32 v47, v51;
	v1 =	vmul.f32 v49, v61  }
0x44b: {  	[tilespmem:s28+$0xFFFFFFE0] =	vst v3;
	v2 =	vmul.f32 v2, v63;
	v17 =	vmov s4;
	v43 =	vmul.f32 s7, v31  }
0x44c: {  	[tilespmem:s28+$0xFFFFFFF0] =	vst v11;
	v18 =	vmul.f32 s7, v34;
	v53 =	vmul.f32 s7, v32;
	v12 =	vsub.f32 v12, v17  }
0x44d: {  	[tilespmem:s25+$0x70] =	vst v26;
	s0 =	smul.f32 s7, s0;
	v56 =	vmul.f32 s7, v33;
	v13 =	vsub.f32 v13, v17;
	v4 =	vadd.f32 v4, v58  }
0x44e: {  	[tilespmem:s25+$0x50] =	vst v38;
	v32 =	vmul.f32 v8, v63;
	v3 =	vsub.f32 v39, v17;
	v1 =	vadd.f32 v1, v7  }
0x44f: {  	v2 =	vadd.f32 v2, v48;
	v59 =	vmov s0;
	v45 =	vmul.f32 v12, v51;
	[tilespmem:s25+$0xFFFFFFC0] =	vst v4  }
0x450: {  	v5 =	vadd.f32 v32, v48;
	v12 =	vmul.f32 v13, v61;
	v13 =	vsub.f32 v14, v17;
	[tilespmem:s25+$0xFFFFFFD0] =	vst v1  }
0x451: {  	v3 =	vmul.f32 v3, v62;
	v60 =	vsub.f32 v43, v59;
	[tilespmem:s25+$0xFFFFFFF0] =	vst v2;
	v9 =	vadd.f32 v45, v58  }
0x452: {  	v33 =	vsub.f32 v18, v59;
	[tilespmem:s28+$0x30] =	vst v5;
	v50 =	vmul.f32 v13, v63;
	v12 =	vadd.f32 v12, v7  }
0x453: {  	v34 =	vsub.f32 v53, v59;
	v3 =	vadd.f32 v3, v54;
	v1 =	vmul.f32 v60, v51;
	[tilespmem:s25+$0xFFFFFF80] =	vst v9  }
0x454: {  	v13 =	vsub.f32 v16, v46;
	v35 =	vmul.f32 v33, v61;
	[tilespmem:s25+$0xFFFFFF90] =	vst v12;
	v52 =	vadd.f32 v50, v48  }
0x455: {  	v37 =	vmul.f32 v34, v62;
	[tilespmem:s25+$0xFFFFFFA0] =	vst v3;
	v3 =	vsub.f32 v56, v59;
	v36 =	vadd.f32 v1, v58  }
0x456: {  	s16 =	sshll.u32 s15, $0x1;
	v55 =	vmul.f32 v13, v62;
	v39 =	vadd.f32 v35, v7;
	[tilespmem:s25+$0xFFFFFFB0] =	vst v52  }
0x457: {  	s19 =	smin.u32 s16, $0x7D;
	v40 =	vadd.f32 v37, v54;
	v38 =	vmul.f32 v3, v63;
	[tilespmem:s25+$0x0] =	vst v36  }
0x458: {  	s18 =	sadd.s32 s9, s16;
	s20 =	smul.u32 $0x320, s19;
	v57 =	vadd.f32 v55, v54;
	[tilespmem:s25+$0x10] =	vst v39  }
0x459: {  	s0 =	smul.u32 $0x640, s18;
	[tilespmem:s25+$0x20] =	vst v40;
	v41 =	vadd.f32 v38, v48  }
0x45a: {  	[tilespmem:s25+$0xFFFFFFE0] =	vst v57  }
0x45b: {  	s21 =	simm.s32 $0xC800;
	s22 =	sshrl.u32 s20, $0x2;
	s0 =	sadd.s32 s5, s0;
	[tilespmem:s25+$0x30] =	vst v41  }
0x45c: {  	[hbm4b:s0+s3] =	stream.linear.scatter [tilespmem:s21], [sflag:$0x3], $0x3200, $0x38;
	[tilespmem:$0x15E80] =	vst v63  }
0x45d: {  	s23 =	simm.s32 $0x6400;
	s2 =	sadd.s32 $0x190, s22  }
0x45e: {  	[tilespmem:s23], [sflag:$0x1] =	stream.indirect.gather [hbm4b:s6+s1], $0x40, s2, s1, $0xb8;
	[tilespmem:$0x15E80] =	vst v63  }
0x45f: {  	s26 =	simm.s32 $0x8400;
	s0 =	sadd.s32 $0x210, s22  }
0x460: {  	[tilespmem:s26], [sflag:$0x1] =	stream.indirect.gather [hbm4b:s6+s24], $0x40, s0, s24, $0xb8;
	[tilespmem:$0x15E80] =	vst v63  }
0x461: {  	_ =	swait.ge [sflag:s30], $0x3200  }
0x462: {  	[sflag:s30] =	ssyncset.done $0x0  }
0x463: {  	s2 =	simm.s32 $0x4;
	[sflag:s30] =	ssyncadd.s32 $0xFFFFCE00  }
0x464: {  	_ =	swait.ge [sflag:s2], $0x3200  }
0x465: {  	[sflag:s2] =	ssyncset.done $0x0  }
0x466: {  	s3 =	simm.s32 $0x9680;
	[sflag:s2] =	ssyncadd.s32 $0xFFFFCE00  }
0x467: {  	s4 =	simm.s32 $0x12C80;
	v42 =	vld [tilespmem:s3+$0x40]  }
0x468: {  	v43 =	vld [tilespmem:s4+$0x40]  }
0x469: {  	v44 =	vld [tilespmem:s3+$0x50]  }
0x46a: {  	v45 =	vld [tilespmem:s4+$0x50]  }
0x46b: {  	v46 =	vld [tilespmem:s3+$0x60]  }
0x46c: {  	v47 =	vld [tilespmem:s4+$0x60]  }
0x46d: {  	v49 =	vld [tilespmem:s3+$0x70]  }
0x46e: {  	v50 =	vld [tilespmem:s4+$0x70]  }
0x46f: {  	v12 =	vld [tilespmem:s4+$0xFFFFFF80]  }
0x470: {  	v13 =	vld [tilespmem:s3+$0xFFFFFF90]  }
0x471: {  	v14 =	vld [tilespmem:s4+$0xFFFFFF90]  }
0x472: {  	v15 =	vld [tilespmem:s3+$0xFFFFFFA0]  }
0x473: {  	v51 =	vld [tilespmem:s4+$0xFFFFFFA0]  }
0x474: {  	v52 =	vld [tilespmem:s3+$0xFFFFFFB0]  }
0x475: {  	v55 =	vld [tilespmem:s4+$0xFFFFFFB0]  }
0x476: {  	v19 =	vld [tilespmem:s3+$0xFFFFFFC0]  }
0x477: {  	v20 =	vld [tilespmem:s4+$0xFFFFFFC0]  }
0x478: {  	v59 =	vld [tilespmem:s3+$0xFFFFFFD0];
	v10 =	vadd.f32 v43, v42;
	v9 =	vadd.f32 v45, v44  }
0x479: {  	v60 =	vld [tilespmem:s3+$0xFFFFFFE0];
	v8 =	vadd.f32 v47, v46;
	v11 =	vadd.f32 v50, v49  }
0x47a: {  	v33 =	vld [tilespmem:s4+$0xFFFFFFE0];
	v53 =	vmul.f32 v10, v10;
	v3 =	vmul.f32 v9, v9  }
0x47b: {  	v34 =	vld [tilespmem:s3+$0xFFFFFFF0];
	v5 =	vmul.f32 v8, v8;
	v6 =	vmul.f32 v11, v11  }
0x47c: {  	v21 =	vld [tilespmem:s4+$0xFFFFFFF0];
	v16 =	vadd.f32 v9, v10;
	v17 =	vadd.f32 v11, v8  }
0x47d: {  	v24 =	vld [tilespmem:s3+$0x0];
	v2 =	vadd.f32 v3, v53;
	v56 =	vadd.f32 v6, v5  }
0x47e: {  	v57 =	vadd.f32 v17, v16;
	v16 =	vld [tilespmem:s4+$0xFFFFFFD0]  }
0x47f: {  	v25 =	vld [tilespmem:s4+$0x0];
	v2 =	vadd.f32 v56, v2  }
0x480: {  	v26 =	vld [tilespmem:s3+$0x10];
	(xrf2) =	vadd.scan.msk.f32 $0xffff, v57  }
0x481: {  	v35 =	vld [tilespmem:s4+$0x10];
	(xrf2) =	vadd.scan.msk.f32 $0xffff, v2  }
0x482: {  	v36 =	vld [tilespmem:s3+$0x20];
	v18 =	vadd.f32 v51, v15;
	v31 =	vadd.f32 v55, v52  }
0x483: {  	s8 =	simm.s32 $0x12D80;
	v38 =	vld [tilespmem:s3+$0x30];
	v23 =	vadd.f32 v20, v19;
	v22 =	vadd.f32 v16, v59  }
0x484: {  	v39 =	vld [tilespmem:s8+$0x60];
	v20 =	vadd.f32 v33, v60;
	v21 =	vadd.f32 v21, v34  }
0x485: {  	v44 =	vld [tilespmem:s3+$0xFFFFFF80];
	v46 =	vmul.f32 v23, v23;
	v17 =	vadd.f32 v14, v13;
	v14 =	vmul.f32 v22, v22  }
0x486: {  	s25 =	smov.u32 s5;
	s5 =	simm.s32 $0x9780;
	v15 =	vld [tilespmem:s4+$0x30];
	v27 =	vadd.f32 v25, v24;
	v28 =	vadd.f32 v35, v26  }
0x487: {  	v60 =	vld [tilespmem:s5+$0x40];
	v19 =	vmul.f32 v20, v20;
	v6 =	vadd.f32 v14, v46;
	v14 =	vmul.f32 v21, v21  }
0x488: {  	v34 =	vld [tilespmem:s8+$0x40];
	v16 =	vadd.f32 v21, v20;
	v47 =	vadd.f32 v22, v23  }
0x489: {  	v4 =	vadd.f32 v31, v18;
	v13 =	vld [tilespmem:s4+$0x20];
	v50 =	vadd.f32 v14, v19  }
0x48a: {  	v41 =	vld [tilespmem:s5+$0x70];
	v51 =	vadd.f32 v28, v27;
	v49 =	vadd.f32 v16, v47;
	v37, _, _ =	vpop (xrf2)  }
0x48b: {  	v42 =	vld [tilespmem:s8+$0x70];
	(v2sf) =	vpush v37, $0xF;
	v1 =	vadd.f32 v50, v6;
	v45, _, _ =	vpop (xrf2)  }
0x48c: {  	v43 =	vld [tilespmem:s8+$0xFFFFFFA0];
	v55 =	vmul.f32 v31, v31;
	v32 =	vmul.f32 v27, v27;
	(xrf2) =	vadd.scan.msk.f32 $0xffff, v49;
	(v2sf) =	vpush v45, $0xF  }
0x48d: {  	v53 =	vmul.f32 v18, v18;
	v40 =	vadd.f32 v12, v44;
	v30 =	vadd.f32 v15, v38;
	v15 =	vld [tilespmem:s5+$0xFFFFFF90];
	(xrf2) =	vadd.scan.msk.f32 $0xffff, v1  }
0x48e: {  	v25 =	vadd.f32 v34, v60;
	v56 =	vmul.f32 v17, v17;
	v29 =	vadd.f32 v13, v36;
	v13 =	vld [tilespmem:s5+$0x50]  }
0x48f: {  	v57 =	vmul.f32 v40, v40;
	v12 =	vmul.f32 v30, v30;
	v2 =	vadd.f32 v17, v40;
	v36 =	vld [tilespmem:s8+$0x50]  }
0x490: {  	v44 =	vld [tilespmem:s5+$0xFFFFFFB0];
	v59 =	vadd.f32 v55, v53;
	v52 =	vadd.f32 v30, v29;
	v35 =	vmul.f32 v29, v29  }
0x491: {  	v33 =	vmul.f32 v28, v28;
	v60 =	vld [tilespmem:s5+$0xFFFFFFD0];
	v2 =	vadd.f32 v4, v2;
	v1 =	vadd.f32 v56, v57  }
0x492: {  	v0 =	vadd.f32 v52, v51;
	v37 =	vadd.f32 v12, v35;
	v12 =	vld [tilespmem:s5+$0x60]  }
0x493: {  	v4 =	vadd.f32 v33, v32;
	v51 =	vld [tilespmem:s5+$0xFFFFFFF0];
	(xrf2) =	vadd.scan.msk.f32 $0xffff, v2;
	v1 =	vadd.f32 v59, v1  }
0x494: {  	v26 =	vadd.f32 v36, v13;
	v13 =	vld [tilespmem:s5+$0xFFFFFFC0];
	(xrf2) =	vadd.scan.msk.f32 $0xffff, v0  }
0x495: {  	v19 =	vld [tilespmem:s8+$0xFFFFFF90];
	v4 =	vadd.f32 v37, v4;
	(xrf2) =	vadd.scan.msk.f32 $0xffff, v1  }
0x496: {  	v3 =	vmul.f32 v25, v25;
	v49 =	vld [tilespmem:s5+$0xFFFFFFE0];
	v52 =	vmul.f32 v26, v26;
	v38, _, _ =	vpop (xrf2)  }
0x497: {  	v32 =	vadd.f32 v42, v41;
	v50 =	vld [tilespmem:s8+$0xFFFFFFE0];
	v24 =	vadd.f32 v39, v12;
	v14, _, _ =	vpop (xrf2);
	(xrf2) =	vadd.scan.msk.f32 $0xffff, v4  }
0x498: {  	v3 =	vadd.f32 v52, v3;
	v45 =	vld [tilespmem:s8+$0xFFFFFFB0];
	v12 =	vadd.f32 v26, v25  }
0x499: {  	v52 =	vld [tilespmem:s8+$0xFFFFFFF0];
	v57 =	vadd.f32 v32, v24;
	(v2sf) =	vpush v38, $0xF  }
0x49a: {  	v59 =	vld [tilespmem:s8+$0xFFFFFFC0];
	(v2sf) =	vpush v14, $0xF;
	s14 =	spop (v2sf)  }
0x49b: {  	v6 =	vadd.f32 v57, v12;
	v12 =	vld [tilespmem:s8+$0xFFFFFFD0];
	s17 =	smul.f32 $1.562500000e-02, s14;
	s18 =	spop (v2sf)  }
0x49c: {  	v56 =	vmul.f32 v32, v32;
	v39 =	vadd.f32 v19, v15;
	v15 =	vld [tilespmem:s5+$0x10];
	v55 =	vmul.f32 v24, v24;
	s0 =	smul.f32 $1.562500000e-02, s18  }
0x49d: {  	v44 =	vadd.f32 v45, v44;
	v45 =	vld [tilespmem:s8+$0x10];
	v14, _, _ =	vpop (xrf2);
	s19 =	smul.f32 s17, s17  }
0x49e: {  	v46 =	vadd.f32 v56, v55;
	v55 =	vld [tilespmem:s8+$0x0];
	(v2sf) =	vpush v14, $0xF;
	v14, _, _ =	vpop (xrf2)  }
0x49f: {  	v19 =	vadd.f32 v59, v13;
	(v2sf) =	vpush v14, $0xF;
	v14 =	vld [tilespmem:s5+$0xFFFFFFA0];
	v53, _, _ =	vpop (xrf2);
	s0 =	ssub.f32 s0, s19  }
0x4a0: {  	v4 =	vld [tilespmem:s8+$0xFFFFFF80];
	v13 =	vadd.f32 v12, v60;
	(v2sf) =	vpush v53, $0xF  }
0x4a1: {  	v16 =	vadd.f32 v52, v51;
	v3 =	vadd.f32 v46, v3;
	(xrf2) =	vadd.scan.msk.f32 $0xffff, v6;
	v53 =	vld [tilespmem:s5+$0x0];
	[tilespmem:$0x1FA40] =	vst v19;
	s0 =	sadd.f32 $9.999999740e-06, s0;
	v47, _, _ =	vpop (xrf2)  }
0x4a2: {  	[tilespmem:$0x1FA50] =	vst v13;
	(v2sf) =	vpush v47, $0xF;
	v47 =	vadd.f32 v50, v49  }
0x4a3: {  	v46 =	vld [tilespmem:s5+$0x20];
	[tilespmem:$0x1FA70] =	vst v16;
	(xrf2) =	vadd.scan.msk.f32 $0xffff, v3;
	s20 =	sshra.s32 s0, $0x1;
	s0 =	smul.f32 $5.000000000e-01, s0  }
0x4a4: {  	v41 =	vadd.f32 v43, v14;
	s2 =	ssub.s32 $0x5F3759DF, s20;
	[tilespmem:$0x1FA60] =	vst v47  }
0x4a5: {  	s21 =	smul.f32 s2, s0;
	v49 =	vld [tilespmem:s5+$0xFFFFFF80];
	[tilespmem:$0x1FA30] =	vst v44  }
0x4a6: {  	[tilespmem:$0x1FA20] =	vst v41  }
0x4a7: {  	v12 =	vld [tilespmem:s8+$0x20];
	s4 =	smul.f32 s2, s21  }
0x4a8: {  	v56 =	vmul.f32 v19, v19;
	v57 =	vmul.f32 v13, v13;
	v13 =	vadd.f32 v13, v19;
	s22 =	spop (v2sf);
	v19 =	vld [tilespmem:s5+$0x30]  }
0x4a9: {  	v33 =	vadd.f32 v16, v47;
	v59 =	vld [tilespmem:s8+$0x30];
	s23 =	spop (v2sf);
	s4 =	ssub.f32 $1.500000000e+00, s4  }
0x4aa: {  	v37 =	vadd.f32 v55, v53;
	s12 =	smul.f32 $1.562500000e-02, s23  }
0x4ab: {  	s11 =	simm.s32 $0x12E80;
	v60 =	vmul.f32 v16, v16;
	v50 =	vadd.f32 v44, v41;
	v14, _, _ =	vpop (xrf2);
	v13 =	vadd.f32 v33, v13;
	s4 =	smul.f32 s2, s4  }
0x4ac: {  	s10 =	simm.s32 $0x9880;
	v35 =	vmul.f32 v47, v47;
	(v2sf) =	vpush v14, $0xF;
	v16 =	vadd.f32 v45, v15;
	v2 =	vld [tilespmem:s11+$0x40];
	s2 =	smul.f32 $1.562500000e-02, s22  }
0x4ad: {  	v15 =	vmul.f32 v44, v44;
	s24 =	spop (v2sf);
	(xrf2) =	vadd.scan.msk.f32 $0xffff, v13;
	v13 =	vld [tilespmem:s10+$0x50];
	v53 =	vadd.f32 v4, v49;
	v14, _, _ =	vpop (xrf2);
	v44 =	vadd.f32 v12, v46;
	s0 =	smul.f32 s4, s0  }
0x4ae: {  	s26 =	spop (v2sf);
	v47 =	vadd.f32 v59, v19;
	(v2sf) =	vpush v14, $0xF;
	v14 =	vld [tilespmem:s10+$0x40];
	[tilespmem:$0x1FA10] =	vst v39;
	s7 =	smul.f32 s2, s2  }
0x4af: {  	v5 =	vadd.f32 v57, v56;
	v43 =	vadd.f32 v60, v35;
	s19 =	spop (v2sf);
	[tilespmem:$0x1FAA0] =	vst v44;
	s0 =	smul.f32 s0, s4  }
0x4b0: {  	v45 =	vadd.f32 v39, v53;
	v12 =	vld [tilespmem:s11+$0x50];
	[tilespmem:$0x1FAB0] =	vst v47;
	s12 =	ssub.f32 s12, s7;
	s7 =	smul.f32 $1.562500000e-02, s24  }
0x4b1: {  	v42 =	vmul.f32 v41, v41;
	v0 =	vadd.f32 v43, v5;
	s20 =	smul.f32 $1.562500000e-02, s19;
	v5 =	vld [tilespmem:s10+$0x60];
	s0 =	ssub.f32 $1.500000000e+00, s0  }
0x4b2: {  	v1 =	vadd.f32 v50, v45;
	v50 =	vld [tilespmem:s11+$0x60];
	[tilespmem:$0x1FA90] =	vst v16;
	s3 =	smul.f32 s7, s7;
	s21 =	spop (v2sf)  }
0x4b3: {  	v4 =	vadd.f32 v15, v42;
	v46 =	vmul.f32 v39, v39;
	v49 =	vmul.f32 v53, v53;
	[tilespmem:$0x1FA80] =	vst v37;
	s18 =	smul.f32 $1.562500000e-02, s21  }
0x4b4: {  	v15 =	vadd.f32 v16, v37;
	(xrf2) =	vadd.scan.msk.f32 $0xffff, v0;
	v19 =	vadd.f32 v47, v44;
	v0 =	vld [tilespmem:s10+$0x70];
	s1 =	sadd.f32 $9.999999740e-06, s12;
	s13 =	smul.f32 s0, s4  }
0x4b5: {  	v34 =	vmul.f32 v37, v37;
	v51 =	vmul.f32 v16, v16;
	v6 =	vadd.f32 v46, v49;
	(xrf2) =	vadd.scan.msk.f32 $0xffff, v1;
	v1 =	vld [tilespmem:s11+$0x70];
	s0 =	smul.f32 $1.562500000e-02, s26  }
0x4b6: {  	v52 =	vmul.f32 v44, v44;
	v55 =	vmul.f32 v47, v47;
	v15 =	vadd.f32 v19, v15;
	v19 =	vld [tilespmem:s11+$0xFFFFFF80];
	s14 =	smul.f32 $5.000000000e-01, s1  }
0x4b7: {  	v4 =	vadd.f32 v4, v6;
	v6 =	vld [tilespmem:s10+$0xFFFFFF90];
	s12 =	ssub.f32 s20, s3;
	s5 =	smul.f32 s0, s0  }
0x4b8: {  	v34 =	vadd.f32 v51, v34;
	v33 =	vadd.f32 v55, v52;
	v35 =	vld [tilespmem:s11+$0xFFFFFFA0];
	s4 =	sshra.s32 s1, $0x1;
	s19 =	smul.f32 s13, s17  }
0x4b9: {  	v37 =	vld [tilespmem:s10+$0xFFFFFFC0];
	s4 =	ssub.s32 $0x5F3759DF, s4;
	s22 =	sadd.f32 $9.999999740e-06, s12;
	v11 =	vmul.f32 s13, v11  }
0x4ba: {  	(xrf2) =	vadd.scan.msk.f32 $0xffff, v15;
	v15 =	vld [tilespmem:s11+$0xFFFFFF90];
	v33 =	vadd.f32 v33, v34;
	s23 =	smul.f32 s4, s14;
	v9 =	vmul.f32 s13, v9;
	s17 =	ssub.f32 s18, s5;
	v57 =	vmov s19  }
0x4bb: {  	v34 =	vld [tilespmem:s10+$0xFFFFFFB0];
	(xrf2) =	vadd.scan.msk.f32 $0xffff, v4;
	v8 =	vmul.f32 s13, v8;
	s24 =	sshra.s32 s22, $0x1;
	s20 =	smul.f32 $5.000000000e-01, s22;
	v11 =	vsub.f32 v11, v57  }
0x4bc: {  	v4 =	vld [tilespmem:s10+$0xFFFFFFA0];
	v56, _, _ =	vpop (xrf2);
	(xrf2) =	vadd.scan.msk.f32 $0xffff, v33;
	s26 =	smul.f32 s4, s23;
	s18 =	ssub.s32 $0x5F3759DF, s24;
	v9 =	vsub.f32 v9, v57;
	s1 =	sadd.f32 $9.999999740e-06, s17  }
0x4bd: {  	(v2sf) =	vpush v56, $0xF;
	v33 =	vld [tilespmem:s11+$0xFFFFFFB0];
	v8 =	vsub.f32 v8, v57;
	s3 =	smul.f32 s18, s20;
	[tilespmem:$0x1F9E0] =	vst v11  }
0x4be: {  	s8 =	ssub.f32 $1.500000000e+00, s26;
	s22 =	smul.f32 $5.000000000e-01, s1;
	v60 =	vld [tilespmem:s11+$0xFFFFFFC0];
	[tilespmem:$0x1F9F0] =	vst v9  }
0x4bf: {  	s26 =	spop (v2sf);
	s17 =	smul.f32 s18, s3;
	v42 =	vld [tilespmem:s10+$0xFFFFFFD0];
	[tilespmem:$0x1FA00] =	vst v8  }
0x4c0: {  	v55 =	vadd.f32 v2, v14;
	v46 =	vadd.f32 v12, v13;
	s5 =	sshra.s32 s1, $0x1;
	s8 =	smul.f32 s4, s8;
	s1 =	spop (v2sf);
	v43 =	vld [tilespmem:s11+$0xFFFFFFD0]  }
0x4c1: {  	v59, _, _ =	vpop (xrf2);
	v50 =	vadd.f32 v50, v5;
	v51 =	vadd.f32 v1, v0;
	s23 =	ssub.s32 $0x5F3759DF, s5;
	s19 =	smul.f32 $1.562500000e-02, s1;
	v2 =	vld [tilespmem:s10+$0xFFFFFFE0]  }
0x4c2: {  	v10 =	vmul.f32 s13, v10;
	(v2sf) =	vpush v59, $0xF;
	s21 =	smul.f32 s23, s22;
	v0 =	vld [tilespmem:s11+$0xFFFFFFE0]  }
0x4c3: {  	v47 =	vadd.f32 v46, v55;
	v56 =	vadd.f32 v51, v50;
	v41, _, _ =	vpop (xrf2);
	s12 =	ssub.f32 $1.500000000e+00, s17;
	s14 =	smul.f32 s8, s14;
	v49 =	vld [tilespmem:s10+$0xFFFFFFF0]  }
0x4c4: {  	v59 =	vmul.f32 v46, v46;
	v52 =	vsub.f32 v10, v57;
	(v2sf) =	vpush v41, $0xF;
	v44, _, _ =	vpop (xrf2);
	v13 =	vld [tilespmem:s11+$0xFFFFFFF0];
	s24 =	smul.f32 s23, s21  }
0x4c5: {  	v14 =	vmul.f32 v50, v50;
	(v2sf) =	vpush v44, $0xF;
	v45, _, _ =	vpop (xrf2);
	v8 =	vadd.f32 v15, v6;
	v6 =	vld [tilespmem:s10+$0x0];
	s18 =	smul.f32 s18, s12  }
0x4c6: {  	v57 =	vmul.f32 v55, v55;
	v15 =	vmul.f32 v51, v51;
	(v2sf) =	vpush v45, $0xF;
	v12, _, _ =	vpop (xrf2);
	v3 =	vld [tilespmem:s11+$0x0];
	s12 =	smul.f32 $1.562500000e-02, s26  }
0x4c7: {  	v11 =	vadd.f32 v35, v4;
	v39 =	vld [tilespmem:s10+$0x10];
	(v2sf) =	vpush v12, $0xF;
	s14 =	smul.f32 s14, s8  }
0x4c8: {  	v4 =	vld [tilespmem:s10+$0x20];
	v12 =	vadd.f32 v59, v57;
	v15 =	vadd.f32 v15, v14;
	s4 =	ssub.f32 $1.500000000e+00, s24;
	s3 =	smul.f32 s12, s12  }
0x4c9: {  	v1 =	vadd.f32 v56, v47;
	v60 =	vadd.f32 v60, v37;
	v37 =	vld [tilespmem:s11+$0x10];
	s20 =	smul.f32 s18, s20  }
0x4ca: {  	v47 =	vld [tilespmem:s10+$0xFFFFFF80];
	v38 =	vadd.f32 v15, v12;
	s14 =	ssub.f32 $1.500000000e+00, s14;
	v36 =	vadd.f32 v43, v42;
	s5 =	smul.f32 s23, s4  }
0x4cb: {  	(xrf2) =	vadd.scan.msk.f32 $0xffff, v1;
	v42 =	vadd.f32 v33, v34;
	v33 =	vld [tilespmem:s11+$0x20];
	v12 =	vadd.f32 v0, v2;
	[tilespmem:$0x1F9A0] =	vst v60;
	s17 =	smul.f32 s20, s18  }
0x4cc: {  	s24 =	spop (v2sf);
	v15 =	vmul.f32 v60, v60;
	v45 =	vadd.f32 v13, v49;
	v9 =	vadd.f32 v3, v6;
	s14 =	smul.f32 s14, s8;
	[tilespmem:$0x1F9B0] =	vst v36  }
0x4cd: {  	s19 =	ssub.f32 s19, s3;
	s8 =	smul.f32 $1.562500000e-02, s24;
	v44 =	vmul.f32 v36, v36;
	v5 =	vadd.f32 v42, v11;
	v49 =	vadd.f32 v36, v60;
	v56 =	vld [tilespmem:s10+$0x30]  }
0x4ce: {  	v57 =	vmul.f32 v12, v12;
	v59 =	vmul.f32 v45, v45;
	s21 =	smul.f32 s5, s22;
	s17 =	ssub.f32 $1.500000000e+00, s17;
	v60 =	vld [tilespmem:s11+$0x30];
	v10 =	vadd.f32 v37, v39  }
0x4cf: {  	(xrf2) =	vadd.scan.msk.f32 $0xffff, v38;
	v2 =	vmul.f32 v8, v8;
	s4 =	sadd.f32 $9.999999740e-06, s19;
	s1 =	smul.f32 s8, s8;
	v0 =	vadd.f32 v44, v15;
	v44 =	vadd.f32 v45, v12  }
0x4d0: {  	[tilespmem:$0x1F9C0] =	vst v45;
	v23 =	vmul.f32 s14, v23;
	v35 =	vadd.f32 v59, v57;
	v45 =	vadd.f32 v19, v47;
	s17 =	smul.f32 s17, s18  }
0x4d1: {  	v59 =	vmul.f32 v42, v42;
	s22 =	sshra.s32 s4, $0x1;
	s4 =	smul.f32 $5.000000000e-01, s4;
	v47 =	vadd.f32 v33, v4;
	v57 =	vadd.f32 v10, v9  }
0x4d2: {  	s19 =	smul.f32 s21, s5;
	s20 =	ssub.s32 $0x5F3759DF, s22;
	v1 =	vadd.f32 v44, v49;
	v6 =	vmul.f32 s17, v40;
	v36 =	vmul.f32 s17, v17  }
0x4d3: {  	s23 =	smul.f32 s20, s4;
	v3 =	vmul.f32 s17, v18;
	v49 =	vadd.f32 v60, v56;
	v56 =	vadd.f32 v8, v45  }
0x4d4: {  	[tilespmem:$0x1F9D0] =	vst v8;
	s10 =	simm.s32 $0x9980;
	v15 =	vmovc v11;
	v0 =	vadd.f32 v35, v0;
	s19 =	ssub.f32 $1.500000000e+00, s19;
	v4 =	vmul.f32 s17, v31;
	v31 =	vmul.f32 v11, v11;
	s17 =	smul.f32 s17, s7  }
0x4d5: {  	v37 =	vmul.f32 v10, v10;
	v11 =	vmul.f32 v9, v9;
	(xrf2) =	vadd.scan.msk.f32 $0xffff, v1;
	v60, _, _ =	vpop (xrf2);
	s21 =	smul.f32 s20, s23;
	s23 =	simm.s32 $0x12F80;
	v1 =	vadd.f32 v5, v56;
	v5 =	vld [tilespmem:s10+$0x40]  }
0x4d6: {  	s3 =	spop (v2sf);
	v40 =	vmul.f32 v47, v47;
	s13 =	smul.f32 s19, s5;
	(xrf2) =	vadd.scan.msk.f32 $0xffff, v0;
	(v2sf) =	vpush v60, $0xF;
	v0 =	vadd.f32 v59, v31;
	v38 =	vld [tilespmem:s23+$0x40]  }
0x4d7: {  	v16 =	vmovc v12;
	v12 =	vmovc v45;
	s5 =	smul.f32 $1.562500000e-02, s3;
	v31 =	vmul.f32 v45, v45;
	v45 =	vmov s17;
	v8 =	vadd.f32 v49, v47;
	v35 =	vld [tilespmem:s23+$0x50]  }
0x4d8: {  	v34 =	vadd.f32 v37, v11;
	v41 =	vmul.f32 v49, v49;
	v56 =	vsub.f32 v6, v45;
	v6 =	vld [tilespmem:s23+$0x60];
	s21 =	ssub.f32 $1.500000000e+00, s21  }
0x4d9: {  	v22 =	vmul.f32 s14, v22;
	v19 =	vmovc v49;
	v59 =	vsub.f32 v3, v45;
	v49 =	vld [tilespmem:s23+$0x70];
	s24 =	ssub.f32 s5, s1;
	s5 =	smul.f32 s14, s2;
	v33 =	vadd.f32 v8, v57  }
0x4da: {  	v18 =	vmov v47;
	v44, _, _ =	vpop (xrf2);
	v60 =	vsub.f32 v4, v45;
	(xrf2) =	vadd.scan.msk.f32 $0xffff, v1;
	v1 =	vld [tilespmem:s10+$0x50];
	v47 =	vadd.f32 v41, v40;
	s26 =	smul.f32 s20, s21  }
0x4db: {  	v37 =	vmul.f32 s14, v20;
	(v2sf) =	vpush v44, $0xF;
	v2 =	vadd.f32 v2, v31;
	(xrf2) =	vadd.scan.msk.f32 $0xffff, v33;
	v33 =	vld [tilespmem:s10+$0x60]  }
0x4dc: {  	v57 =	vsub.f32 v36, v45;
	s21 =	spop (v2sf);
	v36 =	vmov s5;
	v31 =	vadd.f32 v47, v34;
	v34 =	vld [tilespmem:s10+$0x70];
	s4 =	smul.f32 s26, s4  }
0x4dd: {  	v43 =	vmul.f32 s14, v21;
	v17 =	vmovc v9;
	v4 =	vld [tilespmem:s10+$0xFFFFFF90];
	v0 =	vadd.f32 v0, v2;
	s11 =	smul.f32 $1.562500000e-02, s21;
	v9 =	vsub.f32 v23, v36  }
0x4de: {  	v14 =	vmov v10;
	s22 =	spop (v2sf);
	v10 =	vsub.f32 v22, v36;
	v44 =	vsub.f32 v37, v36;
	v37 =	vld [tilespmem:s23+$0xFFFFFFC0];
	s4 =	smul.f32 s4, s26  }
0x4df: {  	v13 =	vmov v42;
	v42 =	vsub.f32 v43, v36;
	s21 =	smul.f32 $1.562500000e-02, s22;
	s3 =	spop (v2sf);
	v20 =	vadd.f32 v35, v1;
	v1 =	vld [tilespmem:s10+$0xFFFFFFC0];
	v40, _, _ =	vpop (xrf2)  }
0x4e0: {  	v3 =	vld [tilespmem:s10+$0xFFFFFFA0];
	v22 =	vadd.f32 v38, v5;
	s22 =	spop (v2sf);
	(xrf2) =	vadd.scan.msk.f32 $0xffff, v0;
	s4 =	ssub.f32 $1.500000000e+00, s4;
	(v2sf) =	vpush v40, $0xF  }
0x4e1: {  	v43 =	vld [tilespmem:s10+$0xFFFFFFD0];
	v21 =	vadd.f32 v6, v33;
	v23 =	vadd.f32 v49, v34  }
0x4e2: {  	v5 =	vld [tilespmem:s10+$0xFFFFFFB0];
	v41, _, _ =	vpop (xrf2);
	v6 =	vadd.f32 v20, v22;
	v49 =	vmul.f32 v22, v22;
	v11 =	vmul.f32 v20, v20;
	s7 =	smul.f32 s4, s26  }
0x4e3: {  	s0 =	smul.f32 s13, s0;
	v0 =	vld [tilespmem:s23+$0xFFFFFF90];
	(v2sf) =	vpush v41, $0xF;
	v34 =	vadd.f32 v23, v21  }
0x4e4: {  	(xrf2) =	vadd.scan.msk.f32 $0xffff, v31;
	v31 =	vld [tilespmem:s23+$0xFFFFFFA0];
	v40 =	vmul.f32 s13, v27;
	v36 =	vadd.f32 v11, v49;
	v45, _, _ =	vpop (xrf2);
	v27 =	vadd.f32 v37, v1;
	s12 =	smul.f32 s7, s12  }
0x4e5: {  	s18 =	sadd.f32 $9.999999740e-06, s24;
	s19 =	smul.f32 $1.562500000e-02, s3;
	v33 =	vld [tilespmem:s23+$0xFFFFFFB0];
	v2 =	vmul.f32 s7, v32;
	(v2sf) =	vpush v45, $0xF;
	v45 =	vmul.f32 v21, v21  }
0x4e6: {  	s26 =	smul.f32 s11, s11;
	v11 =	vld [tilespmem:s23+$0xFFFFFFD0];
	v25 =	vmul.f32 s7, v25;
	v26 =	vmul.f32 s7, v26;
	v47, _, _ =	vpop (xrf2);
	v49 =	vmov s12  }
0x4e7: {  	s2 =	smul.f32 $5.000000000e-01, s18;
	v8 =	vmul.f32 s7, v24;
	(v2sf) =	vpush v47, $0xF;
	v35 =	vsub.f32 v2, v49;
	v2 =	vld [tilespmem:s23+$0xFFFFFFE0]  }
0x4e8: {  	s18 =	sshra.s32 s18, $0x1;
	s1 =	smul.f32 s21, s21;
	s4 =	ssub.f32 s19, s26;
	v47 =	vmul.f32 v23, v23;
	v38 =	vsub.f32 v25, v49;
	v25 =	vadd.f32 v0, v4;
	v0 =	vld [tilespmem:s10+$0x0]  }
0x4e9: {  	v30 =	vmul.f32 s13, v30;
	s18 =	ssub.s32 $0x5F3759DF, s18;
	s19 =	smul.f32 $1.562500000e-02, s22;
	v6 =	vadd.f32 v34, v6;
	v39 =	vsub.f32 v26, v49;
	v4 =	vld [tilespmem:s10+$0x10]  }
0x4ea: {  	s24 =	smul.f32 s18, s2;
	s4 =	sadd.f32 $9.999999740e-06, s4;
	v41 =	vsub.f32 v8, v49;
	v49 =	vmov s0;
	v32 =	vadd.f32 v47, v45;
	v45 =	vld [tilespmem:s10+$0xFFFFFFE0];
	v24, _, _ =	vpop (xrf2)  }
0x4eb: {  	s17 =	ssub.f32 s19, s1;
	v1 =	vsub.f32 v30, v49;
	(xrf2) =	vadd.scan.msk.f32 $0xffff, v6;
	v6 =	vld [tilespmem:s10+$0xFFFFFFF0];
	(v2sf) =	vpush v24, $0xF  }
0x4ec: {  	s1 =	smul.f32 s18, s24;
	s19 =	spop (v2sf);
	v32 =	vadd.f32 v32, v36;
	v24 =	vadd.f32 v31, v3;
	v3 =	vld [tilespmem:s23+$0xFFFFFFF0]  }
0x4ed: {  	s12 =	smul.f32 $1.562500000e-02, s19;
	v31 =	vld [tilespmem:s23+$0x0]  }
0x4ee: {  	v29 =	vmul.f32 s13, v29;
	v26 =	vadd.f32 v33, v5;
	v33 =	vld [tilespmem:s23+$0x10];
	s26 =	sshra.s32 s4, $0x1;
	s14 =	smul.f32 $5.000000000e-01, s4;
	[tilespmem:$0x1FAC0] =	vst v1;
	(xrf2) =	vadd.scan.msk.f32 $0xffff, v32  }
0x4ef: {  	s17 =	sadd.f32 $9.999999740e-06, s17;
	v47 =	vmul.f32 s13, v28;
	v28 =	vadd.f32 v11, v43;
	s4 =	ssub.s32 $0x5F3759DF, s26;
	v1 =	vld [tilespmem:s10+$0x20]  }
0x4f0: {  	v37 =	vsub.f32 v40, v49;
	v8 =	vsub.f32 v29, v49;
	s26 =	ssub.f32 $1.500000000e+00, s1;
	s3 =	smul.f32 s4, s14;
	v34 =	vld [tilespmem:s23+$0x20]  }
0x4f1: {  	s20 =	smul.f32 $5.000000000e-01, s17;
	v43 =	vsub.f32 v47, v49;
	v47 =	vmul.f32 v27, v27;
	v29 =	vadd.f32 v2, v45;
	v2 =	vld [tilespmem:s10+$0x30]  }
0x4f2: {  	s5 =	sshra.s32 s17, $0x1;
	v49 =	vmul.f32 v28, v28;
	s7 =	smul.f32 s18, s26;
	v30 =	vadd.f32 v3, v6;
	v31 =	vadd.f32 v31, v0;
	v0 =	vld [tilespmem:s23+$0x30]  }
0x4f3: {  	v11 =	vadd.f32 v28, v27;
	s22 =	ssub.s32 $0x5F3759DF, s5;
	s1 =	smul.f32 s4, s3;
	v32 =	vadd.f32 v33, v4  }
0x4f4: {  	v36, _, _ =	vpop (xrf2);
	s24 =	smul.f32 s22, s20;
	v3 =	vadd.f32 v49, v47;
	v47 =	vadd.f32 v30, v29  }
0x4f5: {  	(v2sf) =	vpush v36, $0xF;
	s26 =	smul.f32 s12, s12;
	s3 =	ssub.f32 $1.500000000e+00, s1;
	v33 =	vadd.f32 v34, v1  }
0x4f6: {  	s5 =	smul.f32 s22, s24;
	v45, _, _ =	vpop (xrf2);
	v5 =	vadd.f32 v47, v11;
	v47 =	vmul.f32 v31, v31;
	v11 =	vmul.f32 v32, v32  }
0x4f7: {  	v4 =	vld [tilespmem:s23+$0xFFFFFF80];
	s24 =	spop (v2sf);
	s18 =	smul.f32 s4, s3;
	(v2sf) =	vpush v45, $0xF;
	v34 =	vadd.f32 v0, v2  }
0x4f8: {  	s4 =	smul.f32 $1.562500000e-02, s24;
	v45 =	vld [tilespmem:s10+$0xFFFFFF80];
	v1 =	vadd.f32 v11, v47;
	v11 =	vadd.f32 v32, v31;
	v49, _, _ =	vpop (xrf2)  }
0x4f9: {  	(v2sf) =	vpush v49, $0xF;
	v49 =	vadd.f32 v34, v33  }
0x4fa: {  	v40 =	vmul.f32 v26, v26;
	v36 =	vmul.f32 v24, v24;
	s4 =	ssub.f32 s4, s26  }
0x4fb: {  	s17 =	ssub.f32 $1.500000000e+00, s5;
	v0 =	vmul.f32 v33, v33;
	v49 =	vadd.f32 v49, v11;
	v11 =	vmul.f32 v34, v34  }
0x4fc: {  	s1 =	smul.f32 s7, s2;
	v36 =	vadd.f32 v40, v36;
	v6 =	vmul.f32 v29, v29;
	s4 =	sadd.f32 $9.999999740e-06, s4  }
0x4fd: {  	v40 =	vmul.f32 v30, v30;
	s2 =	smul.f32 s22, s17;
	v47 =	vadd.f32 v4, v45;
	v0 =	vadd.f32 v11, v0;
	v11 =	vld [tilespmem:$0x1F9E0]  }
0x4fe: {  	s19 =	sshra.s32 s4, $0x1;
	s4 =	smul.f32 $5.000000000e-01, s4  }
0x4ff: {  	v40 =	vadd.f32 v40, v6;
	s5 =	smul.f32 s2, s20;
	v2 =	vmul.f32 v25, v25;
	s17 =	ssub.s32 $0x5F3759DF, s19;
	v6 =	vmul.f32 v47, v47  }
0x500: {  	s20 =	smul.f32 s17, s4  }
0x501: {  	s3 =	smul.f32 s18, s14;
	v2 =	vadd.f32 v2, v6;
	v6 =	vld [tilespmem:$0x1F9F0]  }
0x502: {  	v40 =	vadd.f32 v40, v3;
	s22 =	smul.f32 s17, s20;
	v3 =	vmul.f32 v11, v63;
	v11 =	vld [tilespmem:$0x1FFE0]  }
0x503: {  	s13 =	smul.f32 s3, s18  }
0x504: {  	s0 =	smul.f32 s1, s7;
	v45 =	vadd.f32 v26, v24;
	v4 =	vadd.f32 v25, v47;
	s26 =	ssub.f32 $1.500000000e+00, s22  }
0x505: {  	s14 =	smul.f32 s5, s2;
	s13 =	ssub.f32 $1.500000000e+00, s13  }
0x506: {  	v45 =	vadd.f32 v45, v4;
	s3 =	smul.f32 s17, s26  }
0x507: {  	s1 =	ssub.f32 $1.500000000e+00, s14;
	s20 =	smul.f32 s13, s18;
	v4 =	vmul.f32 v52, v11;
	v52 =	vadd.f32 v0, v1;
	v0 =	vmul.f32 v6, v61;
	v6 =	vld [tilespmem:$0x1FA00]  }
0x508: {  	s4 =	smul.f32 s3, s4  }
0x509: {  	s0 =	ssub.f32 $1.500000000e+00, s0;
	s10 =	smul.f32 s1, s2  }
0x50a: {  	s2 =	smul.f32 s4, s3  }
0x50b: {  	s24 =	spop (v2sf);
	s13 =	smul.f32 s0, s7;
	v1 =	vadd.f32 v3, v48  }
0x50c: {  	s0 =	smul.f32 $1.562500000e-02, s24;
	s24 =	ssub.f32 $1.500000000e+00, s2;
	s2 =	simm.s32 $0xFA80;
	v4 =	vadd.f32 v4, v58;
	v3 =	vmul.f32 v6, v62  }
0x50d: {  	v0 =	vadd.f32 v0, v7;
	[tilespmem:s2+$0x70] =	vst v1;
	v6 =	vmul.f32 v35, v63  }
0x50e: {  	[tilespmem:s2+$0x40] =	vst v4;
	v35 =	vmul.f32 v56, v11;
	v3 =	vadd.f32 v3, v54  }
0x50f: {  	s18 =	spop (v2sf);
	s5 =	smul.f32 s0, s0;
	[tilespmem:s2+$0x50] =	vst v0;
	v1 =	vadd.f32 v6, v48  }
0x510: {  	s29 =	simm.s32 $0xFB80;
	s19 =	spop (v2sf);
	s22 =	smul.f32 $1.562500000e-02, s18;
	v56 =	vmul.f32 v57, v61;
	v57 =	vmul.f32 v59, v62;
	v35 =	vadd.f32 v35, v58;
	[tilespmem:s2+$0x60] =	vst v3  }
0x511: {  	s7 =	smul.f32 $1.562500000e-02, s19;
	v6 =	vmul.f32 v60, v63;
	v60 =	vmul.f32 v10, v61;
	[tilespmem:s29+$0x70] =	vst v1  }
0x512: {  	s18 =	smul.f32 s20, s11;
	s26 =	spop (v2sf);
	v0 =	vmul.f32 v42, v63;
	v42 =	vadd.f32 v56, v7;
	v59 =	vld [tilespmem:$0x1FA10];
	[tilespmem:s2+$0xFFFFFF80] =	vst v35  }
0x513: {  	s11 =	smul.f32 $1.562500000e-02, s26;
	v3 =	vmul.f32 v39, v61;
	v39 =	vadd.f32 v57, v54;
	v4 =	vadd.f32 v60, v7;
	v60 =	vld [tilespmem:$0x1FA20]  }
0x514: {  	s1 =	smul.f32 s7, s7;
	v9 =	vmul.f32 v9, v11;
	v6 =	vadd.f32 v6, v48;
	v35 =	vld [tilespmem:$0x1FA30];
	[tilespmem:s2+$0xFFFFFF90] =	vst v42  }
0x515: {  	s4 =	ssub.f32 s22, s5;
	s22 =	smul.f32 s11, s11;
	[tilespmem:s2+$0xFFFFFFA0] =	vst v39  }
0x516: {  	v44 =	vmul.f32 v44, v62;
	s14 =	smul.f32 s24, s3;
	s3 =	spop (v2sf);
	v1 =	vadd.f32 v9, v58;
	v56 =	vld [tilespmem:$0x1FA40];
	[tilespmem:s2+$0xFFFFFFB0] =	vst v6  }
0x517: {  	(xrf2) =	vadd.scan.msk.f32 $0xffff, v5;
	v53 =	vmul.f32 s20, v53;
	s4 =	sadd.f32 $9.999999740e-06, s4;
	v38 =	vmul.f32 v38, v11;
	s5 =	smul.f32 $1.562500000e-02, s3;
	v6 =	vld [tilespmem:$0x1FA50]  }
0x518: {  	s24 =	spop (v2sf);
	s17 =	smul.f32 s14, s12;
	v5 =	vmul.f32 s14, v51;
	v50 =	vmul.f32 s14, v50;
	v0 =	vadd.f32 v0, v48;
	v9 =	vld [tilespmem:$0x1FA60];
	[tilespmem:s2+$0xFFFFFFC0] =	vst v1  }
0x519: {  	s12 =	smul.f32 $5.000000000e-01, s4;
	s19 =	ssub.f32 s5, s1;
	v39 =	vadd.f32 v38, v58;
	v1 =	vld [tilespmem:$0x1FA70];
	v57 =	vmul.f32 s20, v59;
	v59 =	vmul.f32 s20, v60  }
0x51a: {  	s4 =	sshra.s32 s4, $0x1;
	v10 =	vld [tilespmem:$0x1FA80];
	[tilespmem:s2+$0xFFFFFFD0] =	vst v4;
	v60 =	vmul.f32 s20, v35;
	v35 =	vmul.f32 v41, v62;
	v41 =	vadd.f32 v44, v54;
	s20 =	smul.f32 $1.562500000e-02, s24  }
0x51b: {  	s8 =	smul.f32 s13, s8;
	s4 =	ssub.s32 $0x5F3759DF, s4;
	s26 =	sadd.f32 $9.999999740e-06, s19;
	v44 =	vmul.f32 s13, v56;
	v56 =	vadd.f32 v36, v2;
	v2 =	vmov s17;
	v36 =	vld [tilespmem:$0x1FAA0]  }
0x51c: {  	s1 =	smul.f32 s4, s12;
	v42 =	vmul.f32 v37, v11;
	s20 =	ssub.f32 s20, s22;
	v5 =	vsub.f32 v5, v2;
	v4 =	vadd.f32 v35, v54;
	v35 =	vld [tilespmem:$0x1FA90];
	[tilespmem:s2+$0xFFFFFFE0] =	vst v41  }
0x51d: {  	s3 =	sshra.s32 s26, $0x1;
	v3 =	vadd.f32 v3, v7;
	s17 =	smul.f32 $5.000000000e-01, s26;
	v6 =	vmul.f32 s13, v6;
	v51 =	vmul.f32 s13, v9;
	v54 =	vld [tilespmem:$0x1FAB0];
	[tilespmem:s2+$0xFFFFFFF0] =	vst v0  }
0x51e: {  	s5 =	smul.f32 s4, s1;
	s22 =	ssub.s32 $0x5F3759DF, s3;
	v41 =	vadd.f32 v42, v58;
	v0 =	vmov s18;
	[tilespmem:s29+$0x40] =	vst v39;
	s20 =	sadd.f32 $9.999999740e-06, s20;
	v5 =	vmul.f32 v5, v63  }
0x51f: {  	v1 =	vmul.f32 s13, v1;
	v37 =	vmul.f32 s10, v10;
	s24 =	smul.f32 s22, s17;
	[tilespmem:s29+$0x50] =	vst v3;
	v58 =	vsub.f32 v53, v0  }
0x520: {  	s28 =	simm.s32 $0xFC80;
	v39 =	vmul.f32 v43, v61;
	v9 =	vsub.f32 v57, v0;
	[tilespmem:s29+$0x60] =	vst v4;
	s26 =	sshra.s32 s20, $0x1;
	s18 =	smul.f32 $5.000000000e-01, s20;
	v5 =	vadd.f32 v5, v48  }
0x521: {  	s13 =	ssub.f32 $1.500000000e+00, s5;
	v10 =	vsub.f32 v59, v0;
	v0 =	vsub.f32 v60, v0;
	v57 =	vmov s8;
	[tilespmem:s2+$0x0] =	vst v41;
	s1 =	smul.f32 s22, s24;
	s3 =	ssub.s32 $0x5F3759DF, s26  }
0x522: {  	v41 =	vmul.f32 v8, v62;
	v59, _, _ =	vpop (xrf2);
	v6 =	vsub.f32 v6, v57;
	v36 =	vmul.f32 s10, v36;
	s5 =	smul.f32 s3, s18;
	[tilespmem:s28+$0x70] =	vst v5  }
0x523: {  	(xrf2) =	vadd.scan.msk.f32 $0xffff, v40;
	s13 =	smul.f32 s4, s13;
	(v2sf) =	vpush v59, $0xF;
	v43 =	vmul.f32 v58, v11;
	v42 =	vmul.f32 v9, v61;
	s24 =	ssub.f32 $1.500000000e+00, s1;
	v60 =	vld [tilespmem:$0x1FAC0]  }
0x524: {  	(xrf2) =	vadd.scan.msk.f32 $0xffff, v45;
	v58 =	vsub.f32 v44, v57;
	v44 =	vmul.f32 v10, v62;
	v45 =	vmul.f32 v0, v63;
	s26 =	smul.f32 s3, s5  }
0x525: {  	(xrf2) =	vadd.scan.msk.f32 $0xffff, v49;
	v49 =	vsub.f32 v50, v2;
	v38 =	vmul.f32 s10, v35;
	v35 =	vmul.f32 s10, v54;
	s31 =	smul.f32 s22, s24  }
0x526: {  	v48 =	vsub.f32 v51, v57;
	s20 =	smul.f32 s13, s12;
	v54 =	vmul.f32 s14, v55;
	v55 =	vmul.f32 s14, v46;
	s4 =	ssub.f32 $1.500000000e+00, s26  }
0x527: {  	s8 =	simm.s32 $0x9A80;
	v51 =	vmul.f32 v6, v61;
	v46 =	vsub.f32 v1, v57;
	v50 =	vmul.f32 v58, v11;
	s22 =	smul.f32 s31, s17  }
0x528: {  	s12 =	simm.s32 $0xC;
	s14 =	spop (v2sf);
	v53 =	vsub.f32 v54, v2;
	v54 =	vsub.f32 v55, v2;
	v40 =	vmul.f32 v60, v63;
	s26 =	smul.f32 s3, s4  }
.LBB2_9:
0x529: {  	v0 =	vld [tilespmem:s8+$0x40]  }
0x52a: {  	v60 =	vld [tilespmem:$0x1FF60]  }
0x52b: {  	v9 =	vld [tilespmem:$0x1FFC0]  }
0x52c: {  	v10 =	vld [tilespmem:$0x1FFD0]  }
0x52d: {  	v8 =	vld [tilespmem:$0x1FFF0]  }
0x52e: {  	v7 =	vld [tilespmem:$0x1FFE0]  }
0x52f: {  	s14 =	smul.f32 $1.562500000e-02, s14;
	v55 =	vld [tilespmem:$0x1FF30]  }
0x530: {  	v11 =	vld [tilespmem:$0x1FFB0];
	s18 =	smul.f32 s26, s18  }
0x531: {  	v58 =	vld [tilespmem:s8+$0x70];
	s17 =	smul.f32 s14, s14;
	s4 =	spop (v2sf)  }
0x532: {  	s4 =	smul.f32 $1.562500000e-02, s4;
	v1 =	vadd.f32 v43, v60;
	v43 =	vmul.f32 v54, v8;
	v54 =	vld [tilespmem:$0x1FED0]  }
0x533: {  	s23 =	sadd.s32 $0x100, s23;
	s1 =	smul.f32 s22, s31;
	v3 =	vmul.f32 v46, v10;
	v46 =	vld [tilespmem:s8+$0x50]  }
0x534: {  	(xrf2) =	vadd.scan.msk.f32 $0xffff, v56;
	v59 =	vadd.f32 v44, v55;
	v44 =	vld [tilespmem:s23+$0x50];
	s4 =	ssub.f32 s4, s17  }
0x535: {  	v4 =	vld [tilespmem:s23+$0x40];
	s3 =	smul.f32 s18, s26;
	v2 =	vmul.f32 v48, v9;
	v62 =	vadd.f32 v50, v60;
	s17 =	ssub.f32 $1.500000000e+00, s1;
	[tilespmem:s29+$0xFFFFFF80] =	vst v1  }
0x536: {  	s19 =	smul.f32 s20, s13;
	v61 =	vadd.f32 v45, v11;
	v48 =	vld [tilespmem:s8+$0x60];
	[tilespmem:s29+$0xFFFFFFA0] =	vst v59  }
0x537: {  	v6 =	vmul.f32 v53, v7;
	s20 =	ssub.f32 $1.500000000e+00, s3;
	v5, _, _ =	vpop (xrf2);
	v2 =	vadd.f32 v2, v55;
	[tilespmem:s29+$0xFFFFFFC0] =	vst v62;
	v62 =	vld [tilespmem:s23+$0x70];
	s3 =	smul.f32 s17, s31;
	v42 =	vadd.f32 v42, v54  }
0x538: {  	[tilespmem:s29+$0xFFFFFFB0] =	vst v61;
	v3 =	vadd.f32 v3, v11;
	(v2sf) =	vpush v5, $0xF;
	v5 =	vmul.f32 v49, v9;
	v49 =	vld [tilespmem:s23+$0x60]  }
0x539: {  	s10 =	smul.f32 s10, s21;
	v63 =	vadd.f32 v51, v54;
	v51 =	vadd.f32 v44, v46;
	v44 =	vmul.f32 s3, v13;
	v13 =	vld [tilespmem:$0x1F9A0];
	[tilespmem:s29+$0xFFFFFF90] =	vst v42  }
0x53a: {  	v41 =	vadd.f32 v41, v55;
	v56, _, _ =	vpop (xrf2);
	[tilespmem:s29+$0xFFFFFFE0] =	vst v2;
	v2 =	vld [tilespmem:s8+$0xFFFFFF90]  }
0x53b: {  	v6 =	vadd.f32 v6, v60;
	(v2sf) =	vpush v56, $0xF;
	[tilespmem:s29+$0xFFFFFFF0] =	vst v3;
	v3 =	vmov s10;
	v50 =	vld [tilespmem:s23+$0xFFFFFF90]  }
0x53c: {  	(xrf2) =	vadd.scan.msk.f32 $0xffff, v52;
	v57 =	vadd.f32 v39, v54;
	v39 =	vsub.f32 v38, v3;
	v38 =	vld [tilespmem:s8+$0xFFFFFFA0]  }
0x53d: {  	s4 =	sadd.f32 $9.999999740e-06, s4;
	v59, _, _ =	vpop (xrf2);
	v43 =	vadd.f32 v43, v54;
	v54 =	vadd.f32 v4, v0;
	v4 =	vld [tilespmem:s23+$0xFFFFFFA0]  }
0x53e: {  	s22 =	ssub.f32 $1.500000000e+00, s19;
	v5 =	vadd.f32 v5, v55;
	(v2sf) =	vpush v59, $0xF;
	v61, _, _ =	vpop (xrf2);
	v1 =	vld [tilespmem:s8+$0xFFFFFFB0]  }
0x53f: {  	s5 =	sshra.s32 s4, $0x1;
	s18 =	smul.f32 $5.000000000e-01, s4;
	v37 =	vsub.f32 v37, v3;
	(v2sf) =	vpush v61, $0xF;
	[tilespmem:s29+$0xFFFFFFD0] =	vst v63;
	v0 =	vld [tilespmem:s23+$0xFFFFFFB0]  }
0x540: {  	[tilespmem:s2+$0x20] =	vst v41;
	s31 =	smul.f32 s22, s13;
	v41 =	vmul.f32 s3, v12;
	v12 =	vmovc v47;
	s24 =	ssub.s32 $0x5F3759DF, s5;
	v63 =	vadd.f32 v40, v11;
	v58 =	vadd.f32 v62, v58;
	v47 =	vld [tilespmem:s8+$0xFFFFFFC0]  }
0x541: {  	s1 =	smul.f32 s24, s18;
	v53 =	vmul.f32 v54, v54;
	v55 =	vmul.f32 v51, v51;
	[tilespmem:s28+$0x60] =	vst v5;
	v52 =	vadd.f32 v49, v48;
	v5 =	vld [tilespmem:s23+$0xFFFFFFC0]  }
0x542: {  	[tilespmem:s2+$0x10] =	vst v57;
	v59 =	vmul.f32 v37, v7;
	v62 =	vadd.f32 v51, v54;
	v37 =	vld [tilespmem:s8+$0xFFFFFFD0];
	v61 =	vmul.f32 v58, v58  }
0x543: {  	v49 =	vmul.f32 s31, v16;
	v16 =	vld [tilespmem:$0x1F9C0];
	s10 =	smul.f32 s24, s1;
	[tilespmem:s2+$0x30] =	vst v63;
	v45 =	vadd.f32 v55, v53;
	v63 =	vadd.f32 v58, v52  }
0x544: {  	s5 =	spop (v2sf);
	v53 =	vsub.f32 v36, v3;
	v55 =	vsub.f32 v35, v3;
	v57 =	vmul.f32 v52, v52;
	v3 =	vld [tilespmem:s23+$0x0]  }
0x545: {  	[tilespmem:s28+$0x40] =	vst v6;
	s1 =	smul.f32 s3, s7;
	s22 =	ssub.f32 $1.500000000e+00, s10;
	v6 =	vadd.f32 v63, v62;
	v62 =	vld [tilespmem:$0x1F9D0]  }
0x546: {  	s13 =	smul.f32 $1.562500000e-02, s5;
	v56, _, _ =	vpop (xrf2);
	v48 =	vadd.f32 v61, v57;
	v2 =	vadd.f32 v50, v2;
	v61 =	vmov v27;
	v27 =	vld [tilespmem:$0x1F9B0]  }
0x547: {  	v46 =	vmul.f32 s3, v15;
	v15 =	vmovc v24;
	s4 =	smul.f32 s24, s22;
	(v2sf) =	vpush v56, $0xF;
	v24 =	vadd.f32 v4, v38;
	v4 =	vld [tilespmem:s8+$0xFFFFFFE0]  }
0x548: {  	s10 =	smul.f32 s20, s26;
	v50 =	vmul.f32 s31, v16;
	(xrf2) =	vadd.scan.msk.f32 $0xffff, v6;
	v38 =	vadd.f32 v48, v45;
	v6 =	vld [tilespmem:s23+$0xFFFFFFF0]  }
0x549: {  	v63 =	vmovc v25;
	v45 =	vmul.f32 s31, v13;
	v42 =	vmul.f32 v2, v2;
	v25 =	vmov v2;
	v2 =	vld [tilespmem:s23+$0xFFFFFFD0];
	s18 =	smul.f32 s4, s18  }
0x54a: {  	s17 =	smul.f32 s13, s13;
	v13 =	vmovc v26;
	v26 =	vadd.f32 v0, v1;
	[tilespmem:$0x1F9D0] =	vst v63;
	v63 =	vld [tilespmem:s23+$0xFFFFFFE0];
	(xrf2) =	vadd.scan.msk.f32 $0xffff, v38;
	v38 =	vmul.f32 s10, v14  }
0x54b: {  	[tilespmem:s28+$0x50] =	vst v43;
	v14 =	vmovc v32;
	v32 =	vld [tilespmem:s8+$0x10];
	v43 =	vmul.f32 s3, v62;
	s18 =	smul.f32 s18, s4;
	s24 =	spop (v2sf);
	v48 =	vmul.f32 s31, v27;
	v27 =	vmov v28  }
0x54c: {  	v62 =	vmul.f32 v24, v24;
	v28 =	vmul.f32 v26, v26;
	s19 =	smul.f32 $1.562500000e-02, s24;
	[tilespmem:$0x1F9B0] =	vst v27;
	v27 =	vadd.f32 v5, v47;
	v5 =	vld [tilespmem:s8+$0xFFFFFFF0]  }
0x54d: {  	v36 =	vmul.f32 s10, v18;
	[tilespmem:$0x1F9A0] =	vst v61;
	v56 =	vadd.f32 v26, v24;
	v61 =	vmovc v30;
	v30 =	vadd.f32 v59, v60;
	s26 =	spop (v2sf);
	s18 =	ssub.f32 $1.500000000e+00, s18;
	v47 =	vld [tilespmem:s23+$0x10]  }
0x54e: {  	v35 =	vmul.f32 s10, v19;
	v57 =	vadd.f32 v28, v62;
	v28 =	vadd.f32 v2, v37;
	v2 =	vld [tilespmem:s8+$0x0];
	s17 =	ssub.f32 s19, s17;
	s19 =	smul.f32 $1.562500000e-02, s26  }
0x54f: {  	v16 =	vmovc v29;
	v59 =	vmov s1;
	s3 =	spop (v2sf);
	v37 =	vmul.f32 s10, v17;
	v29 =	vadd.f32 v63, v4;
	s4 =	smul.f32 s18, s4  }
0x550: {  	s21 =	smov.u32 s11;
	s2 =	smov.u32 s29;
	v62 =	vmul.f32 v27, v27;
	s11 =	smul.f32 $1.562500000e-02, s3;
	v1 =	vadd.f32 v28, v27;
	v63 =	vmul.f32 v28, v28  }
0x551: {  	v40 =	vld [tilespmem:s23+$0xFFFFFF80];
	v18 =	vmovc v33;
	[tilespmem:s2+$0x0] =	vst v30;
	s22 =	spop (v2sf);
	s14 =	smul.f32 s4, s14;
	v33 =	vmul.f32 s4, v23;
	v23 =	vmovc v58;
	v58 =	vmul.f32 s4, v22;
	v30 =	vadd.f32 v6, v5  }
0x552: {  	v19 =	vmovc v34;
	v17 =	vmovc v31;
	v4 =	vld [tilespmem:s23+$0x20];
	s24 =	smul.f32 $1.562500000e-02, s22;
	s7 =	smov.u32 s19;
	v5 =	vmul.f32 v29, v29;
	v0 =	vadd.f32 v63, v62;
	v62 =	vmul.f32 s4, v20  }
0x553: {  	s17 =	sadd.f32 $9.999999740e-06, s17;
	v6 =	vld [tilespmem:s8+$0x20];
	s20 =	smul.f32 s19, s7;
	v34, _, _ =	vpop (xrf2);
	v32 =	vadd.f32 v47, v32;
	v60 =	vmov s14;
	v31 =	vadd.f32 v3, v2  }
0x554: {  	v22 =	vmovc v54;
	v54 =	vld [tilespmem:s23+$0x30];
	s19 =	smul.f32 s11, s11;
	v63 =	vmul.f32 s4, v21;
	v21 =	vmovc v52;
	v3 =	vsub.f32 v33, v60;
	v33 =	vadd.f32 v30, v29  }
0x555: {  	[tilespmem:$0x1F9C0] =	vst v61;
	v2 =	vld [tilespmem:s8+$0x30];
	s14 =	smul.f32 $5.000000000e-01, s17;
	(v2sf) =	vpush v34, $0xF;
	v61 =	vmul.f32 v30, v30;
	v52, _, _ =	vpop (xrf2);
	v47 =	vmul.f32 v31, v31  }
0x556: {  	v20 =	vmovc v51;
	v51 =	vld [tilespmem:s8+$0xFFFFFF80];
	s1 =	ssub.f32 s24, s20;
	v3 =	vmul.f32 v3, v10;
	s3 =	spop (v2sf);
	v1 =	vadd.f32 v33, v1;
	(v2sf) =	vpush v52, $0xF  }
0x557: {  	s5 =	sshra.s32 s17, $0x1;
	v52 =	vmul.f32 v32, v32;
	v5 =	vadd.f32 v61, v5;
	v61 =	vsub.f32 v41, v59;
	s17 =	smul.f32 $1.562500000e-02, s3  }
0x558: {  	s22 =	smul.f32 s31, s0;
	s26 =	ssub.s32 $0x5F3759DF, s5;
	s4 =	sadd.f32 $9.999999740e-06, s1;
	v41 =	vmul.f32 v53, v9;
	v53 =	vsub.f32 v58, v60;
	v33 =	vadd.f32 v4, v6  }
0x559: {  	s5 =	smul.f32 s26, s14;
	v6 =	vadd.f32 v32, v31;
	v3 =	vadd.f32 v3, v11;
	s17 =	ssub.f32 s17, s19  }
0x55a: {  	(xrf2) =	vadd.scan.msk.f32 $0xffff, v1;
	v34 =	vadd.f32 v54, v2;
	v1 =	vadd.f32 v52, v47;
	s24 =	sshra.s32 s4, $0x1;
	s4 =	smul.f32 $5.000000000e-01, s4  }
0x55b: {  	s1 =	smul.f32 s26, s5;
	v47 =	vadd.f32 v40, v51;
	v0 =	vadd.f32 v5, v0;
	s20 =	ssub.s32 $0x5F3759DF, s24;
	s17 =	sadd.f32 $9.999999740e-06, s17  }
0x55c: {  	s29 =	smov.u32 s28;
	s28 =	sadd.s32 $0x100, s28;
	v54 =	vsub.f32 v43, v59;
	v4 =	vadd.f32 v34, v33;
	s3 =	smul.f32 s20, s4  }
0x55d: {  	s0 =	smov.u32 s13;
	v2 =	vmul.f32 v33, v33;
	v5 =	vmul.f32 v34, v34;
	v11 =	vadd.f32 v25, v47;
	s5 =	sshra.s32 s17, $0x1;
	s18 =	smul.f32 $5.000000000e-01, s17  }
0x55e: {  	v43 =	vmul.f32 v61, v7;
	s13 =	ssub.f32 $1.500000000e+00, s1;
	v51 =	vmul.f32 v47, v47;
	v4 =	vadd.f32 v4, v6;
	s19 =	smul.f32 s20, s3;
	s24 =	ssub.s32 $0x5F3759DF, s5  }
0x55f: {  	[tilespmem:s28+$0x70] =	vst v3;
	v3 =	vmov s22;
	v2 =	vadd.f32 v5, v2;
	v61 =	vadd.f32 v56, v11;
	s22 =	smul.f32 s24, s18  }
0x560: {  	s12 =	sadd.s32 $0x4, s12;
	s13 =	smul.f32 s26, s13;
	v11 =	vadd.f32 v42, v51;
	v51 =	vsub.f32 v46, v59  }
0x561: {  	p0 =	slt.u32 s12, $0xC4;
	v42 =	vmul.f32 v54, v8;
	v54 =	vsub.f32 v44, v59;
	v59 =	vsub.f32 v48, v3;
	s17 =	ssub.f32 $1.500000000e+00, s19;
	s22 =	smul.f32 s24, s22  }
.Ltmp3:
0x562: {  	v48 =	vsub.f32 v49, v3;
	v46 =	vsub.f32 v50, v3;
	(pc) =	sbr.rel @p0 .LBB2_9-.Ltmp3, $4  }
0x563: {  	v39 =	vmul.f32 v39, v8;
	v49 =	vsub.f32 v63, v60;
	v52 =	vadd.f32 v2, v1;
	s31 =	smul.f32 s20, s17  }
0x564: {  	v40 =	vmul.f32 v55, v10;
	(xrf2) =	vadd.scan.msk.f32 $0xffff, v0;
	v56 =	vadd.f32 v57, v11;
	v57 =	vsub.f32 v45, v3;
	s20 =	smul.f32 s13, s14;
	s26 =	ssub.f32 $1.500000000e+00, s22  }
0x565: {  	(xrf2) =	vadd.scan.msk.f32 $0xffff, v61;
	v44 =	vmul.f32 v51, v9;
	v45 =	vmul.f32 v54, v10;
	v54 =	vsub.f32 v62, v60;
	v61, _, _ =	vpop (xrf2);
	s22 =	smul.f32 s31, s4  }
0x566: {  	s8 =	sadd.s32 $0x100, s8;
	v51 =	vmul.f32 v59, v8;
	v50 =	vmul.f32 v57, v7;
	(xrf2) =	vadd.scan.msk.f32 $0xffff, v4;
	s14 =	spop (v2sf);
	(v2sf) =	vpush v61, $0xF;
	s26 =	smul.f32 s24, s26  }
0x567: {  	_ = 	snop  }
0x568: {  	(xrf2) =	vadd.scan.msk.f32 $0xffff, v56;
	_ =	sdelay $0x1  }
0x569: {  	(xrf2) =	vadd.scan.msk.f32 $0xffff, v52;
	_ =	sdelay $0x1  }
0x56a: {  	s12 =	smul.f32 $1.562500000e-02, s14;
	s4 =	spop (v2sf)  }
0x56b: {  	s4 =	smul.f32 $1.562500000e-02, s4  }
0x56c: {  	s8 =	smul.f32 s12, s12;
	v0, _, _ =	vpop (xrf2)  }
0x56d: {  	s1 =	smul.f32 s22, s31;
	(v2sf) =	vpush v0, $0xF;
	v8, _, _ =	vpop (xrf2)  }
0x56e: {  	s17 =	smul.f32 s20, s13;
	s4 =	ssub.f32 s4, s8;
	(v2sf) =	vpush v8, $0xF;
	v9, _, _ =	vpop (xrf2)  }
0x56f: {  	s24 =	smul.f32 s26, s18;
	(v2sf) =	vpush v9, $0xF  }
0x570: {  	s14 =	smul.f32 s10, s21;
	s4 =	sadd.f32 $9.999999740e-06, s4;
	v10, _, _ =	vpop (xrf2)  }
0x571: {  	s17 =	ssub.f32 $1.500000000e+00, s17;
	s18 =	smul.f32 s24, s26;
	(v2sf) =	vpush v10, $0xF  }
0x572: {  	s19 =	sshra.s32 s4, $0x1;
	s4 =	smul.f32 $5.000000000e-01, s4;
	v11, _, _ =	vpop (xrf2)  }
0x573: {  	s8 =	ssub.f32 $1.500000000e+00, s1;
	s17 =	smul.f32 s17, s13;
	s3 =	ssub.s32 $0x5F3759DF, s19;
	(v2sf) =	vpush v11, $0xF  }
0x574: {  	s19 =	smul.f32 s3, s4  }
0x575: {  	s18 =	ssub.f32 $1.500000000e+00, s18;
	s20 =	smul.f32 s8, s31  }
0x576: {  	s19 =	smul.f32 s3, s19  }
0x577: {  	s18 =	smul.f32 s18, s26  }
0x578: {  	s5 =	spop (v2sf);
	s19 =	ssub.f32 $1.500000000e+00, s19  }
0x579: {  	s8 =	smul.f32 $1.562500000e-02, s5  }
0x57a: {  	s19 =	smul.f32 s3, s19  }
0x57b: {  	s21 =	smul.f32 s8, s8  }
0x57c: {  	s4 =	smul.f32 s19, s4;
	s22 =	spop (v2sf)  }
0x57d: {  	s23 =	smul.f32 $1.562500000e-02, s22;
	s24 =	spop (v2sf)  }
0x57e: {  	s13 =	smul.f32 $1.562500000e-02, s24;
	s26 =	spop (v2sf)  }
0x57f: {  	s21 =	ssub.f32 s23, s21;
	s10 =	smul.f32 $1.562500000e-02, s26  }
0x580: {  	s23 =	spop (v2sf);
	s31 =	smul.f32 s13, s13  }
0x581: {  	s23 =	smul.f32 $1.562500000e-02, s23  }
0x582: {  	s1 =	spop (v2sf);
	s21 =	sadd.f32 $9.999999740e-06, s21  }
0x583: {  	s24 =	smul.f32 s10, s10;
	s22 =	ssub.f32 s23, s31  }
0x584: {  	s23 =	smul.f32 $1.562500000e-02, s1  }
0x585: {  	s3 =	sshra.s32 s21, $0x1;
	s21 =	smul.f32 $5.000000000e-01, s21;
	s22 =	sadd.f32 $9.999999740e-06, s22  }
0x586: {  	s4 =	smul.f32 s4, s19;
	s26 =	ssub.s32 $0x5F3759DF, s3;
	s23 =	ssub.f32 s23, s24  }
0x587: {  	s5 =	smul.f32 s26, s21  }
0x588: {  	s31 =	smul.f32 $5.000000000e-01, s22;
	s23 =	sadd.f32 $9.999999740e-06, s23  }
0x589: {  	s22 =	sshra.s32 s22, $0x1;
	s24 =	smul.f32 s26, s5  }
0x58a: {  	s22 =	ssub.s32 $0x5F3759DF, s22;
	s5 =	sshra.s32 s23, $0x1;
	s23 =	smul.f32 $5.000000000e-01, s23  }
0x58b: {  	s1 =	smul.f32 s22, s31;
	s5 =	ssub.s32 $0x5F3759DF, s5  }
0x58c: {  	s3 =	smul.f32 s5, s23  }
0x58d: {  	s1 =	smul.f32 s22, s1  }
0x58e: {  	s4 =	ssub.f32 $1.500000000e+00, s4;
	s3 =	smul.f32 s5, s3  }
0x58f: {  	s1 =	ssub.f32 $1.500000000e+00, s1  }
0x590: {  	s4 =	smul.f32 s4, s19;
	s3 =	ssub.f32 $1.500000000e+00, s3  }
0x591: {  	s1 =	smul.f32 s22, s1  }
0x592: {  	s3 =	smul.f32 s5, s3  }
0x593: {  	v57 =	vld [tilespmem:$0x1FED0];
	s5 =	smul.f32 s20, s7  }
0x594: {  	v58 =	vld [tilespmem:$0x1FF30];
	s22 =	smul.f32 s1, s31  }
0x595: {  	s7 =	smul.f32 s4, s12  }
0x596: {  	v1 =	vld [tilespmem:$0x1F9D0];
	s12 =	smul.f32 s22, s1  }
0x597: {  	v4 =	vld [tilespmem:$0x1F9A0]  }
0x598: {  	v5 =	vld [tilespmem:$0x1F9B0];
	v6 =	vmul.f32 s17, v16;
	v16 =	vadd.f32 v39, v57;
	s12 =	ssub.f32 $1.500000000e+00, s12  }
0x599: {  	v59 =	vld [tilespmem:$0x1FFB0];
	v8 =	vmul.f32 s18, v19;
	v19 =	vadd.f32 v41, v58  }
0x59a: {  	v7 =	vld [tilespmem:$0x1F9C0];
	[tilespmem:s2+$0x10] =	vst v16;
	s1 =	smul.f32 s12, s1  }
0x59b: {  	[tilespmem:s2+$0x20] =	vst v19  }
0x59c: {  	v55 =	vmov s14;
	v39 =	vmul.f32 s1, v47;
	v47 =	vld [tilespmem:$0x1FF60]  }
0x59d: {  	v37 =	vsub.f32 v37, v55;
	s24 =	ssub.f32 $1.500000000e+00, s24  }
0x59e: {  	v36 =	vsub.f32 v36, v55;
	v61 =	vadd.f32 v40, v59;
	s0 =	smul.f32 s17, s0;
	v4 =	vmul.f32 s17, v4  }
0x59f: {  	v63 =	vadd.f32 v42, v57;
	v5 =	vmul.f32 s17, v5;
	v52 =	vmul.f32 s17, v7;
	s19 =	smul.f32 s26, s24  }
0x5a0: {  	v7 =	vadd.f32 v44, v58;
	v0 =	vmul.f32 s20, v12;
	v1 =	vmul.f32 s20, v1  }
0x5a1: {  	v2 =	vmul.f32 s20, v15;
	v56 =	vmov s0;
	s24 =	smul.f32 s19, s21;
	[tilespmem:s2+$0x30] =	vst v61;
	v62 =	vadd.f32 v43, v47  }
0x5a2: {  	v3 =	vmul.f32 s20, v13;
	v60 =	vmul.f32 s18, v17;
	v4 =	vsub.f32 v4, v56;
	s31 =	smul.f32 s3, s23;
	[tilespmem:s29+$0xFFFFFF90] =	vst v63  }
0x5a3: {  	v5 =	vsub.f32 v5, v56;
	v6 =	vsub.f32 v6, v56;
	v10 =	vmul.f32 s18, v18;
	s26 =	smul.f32 s24, s19;
	[tilespmem:s29+$0xFFFFFF80] =	vst v62  }
0x5a4: {  	v19 =	vadd.f32 v45, v59;
	v18 =	vmul.f32 s4, v23;
	v22 =	vmul.f32 s4, v22;
	s14 =	smul.f32 s31, s3;
	v44 =	vld [tilespmem:$0x1FFC0]  }
0x5a5: {  	v20 =	vmul.f32 s4, v20;
	v17 =	vmov s5;
	v23 =	vmov s7;
	s12 =	ssub.f32 $1.500000000e+00, s26;
	[tilespmem:s29+$0xFFFFFFA0] =	vst v7  }
0x5a6: {  	s11 =	smul.f32 s18, s11;
	v21 =	vmul.f32 s4, v21;
	v18 =	vsub.f32 v18, v23;
	v0 =	vsub.f32 v0, v17;
	s4 =	ssub.f32 $1.500000000e+00, s14;
	v45 =	vld [tilespmem:$0x1FFD0];
	[tilespmem:s29+$0xFFFFFFB0] =	vst v19  }
0x5a7: {  	v9 =	vmul.f32 s18, v14;
	v1 =	vsub.f32 v1, v17;
	v2 =	vsub.f32 v2, v17;
	s17 =	smul.f32 s12, s19;
	v7 =	vld [tilespmem:$0x1FFE0]  }
0x5a8: {  	v11 =	vmov s11;
	v3 =	vsub.f32 v3, v17;
	v17 =	vsub.f32 v52, v56;
	s19 =	smul.f32 s4, s3  }
0x5a9: {  	v20 =	vsub.f32 v20, v23;
	v61 =	vadd.f32 v50, v47;
	v48 =	vmul.f32 v48, v44  }
0x5aa: {  	v63 =	vadd.f32 v51, v57;
	v15 =	vmul.f32 s19, v32;
	v50 =	vmul.f32 v49, v44  }
0x5ab: {  	[tilespmem:s29+$0xFFFFFFC0] =	vst v61;
	v2 =	vmul.f32 v2, v44;
	v6 =	vmul.f32 v6, v44;
	v32 =	vadd.f32 v48, v58  }
0x5ac: {  	v43 =	vld [tilespmem:$0x1FFF0];
	[tilespmem:s29+$0xFFFFFFD0] =	vst v63;
	v62 =	vmul.f32 v46, v45;
	v46 =	vmul.f32 v53, v7;
	v53 =	vadd.f32 v50, v58  }
0x5ad: {  	v21 =	vsub.f32 v21, v23;
	v25 =	vmul.f32 s1, v25;
	v63 =	vadd.f32 v2, v58;
	[tilespmem:s29+$0xFFFFFFE0] =	vst v32  }
0x5ae: {  	s18 =	smul.f32 s1, s13;
	v24 =	vmul.f32 s1, v24;
	v61 =	vmul.f32 v36, v44;
	v6 =	vadd.f32 v6, v58;
	[tilespmem:s28+$0x60] =	vst v53  }
0x5af: {  	v26 =	vmul.f32 s1, v26;
	v18 =	vmul.f32 v18, v45;
	v41 =	vadd.f32 v62, v59;
	[tilespmem:s28+$0xFFFFFFA0] =	vst v63  }
0x5b0: {  	v51 =	vsub.f32 v38, v55;
	v40 =	vmov s18;
	v62 =	vadd.f32 v61, v58;
	[tilespmem:s28+$0xFFFFFFE0] =	vst v6  }
0x5b1: {  	v14 =	vmul.f32 s19, v31;
	v37 =	vmul.f32 v37, v7;
	v18 =	vadd.f32 v18, v59;
	[tilespmem:s29+$0xFFFFFFF0] =	vst v41  }
0x5b2: {  	s20 =	sadd.s32 $0x100, s28;
	v0 =	vmul.f32 v0, v7;
	v4 =	vmul.f32 v4, v7;
	v31 =	vadd.f32 v46, v47;
	[tilespmem:s29+$0x20] =	vst v62  }
0x5b3: {  	v48 =	vmul.f32 v54, v43;
	v54 =	vsub.f32 v35, v55;
	v55 =	vadd.f32 v37, v47;
	[tilespmem:s20+$0x70] =	vst v18  }
0x5b4: {  	v27 =	vmul.f32 s17, v27;
	v2 =	vmul.f32 v17, v45;
	v0 =	vadd.f32 v0, v47;
	[tilespmem:s28+$0x40] =	vst v31  }
0x5b5: {  	v29 =	vmul.f32 s17, v29;
	s0 =	smul.f32 s17, s8;
	v13 =	vmul.f32 s19, v33;
	v4 =	vadd.f32 v4, v47;
	[tilespmem:s29+$0x0] =	vst v55  }
0x5b6: {  	v12 =	vmul.f32 s19, v34;
	v1 =	vmul.f32 v1, v43;
	v2 =	vadd.f32 v2, v59;
	[tilespmem:s28+$0xFFFFFF80] =	vst v0  }
0x5b7: {  	v34 =	vmov s0;
	v3 =	vmul.f32 v3, v45;
	v33 =	vadd.f32 v48, v57;
	[tilespmem:s28+$0xFFFFFFC0] =	vst v4  }
0x5b8: {  	v42 =	vsub.f32 v29, v34;
	v5 =	vmul.f32 v5, v43;
	v1 =	vadd.f32 v1, v57;
	[tilespmem:s28+$0xFFFFFFF0] =	vst v2  }
0x5b9: {  	v19 =	vsub.f32 v22, v23;
	v32 =	vmul.f32 v51, v43;
	v18 =	vadd.f32 v3, v59;
	[tilespmem:s28+$0x50] =	vst v33  }
0x5ba: {  	v28 =	vmul.f32 s17, v28;
	v6 =	vmul.f32 v42, v44;
	v5 =	vadd.f32 v5, v57;
	[tilespmem:s28+$0xFFFFFF90] =	vst v1  }
0x5bb: {  	v30 =	vmul.f32 s17, v30;
	s1 =	smul.f32 s19, s10;
	v3 =	vmul.f32 v19, v7;
	v32 =	vadd.f32 v32, v57;
	[tilespmem:s28+$0xFFFFFFB0] =	vst v18  }
0x5bc: {  	v38 =	vsub.f32 v26, v40;
	v31 =	vmul.f32 v54, v45;
	v6 =	vadd.f32 v6, v58;
	[tilespmem:s28+$0xFFFFFFD0] =	vst v5  }
0x5bd: {  	v16 =	vmov s1;
	v0 =	vmul.f32 v20, v43;
	v3 =	vadd.f32 v3, v47;
	[tilespmem:s29+$0x10] =	vst v32  }
0x5be: {  	v23 =	vsub.f32 v39, v40;
	v4 =	vmul.f32 v38, v45;
	v31 =	vadd.f32 v31, v59;
	[tilespmem:s20+$0xFFFFFFE0] =	vst v6  }
0x5bf: {  	v49 =	vsub.f32 v9, v11;
	v1 =	vmul.f32 v21, v44;
	v0 =	vadd.f32 v0, v57;
	[tilespmem:s20+$0x40] =	vst v3  }
0x5c0: {  	v54 =	vsub.f32 v13, v16;
	v33 =	vmul.f32 v23, v7;
	v48 =	vadd.f32 v4, v59;
	[tilespmem:s29+$0x30] =	vst v31  }
0x5c1: {  	v55 =	vsub.f32 v12, v16;
	v4 =	vmul.f32 v49, v43;
	v1 =	vadd.f32 v1, v58;
	[tilespmem:s20+$0x50] =	vst v0  }
0x5c2: {  	v35 =	vsub.f32 v24, v40;
	v56 =	vmul.f32 v54, v44;
	v3 =	vadd.f32 v33, v47;
	[tilespmem:s20+$0xFFFFFFB0] =	vst v48  }
0x5c3: {  	v22 =	vsub.f32 v60, v11;
	v60 =	vmul.f32 v55, v45;
	v4 =	vadd.f32 v4, v57;
	[tilespmem:s20+$0x60] =	vst v1  }
0x5c4: {  	v39 =	vmul.f32 v35, v44;
	v32 =	vsub.f32 v25, v40;
	v62 =	vadd.f32 v56, v58;
	[tilespmem:s20+$0xFFFFFF80] =	vst v3  }
0x5c5: {  	v40 =	vsub.f32 v27, v34;
	v31 =	vmul.f32 v22, v7;
	v63 =	vadd.f32 v60, v59;
	[tilespmem:s28+$0x10] =	vst v4  }
0x5c6: {  	v41 =	vsub.f32 v28, v34;
	v37 =	vmul.f32 v32, v43;
	v1 =	vadd.f32 v39, v58;
	[tilespmem:s20+$0x20] =	vst v62  }
0x5c7: {  	v46 =	vsub.f32 v30, v34;
	v5 =	vmul.f32 v40, v7;
	v36 =	vadd.f32 v31, v47;
	[tilespmem:s20+$0x30] =	vst v63  }
0x5c8: {  	v50 =	vsub.f32 v10, v11;
	v0 =	vmul.f32 v41, v43;
	v2 =	vadd.f32 v37, v57;
	[tilespmem:s20+$0xFFFFFFA0] =	vst v1  }
0x5c9: {  	v51 =	vsub.f32 v8, v11;
	v3 =	vmul.f32 v46, v45;
	v5 =	vadd.f32 v5, v47;
	[tilespmem:s28+$0x0] =	vst v36  }
0x5ca: {  	v52 =	vsub.f32 v14, v16;
	v0 =	vadd.f32 v0, v57;
	v1 =	vmul.f32 v50, v44;
	[tilespmem:s20+$0xFFFFFF90] =	vst v2  }
0x5cb: {  	v53 =	vsub.f32 v15, v16;
	v3 =	vadd.f32 v3, v59;
	[tilespmem:s20+$0xFFFFFFC0] =	vst v5;
	v2 =	vmul.f32 v51, v45  }
0x5cc: {  	[tilespmem:s20+$0xFFFFFFD0] =	vst v0;
	v0 =	vmul.f32 v52, v7;
	v1 =	vadd.f32 v1, v58  }
0x5cd: {  	s21 =	sadd.s32 s16, s9;
	v5 =	vmul.f32 v53, v43;
	[tilespmem:s20+$0xFFFFFFF0] =	vst v3;
	v2 =	vadd.f32 v2, v59  }
0x5ce: {  	s15 =	sadd.s32 $0x1, s15;
	s1 =	smul.u32 $0x640, s21;
	v0 =	vadd.f32 v0, v47;
	[tilespmem:s28+$0x20] =	vst v1  }
0x5cf: {  	p0 =	sne.s32 s15, $0x40;
	s5 =	smov.u32 s25;
	s22 =	smin.u32 s16, $0x7C;
	v61 =	vadd.f32 v5, v57;
	[tilespmem:s28+$0x30] =	vst v2  }
0x5d0: {  	s24 =	smul.u32 $0x320, s22;
	s31 =	simm.s32 $0xB600;
	s1 =	sadd.s32 s25, s1;
	[tilespmem:s20+$0x0] =	vst v0  }
0x5d1: {  	s3 =	simm.s32 $0x0;
	s25 =	simm.s32 $0xFA00;
	s23 =	sadd.s32 $0x640, s1;
	[tilespmem:s20+$0x10] =	vst v61  }
0x5d2: {  	[hbm4b:s23+s3] =	stream.linear.scatter [tilespmem:s25], [sflag:$0x4], $0x3200, $0x38;
	[tilespmem:$0x15E80] =	vst v63  }
.Ltmp4:
0x5d3: {  	s26 =	sshrl.u32 s24, $0x2;
	s24 =	simm.s32 $0x48;
	(pc) =	sbr.rel @p0 .LBB2_6-.Ltmp4, $4  }
0x5d4: {  	s1 =	sadd.s32 $0x258, s26;
	s29 =	simm.s32 $0x9600;
	s28 =	simm.s32 $0x80  }
0x5d5: {  	[tilespmem:s29], [sflag:$0x2] =	stream.indirect.gather [hbm4b:s6+s28], $0x40, s1, s28, $0xb8;
	[tilespmem:$0x15E80] =	vst v63  }
0x5d6: {  	s0 =	sadd.s32 $0x2D8, s26;
	s25 =	simm.s32 $0x1;
	s1 =	simm.s32 $0x80  }
0x5d7: {  	[tilespmem:s31], [sflag:$0x2] =	stream.indirect.gather [hbm4b:s6+s24], $0x40, s0, s24, $0xb8;
	[tilespmem:$0x15E80] =	vst v63  }
0x5d8: {  	_ =	swait.ge [sflag:s25], $0x3200  }
0x5d9: {  	[sflag:s25] =	ssyncset.done $0x0  }
0x5da: {  	s0 =	simm.s32 $0x3;
	[sflag:s25] =	ssyncadd.s32 $0xFFFFCE00  }
0x5db: {  	_ =	swait.ge [sflag:s0], $0x3200  }
0x5dc: {  	[sflag:s0] =	ssyncset.done $0x0  }
0x5dd: {  	[sflag:s0] =	ssyncadd.s32 $0xFFFFCE00  }
0x5de: {  	_ =	swait.ge [sflag:s30], $0x3200  }
0x5df: {  	[sflag:s30] =	ssyncset.done $0x0  }
0x5e0: {  	s1 =	simm.s32 $0x4;
	[sflag:s30] =	ssyncadd.s32 $0xFFFFCE00  }
0x5e1: {  	_ =	swait.ge [sflag:s1], $0x3200  }
0x5e2: {  	s2 =	rddreg [dreg:$0xa]  }
0x5e3: {  	s31 =	rddreg [dreg:$0x9];
	s2 =	sadd.s32 $0x1, s2  }
0x5e4: {  	p0 =	sne.s32 s2, s31  }
.Ltmp5:
0x5e5: {  	_ = 	snop;
	(pc) =	sbr.rel @p0 .LBB2_1-.Ltmp5, $3  }
0x5e6: {  	_ =	sdelay $0x1  }
0x5e7: {  	[sflag:s1] =	ssyncset.done $0x0  }
0x5e8: {  	[sflag:s1] =	ssyncadd.s32 $0xFFFFCE00  }
0x5e9: {  	_ =	sfence.sel $0x180000  }
0x5ea: {  	[bflag:$0x0] =	sbarrier.arrive $0xFFFF  }
0x5eb: {  	_ =	strace $0x90000047  }
0x5ec: {  	s0 =	stileid.u32;
	[bflag:$0x2] =	sbarrier.arrive $0xFFFF  }
0x5ed: {  	p0 =	sne.s32 s0, $0x0;
	s0 =	rddreg [dreg:$0x4]  }
0x5ee: {  	s0 =	sadd.s32 @!p0 $0x100000, s0  }
0x5ef: {  	[sflag:s0] =	ssyncadd.tile.s32 @!p0 $0x1;
	_ =	shalt  }
.Lfunc_end2:
_tile_overlayer_lowered:
.L_overlay_start_2:
0x5f0: {  	(tag) =	ssettag $0x2  }
0x5f1: {  	s0 =	rddreg [dreg:$0x0];
	s2 =	stileid.u32  }
0x5f2: {  	s1 =	rddreg [dreg:$0x1];
	p0 =	sne.s32 s2, $0x0  }
0x5f3: {  	s3 =	rddreg [dreg:$0x2];
	[bflag:$0x3] =	sbarrier.arrive $0xFFFF;
	s2 =	simm.s32 @!p0 $0x1C05  }
0x5f4: {  	[timem:s3], [sflag:s2] =	dma.local @!p0 [hbm:s0], s1  }
0x5f5: {  	s0 =	simm.s32 @!p0 $0x5  }
0x5f6: {  	_ =	swait.ge @!p0 [sflag:s0], s1  }
0x5f7: {  	s1 =	ssub.s32 @!p0 $0x0, s1;
	[sflag:s0] =	ssyncset.done @!p0 $0x0  }
0x5f8: {  	[sflag:s0] =	ssyncadd.s32 @!p0 s1  }
0x5f9: {  	[bflag:$0x3] =	sbarrier.arrive $0xFFFF  }
0x5fa: {  	_ =	shalt  }

// kernel: sparse-core-data-format-call.cloned.1.call-start
scs
called_computation_lowered:
.L_overlay_start_0:
0x0: {  	s2 =	sld [smem:$0x3FD9]  }
0x1: {  	s3 =	sld [smem:$0x3FFE];
	_ =	sdelay $0x1  }
0x2: {  	s1 =	srdreg.scid  }
0x3: {  	s0 =	sand.u32 $0x1, s1  }
0x4: {  	s18 =	sshll.u32 s0, $0xA;
	s2 =	sadd.s32 s3, s2  }
0x5: {  	s2 =	sadd.s32 s2, s18  }
0x6: {  	[smem:$0x3FC3] =	sst s2  }
0x7: {  	_ = 	snop  }
0x8: {  	s2 =	sld [smem:$0x3FD0];
	(tm) =	ssettm $0x1  }
0x9: {  	s19 =	sld [smem:$0x3FFB];
	_ =	sdelay $0x3  }
0xa: {  	_ =	strace s19  }
0xb: {  	s3 =	sld [smem:$0x3FFC];
	_ =	sdelay $0x3  }
0xc: {  	_ =	strace s3  }
0xd: {  	s3 =	sld [smem:$0x3FFD];
	_ =	sdelay $0x3  }
0xe: {  	_ =	strace s3  }
0xf: {  	_ =	strace $0x8FFFFFFF  }
0x10: {  	s20 =	sld [smem:$0x3FDB];
	_ =	sdelay $0x1  }
0x11: {  	s4 =	simm.s32 $_scs_section_size  }
0x12: {  	s5 =	simm.s32 $_size__tile_overlayer_lowered;
	s6 =	simm.s32 $_tile_overlayer_lowered  }
0x13: {  	s23 =	simm.s32 $0x1BFF;
	s22 =	sshll.u32 s6, $0x1;
	s3 =	sadd.s32 s4, s20  }
0x14: {  	s7 =	simm.s32 $0x0;
	s21 =	sshll.u32 s5, $0x1;
	s5 =	sadd.s32 s22, s3  }
0x15: {  	[timem:s7], [sflag:s23] =	dma.local [hbm:s5], s21  }
0x16: {  	_ =	swait.ge [sflag:s23], s21  }
0x17: {  	s4 =	ssub.s32 $0x0, s21;
	[sflag:s23] =	ssyncset.done $0x0  }
0x18: {  	[sflag:s23] =	ssyncadd.s32 s4;
	_ =	sdelay $0x1  }
0x19: {  	s24 =	simm.s32 $0x1B8B  }
0x1a: {  	_ =	swait.ge [sflag:s24], $0x1  }
0x1b: {  	[sflag:s24] =	ssyncset.done $0x0  }
0x1c: {  	s26 =	simm.s32 $0x1B8E;
	s25 =	sld [smem:$0x3FFE];
	[sflag:s24] =	ssyncadd.s32 $0xFFFFFFFF  }
0x1d: {  	s27 =	simm.s32 $execute0_lowered;
	[smem:$0x3FD2] =	sst s26  }
0x1e: {  	s5 =	sshll.u32 s27, $0x1;
	_ =	strace $0x80000049;
	[dreg:$0x1] =	wrdreg $0xFFFFFFFF  }
0x1f: {  	s28 =	simm.s32 $_size_execute0_lowered;
	s3 =	sadd.s32 s3, s5;
	[dreg:$0x0] =	wrdreg $0x0  }
0x20: {  	s5 =	sshll.u32 s28, $0x1;
	[dreg:$0x2] =	wrdreg s3  }
0x21: {  	[dreg:$0x3] =	wrdreg s5  }
0x22: {  	[dreg:$0x4] =	wrdreg $0xC0  }
0x23: {  	_ =	task [dreg:s7], $0x5FFFF  }
0x24: {  	[dreg:$0x1] =	wrdreg $0xFFFFFFFF  }
0x25: {  	[dreg:$0x0] =	wrdreg $0x60  }
0x26: {  	[dreg:$0x2] =	wrdreg s25  }
0x27: {  	[dreg:$0x3] =	wrdreg s2  }
0x28: {  	[dreg:$0x4] =	wrdreg $0x9  }
0x29: {  	_ =	task.clear_ibuf [dreg:s7], $0x5FFFF;
	_ =	strace $0x90000049  }
0x2a: {  	s29 =	simm.s32 $0x9;
	_ =	strace $0x8000004B  }
0x2b: {  	_ =	swait.ge [sflag:s29], $0x1  }
0x2c: {  	[sflag:s29] =	ssyncadd.s32 $0xFFFFFFFF  }
0x2d: {  	_ =	strace $0x9000004B  }
0x2e: {  	_ =	sfence  }
0x2f: {  	s30 =	sld [smem:$0x0];
	_ =	sdelay $0x2  }
0x30: {  	s31 =	sshll.u32 s1, $0xD;
	s1 =	sshrl.u32 s1, $0x2  }
0x31: {  	s3 =	sand.u32 $0x4000, s31;
	s1 =	sadd.s32 s1, s30  }
0x32: {  	s0 =	sor.u32 s3, s0;
	s1 =	sshll.u32 s1, $0x11  }
0x33: {  	s0 =	sor.u32 s1, s0  }
0x34: {  	s0 =	sadd.s32 $0x8F2B, s0  }
0x35: {  	[sflag:s0] =	ssyncadd.remote.s32 $0x1  }
0x36: {  	_ =	sfence.sel $0xFFFF  }
0x37: {  	[dreg:$0x0] =	wrdreg $0xFFFFFFFF;
	(pc) =	sbr.abs _section_cstart, $3  }
0x38: {  	[dreg:$0x1] =	wrdreg $0xFFFFFFFF  }
0x39: {  	_ =	task.clear_ibuf [dreg:s7], $0x2FFFF;
	_ =	strace $0x9FFFFFFF  }
0x3a: {  	(tm) =	ssettm $0x7FFFFFFF  }
0x3b: {  	_ =	shalt  }
tec
execute0_lowered:
.L_overlay_start_1:
0x0: {  	(tag) =	ssettag $0x1  }
0x1: {  	s0 =	srdreg.scid  }
0x2: {  	s1 =	sshll.u32 s0, $0x4  }
0x3: {  	s0 =	stileid.u32;
	s1 =	sand.u32 $0x10, s1  }
0x4: {  	s1 =	sor.u32 s0, s1  }
0x5: {  	s6 =	rddreg [dreg:$0x0];
	s4 =	simm.s32 $0x1;
	s2 =	sshll.u32 s1, $0x7  }
0x6: {  	s7 =	simm.s32 $0x2;
	s12 =	simm.s32 $0x0;
	s1 =	ssub.s32 $0x1000, s2  }
0x7: {  	s8 =	simm.s32 $0x8000;
	s13 =	simm.s32 $0x0;
	s3 =	sand.u32 $0xF80, s1  }
0x8: {  	s9 =	simm.s32 $0x0;
	s5 =	sshrl.u32 s1, $0xC;
	p0 =	sne.s32 s3, $0x0  }
.Ltmp0:
0x9: {  	s1 =	rddreg [dreg:$0x2];
	s4 =	simm.s32 @!p0 $0x0;
	(pc) =	sbr.rel .LBB1_1-.Ltmp0, $4  }
0xa: {  	s11 =	simm.s32 $0x0;
	s3 =	rddreg [dreg:$0x1];
	s5 =	sadd.s32 s4, s5  }
0xb: {  	_ =	strace $0x8000004A;
	s4 =	simm.s32 $0x1;
	s5 =	smul.u32 $0xC8, s5  }
0xc: {  	s6 =	sadd.s32 $0x800, s6;
	s10 =	smov.u32 s2;
	[sflag:s4] =	ssyncpa.u1 $0x0  }
0xd: {  	p0 =	por $0x0, $0x0;
	[sflag:s7] =	ssyncpa.u1 $0x0;
	s7 =	sor.u32 $0x1, s5  }
.LBB1_4:
0xe: {  	s16 =	sshll.u32 s13, $0x3;
	s17 =	sand.u32 $0x78, s13  }
0xf: {  	s30 =	sand.u32 $0x7E00, s13;
	s12 =	sshll.u32 s12, $0xF;
	s16 =	sand.u32 $0xC00, s16  }
0x10: {  	[tilespmem:s15+$0x810 ss:$0x81] =	vst.msk $0xffff, v2;
	s31 =	sand.u32 $0x7, s13;
	s16 =	sor.u32 s17, s16;
	s17 =	sadd.s32 s3, s30  }
0x11: {  	[tilespmem:s15+$0x1020 ss:$0x81] =	vst.msk $0xffff, v0;
	s13 =	sshll.u32 s31, $0x12;
	s12 =	sadd.s32 s12, s17;
	s16 =	sshrl.u32 s16, $0x3  }
0x12: {  	[tilespmem:s15+$0x0 ss:$0x81] =	vst.msk $0xffff, v1;
	s13 =	sor.u32 $0x400, s13;
	s12 =	sadd.s32 s16, s12  }
0x13: {  	[hbm4b:s12+s13] =	stream.strided.scatter [tilespmem:s14], [sflag:$0x2], $0x2000, s8, s13, $0x20;
	[tilespmem:$0x8080] =	vst v63  }
.LBB1_5:
0x14: {  	s14 =	sadd.s32 $0x1, s9  }
0x15: {  	s12 =	sadd.s32 $0x1000, s10;
	s16 =	smov.u32 s10;
	p2 =	sgt.s32 s14, $0xC7  }
0x16: {  	s16 =	smov.u32 @p2 s12  }
0x17: {  	s14 =	simm.s32 @p2 $0x0;
	p2 =	sgt.s32 s16, $0xFFF  }
0x18: {  	s16 =	smov.u32 @p2 s2;
	p2 =	sne.s32 s11, s7  }
.Ltmp1:
0x19: {  	p1 =	slt.u32 s11, $0x2;
	(pc) =	sbr.rel @!p2 .LBB1_6-.Ltmp1, $4  }
0x1a: {  	s15 =	simm.s32 @!p1 $0x2  }
0x1b: {  	s13 =	smov.u32 s10;
	p0 =	por !p0, !p0;
	_ =	swait.ge @!p1 [sflag:s15], $0x2000  }
0x1c: {  	s12 =	smov.u32 s9;
	[sflag:s15] =	ssyncset.done @!p1 $0x0;
	s9 =	smov.u32 s14  }
0x1d: {  	s11 =	sadd.s32 $0x1, s11;
	[sflag:s15] =	ssyncadd.s32 @!p1 $0xFFFFE000;
	s10 =	smov.u32 s16  }
.LBB1_1:
0x1e: {  	p1 =	sge.u32 s11, s5  }
0x1f: {  	s14 =	sand.u32 @!p1 $0x1FFFFFF, s9  }
0x20: {  	s15 =	smulhi.u32 @!p1 $0x147AE15, s14;
	_ =	sdelay $0x1  }
0x21: {  	s15 =	smul.u32 @!p1 $0xC8, s15  }
0x22: {  	s16 =	sxor.u32 @!p1 $0xFFFFFFFF, s11;
	s17 =	smul.u32 @!p1 $0xC80, s10  }
0x23: {  	s31 =	sadd.s32 $0xFFFFFFFF, s11;
	s16 =	sshll.u32 @!p1 s16, $0xD;
	s14 =	ssub.s32 @!p1 s14, s15  }
0x24: {  	s15 =	sand.u32 @!p1 $0x2000, s16;
	s16 =	sadd.s32 @!p1 s6, s17;
	s14 =	sshll.u32 @!p1 s14, $0x4  }
0x25: {  	s17 =	simm.s32 @!p1 $0x6400;
	s14 =	sadd.s32 @!p1 s14, s16;
	s16 =	simm.s32 @!p1 $0x40  }
0x26: {  	[tilespmem:s15], [sflag:$0x1] =	stream.strided.gather @!p1 [hbm4b:s14+s16], $0x2000, s17, s16, $0x38;
	[tilespmem:$0x8080] =	vst v63  }
0x27: {  	p1 =	sge.u32 s31, s5  }
.Ltmp2:
0x28: {  	_ = 	snop;
	(pc) =	sbr.rel @p1 .LBB1_5-.Ltmp2, $1  }
0x29: {  	_ =	sdelay $0x3  }
0x2a: {  	s14 =	simm.s32 $0x1  }
0x2b: {  	_ =	swait.ge [sflag:s4], $0x2000;
	s14 =	simm.s32 @!p0 $0x0  }
0x2c: {  	[sflag:s4] =	ssyncset.done $0x0;
	s15 =	sshll.u32 s14, $0xD  }
0x2d: {  	[sflag:s4] =	ssyncadd.s32 $0xFFFFE000;
	s18 =	sor.u32 $0x20, s15  }
0x2e: {  	s14 =	smul.u32 $0x8100, s14;
	v3 =	vld [tilespmem:s18+$0x10]  }
0x2f: {  	s30 =	sand.u32 $0x1, s11;
	v2 =	vld [tilespmem:s18+$0xFFFFFFF0]  }
0x30: {  	s15 =	smul.u32 $0x8100, s30;
	s14 =	sshrl.u32 s14, $0x2;
	v0 =	vld [tilespmem:s18+$0x0]  }
0x31: {  	v1 =	vld [tilespmem:s18+$0xFFFFFFE0];
	s16 =	sor.u32 $0x4000, s14  }
0x32: {  	s31 =	sshrl.u32 s15, $0x2;
	s15 =	sadd.s32 $0x0, s16  }
0x33: {  	s17 =	simm.s32 $0x4;
	s18 =	sadd.s32 $0x40, s18;
	s14 =	sor.u32 $0x4000, s31;
	[tilespmem:s15+$0x1830 ss:$0x81] =	vst.msk $0xffff, v3  }
.LBB1_3:
0x34: {  	v3 =	vld [tilespmem:s18+$0x10];
	p1 =	sne.s32 s17, $0x1FC;
	[tilespmem:s15+$0x810 ss:$0x81] =	vst.msk $0xffff, v2;
	s19 =	smov.u32 s17;
	s17 =	sadd.s32 $0x4, s17  }
.Ltmp3:
0x35: {  	v2 =	vld [tilespmem:s18+$0xFFFFFFF0];
	[tilespmem:s15+$0x1020 ss:$0x81] =	vst.msk $0xffff, v0;
	(pc) =	sbr.rel @p1 .LBB1_3-.Ltmp3, $4  }
0x36: {  	v0 =	vld [tilespmem:s18+$0x0];
	[tilespmem:s15+$0x0 ss:$0x81] =	vst.msk $0xffff, v1  }
0x37: {  	s15 =	sshra.s32 s19, $0x2;
	v1 =	vld [tilespmem:s18+$0xFFFFFFE0]  }
0x38: {  	s15 =	sadd.s32 s15, s16  }
0x39: {  	s18 =	sadd.s32 $0x40, s18;
	[tilespmem:s15+$0x1830 ss:$0x81] =	vst.msk $0xffff, v3  }
.Ltmp4:
0x3a: {  	_ = 	snop;
	(pc) =	sbr.rel .LBB1_4-.Ltmp4, $1  }
0x3b: {  	_ =	sdelay $0x3  }
.LBB1_6:
0x3c: {  	_ =	sfence.sel $0x180000  }
0x3d: {  	s2 =	simm.s32 $0x1;
	[bflag:$0x0] =	sbarrier.arrive $0xFFFF  }
0x3e: {  	s31 =	simm.s32 $0x2;
	[sflag:s2] =	ssyncpa.u1 $0x1  }
0x3f: {  	[sflag:s31] =	ssyncpa.u1 $0x1  }
0x40: {  	p0 =	sne.s32 s0, $0x0;
	_ =	strace $0x9000004A  }
0x41: {  	s0 =	sadd.s32 @!p0 $0x100000, s1;
	[bflag:$0x2] =	sbarrier.arrive $0xFFFF  }
0x42: {  	[sflag:s0] =	ssyncadd.tile.s32 @!p0 $0x1;
	_ =	shalt  }
.Lfunc_end1:
_tile_overlayer_lowered:
.L_overlay_start_2:
0x43: {  	(tag) =	ssettag $0x2  }
0x44: {  	s0 =	rddreg [dreg:$0x0];
	s2 =	stileid.u32  }
0x45: {  	s1 =	rddreg [dreg:$0x1];
	p0 =	sne.s32 s2, $0x0  }
0x46: {  	s3 =	rddreg [dreg:$0x2];
	[bflag:$0x3] =	sbarrier.arrive $0xFFFF;
	s2 =	simm.s32 @!p0 $0x1C01  }
0x47: {  	[timem:s3], [sflag:s2] =	dma.local @!p0 [hbm:s0], s1  }
0x48: {  	s0 =	simm.s32 @!p0 $0x1  }
0x49: {  	_ =	swait.ge @!p0 [sflag:s0], s1  }
0x4a: {  	s1 =	ssub.s32 @!p0 $0x0, s1;
	[sflag:s0] =	ssyncset.done @!p0 $0x0  }
0x4b: {  	[sflag:s0] =	ssyncadd.s32 @!p0 s1  }
0x4c: {  	[bflag:$0x3] =	sbarrier.arrive $0xFFFF  }
0x4d: {  	_ =	shalt  }

</sc_bundles>
